<compile_context>
chip_gen: v7x
topology: tpu7x:2x2x1
jax: 0.10.2.dev20260603
libtpu: 0.0.44.dev20260713+nightly
codegen_flags: <defaults>
</compile_context>

<pallas_src>
import functools

import jax
import jax.numpy as jnp
from jax import lax
from jax.experimental import pallas as pl
from jax.experimental.pallas import tpu as pltpu
from jax.experimental.pallas import tpu_sc as plsc

N = 10000
D = 128
E = 320000
NREL = 3
NC = 2
NS = 16
NW = NC * NS

HIST = 10240
HROWS = HIST // NS

E_PER_CORE = E // NC
E_PER_TILE = E // NW

AGG_CHUNK = 80
AGG_CHUNKS = E_PER_TILE // AGG_CHUNK
AGG_PAIRS = AGG_CHUNKS // 2
N_PAD = 10240
ROWS_PER_TILE = N_PAD // NS
DUMP_CHUNK = 64
DUMP_CHUNKS = ROWS_PER_TILE // DUMP_CHUNK

_mesh = plsc.VectorSubcoreMesh(core_axis_name="c", subcore_axis_name="s")


def _deg_body(s0, d0, s1, d1, s2, d2, ones, zeros, out_hbm,
              h0_sh, h1_sh, h2_sh, h3_sh, h4_sh, h5_sh,
              idx0_v, idx1_v, ones_v, zb_v, isem0, isem1):
  c = lax.axis_index("c")
  s = lax.axis_index("s")
  hists = (h0_sh, h1_sh, h2_sh, h3_sh, h4_sh, h5_sh)
  eis = (s0, d0, s1, d1, s2, d2)
  idxs = (idx0_v, idx1_v)
  isems = (isem0, isem1)
  base = c * E_PER_CORE + s * E_PER_TILE
  pltpu.sync_copy(zeros, zb_v)
  pltpu.sync_copy(ones, ones_v)
  for j in range(6):
    pltpu.sync_copy(zb_v, hists[j].at[pl.ds(s * HROWS, HROWS)])
  pltpu.async_copy(eis[0].at[pl.ds(base, E_PER_TILE)], idx0_v, isem0)
  plsc.subcore_barrier()
  for j in range(6):
    b = j % 2
    pltpu.make_async_copy(
        eis[j].at[pl.ds(base, E_PER_TILE)], idxs[b], isems[b]).wait()
    if j + 1 < 6:
      pltpu.async_copy(
          eis[j + 1].at[pl.ds(base, E_PER_TILE)], idxs[1 - b], isems[1 - b])
    pltpu.sync_copy(ones_v, hists[j].at[idxs[b]], add=True)
  plsc.subcore_barrier()
  for j in range(6):
    pltpu.sync_copy(hists[j].at[pl.ds(s * HROWS, HROWS)], zb_v)
    pltpu.sync_copy(zb_v,
                    out_hbm.at[c, 0, pl.ds(j * HIST + s * HROWS, HROWS)])


_deg_kernel = pl.kernel(
    _deg_body,
    out_type=jax.ShapeDtypeStruct((NC, 1, 6 * HIST), jnp.float32),
    mesh=_mesh,
    scratch_types=[
        pltpu.VMEM_SHARED((HIST,), jnp.float32),
        pltpu.VMEM_SHARED((HIST,), jnp.float32),
        pltpu.VMEM_SHARED((HIST,), jnp.float32),
        pltpu.VMEM_SHARED((HIST,), jnp.float32),
        pltpu.VMEM_SHARED((HIST,), jnp.float32),
        pltpu.VMEM_SHARED((HIST,), jnp.float32),
        pltpu.VMEM((E_PER_TILE,), jnp.int32),
        pltpu.VMEM((E_PER_TILE,), jnp.int32),
        pltpu.VMEM((E_PER_TILE,), jnp.float32),
        pltpu.VMEM((HROWS,), jnp.float32),
        pltpu.SemaphoreType.DMA,
        pltpu.SemaphoreType.DMA,
    ],
)


def _agg_body(h0, h1, h2, s0, d0, s1, d1, s2, d2, zeros, out0, out1, out2,
              agg_sh, sidx0, sidx1, didx0, didx1, rows0, rows1, zb_v,
              gsem0, gsem1, ssem0, ssem1,
              sisem0, sisem1, disem0, disem1):
  c = lax.axis_index("c")
  s = lax.axis_index("s")
  hs = (h0, h1, h2)
  srcs = (s0, s1, s2)
  dsts = (d0, d1, d2)
  outs = (out0, out1, out2)
  base = c * E_PER_CORE + s * E_PER_TILE

  for r in range(NREL):
    h_r, src_r, dst_r = hs[r], srcs[r], dsts[r]

    def eoff(j):
      return pl.multiple_of(base + j * AGG_CHUNK, 8)

    def load_sidx(j, sidx, sem):
      pltpu.async_copy(src_r.at[pl.ds(eoff(j), AGG_CHUNK)], sidx, sem)

    def load_didx(j, didx, sem):
      pltpu.async_copy(dst_r.at[pl.ds(eoff(j), AGG_CHUNK)], didx, sem)

    def wait_sidx(sidx, sem):
      pltpu.make_async_copy(
          src_r.at[pl.ds(eoff(0), AGG_CHUNK)], sidx, sem).wait()

    def wait_didx(didx, sem):
      pltpu.make_async_copy(
          dst_r.at[pl.ds(eoff(0), AGG_CHUNK)], didx, sem).wait()

    def issue_gather(sidx, rows, sem):
      pltpu.async_copy(h_r.at[sidx], rows, sem)

    def wait_gather(sidx, rows, sem):
      pltpu.make_async_copy(h_r.at[sidx], rows, sem).wait()

    def issue_scatter(didx, rows, sem):
      pltpu.async_copy(rows, agg_sh.at[didx], sem, add=True)

    def wait_scatter(didx, rows, sem):
      pltpu.make_async_copy(rows, agg_sh.at[didx], sem).wait()

    pltpu.sync_copy(zeros, zb_v)
    for z in range(DUMP_CHUNKS):
      pltpu.sync_copy(
          zb_v, agg_sh.at[pl.ds(s * ROWS_PER_TILE + z * DUMP_CHUNK,
                                DUMP_CHUNK)])
    load_sidx(0, sidx0, sisem0)
    load_didx(0, didx0, disem0)
    load_sidx(1, sidx1, sisem1)
    load_didx(1, didx1, disem1)
    plsc.subcore_barrier()
    wait_sidx(sidx0, sisem0)
    issue_gather(sidx0, rows0, gsem0)

    def pair(k2, carry):
      j = 2 * k2
      wait_sidx(sidx1, sisem1)
      issue_gather(sidx1, rows1, gsem1)
      wait_gather(sidx0, rows0, gsem0)

      @pl.when(j + 2 < AGG_CHUNKS)
      def _():
        load_sidx(j + 2, sidx0, sisem0)
      wait_didx(didx0, disem0)
      issue_scatter(didx0, rows0, ssem0)
      wait_scatter(didx0, rows0, ssem0)

      @pl.when(j + 2 < AGG_CHUNKS)
      def _():
        load_didx(j + 2, didx0, disem0)
        wait_sidx(sidx0, sisem0)
        issue_gather(sidx0, rows0, gsem0)
      wait_gather(sidx1, rows1, gsem1)

      @pl.when(j + 3 < AGG_CHUNKS)
      def _():
        load_sidx(j + 3, sidx1, sisem1)
      wait_didx(didx1, disem1)
      issue_scatter(didx1, rows1, ssem1)
      wait_scatter(didx1, rows1, ssem1)

      @pl.when(j + 3 < AGG_CHUNKS)
      def _():
        load_didx(j + 3, didx1, disem1)
      return carry

    lax.fori_loop(0, AGG_PAIRS, pair, 0)
    if AGG_CHUNKS % 2:
      wait_gather(sidx0, rows0, gsem0)
      wait_didx(didx0, disem0)
      issue_scatter(didx0, rows0, ssem0)
      wait_scatter(didx0, rows0, ssem0)
    plsc.subcore_barrier()
    for z in range(DUMP_CHUNKS):
      row0 = s * ROWS_PER_TILE + z * DUMP_CHUNK
      pltpu.sync_copy(agg_sh.at[pl.ds(row0, DUMP_CHUNK)], zb_v)
      pltpu.sync_copy(zb_v, outs[r].at[c, pl.ds(row0, DUMP_CHUNK)])
    plsc.subcore_barrier()


_agg_kernel = pl.kernel(
    _agg_body,
    out_type=(jax.ShapeDtypeStruct((NC, N_PAD, D), jnp.float32),) * NREL,
    mesh=_mesh,
    scratch_types=[
        pltpu.VMEM_SHARED((N_PAD, D), jnp.float32),
        pltpu.VMEM((AGG_CHUNK,), jnp.int32),
        pltpu.VMEM((AGG_CHUNK,), jnp.int32),
        pltpu.VMEM((AGG_CHUNK,), jnp.int32),
        pltpu.VMEM((AGG_CHUNK,), jnp.int32),
        pltpu.VMEM((AGG_CHUNK, D), jnp.float32),
        pltpu.VMEM((AGG_CHUNK, D), jnp.float32),
        pltpu.VMEM((DUMP_CHUNK, D), jnp.float32),
        pltpu.SemaphoreType.DMA,
        pltpu.SemaphoreType.DMA,
        pltpu.SemaphoreType.DMA,
        pltpu.SemaphoreType.DMA,
        pltpu.SemaphoreType.DMA,
        pltpu.SemaphoreType.DMA,
        pltpu.SemaphoreType.DMA,
        pltpu.SemaphoreType.DMA,
    ],
)


def _norm(deg):
  return jnp.where(deg > 0, lax.rsqrt(jnp.maximum(deg, 1e-12)), 0.0)


def _h_body(x_ref, degs_ref, h_ref):
  for r in range(NREL):
    deg = degs_ref[0, :N, 2 * r:2 * r + 1] + degs_ref[1, :N, 2 * r:2 * r + 1]
    h_ref[r] = x_ref[...] * _norm(deg)


def _h_kernel(x, degs):
  return pl.pallas_call(
      _h_body,
      out_shape=jax.ShapeDtypeStruct((NREL, N, D), jnp.float32),
  )(x, degs)


BLK = 1000


def _comb_body(degs_ref, p0_ref, p1_ref, p2_ref, w_ref, b_ref, out_ref):
  ps = (p0_ref, p1_ref, p2_ref)
  acc = jnp.zeros((BLK, D), jnp.float32)
  for r in range(NREL):
    deg = degs_ref[0, :, 2 * r + 1:2 * r + 2] + degs_ref[1, :, 2 * r + 1:2 * r + 2]
    agg = (ps[r][0] + ps[r][1]) * _norm(deg)
    acc += jnp.dot(agg, w_ref[r], preferred_element_type=jnp.float32)
  bsum = b_ref[0:1, :] + b_ref[1:2, :] + b_ref[2:3, :]
  out_ref[...] = acc * (1.0 / NREL) + bsum * (1.0 / NREL)


def _comb_kernel(degs, p0, p1, p2, W, B):
  grid = N // BLK
  part_spec = pl.BlockSpec((NC, BLK, D), lambda i: (0, i, 0))
  return pl.pallas_call(
      _comb_body,
      grid=(grid,),
      in_specs=[
          pl.BlockSpec((NC, BLK, 6), lambda i: (0, i, 0)),
          part_spec, part_spec, part_spec,
          pl.BlockSpec((NREL, D, D), lambda i: (0, 0, 0)),
          pl.BlockSpec((NREL, D), lambda i: (0, 0)),
      ],
      out_specs=pl.BlockSpec((BLK, D), lambda i: (i, 0)),
      out_shape=jax.ShapeDtypeStruct((N, D), jnp.float32),
  )(degs, p0, p1, p2, W, B)


@jax.jit
def kernel(x, edge_index_r0, edge_index_r1, edge_index_r2,
           W_r0, b_r0, W_r1, b_r1, W_r2, b_r2):
  ones = jnp.ones((E_PER_TILE,), jnp.float32)
  zeros_h = jnp.zeros((HROWS,), jnp.float32)
  zeros_a = jnp.zeros((DUMP_CHUNK, D), jnp.float32)
  s0, d0 = edge_index_r0[0], edge_index_r0[1]
  s1, d1 = edge_index_r1[0], edge_index_r1[1]
  s2, d2 = edge_index_r2[0], edge_index_r2[1]
  degs6 = _deg_kernel(s0, d0, s1, d1, s2, d2, ones, zeros_h)
  degs = jnp.swapaxes(degs6.reshape(NC, 6, HIST), 1, 2)
  h = _h_kernel(x, degs)
  p0, p1, p2 = _agg_kernel(h[0], h[1], h[2], s0, d0, s1, d1, s2, d2,
                           zeros_a)
  W = jnp.stack([W_r0, W_r1, W_r2])
  B = jnp.stack([b_r0, b_r1, b_r2])
  return _comb_kernel(degs, p0, p1, p2, W, B)

# --- scband reference (transcript-rebuilt; emitter-appended) ---
"""Pipeline reference for scband-het-graph-layer-8160437862809 (READ-ONLY COPY).

The authoritative reference and input builder live on the scoring server;
editing this copy changes nothing except your own understanding.
"""

import jax, jax.numpy as jnp
import numpy as np

N_NODES = 10000
D = 128
N_EDGES = 320000


def setup_inputs(seed: int = 0) -> dict:
    key = jax.random.key(seed)
    ks = jax.random.split(key, 12)
    x = jax.random.normal(ks[0], (N_NODES, D), dtype=jnp.float32)
    edge_index_r0 = jax.random.randint(ks[1], (2, N_EDGES), 0, N_NODES, dtype=jnp.int64 if jax.config.jax_enable_x64 else jnp.int32)
    edge_index_r1 = jax.random.randint(ks[2], (2, N_EDGES), 0, N_NODES, dtype=jnp.int64 if jax.config.jax_enable_x64 else jnp.int32)
    edge_index_r2 = jax.random.randint(ks[3], (2, N_EDGES), 0, N_NODES, dtype=jnp.int64 if jax.config.jax_enable_x64 else jnp.int32)
    scale = 1.0 / np.sqrt(D)
    W_r0 = jax.random.uniform(ks[4], (D, D), jnp.float32, -scale, scale)
    b_r0 = jnp.zeros((D,), jnp.float32)
    W_r1 = jax.random.uniform(ks[5], (D, D), jnp.float32, -scale, scale)
    b_r1 = jnp.zeros((D,), jnp.float32)
    W_r2 = jax.random.uniform(ks[6], (D, D), jnp.float32, -scale, scale)
    b_r2 = jnp.zeros((D,), jnp.float32)
    return {"x": x, "edge_index_r0": edge_index_r0, "edge_index_r1": edge_index_r1,
            "edge_index_r2": edge_index_r2, "W_r0": W_r0, "b_r0": b_r0,
            "W_r1": W_r1, "b_r1": b_r1, "W_r2": W_r2, "b_r2": b_r2}


def _gcn_conv(x, edge_index, W, b):
    # DGL GraphConv(norm='both'), in_feats == out_feats -> aggregate first, then linear
    src = edge_index[0]
    dst = edge_index[1]
    n = x.shape[0]
    ones = jnp.ones((edge_index.shape[1],), jnp.float32)
    out_deg = jnp.zeros((n,), jnp.float32).at[src].add(ones)
    norm_src = jnp.where(out_deg > 0, jax.lax.rsqrt(jnp.maximum(out_deg, 1e-12)), 0.0)
    h = x * norm_src[:, None]
    agg = jnp.zeros_like(x).at[dst].add(jnp.take(h, src, axis=0))
    in_deg = jnp.zeros((n,), jnp.float32).at[dst].add(ones)
    norm_dst = jnp.where(in_deg > 0, jax.lax.rsqrt(jnp.maximum(in_deg, 1e-12)), 0.0)
    agg = agg * norm_dst[:, None]
    return agg @ W + b


def reference(x, edge_index_r0, edge_index_r1, edge_index_r2,
              W_r0, b_r0, W_r1, b_r1, W_r2, b_r2):
    out0 = _gcn_conv(x, edge_index_r0, W_r0, b_r0)
    out1 = _gcn_conv(x, edge_index_r1, W_r1, b_r1)
    out2 = _gcn_conv(x, edge_index_r2, W_r2, b_r2)
    rel_embs = jnp.stack([out0, out1, out2], axis=0)
    # ChannelCombine with het_combine='mean': mean over relation channels
    res = jnp.mean(rel_embs, axis=0)
    return res

if __name__ == "__main__":
    import jax
    _d = setup_inputs()
    print(jax.jit(kernel)(*tuple(_d.values())))

</pallas_src>

<mosaic_0001>
#map = affine_map<(d0, d1) -> (0, 0)>
#map1 = affine_map<(d0, d1) -> (0)>
#map2 = affine_map<(d0, d1) -> (0, 0, 0)>
module attributes {stable_mosaic.version = 14 : i64} {
  func.func @_agg_body(%arg0: i32, %arg1: i32, %arg2: memref<10000x128xf32, #tpu.memory_space<hbm>>, %arg3: memref<10000x128xf32, #tpu.memory_space<hbm>>, %arg4: memref<10000x128xf32, #tpu.memory_space<hbm>>, %arg5: memref<320000xi32, #tpu.memory_space<hbm>>, %arg6: memref<320000xi32, #tpu.memory_space<hbm>>, %arg7: memref<320000xi32, #tpu.memory_space<hbm>>, %arg8: memref<320000xi32, #tpu.memory_space<hbm>>, %arg9: memref<320000xi32, #tpu.memory_space<hbm>>, %arg10: memref<320000xi32, #tpu.memory_space<hbm>>, %arg11: memref<64x128xf32, #tpu.memory_space<hbm>>, %arg12: memref<2x10240x128xf32, #tpu.memory_space<hbm>>, %arg13: memref<2x10240x128xf32, #tpu.memory_space<hbm>>, %arg14: memref<2x10240x128xf32, #tpu.memory_space<hbm>>, %arg15: memref<10240x128xf32, #tpu.memory_space<vmem_shared>>, %arg16: memref<80xi32, #tpu.memory_space<vmem>>, %arg17: memref<80xi32, #tpu.memory_space<vmem>>, %arg18: memref<80xi32, #tpu.memory_space<vmem>>, %arg19: memref<80xi32, #tpu.memory_space<vmem>>, %arg20: memref<80x128xf32, #tpu.memory_space<vmem>>, %arg21: memref<80x128xf32, #tpu.memory_space<vmem>>, %arg22: memref<64x128xf32, #tpu.memory_space<vmem>>, %arg23: memref<!tpu.dma_semaphore, #tpu.memory_space<semaphore_mem>>, %arg24: memref<!tpu.dma_semaphore, #tpu.memory_space<semaphore_mem>>, %arg25: memref<!tpu.dma_semaphore, #tpu.memory_space<semaphore_mem>>, %arg26: memref<!tpu.dma_semaphore, #tpu.memory_space<semaphore_mem>>, %arg27: memref<!tpu.dma_semaphore, #tpu.memory_space<semaphore_mem>>, %arg28: memref<!tpu.dma_semaphore, #tpu.memory_space<semaphore_mem>>, %arg29: memref<!tpu.dma_semaphore, #tpu.memory_space<semaphore_mem>>, %arg30: memref<!tpu.dma_semaphore, #tpu.memory_space<semaphore_mem>>) attributes {dimension_semantics = [#tpu.dimension_semantics<core_parallel>, #tpu.dimension_semantics<subcore_parallel>], iteration_bounds = array<i64: 2, 16>, scalar_prefetch = 0 : i64, scratch_operands = 16 : i64, tpu.core_type = #tpu.core_type<sc_vector_subcore>, window_params = [{transform_indices = #map}, {transform_indices = #map}, {transform_indices = #map}, {transform_indices = #map1}, {transform_indices = #map1}, {transform_indices = #map1}, {transform_indices = #map1}, {transform_indices = #map1}, {transform_indices = #map1}, {transform_indices = #map}, {transform_indices = #map2}, {transform_indices = #map2}, {transform_indices = #map2}]} {
    %mul3A = arith.constant 160000 : i32
    %mul3A_0 = arith.muli %arg0, %mul3A : i32
    %mul3A_1 = arith.constant 10000 : i32
    %mul3A_2 = arith.muli %arg1, %mul3A_1 : i32
    %add3A = arith.addi %mul3A_0, %mul3A_2 : i32
    "tpu.region"() ({
      %run_scoped3A = tpu.sem_alloc : memref<!tpu.dma_semaphore, #tpu.memory_space<semaphore_mem>>
      tpu.enqueue_dma source(%arg11 : memref<64x128xf32, #tpu.memory_space<hbm>>) target(%arg22 : memref<64x128xf32, #tpu.memory_space<vmem>>) target_semaphore(%run_scoped3A : memref<!tpu.dma_semaphore, #tpu.memory_space<semaphore_mem>>)
      tpu.wait_dma2 semaphore(%run_scoped3A : memref<!tpu.dma_semaphore, #tpu.memory_space<semaphore_mem>>) src(%arg11 : memref<64x128xf32, #tpu.memory_space<hbm>>) dst(%arg22 : memref<64x128xf32, #tpu.memory_space<vmem>>)
      tpu.yield
    }) : () -> ()
    %mul3A_3 = arith.constant 640 : i32
    %mul3A_4 = arith.muli %arg1, %mul3A_3 : i32
    %add3A_5 = arith.constant 0 : i32
    %add3A_6 = arith.addi %mul3A_4, %add3A_5 : i32
    "tpu.region"() ({
      %run_scoped3A = tpu.sem_alloc : memref<!tpu.dma_semaphore, #tpu.memory_space<semaphore_mem>>
      %dma_start3A_391 = arith.constant 0 : i32
      %dma_start3A_392 = tpu.memref_slice %arg15[%add3A_6, %dma_start3A_391] : memref<10240x128xf32, #tpu.memory_space<vmem_shared>> -> memref<64x128xf32, #tpu.memory_space<vmem_shared>>
      %dma_start3A_393 = arith.constant 0 : i32
      %dma_start3A_394 = tpu.memref_slice %arg15[%add3A_6, %dma_start3A_393] : memref<10240x128xf32, #tpu.memory_space<vmem_shared>> -> memref<64x128xf32, #tpu.memory_space<vmem_shared>>
      tpu.enqueue_dma source(%arg22 : memref<64x128xf32, #tpu.memory_space<vmem>>) target(%dma_start3A_394 : memref<64x128xf32, #tpu.memory_space<vmem_shared>>) target_semaphore(%run_scoped3A : memref<!tpu.dma_semaphore, #tpu.memory_space<semaphore_mem>>)
      %dma_wait3A_395 = arith.constant 0 : i32
      %dma_wait3A_396 = tpu.memref_slice %arg15[%add3A_6, %dma_wait3A_395] : memref<10240x128xf32, #tpu.memory_space<vmem_shared>> -> memref<64x128xf32, #tpu.memory_space<vmem_shared>>
      %dma_wait3A_397 = arith.constant 0 : i32
      %dma_wait3A_398 = tpu.memref_slice %arg15[%add3A_6, %dma_wait3A_397] : memref<10240x128xf32, #tpu.memory_space<vmem_shared>> -> memref<64x128xf32, #tpu.memory_space<vmem_shared>>
      tpu.wait_dma2 semaphore(%run_scoped3A : memref<!tpu.dma_semaphore, #tpu.memory_space<semaphore_mem>>) src(%arg22 : memref<64x128xf32, #tpu.memory_space<vmem>>) dst(%dma_wait3A_398 : memref<64x128xf32, #tpu.memory_space<vmem_shared>>)
      tpu.yield
    }) : () -> ()
    %mul3A_7 = arith.constant 640 : i32
    %mul3A_8 = arith.muli %arg1, %mul3A_7 : i32
    %add3A_9 = arith.constant 64 : i32
    %add3A_10 = arith.addi %mul3A_8, %add3A_9 : i32
    "tpu.region"() ({
      %run_scoped3A = tpu.sem_alloc : memref<!tpu.dma_semaphore, #tpu.memory_space<semaphore_mem>>
      %dma_start3A_391 = arith.constant 0 : i32
      %dma_start3A_392 = tpu.memref_slice %arg15[%add3A_10, %dma_start3A_391] : memref<10240x128xf32, #tpu.memory_space<vmem_shared>> -> memref<64x128xf32, #tpu.memory_space<vmem_shared>>
      %dma_start3A_393 = arith.constant 0 : i32
      %dma_start3A_394 = tpu.memref_slice %arg15[%add3A_10, %dma_start3A_393] : memref<10240x128xf32, #tpu.memory_space<vmem_shared>> -> memref<64x128xf32, #tpu.memory_space<vmem_shared>>
      tpu.enqueue_dma source(%arg22 : memref<64x128xf32, #tpu.memory_space<vmem>>) target(%dma_start3A_394 : memref<64x128xf32, #tpu.memory_space<vmem_shared>>) target_semaphore(%run_scoped3A : memref<!tpu.dma_semaphore, #tpu.memory_space<semaphore_mem>>)
      %dma_wait3A_395 = arith.constant 0 : i32
      %dma_wait3A_396 = tpu.memref_slice %arg15[%add3A_10, %dma_wait3A_395] : memref<10240x128xf32, #tpu.memory_space<vmem_shared>> -> memref<64x128xf32, #tpu.memory_space<vmem_shared>>
      %dma_wait3A_397 = arith.constant 0 : i32
      %dma_wait3A_398 = tpu.memref_slice %arg15[%add3A_10, %dma_wait3A_397] : memref<10240x128xf32, #tpu.memory_space<vmem_shared>> -> memref<64x128xf32, #tpu.memory_space<vmem_shared>>
      tpu.wait_dma2 semaphore(%run_scoped3A : memref<!tpu.dma_semaphore, #tpu.memory_space<semaphore_mem>>) src(%arg22 : memref<64x128xf32, #tpu.memory_space<vmem>>) dst(%dma_wait3A_398 : memref<64x128xf32, #tpu.memory_space<vmem_shared>>)
      tpu.yield
    }) : () -> ()
    %mul3A_11 = arith.constant 640 : i32
    %mul3A_12 = arith.muli %arg1, %mul3A_11 : i32
    %add3A_13 = arith.constant 128 : i32
    %add3A_14 = arith.addi %mul3A_12, %add3A_13 : i32
    "tpu.region"() ({
      %run_scoped3A = tpu.sem_alloc : memref<!tpu.dma_semaphore, #tpu.memory_space<semaphore_mem>>
      %dma_start3A_391 = arith.constant 0 : i32
      %dma_start3A_392 = tpu.memref_slice %arg15[%add3A_14, %dma_start3A_391] : memref<10240x128xf32, #tpu.memory_space<vmem_shared>> -> memref<64x128xf32, #tpu.memory_space<vmem_shared>>
      %dma_start3A_393 = arith.constant 0 : i32
      %dma_start3A_394 = tpu.memref_slice %arg15[%add3A_14, %dma_start3A_393] : memref<10240x128xf32, #tpu.memory_space<vmem_shared>> -> memref<64x128xf32, #tpu.memory_space<vmem_shared>>
      tpu.enqueue_dma source(%arg22 : memref<64x128xf32, #tpu.memory_space<vmem>>) target(%dma_start3A_394 : memref<64x128xf32, #tpu.memory_space<vmem_shared>>) target_semaphore(%run_scoped3A : memref<!tpu.dma_semaphore, #tpu.memory_space<semaphore_mem>>)
      %dma_wait3A_395 = arith.constant 0 : i32
      %dma_wait3A_396 = tpu.memref_slice %arg15[%add3A_14, %dma_wait3A_395] : memref<10240x128xf32, #tpu.memory_space<vmem_shared>> -> memref<64x128xf32, #tpu.memory_space<vmem_shared>>
      %dma_wait3A_397 = arith.constant 0 : i32
      %dma_wait3A_398 = tpu.memref_slice %arg15[%add3A_14, %dma_wait3A_397] : memref<10240x128xf32, #tpu.memory_space<vmem_shared>> -> memref<64x128xf32, #tpu.memory_space<vmem_shared>>
      tpu.wait_dma2 semaphore(%run_scoped3A : memref<!tpu.dma_semaphore, #tpu.memory_space<semaphore_mem>>) src(%arg22 : memref<64x128xf32, #tpu.memory_space<vmem>>) dst(%dma_wait3A_398 : memref<64x128xf32, #tpu.memory_space<vmem_shared>>)
      tpu.yield
    }) : () -> ()
    %mul3A_15 = arith.constant 640 : i32
    %mul3A_16 = arith.muli %arg1, %mul3A_15 : i32
    %add3A_17 = arith.constant 192 : i32
    %add3A_18 = arith.addi %mul3A_16, %add3A_17 : i32
    "tpu.region"() ({
      %run_scoped3A = tpu.sem_alloc : memref<!tpu.dma_semaphore, #tpu.memory_space<semaphore_mem>>
      %dma_start3A_391 = arith.constant 0 : i32
      %dma_start3A_392 = tpu.memref_slice %arg15[%add3A_18, %dma_start3A_391] : memref<10240x128xf32, #tpu.memory_space<vmem_shared>> -> memref<64x128xf32, #tpu.memory_space<vmem_shared>>
      %dma_start3A_393 = arith.constant 0 : i32
      %dma_start3A_394 = tpu.memref_slice %arg15[%add3A_18, %dma_start3A_393] : memref<10240x128xf32, #tpu.memory_space<vmem_shared>> -> memref<64x128xf32, #tpu.memory_space<vmem_shared>>
      tpu.enqueue_dma source(%arg22 : memref<64x128xf32, #tpu.memory_space<vmem>>) target(%dma_start3A_394 : memref<64x128xf32, #tpu.memory_space<vmem_shared>>) target_semaphore(%run_scoped3A : memref<!tpu.dma_semaphore, #tpu.memory_space<semaphore_mem>>)
      %dma_wait3A_395 = arith.constant 0 : i32
      %dma_wait3A_396 = tpu.memref_slice %arg15[%add3A_18, %dma_wait3A_395] : memref<10240x128xf32, #tpu.memory_space<vmem_shared>> -> memref<64x128xf32, #tpu.memory_space<vmem_shared>>
      %dma_wait3A_397 = arith.constant 0 : i32
      %dma_wait3A_398 = tpu.memref_slice %arg15[%add3A_18, %dma_wait3A_397] : memref<10240x128xf32, #tpu.memory_space<vmem_shared>> -> memref<64x128xf32, #tpu.memory_space<vmem_shared>>
      tpu.wait_dma2 semaphore(%run_scoped3A : memref<!tpu.dma_semaphore, #tpu.memory_space<semaphore_mem>>) src(%arg22 : memref<64x128xf32, #tpu.memory_space<vmem>>) dst(%dma_wait3A_398 : memref<64x128xf32, #tpu.memory_space<vmem_shared>>)
      tpu.yield
    }) : () -> ()
    %mul3A_19 = arith.constant 640 : i32
    %mul3A_20 = arith.muli %arg1, %mul3A_19 : i32
    %add3A_21 = arith.constant 256 : i32
    %add3A_22 = arith.addi %mul3A_20, %add3A_21 : i32
    "tpu.region"() ({
      %run_scoped3A = tpu.sem_alloc : memref<!tpu.dma_semaphore, #tpu.memory_space<semaphore_mem>>
      %dma_start3A_391 = arith.constant 0 : i32
      %dma_start3A_392 = tpu.memref_slice %arg15[%add3A_22, %dma_start3A_391] : memref<10240x128xf32, #tpu.memory_space<vmem_shared>> -> memref<64x128xf32, #tpu.memory_space<vmem_shared>>
      %dma_start3A_393 = arith.constant 0 : i32
      %dma_start3A_394 = tpu.memref_slice %arg15[%add3A_22, %dma_start3A_393] : memref<10240x128xf32, #tpu.memory_space<vmem_shared>> -> memref<64x128xf32, #tpu.memory_space<vmem_shared>>
      tpu.enqueue_dma source(%arg22 : memref<64x128xf32, #tpu.memory_space<vmem>>) target(%dma_start3A_394 : memref<64x128xf32, #tpu.memory_space<vmem_shared>>) target_semaphore(%run_scoped3A : memref<!tpu.dma_semaphore, #tpu.memory_space<semaphore_mem>>)
      %dma_wait3A_395 = arith.constant 0 : i32
      %dma_wait3A_396 = tpu.memref_slice %arg15[%add3A_22, %dma_wait3A_395] : memref<10240x128xf32, #tpu.memory_space<vmem_shared>> -> memref<64x128xf32, #tpu.memory_space<vmem_shared>>
      %dma_wait3A_397 = arith.constant 0 : i32
      %dma_wait3A_398 = tpu.memref_slice %arg15[%add3A_22, %dma_wait3A_397] : memref<10240x128xf32, #tpu.memory_space<vmem_shared>> -> memref<64x128xf32, #tpu.memory_space<vmem_shared>>
      tpu.wait_dma2 semaphore(%run_scoped3A : memref<!tpu.dma_semaphore, #tpu.memory_space<semaphore_mem>>) src(%arg22 : memref<64x128xf32, #tpu.memory_space<vmem>>) dst(%dma_wait3A_398 : memref<64x128xf32, #tpu.memory_space<vmem_shared>>)
      tpu.yield
    }) : () -> ()
    %mul3A_23 = arith.constant 640 : i32
    %mul3A_24 = arith.muli %arg1, %mul3A_23 : i32
    %add3A_25 = arith.constant 320 : i32
    %add3A_26 = arith.addi %mul3A_24, %add3A_25 : i32
    "tpu.region"() ({
      %run_scoped3A = tpu.sem_alloc : memref<!tpu.dma_semaphore, #tpu.memory_space<semaphore_mem>>
      %dma_start3A_391 = arith.constant 0 : i32
      %dma_start3A_392 = tpu.memref_slice %arg15[%add3A_26, %dma_start3A_391] : memref<10240x128xf32, #tpu.memory_space<vmem_shared>> -> memref<64x128xf32, #tpu.memory_space<vmem_shared>>
      %dma_start3A_393 = arith.constant 0 : i32
      %dma_start3A_394 = tpu.memref_slice %arg15[%add3A_26, %dma_start3A_393] : memref<10240x128xf32, #tpu.memory_space<vmem_shared>> -> memref<64x128xf32, #tpu.memory_space<vmem_shared>>
      tpu.enqueue_dma source(%arg22 : memref<64x128xf32, #tpu.memory_space<vmem>>) target(%dma_start3A_394 : memref<64x128xf32, #tpu.memory_space<vmem_shared>>) target_semaphore(%run_scoped3A : memref<!tpu.dma_semaphore, #tpu.memory_space<semaphore_mem>>)
      %dma_wait3A_395 = arith.constant 0 : i32
      %dma_wait3A_396 = tpu.memref_slice %arg15[%add3A_26, %dma_wait3A_395] : memref<10240x128xf32, #tpu.memory_space<vmem_shared>> -> memref<64x128xf32, #tpu.memory_space<vmem_shared>>
      %dma_wait3A_397 = arith.constant 0 : i32
      %dma_wait3A_398 = tpu.memref_slice %arg15[%add3A_26, %dma_wait3A_397] : memref<10240x128xf32, #tpu.memory_space<vmem_shared>> -> memref<64x128xf32, #tpu.memory_space<vmem_shared>>
      tpu.wait_dma2 semaphore(%run_scoped3A : memref<!tpu.dma_semaphore, #tpu.memory_space<semaphore_mem>>) src(%arg22 : memref<64x128xf32, #tpu.memory_space<vmem>>) dst(%dma_wait3A_398 : memref<64x128xf32, #tpu.memory_space<vmem_shared>>)
      tpu.yield
    }) : () -> ()
    %mul3A_27 = arith.constant 640 : i32
    %mul3A_28 = arith.muli %arg1, %mul3A_27 : i32
    %add3A_29 = arith.constant 384 : i32
    %add3A_30 = arith.addi %mul3A_28, %add3A_29 : i32
    "tpu.region"() ({
      %run_scoped3A = tpu.sem_alloc : memref<!tpu.dma_semaphore, #tpu.memory_space<semaphore_mem>>
      %dma_start3A_391 = arith.constant 0 : i32
      %dma_start3A_392 = tpu.memref_slice %arg15[%add3A_30, %dma_start3A_391] : memref<10240x128xf32, #tpu.memory_space<vmem_shared>> -> memref<64x128xf32, #tpu.memory_space<vmem_shared>>
      %dma_start3A_393 = arith.constant 0 : i32
      %dma_start3A_394 = tpu.memref_slice %arg15[%add3A_30, %dma_start3A_393] : memref<10240x128xf32, #tpu.memory_space<vmem_shared>> -> memref<64x128xf32, #tpu.memory_space<vmem_shared>>
      tpu.enqueue_dma source(%arg22 : memref<64x128xf32, #tpu.memory_space<vmem>>) target(%dma_start3A_394 : memref<64x128xf32, #tpu.memory_space<vmem_shared>>) target_semaphore(%run_scoped3A : memref<!tpu.dma_semaphore, #tpu.memory_space<semaphore_mem>>)
      %dma_wait3A_395 = arith.constant 0 : i32
      %dma_wait3A_396 = tpu.memref_slice %arg15[%add3A_30, %dma_wait3A_395] : memref<10240x128xf32, #tpu.memory_space<vmem_shared>> -> memref<64x128xf32, #tpu.memory_space<vmem_shared>>
      %dma_wait3A_397 = arith.constant 0 : i32
      %dma_wait3A_398 = tpu.memref_slice %arg15[%add3A_30, %dma_wait3A_397] : memref<10240x128xf32, #tpu.memory_space<vmem_shared>> -> memref<64x128xf32, #tpu.memory_space<vmem_shared>>
      tpu.wait_dma2 semaphore(%run_scoped3A : memref<!tpu.dma_semaphore, #tpu.memory_space<semaphore_mem>>) src(%arg22 : memref<64x128xf32, #tpu.memory_space<vmem>>) dst(%dma_wait3A_398 : memref<64x128xf32, #tpu.memory_space<vmem_shared>>)
      tpu.yield
    }) : () -> ()
    %mul3A_31 = arith.constant 640 : i32
    %mul3A_32 = arith.muli %arg1, %mul3A_31 : i32
    %add3A_33 = arith.constant 448 : i32
    %add3A_34 = arith.addi %mul3A_32, %add3A_33 : i32
    "tpu.region"() ({
      %run_scoped3A = tpu.sem_alloc : memref<!tpu.dma_semaphore, #tpu.memory_space<semaphore_mem>>
      %dma_start3A_391 = arith.constant 0 : i32
      %dma_start3A_392 = tpu.memref_slice %arg15[%add3A_34, %dma_start3A_391] : memref<10240x128xf32, #tpu.memory_space<vmem_shared>> -> memref<64x128xf32, #tpu.memory_space<vmem_shared>>
      %dma_start3A_393 = arith.constant 0 : i32
      %dma_start3A_394 = tpu.memref_slice %arg15[%add3A_34, %dma_start3A_393] : memref<10240x128xf32, #tpu.memory_space<vmem_shared>> -> memref<64x128xf32, #tpu.memory_space<vmem_shared>>
      tpu.enqueue_dma source(%arg22 : memref<64x128xf32, #tpu.memory_space<vmem>>) target(%dma_start3A_394 : memref<64x128xf32, #tpu.memory_space<vmem_shared>>) target_semaphore(%run_scoped3A : memref<!tpu.dma_semaphore, #tpu.memory_space<semaphore_mem>>)
      %dma_wait3A_395 = arith.constant 0 : i32
      %dma_wait3A_396 = tpu.memref_slice %arg15[%add3A_34, %dma_wait3A_395] : memref<10240x128xf32, #tpu.memory_space<vmem_shared>> -> memref<64x128xf32, #tpu.memory_space<vmem_shared>>
      %dma_wait3A_397 = arith.constant 0 : i32
      %dma_wait3A_398 = tpu.memref_slice %arg15[%add3A_34, %dma_wait3A_397] : memref<10240x128xf32, #tpu.memory_space<vmem_shared>> -> memref<64x128xf32, #tpu.memory_space<vmem_shared>>
      tpu.wait_dma2 semaphore(%run_scoped3A : memref<!tpu.dma_semaphore, #tpu.memory_space<semaphore_mem>>) src(%arg22 : memref<64x128xf32, #tpu.memory_space<vmem>>) dst(%dma_wait3A_398 : memref<64x128xf32, #tpu.memory_space<vmem_shared>>)
      tpu.yield
    }) : () -> ()
    %mul3A_35 = arith.constant 640 : i32
    %mul3A_36 = arith.muli %arg1, %mul3A_35 : i32
    %add3A_37 = arith.constant 512 : i32
    %add3A_38 = arith.addi %mul3A_36, %add3A_37 : i32
    "tpu.region"() ({
      %run_scoped3A = tpu.sem_alloc : memref<!tpu.dma_semaphore, #tpu.memory_space<semaphore_mem>>
      %dma_start3A_391 = arith.constant 0 : i32
      %dma_start3A_392 = tpu.memref_slice %arg15[%add3A_38, %dma_start3A_391] : memref<10240x128xf32, #tpu.memory_space<vmem_shared>> -> memref<64x128xf32, #tpu.memory_space<vmem_shared>>
      %dma_start3A_393 = arith.constant 0 : i32
      %dma_start3A_394 = tpu.memref_slice %arg15[%add3A_38, %dma_start3A_393] : memref<10240x128xf32, #tpu.memory_space<vmem_shared>> -> memref<64x128xf32, #tpu.memory_space<vmem_shared>>
      tpu.enqueue_dma source(%arg22 : memref<64x128xf32, #tpu.memory_space<vmem>>) target(%dma_start3A_394 : memref<64x128xf32, #tpu.memory_space<vmem_shared>>) target_semaphore(%run_scoped3A : memref<!tpu.dma_semaphore, #tpu.memory_space<semaphore_mem>>)
      %dma_wait3A_395 = arith.constant 0 : i32
      %dma_wait3A_396 = tpu.memref_slice %arg15[%add3A_38, %dma_wait3A_395] : memref<10240x128xf32, #tpu.memory_space<vmem_shared>> -> memref<64x128xf32, #tpu.memory_space<vmem_shared>>
      %dma_wait3A_397 = arith.constant 0 : i32
      %dma_wait3A_398 = tpu.memref_slice %arg15[%add3A_38, %dma_wait3A_397] : memref<10240x128xf32, #tpu.memory_space<vmem_shared>> -> memref<64x128xf32, #tpu.memory_space<vmem_shared>>
      tpu.wait_dma2 semaphore(%run_scoped3A : memref<!tpu.dma_semaphore, #tpu.memory_space<semaphore_mem>>) src(%arg22 : memref<64x128xf32, #tpu.memory_space<vmem>>) dst(%dma_wait3A_398 : memref<64x128xf32, #tpu.memory_space<vmem_shared>>)
      tpu.yield
    }) : () -> ()
    %mul3A_39 = arith.constant 640 : i32
    %mul3A_40 = arith.muli %arg1, %mul3A_39 : i32
    %add3A_41 = arith.constant 576 : i32
    %add3A_42 = arith.addi %mul3A_40, %add3A_41 : i32
    "tpu.region"() ({
      %run_scoped3A = tpu.sem_alloc : memref<!tpu.dma_semaphore, #tpu.memory_space<semaphore_mem>>
      %dma_start3A_391 = arith.constant 0 : i32
      %dma_start3A_392 = tpu.memref_slice %arg15[%add3A_42, %dma_start3A_391] : memref<10240x128xf32, #tpu.memory_space<vmem_shared>> -> memref<64x128xf32, #tpu.memory_space<vmem_shared>>
      %dma_start3A_393 = arith.constant 0 : i32
      %dma_start3A_394 = tpu.memref_slice %arg15[%add3A_42, %dma_start3A_393] : memref<10240x128xf32, #tpu.memory_space<vmem_shared>> -> memref<64x128xf32, #tpu.memory_space<vmem_shared>>
      tpu.enqueue_dma source(%arg22 : memref<64x128xf32, #tpu.memory_space<vmem>>) target(%dma_start3A_394 : memref<64x128xf32, #tpu.memory_space<vmem_shared>>) target_semaphore(%run_scoped3A : memref<!tpu.dma_semaphore, #tpu.memory_space<semaphore_mem>>)
      %dma_wait3A_395 = arith.constant 0 : i32
      %dma_wait3A_396 = tpu.memref_slice %arg15[%add3A_42, %dma_wait3A_395] : memref<10240x128xf32, #tpu.memory_space<vmem_shared>> -> memref<64x128xf32, #tpu.memory_space<vmem_shared>>
      %dma_wait3A_397 = arith.constant 0 : i32
      %dma_wait3A_398 = tpu.memref_slice %arg15[%add3A_42, %dma_wait3A_397] : memref<10240x128xf32, #tpu.memory_space<vmem_shared>> -> memref<64x128xf32, #tpu.memory_space<vmem_shared>>
      tpu.wait_dma2 semaphore(%run_scoped3A : memref<!tpu.dma_semaphore, #tpu.memory_space<semaphore_mem>>) src(%arg22 : memref<64x128xf32, #tpu.memory_space<vmem>>) dst(%dma_wait3A_398 : memref<64x128xf32, #tpu.memory_space<vmem_shared>>)
      tpu.yield
    }) : () -> ()
    %add3A_43 = arith.constant 0 : i32
    %add3A_44 = arith.addi %add3A, %add3A_43 : i32
    %multiple_of3A = tpu.assume_multiple %add3A_44, 8 : i32
    %dma_start3A = tpu.memref_slice %arg5[%multiple_of3A] : memref<320000xi32, #tpu.memory_space<hbm>> -> memref<80xi32, #tpu.memory_space<hbm>>
    %dma_start3A_45 = tpu.memref_slice %arg5[%multiple_of3A] : memref<320000xi32, #tpu.memory_space<hbm>> -> memref<80xi32, #tpu.memory_space<hbm>>
    tpu.enqueue_dma source(%dma_start3A_45 : memref<80xi32, #tpu.memory_space<hbm>>) target(%arg16 : memref<80xi32, #tpu.memory_space<vmem>>) target_semaphore(%arg27 : memref<!tpu.dma_semaphore, #tpu.memory_space<semaphore_mem>>)
    %add3A_46 = arith.constant 0 : i32
    %add3A_47 = arith.addi %add3A, %add3A_46 : i32
    %multiple_of3A_48 = tpu.assume_multiple %add3A_47, 8 : i32
    %dma_start3A_49 = tpu.memref_slice %arg6[%multiple_of3A_48] : memref<320000xi32, #tpu.memory_space<hbm>> -> memref<80xi32, #tpu.memory_space<hbm>>
    %dma_start3A_50 = tpu.memref_slice %arg6[%multiple_of3A_48] : memref<320000xi32, #tpu.memory_space<hbm>> -> memref<80xi32, #tpu.memory_space<hbm>>
    tpu.enqueue_dma source(%dma_start3A_50 : memref<80xi32, #tpu.memory_space<hbm>>) target(%arg18 : memref<80xi32, #tpu.memory_space<vmem>>) target_semaphore(%arg29 : memref<!tpu.dma_semaphore, #tpu.memory_space<semaphore_mem>>)
    %add3A_51 = arith.constant 80 : i32
    %add3A_52 = arith.addi %add3A, %add3A_51 : i32
    %multiple_of3A_53 = tpu.assume_multiple %add3A_52, 8 : i32
    %dma_start3A_54 = tpu.memref_slice %arg5[%multiple_of3A_53] : memref<320000xi32, #tpu.memory_space<hbm>> -> memref<80xi32, #tpu.memory_space<hbm>>
    %dma_start3A_55 = tpu.memref_slice %arg5[%multiple_of3A_53] : memref<320000xi32, #tpu.memory_space<hbm>> -> memref<80xi32, #tpu.memory_space<hbm>>
    tpu.enqueue_dma source(%dma_start3A_55 : memref<80xi32, #tpu.memory_space<hbm>>) target(%arg17 : memref<80xi32, #tpu.memory_space<vmem>>) target_semaphore(%arg28 : memref<!tpu.dma_semaphore, #tpu.memory_space<semaphore_mem>>)
    %add3A_56 = arith.constant 80 : i32
    %add3A_57 = arith.addi %add3A, %add3A_56 : i32
    %multiple_of3A_58 = tpu.assume_multiple %add3A_57, 8 : i32
    %dma_start3A_59 = tpu.memref_slice %arg6[%multiple_of3A_58] : memref<320000xi32, #tpu.memory_space<hbm>> -> memref<80xi32, #tpu.memory_space<hbm>>
    %dma_start3A_60 = tpu.memref_slice %arg6[%multiple_of3A_58] : memref<320000xi32, #tpu.memory_space<hbm>> -> memref<80xi32, #tpu.memory_space<hbm>>
    tpu.enqueue_dma source(%dma_start3A_60 : memref<80xi32, #tpu.memory_space<hbm>>) target(%arg19 : memref<80xi32, #tpu.memory_space<vmem>>) target_semaphore(%arg30 : memref<!tpu.dma_semaphore, #tpu.memory_space<semaphore_mem>>)
    %barrier3A = arith.constant 0 : index
    tpu.barrier barrier_id(%barrier3A)
    %add3A_61 = arith.constant 0 : i32
    %add3A_62 = arith.addi %add3A, %add3A_61 : i32
    %multiple_of3A_63 = tpu.assume_multiple %add3A_62, 8 : i32
    %dma_wait3A = tpu.memref_slice %arg5[%multiple_of3A_63] : memref<320000xi32, #tpu.memory_space<hbm>> -> memref<80xi32, #tpu.memory_space<hbm>>
    %dma_wait3A_64 = tpu.memref_slice %arg5[%multiple_of3A_63] : memref<320000xi32, #tpu.memory_space<hbm>> -> memref<80xi32, #tpu.memory_space<hbm>>
    tpu.wait_dma2 semaphore(%arg27 : memref<!tpu.dma_semaphore, #tpu.memory_space<semaphore_mem>>) src(%dma_wait3A_64 : memref<80xi32, #tpu.memory_space<hbm>>) dst(%arg16 : memref<80xi32, #tpu.memory_space<vmem>>)
    %dma_start3A_65 = arith.constant 0 : i32
    %dma_start3A_66 = arith.constant 0 : i32
    %dma_start3A_67 = tpu.memref_slice %arg2[%dma_start3A_65, %dma_start3A_66] : memref<10000x128xf32, #tpu.memory_space<hbm>> -> memref<10000x128xf32, #tpu.memory_space<hbm>>
    tpu.enqueue_indirect_dma source(%dma_start3A_67 : memref<10000x128xf32, #tpu.memory_space<hbm>>) target(%arg20 : memref<80x128xf32, #tpu.memory_space<vmem>>) offsets(%arg16 : memref<80xi32, #tpu.memory_space<vmem>>) semaphore(%arg23 : memref<!tpu.dma_semaphore, #tpu.memory_space<semaphore_mem>>)
    %scan3A = arith.constant 0 : i32
    %scan3A_68 = arith.constant 0 : i32
    %scan3A_69 = arith.constant 62 : i32
    %scan3A_70 = arith.addi %scan3A_68, %scan3A_69 : i32
    %scan3A_71 = arith.constant 1 : i32
    scf.for %scan3A_391 = %scan3A_68 to %scan3A_70 step %scan3A_71  : i32 {
      %mul3A_392 = arith.constant 2 : i32
      %mul3A_393 = arith.muli %mul3A_392, %scan3A_391 : i32
      %add3A_394 = arith.constant 0 : i32
      %add3A_395 = arith.addi %add3A, %add3A_394 : i32
      %multiple_of3A_396 = tpu.assume_multiple %add3A_395, 8 : i32
      %dma_wait3A_397 = tpu.memref_slice %arg5[%multiple_of3A_396] : memref<320000xi32, #tpu.memory_space<hbm>> -> memref<80xi32, #tpu.memory_space<hbm>>
      %dma_wait3A_398 = tpu.memref_slice %arg5[%multiple_of3A_396] : memref<320000xi32, #tpu.memory_space<hbm>> -> memref<80xi32, #tpu.memory_space<hbm>>
      tpu.wait_dma2 semaphore(%arg28 : memref<!tpu.dma_semaphore, #tpu.memory_space<semaphore_mem>>) src(%dma_wait3A_398 : memref<80xi32, #tpu.memory_space<hbm>>) dst(%arg17 : memref<80xi32, #tpu.memory_space<vmem>>)
      %dma_start3A_399 = arith.constant 0 : i32
      %dma_start3A_400 = arith.constant 0 : i32
      %dma_start3A_401 = tpu.memref_slice %arg2[%dma_start3A_399, %dma_start3A_400] : memref<10000x128xf32, #tpu.memory_space<hbm>> -> memref<10000x128xf32, #tpu.memory_space<hbm>>
      tpu.enqueue_indirect_dma source(%dma_start3A_401 : memref<10000x128xf32, #tpu.memory_space<hbm>>) target(%arg21 : memref<80x128xf32, #tpu.memory_space<vmem>>) offsets(%arg17 : memref<80xi32, #tpu.memory_space<vmem>>) semaphore(%arg24 : memref<!tpu.dma_semaphore, #tpu.memory_space<semaphore_mem>>)
      %dma_wait3A_402 = arith.constant 0 : i32
      %dma_wait3A_403 = arith.constant 0 : i32
      %dma_wait3A_404 = tpu.memref_slice %arg2[%dma_wait3A_402, %dma_wait3A_403] : memref<10000x128xf32, #tpu.memory_space<hbm>> -> memref<10000x128xf32, #tpu.memory_space<hbm>>
      tpu.wait_indirect_dma semaphore(%arg23 : memref<!tpu.dma_semaphore, #tpu.memory_space<semaphore_mem>>) src(%dma_wait3A_404 : memref<10000x128xf32, #tpu.memory_space<hbm>>) dst(%arg20 : memref<80x128xf32, #tpu.memory_space<vmem>>)
      %add3A_405 = arith.constant 2 : i32
      %add3A_406 = arith.addi %mul3A_393, %add3A_405 : i32
      %lt3A = arith.constant 125 : i32
      %lt3A_407 = arith.cmpi slt, %add3A_406, %lt3A : i32
      %convert_element_type3A = arith.extui %lt3A_407 : i1 to i32
      %cond3A = arith.constant 0 : i32
      %cond3A_408 = arith.cmpi ne, %convert_element_type3A, %cond3A : i32
      scf.if %cond3A_408 {
        %add3A_455 = arith.constant 2 : i32
        %add3A_456 = arith.addi %mul3A_393, %add3A_455 : i32
        %mul3A_457 = arith.constant 80 : i32
        %mul3A_458 = arith.muli %add3A_456, %mul3A_457 : i32
        %add3A_459 = arith.addi %add3A, %mul3A_458 : i32
        %multiple_of3A_460 = tpu.assume_multiple %add3A_459, 8 : i32
        %dma_start3A_461 = tpu.memref_slice %arg5[%multiple_of3A_460] : memref<320000xi32, #tpu.memory_space<hbm>> -> memref<80xi32, #tpu.memory_space<hbm>>
        %dma_start3A_462 = tpu.memref_slice %arg5[%multiple_of3A_460] : memref<320000xi32, #tpu.memory_space<hbm>> -> memref<80xi32, #tpu.memory_space<hbm>>
        tpu.enqueue_dma source(%dma_start3A_462 : memref<80xi32, #tpu.memory_space<hbm>>) target(%arg16 : memref<80xi32, #tpu.memory_space<vmem>>) target_semaphore(%arg27 : memref<!tpu.dma_semaphore, #tpu.memory_space<semaphore_mem>>)
      } else {
      }
      %add3A_409 = arith.constant 0 : i32
      %add3A_410 = arith.addi %add3A, %add3A_409 : i32
      %multiple_of3A_411 = tpu.assume_multiple %add3A_410, 8 : i32
      %dma_wait3A_412 = tpu.memref_slice %arg6[%multiple_of3A_411] : memref<320000xi32, #tpu.memory_space<hbm>> -> memref<80xi32, #tpu.memory_space<hbm>>
      %dma_wait3A_413 = tpu.memref_slice %arg6[%multiple_of3A_411] : memref<320000xi32, #tpu.memory_space<hbm>> -> memref<80xi32, #tpu.memory_space<hbm>>
      tpu.wait_dma2 semaphore(%arg29 : memref<!tpu.dma_semaphore, #tpu.memory_space<semaphore_mem>>) src(%dma_wait3A_413 : memref<80xi32, #tpu.memory_space<hbm>>) dst(%arg18 : memref<80xi32, #tpu.memory_space<vmem>>)
      %dma_start3A_414 = arith.constant 0 : i32
      %dma_start3A_415 = arith.constant 0 : i32
      %dma_start3A_416 = tpu.memref_slice %arg15[%dma_start3A_414, %dma_start3A_415] : memref<10240x128xf32, #tpu.memory_space<vmem_shared>> -> memref<10240x128xf32, #tpu.memory_space<vmem_shared>>
      tpu.enqueue_indirect_dma source(%arg20 : memref<80x128xf32, #tpu.memory_space<vmem>>) target(%dma_start3A_416 : memref<10240x128xf32, #tpu.memory_space<vmem_shared>>) offsets(%arg18 : memref<80xi32, #tpu.memory_space<vmem>>) semaphore(%arg25 : memref<!tpu.dma_semaphore, #tpu.memory_space<semaphore_mem>>) {add = true}
      %dma_wait3A_417 = arith.constant 0 : i32
      %dma_wait3A_418 = arith.constant 0 : i32
      %dma_wait3A_419 = tpu.memref_slice %arg15[%dma_wait3A_417, %dma_wait3A_418] : memref<10240x128xf32, #tpu.memory_space<vmem_shared>> -> memref<10240x128xf32, #tpu.memory_space<vmem_shared>>
      tpu.wait_indirect_dma semaphore(%arg25 : memref<!tpu.dma_semaphore, #tpu.memory_space<semaphore_mem>>) src(%arg20 : memref<80x128xf32, #tpu.memory_space<vmem>>) dst(%dma_wait3A_419 : memref<10240x128xf32, #tpu.memory_space<vmem_shared>>)
      %add3A_420 = arith.constant 2 : i32
      %add3A_421 = arith.addi %mul3A_393, %add3A_420 : i32
      %lt3A_422 = arith.constant 125 : i32
      %lt3A_423 = arith.cmpi slt, %add3A_421, %lt3A_422 : i32
      %convert_element_type3A_424 = arith.extui %lt3A_423 : i1 to i32
      %cond3A_425 = arith.constant 0 : i32
      %cond3A_426 = arith.cmpi ne, %convert_element_type3A_424, %cond3A_425 : i32
      scf.if %cond3A_426 {
        %add3A_455 = arith.constant 2 : i32
        %add3A_456 = arith.addi %mul3A_393, %add3A_455 : i32
        %mul3A_457 = arith.constant 80 : i32
        %mul3A_458 = arith.muli %add3A_456, %mul3A_457 : i32
        %add3A_459 = arith.addi %add3A, %mul3A_458 : i32
        %multiple_of3A_460 = tpu.assume_multiple %add3A_459, 8 : i32
        %dma_start3A_461 = tpu.memref_slice %arg6[%multiple_of3A_460] : memref<320000xi32, #tpu.memory_space<hbm>> -> memref<80xi32, #tpu.memory_space<hbm>>
        %dma_start3A_462 = tpu.memref_slice %arg6[%multiple_of3A_460] : memref<320000xi32, #tpu.memory_space<hbm>> -> memref<80xi32, #tpu.memory_space<hbm>>
        tpu.enqueue_dma source(%dma_start3A_462 : memref<80xi32, #tpu.memory_space<hbm>>) target(%arg18 : memref<80xi32, #tpu.memory_space<vmem>>) target_semaphore(%arg29 : memref<!tpu.dma_semaphore, #tpu.memory_space<semaphore_mem>>)
        %add3A_463 = arith.constant 0 : i32
        %add3A_464 = arith.addi %add3A, %add3A_463 : i32
        %multiple_of3A_465 = tpu.assume_multiple %add3A_464, 8 : i32
        %dma_wait3A_466 = tpu.memref_slice %arg5[%multiple_of3A_465] : memref<320000xi32, #tpu.memory_space<hbm>> -> memref<80xi32, #tpu.memory_space<hbm>>
        %dma_wait3A_467 = tpu.memref_slice %arg5[%multiple_of3A_465] : memref<320000xi32, #tpu.memory_space<hbm>> -> memref<80xi32, #tpu.memory_space<hbm>>
        tpu.wait_dma2 semaphore(%arg27 : memref<!tpu.dma_semaphore, #tpu.memory_space<semaphore_mem>>) src(%dma_wait3A_467 : memref<80xi32, #tpu.memory_space<hbm>>) dst(%arg16 : memref<80xi32, #tpu.memory_space<vmem>>)
        %dma_start3A_468 = arith.constant 0 : i32
        %dma_start3A_469 = arith.constant 0 : i32
        %dma_start3A_470 = tpu.memref_slice %arg2[%dma_start3A_468, %dma_start3A_469] : memref<10000x128xf32, #tpu.memory_space<hbm>> -> memref<10000x128xf32, #tpu.memory_space<hbm>>
        tpu.enqueue_indirect_dma source(%dma_start3A_470 : memref<10000x128xf32, #tpu.memory_space<hbm>>) target(%arg20 : memref<80x128xf32, #tpu.memory_space<vmem>>) offsets(%arg16 : memref<80xi32, #tpu.memory_space<vmem>>) semaphore(%arg23 : memref<!tpu.dma_semaphore, #tpu.memory_space<semaphore_mem>>)
      } else {
      }
      %dma_wait3A_427 = arith.constant 0 : i32
      %dma_wait3A_428 = arith.constant 0 : i32
      %dma_wait3A_429 = tpu.memref_slice %arg2[%dma_wait3A_427, %dma_wait3A_428] : memref<10000x128xf32, #tpu.memory_space<hbm>> -> memref<10000x128xf32, #tpu.memory_space<hbm>>
      tpu.wait_indirect_dma semaphore(%arg24 : memref<!tpu.dma_semaphore, #tpu.memory_space<semaphore_mem>>) src(%dma_wait3A_429 : memref<10000x128xf32, #tpu.memory_space<hbm>>) dst(%arg21 : memref<80x128xf32, #tpu.memory_space<vmem>>)
      %add3A_430 = arith.constant 3 : i32
      %add3A_431 = arith.addi %mul3A_393, %add3A_430 : i32
      %lt3A_432 = arith.constant 125 : i32
      %lt3A_433 = arith.cmpi slt, %add3A_431, %lt3A_432 : i32
      %convert_element_type3A_434 = arith.extui %lt3A_433 : i1 to i32
      %cond3A_435 = arith.constant 0 : i32
      %cond3A_436 = arith.cmpi ne, %convert_element_type3A_434, %cond3A_435 : i32
      scf.if %cond3A_436 {
        %add3A_455 = arith.constant 3 : i32
        %add3A_456 = arith.addi %mul3A_393, %add3A_455 : i32
        %mul3A_457 = arith.constant 80 : i32
        %mul3A_458 = arith.muli %add3A_456, %mul3A_457 : i32
        %add3A_459 = arith.addi %add3A, %mul3A_458 : i32
        %multiple_of3A_460 = tpu.assume_multiple %add3A_459, 8 : i32
        %dma_start3A_461 = tpu.memref_slice %arg5[%multiple_of3A_460] : memref<320000xi32, #tpu.memory_space<hbm>> -> memref<80xi32, #tpu.memory_space<hbm>>
        %dma_start3A_462 = tpu.memref_slice %arg5[%multiple_of3A_460] : memref<320000xi32, #tpu.memory_space<hbm>> -> memref<80xi32, #tpu.memory_space<hbm>>
        tpu.enqueue_dma source(%dma_start3A_462 : memref<80xi32, #tpu.memory_space<hbm>>) target(%arg17 : memref<80xi32, #tpu.memory_space<vmem>>) target_semaphore(%arg28 : memref<!tpu.dma_semaphore, #tpu.memory_space<semaphore_mem>>)
      } else {
      }
      %add3A_437 = arith.constant 0 : i32
      %add3A_438 = arith.addi %add3A, %add3A_437 : i32
      %multiple_of3A_439 = tpu.assume_multiple %add3A_438, 8 : i32
      %dma_wait3A_440 = tpu.memref_slice %arg6[%multiple_of3A_439] : memref<320000xi32, #tpu.memory_space<hbm>> -> memref<80xi32, #tpu.memory_space<hbm>>
      %dma_wait3A_441 = tpu.memref_slice %arg6[%multiple_of3A_439] : memref<320000xi32, #tpu.memory_space<hbm>> -> memref<80xi32, #tpu.memory_space<hbm>>
      tpu.wait_dma2 semaphore(%arg30 : memref<!tpu.dma_semaphore, #tpu.memory_space<semaphore_mem>>) src(%dma_wait3A_441 : memref<80xi32, #tpu.memory_space<hbm>>) dst(%arg19 : memref<80xi32, #tpu.memory_space<vmem>>)
      %dma_start3A_442 = arith.constant 0 : i32
      %dma_start3A_443 = arith.constant 0 : i32
      %dma_start3A_444 = tpu.memref_slice %arg15[%dma_start3A_442, %dma_start3A_443] : memref<10240x128xf32, #tpu.memory_space<vmem_shared>> -> memref<10240x128xf32, #tpu.memory_space<vmem_shared>>
      tpu.enqueue_indirect_dma source(%arg21 : memref<80x128xf32, #tpu.memory_space<vmem>>) target(%dma_start3A_444 : memref<10240x128xf32, #tpu.memory_space<vmem_shared>>) offsets(%arg19 : memref<80xi32, #tpu.memory_space<vmem>>) semaphore(%arg26 : memref<!tpu.dma_semaphore, #tpu.memory_space<semaphore_mem>>) {add = true}
      %dma_wait3A_445 = arith.constant 0 : i32
      %dma_wait3A_446 = arith.constant 0 : i32
      %dma_wait3A_447 = tpu.memref_slice %arg15[%dma_wait3A_445, %dma_wait3A_446] : memref<10240x128xf32, #tpu.memory_space<vmem_shared>> -> memref<10240x128xf32, #tpu.memory_space<vmem_shared>>
      tpu.wait_indirect_dma semaphore(%arg26 : memref<!tpu.dma_semaphore, #tpu.memory_space<semaphore_mem>>) src(%arg21 : memref<80x128xf32, #tpu.memory_space<vmem>>) dst(%dma_wait3A_447 : memref<10240x128xf32, #tpu.memory_space<vmem_shared>>)
      %add3A_448 = arith.constant 3 : i32
      %add3A_449 = arith.addi %mul3A_393, %add3A_448 : i32
      %lt3A_450 = arith.constant 125 : i32
      %lt3A_451 = arith.cmpi slt, %add3A_449, %lt3A_450 : i32
      %convert_element_type3A_452 = arith.extui %lt3A_451 : i1 to i32
      %cond3A_453 = arith.constant 0 : i32
      %cond3A_454 = arith.cmpi ne, %convert_element_type3A_452, %cond3A_453 : i32
      scf.if %cond3A_454 {
        %add3A_455 = arith.constant 3 : i32
        %add3A_456 = arith.addi %mul3A_393, %add3A_455 : i32
        %mul3A_457 = arith.constant 80 : i32
        %mul3A_458 = arith.muli %add3A_456, %mul3A_457 : i32
        %add3A_459 = arith.addi %add3A, %mul3A_458 : i32
        %multiple_of3A_460 = tpu.assume_multiple %add3A_459, 8 : i32
        %dma_start3A_461 = tpu.memref_slice %arg6[%multiple_of3A_460] : memref<320000xi32, #tpu.memory_space<hbm>> -> memref<80xi32, #tpu.memory_space<hbm>>
        %dma_start3A_462 = tpu.memref_slice %arg6[%multiple_of3A_460] : memref<320000xi32, #tpu.memory_space<hbm>> -> memref<80xi32, #tpu.memory_space<hbm>>
        tpu.enqueue_dma source(%dma_start3A_462 : memref<80xi32, #tpu.memory_space<hbm>>) target(%arg19 : memref<80xi32, #tpu.memory_space<vmem>>) target_semaphore(%arg30 : memref<!tpu.dma_semaphore, #tpu.memory_space<semaphore_mem>>)
      } else {
      }
    }
    %scan3A_72 = arith.constant 62 : i32
    %dma_wait3A_73 = arith.constant 0 : i32
    %dma_wait3A_74 = arith.constant 0 : i32
    %dma_wait3A_75 = tpu.memref_slice %arg2[%dma_wait3A_73, %dma_wait3A_74] : memref<10000x128xf32, #tpu.memory_space<hbm>> -> memref<10000x128xf32, #tpu.memory_space<hbm>>
    tpu.wait_indirect_dma semaphore(%arg23 : memref<!tpu.dma_semaphore, #tpu.memory_space<semaphore_mem>>) src(%dma_wait3A_75 : memref<10000x128xf32, #tpu.memory_space<hbm>>) dst(%arg20 : memref<80x128xf32, #tpu.memory_space<vmem>>)
    %add3A_76 = arith.constant 0 : i32
    %add3A_77 = arith.addi %add3A, %add3A_76 : i32
    %multiple_of3A_78 = tpu.assume_multiple %add3A_77, 8 : i32
    %dma_wait3A_79 = tpu.memref_slice %arg6[%multiple_of3A_78] : memref<320000xi32, #tpu.memory_space<hbm>> -> memref<80xi32, #tpu.memory_space<hbm>>
    %dma_wait3A_80 = tpu.memref_slice %arg6[%multiple_of3A_78] : memref<320000xi32, #tpu.memory_space<hbm>> -> memref<80xi32, #tpu.memory_space<hbm>>
    tpu.wait_dma2 semaphore(%arg29 : memref<!tpu.dma_semaphore, #tpu.memory_space<semaphore_mem>>) src(%dma_wait3A_80 : memref<80xi32, #tpu.memory_space<hbm>>) dst(%arg18 : memref<80xi32, #tpu.memory_space<vmem>>)
    %dma_start3A_81 = arith.constant 0 : i32
    %dma_start3A_82 = arith.constant 0 : i32
    %dma_start3A_83 = tpu.memref_slice %arg15[%dma_start3A_81, %dma_start3A_82] : memref<10240x128xf32, #tpu.memory_space<vmem_shared>> -> memref<10240x128xf32, #tpu.memory_space<vmem_shared>>
    tpu.enqueue_indirect_dma source(%arg20 : memref<80x128xf32, #tpu.memory_space<vmem>>) target(%dma_start3A_83 : memref<10240x128xf32, #tpu.memory_space<vmem_shared>>) offsets(%arg18 : memref<80xi32, #tpu.memory_space<vmem>>) semaphore(%arg25 : memref<!tpu.dma_semaphore, #tpu.memory_space<semaphore_mem>>) {add = true}
    %dma_wait3A_84 = arith.constant 0 : i32
    %dma_wait3A_85 = arith.constant 0 : i32
    %dma_wait3A_86 = tpu.memref_slice %arg15[%dma_wait3A_84, %dma_wait3A_85] : memref<10240x128xf32, #tpu.memory_space<vmem_shared>> -> memref<10240x128xf32, #tpu.memory_space<vmem_shared>>
    tpu.wait_indirect_dma semaphore(%arg25 : memref<!tpu.dma_semaphore, #tpu.memory_space<semaphore_mem>>) src(%arg20 : memref<80x128xf32, #tpu.memory_space<vmem>>) dst(%dma_wait3A_86 : memref<10240x128xf32, #tpu.memory_space<vmem_shared>>)
    %barrier3A_87 = arith.constant 0 : index
    tpu.barrier barrier_id(%barrier3A_87)
    %mul3A_88 = arith.constant 640 : i32
    %mul3A_89 = arith.muli %arg1, %mul3A_88 : i32
    %add3A_90 = arith.constant 0 : i32
    %add3A_91 = arith.addi %mul3A_89, %add3A_90 : i32
    "tpu.region"() ({
      %run_scoped3A = tpu.sem_alloc : memref<!tpu.dma_semaphore, #tpu.memory_space<semaphore_mem>>
      %dma_start3A_391 = arith.constant 0 : i32
      %dma_start3A_392 = tpu.memref_slice %arg15[%add3A_91, %dma_start3A_391] : memref<10240x128xf32, #tpu.memory_space<vmem_shared>> -> memref<64x128xf32, #tpu.memory_space<vmem_shared>>
      %dma_start3A_393 = arith.constant 0 : i32
      %dma_start3A_394 = tpu.memref_slice %arg15[%add3A_91, %dma_start3A_393] : memref<10240x128xf32, #tpu.memory_space<vmem_shared>> -> memref<64x128xf32, #tpu.memory_space<vmem_shared>>
      tpu.enqueue_dma source(%dma_start3A_394 : memref<64x128xf32, #tpu.memory_space<vmem_shared>>) target(%arg22 : memref<64x128xf32, #tpu.memory_space<vmem>>) target_semaphore(%run_scoped3A : memref<!tpu.dma_semaphore, #tpu.memory_space<semaphore_mem>>)
      %dma_wait3A_395 = arith.constant 0 : i32
      %dma_wait3A_396 = tpu.memref_slice %arg15[%add3A_91, %dma_wait3A_395] : memref<10240x128xf32, #tpu.memory_space<vmem_shared>> -> memref<64x128xf32, #tpu.memory_space<vmem_shared>>
      %dma_wait3A_397 = arith.constant 0 : i32
      %dma_wait3A_398 = tpu.memref_slice %arg15[%add3A_91, %dma_wait3A_397] : memref<10240x128xf32, #tpu.memory_space<vmem_shared>> -> memref<64x128xf32, #tpu.memory_space<vmem_shared>>
      tpu.wait_dma2 semaphore(%run_scoped3A : memref<!tpu.dma_semaphore, #tpu.memory_space<semaphore_mem>>) src(%dma_wait3A_398 : memref<64x128xf32, #tpu.memory_space<vmem_shared>>) dst(%arg22 : memref<64x128xf32, #tpu.memory_space<vmem>>)
      tpu.yield
    }) : () -> ()
    "tpu.region"() ({
      %run_scoped3A = tpu.sem_alloc : memref<!tpu.dma_semaphore, #tpu.memory_space<semaphore_mem>>
      %dma_start3A_391 = arith.constant 0 : i32
      %dma_start3A_392 = tpu.memref_slice %arg12[%arg0, %add3A_91, %dma_start3A_391] : memref<2x10240x128xf32, #tpu.memory_space<hbm>> -> memref<1x64x128xf32, #tpu.memory_space<hbm>>
      %dma_start3A_393 = tpu.memref_squeeze %dma_start3A_392 : memref<1x64x128xf32, #tpu.memory_space<hbm>> -> memref<64x128xf32, #tpu.memory_space<hbm>>
      %dma_start3A_394 = arith.constant 0 : i32
      %dma_start3A_395 = tpu.memref_slice %arg12[%arg0, %add3A_91, %dma_start3A_394] : memref<2x10240x128xf32, #tpu.memory_space<hbm>> -> memref<1x64x128xf32, #tpu.memory_space<hbm>>
      %dma_start3A_396 = tpu.memref_squeeze %dma_start3A_395 : memref<1x64x128xf32, #tpu.memory_space<hbm>> -> memref<64x128xf32, #tpu.memory_space<hbm>>
      tpu.enqueue_dma source(%arg22 : memref<64x128xf32, #tpu.memory_space<vmem>>) target(%dma_start3A_396 : memref<64x128xf32, #tpu.memory_space<hbm>>) target_semaphore(%run_scoped3A : memref<!tpu.dma_semaphore, #tpu.memory_space<semaphore_mem>>)
      %dma_wait3A_397 = arith.constant 0 : i32
      %dma_wait3A_398 = tpu.memref_slice %arg12[%arg0, %add3A_91, %dma_wait3A_397] : memref<2x10240x128xf32, #tpu.memory_space<hbm>> -> memref<1x64x128xf32, #tpu.memory_space<hbm>>
      %dma_wait3A_399 = tpu.memref_squeeze %dma_wait3A_398 : memref<1x64x128xf32, #tpu.memory_space<hbm>> -> memref<64x128xf32, #tpu.memory_space<hbm>>
      %dma_wait3A_400 = arith.constant 0 : i32
      %dma_wait3A_401 = tpu.memref_slice %arg12[%arg0, %add3A_91, %dma_wait3A_400] : memref<2x10240x128xf32, #tpu.memory_space<hbm>> -> memref<1x64x128xf32, #tpu.memory_space<hbm>>
      %dma_wait3A_402 = tpu.memref_squeeze %dma_wait3A_401 : memref<1x64x128xf32, #tpu.memory_space<hbm>> -> memref<64x128xf32, #tpu.memory_space<hbm>>
      tpu.wait_dma2 semaphore(%run_scoped3A : memref<!tpu.dma_semaphore, #tpu.memory_space<semaphore_mem>>) src(%arg22 : memref<64x128xf32, #tpu.memory_space<vmem>>) dst(%dma_wait3A_402 : memref<64x128xf32, #tpu.memory_space<hbm>>)
      tpu.yield
    }) : () -> ()
    %mul3A_92 = arith.constant 640 : i32
    %mul3A_93 = arith.muli %arg1, %mul3A_92 : i32
    %add3A_94 = arith.constant 64 : i32
    %add3A_95 = arith.addi %mul3A_93, %add3A_94 : i32
    "tpu.region"() ({
      %run_scoped3A = tpu.sem_alloc : memref<!tpu.dma_semaphore, #tpu.memory_space<semaphore_mem>>
      %dma_start3A_391 = arith.constant 0 : i32
      %dma_start3A_392 = tpu.memref_slice %arg15[%add3A_95, %dma_start3A_391] : memref<10240x128xf32, #tpu.memory_space<vmem_shared>> -> memref<64x128xf32, #tpu.memory_space<vmem_shared>>
      %dma_start3A_393 = arith.constant 0 : i32
      %dma_start3A_394 = tpu.memref_slice %arg15[%add3A_95, %dma_start3A_393] : memref<10240x128xf32, #tpu.memory_space<vmem_shared>> -> memref<64x128xf32, #tpu.memory_space<vmem_shared>>
      tpu.enqueue_dma source(%dma_start3A_394 : memref<64x128xf32, #tpu.memory_space<vmem_shared>>) target(%arg22 : memref<64x128xf32, #tpu.memory_space<vmem>>) target_semaphore(%run_scoped3A : memref<!tpu.dma_semaphore, #tpu.memory_space<semaphore_mem>>)
      %dma_wait3A_395 = arith.constant 0 : i32
      %dma_wait3A_396 = tpu.memref_slice %arg15[%add3A_95, %dma_wait3A_395] : memref<10240x128xf32, #tpu.memory_space<vmem_shared>> -> memref<64x128xf32, #tpu.memory_space<vmem_shared>>
      %dma_wait3A_397 = arith.constant 0 : i32
      %dma_wait3A_398 = tpu.memref_slice %arg15[%add3A_95, %dma_wait3A_397] : memref<10240x128xf32, #tpu.memory_space<vmem_shared>> -> memref<64x128xf32, #tpu.memory_space<vmem_shared>>
      tpu.wait_dma2 semaphore(%run_scoped3A : memref<!tpu.dma_semaphore, #tpu.memory_space<semaphore_mem>>) src(%dma_wait3A_398 : memref<64x128xf32, #tpu.memory_space<vmem_shared>>) dst(%arg22 : memref<64x128xf32, #tpu.memory_space<vmem>>)
      tpu.yield
    }) : () -> ()
    "tpu.region"() ({
      %run_scoped3A = tpu.sem_alloc : memref<!tpu.dma_semaphore, #tpu.memory_space<semaphore_mem>>
      %dma_start3A_391 = arith.constant 0 : i32
      %dma_start3A_392 = tpu.memref_slice %arg12[%arg0, %add3A_95, %dma_start3A_391] : memref<2x10240x128xf32, #tpu.memory_space<hbm>> -> memref<1x64x128xf32, #tpu.memory_space<hbm>>
      %dma_start3A_393 = tpu.memref_squeeze %dma_start3A_392 : memref<1x64x128xf32, #tpu.memory_space<hbm>> -> memref<64x128xf32, #tpu.memory_space<hbm>>
      %dma_start3A_394 = arith.constant 0 : i32
      %dma_start3A_395 = tpu.memref_slice %arg12[%arg0, %add3A_95, %dma_start3A_394] : memref<2x10240x128xf32, #tpu.memory_space<hbm>> -> memref<1x64x128xf32, #tpu.memory_space<hbm>>
      %dma_start3A_396 = tpu.memref_squeeze %dma_start3A_395 : memref<1x64x128xf32, #tpu.memory_space<hbm>> -> memref<64x128xf32, #tpu.memory_space<hbm>>
      tpu.enqueue_dma source(%arg22 : memref<64x128xf32, #tpu.memory_space<vmem>>) target(%dma_start3A_396 : memref<64x128xf32, #tpu.memory_space<hbm>>) target_semaphore(%run_scoped3A : memref<!tpu.dma_semaphore, #tpu.memory_space<semaphore_mem>>)
      %dma_wait3A_397 = arith.constant 0 : i32
      %dma_wait3A_398 = tpu.memref_slice %arg12[%arg0, %add3A_95, %dma_wait3A_397] : memref<2x10240x128xf32, #tpu.memory_space<hbm>> -> memref<1x64x128xf32, #tpu.memory_space<hbm>>
      %dma_wait3A_399 = tpu.memref_squeeze %dma_wait3A_398 : memref<1x64x128xf32, #tpu.memory_space<hbm>> -> memref<64x128xf32, #tpu.memory_space<hbm>>
      %dma_wait3A_400 = arith.constant 0 : i32
      %dma_wait3A_401 = tpu.memref_slice %arg12[%arg0, %add3A_95, %dma_wait3A_400] : memref<2x10240x128xf32, #tpu.memory_space<hbm>> -> memref<1x64x128xf32, #tpu.memory_space<hbm>>
      %dma_wait3A_402 = tpu.memref_squeeze %dma_wait3A_401 : memref<1x64x128xf32, #tpu.memory_space<hbm>> -> memref<64x128xf32, #tpu.memory_space<hbm>>
      tpu.wait_dma2 semaphore(%run_scoped3A : memref<!tpu.dma_semaphore, #tpu.memory_space<semaphore_mem>>) src(%arg22 : memref<64x128xf32, #tpu.memory_space<vmem>>) dst(%dma_wait3A_402 : memref<64x128xf32, #tpu.memory_space<hbm>>)
      tpu.yield
    }) : () -> ()
    %mul3A_96 = arith.constant 640 : i32
    %mul3A_97 = arith.muli %arg1, %mul3A_96 : i32
    %add3A_98 = arith.constant 128 : i32
    %add3A_99 = arith.addi %mul3A_97, %add3A_98 : i32
    "tpu.region"() ({
      %run_scoped3A = tpu.sem_alloc : memref<!tpu.dma_semaphore, #tpu.memory_space<semaphore_mem>>
      %dma_start3A_391 = arith.constant 0 : i32
      %dma_start3A_392 = tpu.memref_slice %arg15[%add3A_99, %dma_start3A_391] : memref<10240x128xf32, #tpu.memory_space<vmem_shared>> -> memref<64x128xf32, #tpu.memory_space<vmem_shared>>
      %dma_start3A_393 = arith.constant 0 : i32
      %dma_start3A_394 = tpu.memref_slice %arg15[%add3A_99, %dma_start3A_393] : memref<10240x128xf32, #tpu.memory_space<vmem_shared>> -> memref<64x128xf32, #tpu.memory_space<vmem_shared>>
      tpu.enqueue_dma source(%dma_start3A_394 : memref<64x128xf32, #tpu.memory_space<vmem_shared>>) target(%arg22 : memref<64x128xf32, #tpu.memory_space<vmem>>) target_semaphore(%run_scoped3A : memref<!tpu.dma_semaphore, #tpu.memory_space<semaphore_mem>>)
      %dma_wait3A_395 = arith.constant 0 : i32
      %dma_wait3A_396 = tpu.memref_slice %arg15[%add3A_99, %dma_wait3A_395] : memref<10240x128xf32, #tpu.memory_space<vmem_shared>> -> memref<64x128xf32, #tpu.memory_space<vmem_shared>>
      %dma_wait3A_397 = arith.constant 0 : i32
      %dma_wait3A_398 = tpu.memref_slice %arg15[%add3A_99, %dma_wait3A_397] : memref<10240x128xf32, #tpu.memory_space<vmem_shared>> -> memref<64x128xf32, #tpu.memory_space<vmem_shared>>
      tpu.wait_dma2 semaphore(%run_scoped3A : memref<!tpu.dma_semaphore, #tpu.memory_space<semaphore_mem>>) src(%dma_wait3A_398 : memref<64x128xf32, #tpu.memory_space<vmem_shared>>) dst(%arg22 : memref<64x128xf32, #tpu.memory_space<vmem>>)
      tpu.yield
    }) : () -> ()
    "tpu.region"() ({
      %run_scoped3A = tpu.sem_alloc : memref<!tpu.dma_semaphore, #tpu.memory_space<semaphore_mem>>
      %dma_start3A_391 = arith.constant 0 : i32
      %dma_start3A_392 = tpu.memref_slice %arg12[%arg0, %add3A_99, %dma_start3A_391] : memref<2x10240x128xf32, #tpu.memory_space<hbm>> -> memref<1x64x128xf32, #tpu.memory_space<hbm>>
      %dma_start3A_393 = tpu.memref_squeeze %dma_start3A_392 : memref<1x64x128xf32, #tpu.memory_space<hbm>> -> memref<64x128xf32, #tpu.memory_space<hbm>>
      %dma_start3A_394 = arith.constant 0 : i32
      %dma_start3A_395 = tpu.memref_slice %arg12[%arg0, %add3A_99, %dma_start3A_394] : memref<2x10240x128xf32, #tpu.memory_space<hbm>> -> memref<1x64x128xf32, #tpu.memory_space<hbm>>
      %dma_start3A_396 = tpu.memref_squeeze %dma_start3A_395 : memref<1x64x128xf32, #tpu.memory_space<hbm>> -> memref<64x128xf32, #tpu.memory_space<hbm>>
      tpu.enqueue_dma source(%arg22 : memref<64x128xf32, #tpu.memory_space<vmem>>) target(%dma_start3A_396 : memref<64x128xf32, #tpu.memory_space<hbm>>) target_semaphore(%run_scoped3A : memref<!tpu.dma_semaphore, #tpu.memory_space<semaphore_mem>>)
      %dma_wait3A_397 = arith.constant 0 : i32
      %dma_wait3A_398 = tpu.memref_slice %arg12[%arg0, %add3A_99, %dma_wait3A_397] : memref<2x10240x128xf32, #tpu.memory_space<hbm>> -> memref<1x64x128xf32, #tpu.memory_space<hbm>>
      %dma_wait3A_399 = tpu.memref_squeeze %dma_wait3A_398 : memref<1x64x128xf32, #tpu.memory_space<hbm>> -> memref<64x128xf32, #tpu.memory_space<hbm>>
      %dma_wait3A_400 = arith.constant 0 : i32
      %dma_wait3A_401 = tpu.memref_slice %arg12[%arg0, %add3A_99, %dma_wait3A_400] : memref<2x10240x128xf32, #tpu.memory_space<hbm>> -> memref<1x64x128xf32, #tpu.memory_space<hbm>>
      %dma_wait3A_402 = tpu.memref_squeeze %dma_wait3A_401 : memref<1x64x128xf32, #tpu.memory_space<hbm>> -> memref<64x128xf32, #tpu.memory_space<hbm>>
      tpu.wait_dma2 semaphore(%run_scoped3A : memref<!tpu.dma_semaphore, #tpu.memory_space<semaphore_mem>>) src(%arg22 : memref<64x128xf32, #tpu.memory_space<vmem>>) dst(%dma_wait3A_402 : memref<64x128xf32, #tpu.memory_space<hbm>>)
      tpu.yield
    }) : () -> ()
    %mul3A_100 = arith.constant 640 : i32
    %mul3A_101 = arith.muli %arg1, %mul3A_100 : i32
    %add3A_102 = arith.constant 192 : i32
    %add3A_103 = arith.addi %mul3A_101, %add3A_102 : i32
    "tpu.region"() ({
      %run_scoped3A = tpu.sem_alloc : memref<!tpu.dma_semaphore, #tpu.memory_space<semaphore_mem>>
      %dma_start3A_391 = arith.constant 0 : i32
      %dma_start3A_392 = tpu.memref_slice %arg15[%add3A_103, %dma_start3A_391] : memref<10240x128xf32, #tpu.memory_space<vmem_shared>> -> memref<64x128xf32, #tpu.memory_space<vmem_shared>>
      %dma_start3A_393 = arith.constant 0 : i32
      %dma_start3A_394 = tpu.memref_slice %arg15[%add3A_103, %dma_start3A_393] : memref<10240x128xf32, #tpu.memory_space<vmem_shared>> -> memref<64x128xf32, #tpu.memory_space<vmem_shared>>
      tpu.enqueue_dma source(%dma_start3A_394 : memref<64x128xf32, #tpu.memory_space<vmem_shared>>) target(%arg22 : memref<64x128xf32, #tpu.memory_space<vmem>>) target_semaphore(%run_scoped3A : memref<!tpu.dma_semaphore, #tpu.memory_space<semaphore_mem>>)
      %dma_wait3A_395 = arith.constant 0 : i32
      %dma_wait3A_396 = tpu.memref_slice %arg15[%add3A_103, %dma_wait3A_395] : memref<10240x128xf32, #tpu.memory_space<vmem_shared>> -> memref<64x128xf32, #tpu.memory_space<vmem_shared>>
      %dma_wait3A_397 = arith.constant 0 : i32
      %dma_wait3A_398 = tpu.memref_slice %arg15[%add3A_103, %dma_wait3A_397] : memref<10240x128xf32, #tpu.memory_space<vmem_shared>> -> memref<64x128xf32, #tpu.memory_space<vmem_shared>>
      tpu.wait_dma2 semaphore(%run_scoped3A : memref<!tpu.dma_semaphore, #tpu.memory_space<semaphore_mem>>) src(%dma_wait3A_398 : memref<64x128xf32, #tpu.memory_space<vmem_shared>>) dst(%arg22 : memref<64x128xf32, #tpu.memory_space<vmem>>)
      tpu.yield
    }) : () -> ()
    "tpu.region"() ({
      %run_scoped3A = tpu.sem_alloc : memref<!tpu.dma_semaphore, #tpu.memory_space<semaphore_mem>>
      %dma_start3A_391 = arith.constant 0 : i32
      %dma_start3A_392 = tpu.memref_slice %arg12[%arg0, %add3A_103, %dma_start3A_391] : memref<2x10240x128xf32, #tpu.memory_space<hbm>> -> memref<1x64x128xf32, #tpu.memory_space<hbm>>
      %dma_start3A_393 = tpu.memref_squeeze %dma_start3A_392 : memref<1x64x128xf32, #tpu.memory_space<hbm>> -> memref<64x128xf32, #tpu.memory_space<hbm>>
      %dma_start3A_394 = arith.constant 0 : i32
      %dma_start3A_395 = tpu.memref_slice %arg12[%arg0, %add3A_103, %dma_start3A_394] : memref<2x10240x128xf32, #tpu.memory_space<hbm>> -> memref<1x64x128xf32, #tpu.memory_space<hbm>>
      %dma_start3A_396 = tpu.memref_squeeze %dma_start3A_395 : memref<1x64x128xf32, #tpu.memory_space<hbm>> -> memref<64x128xf32, #tpu.memory_space<hbm>>
      tpu.enqueue_dma source(%arg22 : memref<64x128xf32, #tpu.memory_space<vmem>>) target(%dma_start3A_396 : memref<64x128xf32, #tpu.memory_space<hbm>>) target_semaphore(%run_scoped3A : memref<!tpu.dma_semaphore, #tpu.memory_space<semaphore_mem>>)
      %dma_wait3A_397 = arith.constant 0 : i32
      %dma_wait3A_398 = tpu.memref_slice %arg12[%arg0, %add3A_103, %dma_wait3A_397] : memref<2x10240x128xf32, #tpu.memory_space<hbm>> -> memref<1x64x128xf32, #tpu.memory_space<hbm>>
      %dma_wait3A_399 = tpu.memref_squeeze %dma_wait3A_398 : memref<1x64x128xf32, #tpu.memory_space<hbm>> -> memref<64x128xf32, #tpu.memory_space<hbm>>
      %dma_wait3A_400 = arith.constant 0 : i32
      %dma_wait3A_401 = tpu.memref_slice %arg12[%arg0, %add3A_103, %dma_wait3A_400] : memref<2x10240x128xf32, #tpu.memory_space<hbm>> -> memref<1x64x128xf32, #tpu.memory_space<hbm>>
      %dma_wait3A_402 = tpu.memref_squeeze %dma_wait3A_401 : memref<1x64x128xf32, #tpu.memory_space<hbm>> -> memref<64x128xf32, #tpu.memory_space<hbm>>
      tpu.wait_dma2 semaphore(%run_scoped3A : memref<!tpu.dma_semaphore, #tpu.memory_space<semaphore_mem>>) src(%arg22 : memref<64x128xf32, #tpu.memory_space<vmem>>) dst(%dma_wait3A_402 : memref<64x128xf32, #tpu.memory_space<hbm>>)
      tpu.yield
    }) : () -> ()
    %mul3A_104 = arith.constant 640 : i32
    %mul3A_105 = arith.muli %arg1, %mul3A_104 : i32
    %add3A_106 = arith.constant 256 : i32
    %add3A_107 = arith.addi %mul3A_105, %add3A_106 : i32
    "tpu.region"() ({
      %run_scoped3A = tpu.sem_alloc : memref<!tpu.dma_semaphore, #tpu.memory_space<semaphore_mem>>
      %dma_start3A_391 = arith.constant 0 : i32
      %dma_start3A_392 = tpu.memref_slice %arg15[%add3A_107, %dma_start3A_391] : memref<10240x128xf32, #tpu.memory_space<vmem_shared>> -> memref<64x128xf32, #tpu.memory_space<vmem_shared>>
      %dma_start3A_393 = arith.constant 0 : i32
      %dma_start3A_394 = tpu.memref_slice %arg15[%add3A_107, %dma_start3A_393] : memref<10240x128xf32, #tpu.memory_space<vmem_shared>> -> memref<64x128xf32, #tpu.memory_space<vmem_shared>>
      tpu.enqueue_dma source(%dma_start3A_394 : memref<64x128xf32, #tpu.memory_space<vmem_shared>>) target(%arg22 : memref<64x128xf32, #tpu.memory_space<vmem>>) target_semaphore(%run_scoped3A : memref<!tpu.dma_semaphore, #tpu.memory_space<semaphore_mem>>)
      %dma_wait3A_395 = arith.constant 0 : i32
      %dma_wait3A_396 = tpu.memref_slice %arg15[%add3A_107, %dma_wait3A_395] : memref<10240x128xf32, #tpu.memory_space<vmem_shared>> -> memref<64x128xf32, #tpu.memory_space<vmem_shared>>
      %dma_wait3A_397 = arith.constant 0 : i32
      %dma_wait3A_398 = tpu.memref_slice %arg15[%add3A_107, %dma_wait3A_397] : memref<10240x128xf32, #tpu.memory_space<vmem_shared>> -> memref<64x128xf32, #tpu.memory_space<vmem_shared>>
      tpu.wait_dma2 semaphore(%run_scoped3A : memref<!tpu.dma_semaphore, #tpu.memory_space<semaphore_mem>>) src(%dma_wait3A_398 : memref<64x128xf32, #tpu.memory_space<vmem_shared>>) dst(%arg22 : memref<64x128xf32, #tpu.memory_space<vmem>>)
      tpu.yield
    }) : () -> ()
    "tpu.region"() ({
      %run_scoped3A = tpu.sem_alloc : memref<!tpu.dma_semaphore, #tpu.memory_space<semaphore_mem>>
      %dma_start3A_391 = arith.constant 0 : i32
      %dma_start3A_392 = tpu.memref_slice %arg12[%arg0, %add3A_107, %dma_start3A_391] : memref<2x10240x128xf32, #tpu.memory_space<hbm>> -> memref<1x64x128xf32, #tpu.memory_space<hbm>>
      %dma_start3A_393 = tpu.memref_squeeze %dma_start3A_392 : memref<1x64x128xf32, #tpu.memory_space<hbm>> -> memref<64x128xf32, #tpu.memory_space<hbm>>
      %dma_start3A_394 = arith.constant 0 : i32
      %dma_start3A_395 = tpu.memref_slice %arg12[%arg0, %add3A_107, %dma_start3A_394] : memref<2x10240x128xf32, #tpu.memory_space<hbm>> -> memref<1x64x128xf32, #tpu.memory_space<hbm>>
      %dma_start3A_396 = tpu.memref_squeeze %dma_start3A_395 : memref<1x64x128xf32, #tpu.memory_space<hbm>> -> memref<64x128xf32, #tpu.memory_space<hbm>>
      tpu.enqueue_dma source(%arg22 : memref<64x128xf32, #tpu.memory_space<vmem>>) target(%dma_start3A_396 : memref<64x128xf32, #tpu.memory_space<hbm>>) target_semaphore(%run_scoped3A : memref<!tpu.dma_semaphore, #tpu.memory_space<semaphore_mem>>)
      %dma_wait3A_397 = arith.constant 0 : i32
      %dma_wait3A_398 = tpu.memref_slice %arg12[%arg0, %add3A_107, %dma_wait3A_397] : memref<2x10240x128xf32, #tpu.memory_space<hbm>> -> memref<1x64x128xf32, #tpu.memory_space<hbm>>
      %dma_wait3A_399 = tpu.memref_squeeze %dma_wait3A_398 : memref<1x64x128xf32, #tpu.memory_space<hbm>> -> memref<64x128xf32, #tpu.memory_space<hbm>>
      %dma_wait3A_400 = arith.constant 0 : i32
      %dma_wait3A_401 = tpu.memref_slice %arg12[%arg0, %add3A_107, %dma_wait3A_400] : memref<2x10240x128xf32, #tpu.memory_space<hbm>> -> memref<1x64x128xf32, #tpu.memory_space<hbm>>
      %dma_wait3A_402 = tpu.memref_squeeze %dma_wait3A_401 : memref<1x64x128xf32, #tpu.memory_space<hbm>> -> memref<64x128xf32, #tpu.memory_space<hbm>>
      tpu.wait_dma2 semaphore(%run_scoped3A : memref<!tpu.dma_semaphore, #tpu.memory_space<semaphore_mem>>) src(%arg22 : memref<64x128xf32, #tpu.memory_space<vmem>>) dst(%dma_wait3A_402 : memref<64x128xf32, #tpu.memory_space<hbm>>)
      tpu.yield
    }) : () -> ()
    %mul3A_108 = arith.constant 640 : i32
    %mul3A_109 = arith.muli %arg1, %mul3A_108 : i32
    %add3A_110 = arith.constant 320 : i32
    %add3A_111 = arith.addi %mul3A_109, %add3A_110 : i32
    "tpu.region"() ({
      %run_scoped3A = tpu.sem_alloc : memref<!tpu.dma_semaphore, #tpu.memory_space<semaphore_mem>>
      %dma_start3A_391 = arith.constant 0 : i32
      %dma_start3A_392 = tpu.memref_slice %arg15[%add3A_111, %dma_start3A_391] : memref<10240x128xf32, #tpu.memory_space<vmem_shared>> -> memref<64x128xf32, #tpu.memory_space<vmem_shared>>
      %dma_start3A_393 = arith.constant 0 : i32
      %dma_start3A_394 = tpu.memref_slice %arg15[%add3A_111, %dma_start3A_393] : memref<10240x128xf32, #tpu.memory_space<vmem_shared>> -> memref<64x128xf32, #tpu.memory_space<vmem_shared>>
      tpu.enqueue_dma source(%dma_start3A_394 : memref<64x128xf32, #tpu.memory_space<vmem_shared>>) target(%arg22 : memref<64x128xf32, #tpu.memory_space<vmem>>) target_semaphore(%run_scoped3A : memref<!tpu.dma_semaphore, #tpu.memory_space<semaphore_mem>>)
      %dma_wait3A_395 = arith.constant 0 : i32
      %dma_wait3A_396 = tpu.memref_slice %arg15[%add3A_111, %dma_wait3A_395] : memref<10240x128xf32, #tpu.memory_space<vmem_shared>> -> memref<64x128xf32, #tpu.memory_space<vmem_shared>>
      %dma_wait3A_397 = arith.constant 0 : i32
      %dma_wait3A_398 = tpu.memref_slice %arg15[%add3A_111, %dma_wait3A_397] : memref<10240x128xf32, #tpu.memory_space<vmem_shared>> -> memref<64x128xf32, #tpu.memory_space<vmem_shared>>
      tpu.wait_dma2 semaphore(%run_scoped3A : memref<!tpu.dma_semaphore, #tpu.memory_space<semaphore_mem>>) src(%dma_wait3A_398 : memref<64x128xf32, #tpu.memory_space<vmem_shared>>) dst(%arg22 : memref<64x128xf32, #tpu.memory_space<vmem>>)
      tpu.yield
    }) : () -> ()
    "tpu.region"() ({
      %run_scoped3A = tpu.sem_alloc : memref<!tpu.dma_semaphore, #tpu.memory_space<semaphore_mem>>
      %dma_start3A_391 = arith.constant 0 : i32
      %dma_start3A_392 = tpu.memref_slice %arg12[%arg0, %add3A_111, %dma_start3A_391] : memref<2x10240x128xf32, #tpu.memory_space<hbm>> -> memref<1x64x128xf32, #tpu.memory_space<hbm>>
      %dma_start3A_393 = tpu.memref_squeeze %dma_start3A_392 : memref<1x64x128xf32, #tpu.memory_space<hbm>> -> memref<64x128xf32, #tpu.memory_space<hbm>>
      %dma_start3A_394 = arith.constant 0 : i32
      %dma_start3A_395 = tpu.memref_slice %arg12[%arg0, %add3A_111, %dma_start3A_394] : memref<2x10240x128xf32, #tpu.memory_space<hbm>> -> memref<1x64x128xf32, #tpu.memory_space<hbm>>
      %dma_start3A_396 = tpu.memref_squeeze %dma_start3A_395 : memref<1x64x128xf32, #tpu.memory_space<hbm>> -> memref<64x128xf32, #tpu.memory_space<hbm>>
      tpu.enqueue_dma source(%arg22 : memref<64x128xf32, #tpu.memory_space<vmem>>) target(%dma_start3A_396 : memref<64x128xf32, #tpu.memory_space<hbm>>) target_semaphore(%run_scoped3A : memref<!tpu.dma_semaphore, #tpu.memory_space<semaphore_mem>>)
      %dma_wait3A_397 = arith.constant 0 : i32
      %dma_wait3A_398 = tpu.memref_slice %arg12[%arg0, %add3A_111, %dma_wait3A_397] : memref<2x10240x128xf32, #tpu.memory_space<hbm>> -> memref<1x64x128xf32, #tpu.memory_space<hbm>>
      %dma_wait3A_399 = tpu.memref_squeeze %dma_wait3A_398 : memref<1x64x128xf32, #tpu.memory_space<hbm>> -> memref<64x128xf32, #tpu.memory_space<hbm>>
      %dma_wait3A_400 = arith.constant 0 : i32
      %dma_wait3A_401 = tpu.memref_slice %arg12[%arg0, %add3A_111, %dma_wait3A_400] : memref<2x10240x128xf32, #tpu.memory_space<hbm>> -> memref<1x64x128xf32, #tpu.memory_space<hbm>>
      %dma_wait3A_402 = tpu.memref_squeeze %dma_wait3A_401 : memref<1x64x128xf32, #tpu.memory_space<hbm>> -> memref<64x128xf32, #tpu.memory_space<hbm>>
      tpu.wait_dma2 semaphore(%run_scoped3A : memref<!tpu.dma_semaphore, #tpu.memory_space<semaphore_mem>>) src(%arg22 : memref<64x128xf32, #tpu.memory_space<vmem>>) dst(%dma_wait3A_402 : memref<64x128xf32, #tpu.memory_space<hbm>>)
      tpu.yield
    }) : () -> ()
    %mul3A_112 = arith.constant 640 : i32
    %mul3A_113 = arith.muli %arg1, %mul3A_112 : i32
    %add3A_114 = arith.constant 384 : i32
    %add3A_115 = arith.addi %mul3A_113, %add3A_114 : i32
    "tpu.region"() ({
      %run_scoped3A = tpu.sem_alloc : memref<!tpu.dma_semaphore, #tpu.memory_space<semaphore_mem>>
      %dma_start3A_391 = arith.constant 0 : i32
      %dma_start3A_392 = tpu.memref_slice %arg15[%add3A_115, %dma_start3A_391] : memref<10240x128xf32, #tpu.memory_space<vmem_shared>> -> memref<64x128xf32, #tpu.memory_space<vmem_shared>>
      %dma_start3A_393 = arith.constant 0 : i32
      %dma_start3A_394 = tpu.memref_slice %arg15[%add3A_115, %dma_start3A_393] : memref<10240x128xf32, #tpu.memory_space<vmem_shared>> -> memref<64x128xf32, #tpu.memory_space<vmem_shared>>
      tpu.enqueue_dma source(%dma_start3A_394 : memref<64x128xf32, #tpu.memory_space<vmem_shared>>) target(%arg22 : memref<64x128xf32, #tpu.memory_space<vmem>>) target_semaphore(%run_scoped3A : memref<!tpu.dma_semaphore, #tpu.memory_space<semaphore_mem>>)
      %dma_wait3A_395 = arith.constant 0 : i32
      %dma_wait3A_396 = tpu.memref_slice %arg15[%add3A_115, %dma_wait3A_395] : memref<10240x128xf32, #tpu.memory_space<vmem_shared>> -> memref<64x128xf32, #tpu.memory_space<vmem_shared>>
      %dma_wait3A_397 = arith.constant 0 : i32
      %dma_wait3A_398 = tpu.memref_slice %arg15[%add3A_115, %dma_wait3A_397] : memref<10240x128xf32, #tpu.memory_space<vmem_shared>> -> memref<64x128xf32, #tpu.memory_space<vmem_shared>>
      tpu.wait_dma2 semaphore(%run_scoped3A : memref<!tpu.dma_semaphore, #tpu.memory_space<semaphore_mem>>) src(%dma_wait3A_398 : memref<64x128xf32, #tpu.memory_space<vmem_shared>>) dst(%arg22 : memref<64x128xf32, #tpu.memory_space<vmem>>)
      tpu.yield
    }) : () -> ()
    "tpu.region"() ({
      %run_scoped3A = tpu.sem_alloc : memref<!tpu.dma_semaphore, #tpu.memory_space<semaphore_mem>>
      %dma_start3A_391 = arith.constant 0 : i32
      %dma_start3A_392 = tpu.memref_slice %arg12[%arg0, %add3A_115, %dma_start3A_391] : memref<2x10240x128xf32, #tpu.memory_space<hbm>> -> memref<1x64x128xf32, #tpu.memory_space<hbm>>
      %dma_start3A_393 = tpu.memref_squeeze %dma_start3A_392 : memref<1x64x128xf32, #tpu.memory_space<hbm>> -> memref<64x128xf32, #tpu.memory_space<hbm>>
      %dma_start3A_394 = arith.constant 0 : i32
      %dma_start3A_395 = tpu.memref_slice %arg12[%arg0, %add3A_115, %dma_start3A_394] : memref<2x10240x128xf32, #tpu.memory_space<hbm>> -> memref<1x64x128xf32, #tpu.memory_space<hbm>>
      %dma_start3A_396 = tpu.memref_squeeze %dma_start3A_395 : memref<1x64x128xf32, #tpu.memory_space<hbm>> -> memref<64x128xf32, #tpu.memory_space<hbm>>
      tpu.enqueue_dma source(%arg22 : memref<64x128xf32, #tpu.memory_space<vmem>>) target(%dma_start3A_396 : memref<64x128xf32, #tpu.memory_space<hbm>>) target_semaphore(%run_scoped3A : memref<!tpu.dma_semaphore, #tpu.memory_space<semaphore_mem>>)
      %dma_wait3A_397 = arith.constant 0 : i32
      %dma_wait3A_398 = tpu.memref_slice %arg12[%arg0, %add3A_115, %dma_wait3A_397] : memref<2x10240x128xf32, #tpu.memory_space<hbm>> -> memref<1x64x128xf32, #tpu.memory_space<hbm>>
      %dma_wait3A_399 = tpu.memref_squeeze %dma_wait3A_398 : memref<1x64x128xf32, #tpu.memory_space<hbm>> -> memref<64x128xf32, #tpu.memory_space<hbm>>
      %dma_wait3A_400 = arith.constant 0 : i32
      %dma_wait3A_401 = tpu.memref_slice %arg12[%arg0, %add3A_115, %dma_wait3A_400] : memref<2x10240x128xf32, #tpu.memory_space<hbm>> -> memref<1x64x128xf32, #tpu.memory_space<hbm>>
      %dma_wait3A_402 = tpu.memref_squeeze %dma_wait3A_401 : memref<1x64x128xf32, #tpu.memory_space<hbm>> -> memref<64x128xf32, #tpu.memory_space<hbm>>
      tpu.wait_dma2 semaphore(%run_scoped3A : memref<!tpu.dma_semaphore, #tpu.memory_space<semaphore_mem>>) src(%arg22 : memref<64x128xf32, #tpu.memory_space<vmem>>) dst(%dma_wait3A_402 : memref<64x128xf32, #tpu.memory_space<hbm>>)
      tpu.yield
    }) : () -> ()
    %mul3A_116 = arith.constant 640 : i32
    %mul3A_117 = arith.muli %arg1, %mul3A_116 : i32
    %add3A_118 = arith.constant 448 : i32
    %add3A_119 = arith.addi %mul3A_117, %add3A_118 : i32
    "tpu.region"() ({
      %run_scoped3A = tpu.sem_alloc : memref<!tpu.dma_semaphore, #tpu.memory_space<semaphore_mem>>
      %dma_start3A_391 = arith.constant 0 : i32
      %dma_start3A_392 = tpu.memref_slice %arg15[%add3A_119, %dma_start3A_391] : memref<10240x128xf32, #tpu.memory_space<vmem_shared>> -> memref<64x128xf32, #tpu.memory_space<vmem_shared>>
      %dma_start3A_393 = arith.constant 0 : i32
      %dma_start3A_394 = tpu.memref_slice %arg15[%add3A_119, %dma_start3A_393] : memref<10240x128xf32, #tpu.memory_space<vmem_shared>> -> memref<64x128xf32, #tpu.memory_space<vmem_shared>>
      tpu.enqueue_dma source(%dma_start3A_394 : memref<64x128xf32, #tpu.memory_space<vmem_shared>>) target(%arg22 : memref<64x128xf32, #tpu.memory_space<vmem>>) target_semaphore(%run_scoped3A : memref<!tpu.dma_semaphore, #tpu.memory_space<semaphore_mem>>)
      %dma_wait3A_395 = arith.constant 0 : i32
      %dma_wait3A_396 = tpu.memref_slice %arg15[%add3A_119, %dma_wait3A_395] : memref<10240x128xf32, #tpu.memory_space<vmem_shared>> -> memref<64x128xf32, #tpu.memory_space<vmem_shared>>
      %dma_wait3A_397 = arith.constant 0 : i32
      %dma_wait3A_398 = tpu.memref_slice %arg15[%add3A_119, %dma_wait3A_397] : memref<10240x128xf32, #tpu.memory_space<vmem_shared>> -> memref<64x128xf32, #tpu.memory_space<vmem_shared>>
      tpu.wait_dma2 semaphore(%run_scoped3A : memref<!tpu.dma_semaphore, #tpu.memory_space<semaphore_mem>>) src(%dma_wait3A_398 : memref<64x128xf32, #tpu.memory_space<vmem_shared>>) dst(%arg22 : memref<64x128xf32, #tpu.memory_space<vmem>>)
      tpu.yield
    }) : () -> ()
    "tpu.region"() ({
      %run_scoped3A = tpu.sem_alloc : memref<!tpu.dma_semaphore, #tpu.memory_space<semaphore_mem>>
      %dma_start3A_391 = arith.constant 0 : i32
      %dma_start3A_392 = tpu.memref_slice %arg12[%arg0, %add3A_119, %dma_start3A_391] : memref<2x10240x128xf32, #tpu.memory_space<hbm>> -> memref<1x64x128xf32, #tpu.memory_space<hbm>>
      %dma_start3A_393 = tpu.memref_squeeze %dma_start3A_392 : memref<1x64x128xf32, #tpu.memory_space<hbm>> -> memref<64x128xf32, #tpu.memory_space<hbm>>
      %dma_start3A_394 = arith.constant 0 : i32
      %dma_start3A_395 = tpu.memref_slice %arg12[%arg0, %add3A_119, %dma_start3A_394] : memref<2x10240x128xf32, #tpu.memory_space<hbm>> -> memref<1x64x128xf32, #tpu.memory_space<hbm>>
      %dma_start3A_396 = tpu.memref_squeeze %dma_start3A_395 : memref<1x64x128xf32, #tpu.memory_space<hbm>> -> memref<64x128xf32, #tpu.memory_space<hbm>>
      tpu.enqueue_dma source(%arg22 : memref<64x128xf32, #tpu.memory_space<vmem>>) target(%dma_start3A_396 : memref<64x128xf32, #tpu.memory_space<hbm>>) target_semaphore(%run_scoped3A : memref<!tpu.dma_semaphore, #tpu.memory_space<semaphore_mem>>)
      %dma_wait3A_397 = arith.constant 0 : i32
      %dma_wait3A_398 = tpu.memref_slice %arg12[%arg0, %add3A_119, %dma_wait3A_397] : memref<2x10240x128xf32, #tpu.memory_space<hbm>> -> memref<1x64x128xf32, #tpu.memory_space<hbm>>
      %dma_wait3A_399 = tpu.memref_squeeze %dma_wait3A_398 : memref<1x64x128xf32, #tpu.memory_space<hbm>> -> memref<64x128xf32, #tpu.memory_space<hbm>>
      %dma_wait3A_400 = arith.constant 0 : i32
      %dma_wait3A_401 = tpu.memref_slice %arg12[%arg0, %add3A_119, %dma_wait3A_400] : memref<2x10240x128xf32, #tpu.memory_space<hbm>> -> memref<1x64x128xf32, #tpu.memory_space<hbm>>
      %dma_wait3A_402 = tpu.memref_squeeze %dma_wait3A_401 : memref<1x64x128xf32, #tpu.memory_space<hbm>> -> memref<64x128xf32, #tpu.memory_space<hbm>>
      tpu.wait_dma2 semaphore(%run_scoped3A : memref<!tpu.dma_semaphore, #tpu.memory_space<semaphore_mem>>) src(%arg22 : memref<64x128xf32, #tpu.memory_space<vmem>>) dst(%dma_wait3A_402 : memref<64x128xf32, #tpu.memory_space<hbm>>)
      tpu.yield
    }) : () -> ()
    %mul3A_120 = arith.constant 640 : i32
    %mul3A_121 = arith.muli %arg1, %mul3A_120 : i32
    %add3A_122 = arith.constant 512 : i32
    %add3A_123 = arith.addi %mul3A_121, %add3A_122 : i32
    "tpu.region"() ({
      %run_scoped3A = tpu.sem_alloc : memref<!tpu.dma_semaphore, #tpu.memory_space<semaphore_mem>>
      %dma_start3A_391 = arith.constant 0 : i32
      %dma_start3A_392 = tpu.memref_slice %arg15[%add3A_123, %dma_start3A_391] : memref<10240x128xf32, #tpu.memory_space<vmem_shared>> -> memref<64x128xf32, #tpu.memory_space<vmem_shared>>
      %dma_start3A_393 = arith.constant 0 : i32
      %dma_start3A_394 = tpu.memref_slice %arg15[%add3A_123, %dma_start3A_393] : memref<10240x128xf32, #tpu.memory_space<vmem_shared>> -> memref<64x128xf32, #tpu.memory_space<vmem_shared>>
      tpu.enqueue_dma source(%dma_start3A_394 : memref<64x128xf32, #tpu.memory_space<vmem_shared>>) target(%arg22 : memref<64x128xf32, #tpu.memory_space<vmem>>) target_semaphore(%run_scoped3A : memref<!tpu.dma_semaphore, #tpu.memory_space<semaphore_mem>>)
      %dma_wait3A_395 = arith.constant 0 : i32
      %dma_wait3A_396 = tpu.memref_slice %arg15[%add3A_123, %dma_wait3A_395] : memref<10240x128xf32, #tpu.memory_space<vmem_shared>> -> memref<64x128xf32, #tpu.memory_space<vmem_shared>>
      %dma_wait3A_397 = arith.constant 0 : i32
      %dma_wait3A_398 = tpu.memref_slice %arg15[%add3A_123, %dma_wait3A_397] : memref<10240x128xf32, #tpu.memory_space<vmem_shared>> -> memref<64x128xf32, #tpu.memory_space<vmem_shared>>
      tpu.wait_dma2 semaphore(%run_scoped3A : memref<!tpu.dma_semaphore, #tpu.memory_space<semaphore_mem>>) src(%dma_wait3A_398 : memref<64x128xf32, #tpu.memory_space<vmem_shared>>) dst(%arg22 : memref<64x128xf32, #tpu.memory_space<vmem>>)
      tpu.yield
    }) : () -> ()
    "tpu.region"() ({
      %run_scoped3A = tpu.sem_alloc : memref<!tpu.dma_semaphore, #tpu.memory_space<semaphore_mem>>
      %dma_start3A_391 = arith.constant 0 : i32
      %dma_start3A_392 = tpu.memref_slice %arg12[%arg0, %add3A_123, %dma_start3A_391] : memref<2x10240x128xf32, #tpu.memory_space<hbm>> -> memref<1x64x128xf32, #tpu.memory_space<hbm>>
      %dma_start3A_393 = tpu.memref_squeeze %dma_start3A_392 : memref<1x64x128xf32, #tpu.memory_space<hbm>> -> memref<64x128xf32, #tpu.memory_space<hbm>>
      %dma_start3A_394 = arith.constant 0 : i32
      %dma_start3A_395 = tpu.memref_slice %arg12[%arg0, %add3A_123, %dma_start3A_394] : memref<2x10240x128xf32, #tpu.memory_space<hbm>> -> memref<1x64x128xf32, #tpu.memory_space<hbm>>
      %dma_start3A_396 = tpu.memref_squeeze %dma_start3A_395 : memref<1x64x128xf32, #tpu.memory_space<hbm>> -> memref<64x128xf32, #tpu.memory_space<hbm>>
      tpu.enqueue_dma source(%arg22 : memref<64x128xf32, #tpu.memory_space<vmem>>) target(%dma_start3A_396 : memref<64x128xf32, #tpu.memory_space<hbm>>) target_semaphore(%run_scoped3A : memref<!tpu.dma_semaphore, #tpu.memory_space<semaphore_mem>>)
      %dma_wait3A_397 = arith.constant 0 : i32
      %dma_wait3A_398 = tpu.memref_slice %arg12[%arg0, %add3A_123, %dma_wait3A_397] : memref<2x10240x128xf32, #tpu.memory_space<hbm>> -> memref<1x64x128xf32, #tpu.memory_space<hbm>>
      %dma_wait3A_399 = tpu.memref_squeeze %dma_wait3A_398 : memref<1x64x128xf32, #tpu.memory_space<hbm>> -> memref<64x128xf32, #tpu.memory_space<hbm>>
      %dma_wait3A_400 = arith.constant 0 : i32
      %dma_wait3A_401 = tpu.memref_slice %arg12[%arg0, %add3A_123, %dma_wait3A_400] : memref<2x10240x128xf32, #tpu.memory_space<hbm>> -> memref<1x64x128xf32, #tpu.memory_space<hbm>>
      %dma_wait3A_402 = tpu.memref_squeeze %dma_wait3A_401 : memref<1x64x128xf32, #tpu.memory_space<hbm>> -> memref<64x128xf32, #tpu.memory_space<hbm>>
      tpu.wait_dma2 semaphore(%run_scoped3A : memref<!tpu.dma_semaphore, #tpu.memory_space<semaphore_mem>>) src(%arg22 : memref<64x128xf32, #tpu.memory_space<vmem>>) dst(%dma_wait3A_402 : memref<64x128xf32, #tpu.memory_space<hbm>>)
      tpu.yield
    }) : () -> ()
    %mul3A_124 = arith.constant 640 : i32
    %mul3A_125 = arith.muli %arg1, %mul3A_124 : i32
    %add3A_126 = arith.constant 576 : i32
    %add3A_127 = arith.addi %mul3A_125, %add3A_126 : i32
    "tpu.region"() ({
      %run_scoped3A = tpu.sem_alloc : memref<!tpu.dma_semaphore, #tpu.memory_space<semaphore_mem>>
      %dma_start3A_391 = arith.constant 0 : i32
      %dma_start3A_392 = tpu.memref_slice %arg15[%add3A_127, %dma_start3A_391] : memref<10240x128xf32, #tpu.memory_space<vmem_shared>> -> memref<64x128xf32, #tpu.memory_space<vmem_shared>>
      %dma_start3A_393 = arith.constant 0 : i32
      %dma_start3A_394 = tpu.memref_slice %arg15[%add3A_127, %dma_start3A_393] : memref<10240x128xf32, #tpu.memory_space<vmem_shared>> -> memref<64x128xf32, #tpu.memory_space<vmem_shared>>
      tpu.enqueue_dma source(%dma_start3A_394 : memref<64x128xf32, #tpu.memory_space<vmem_shared>>) target(%arg22 : memref<64x128xf32, #tpu.memory_space<vmem>>) target_semaphore(%run_scoped3A : memref<!tpu.dma_semaphore, #tpu.memory_space<semaphore_mem>>)
      %dma_wait3A_395 = arith.constant 0 : i32
      %dma_wait3A_396 = tpu.memref_slice %arg15[%add3A_127, %dma_wait3A_395] : memref<10240x128xf32, #tpu.memory_space<vmem_shared>> -> memref<64x128xf32, #tpu.memory_space<vmem_shared>>
      %dma_wait3A_397 = arith.constant 0 : i32
      %dma_wait3A_398 = tpu.memref_slice %arg15[%add3A_127, %dma_wait3A_397] : memref<10240x128xf32, #tpu.memory_space<vmem_shared>> -> memref<64x128xf32, #tpu.memory_space<vmem_shared>>
      tpu.wait_dma2 semaphore(%run_scoped3A : memref<!tpu.dma_semaphore, #tpu.memory_space<semaphore_mem>>) src(%dma_wait3A_398 : memref<64x128xf32, #tpu.memory_space<vmem_shared>>) dst(%arg22 : memref<64x128xf32, #tpu.memory_space<vmem>>)
      tpu.yield
    }) : () -> ()
    "tpu.region"() ({
      %run_scoped3A = tpu.sem_alloc : memref<!tpu.dma_semaphore, #tpu.memory_space<semaphore_mem>>
      %dma_start3A_391 = arith.constant 0 : i32
      %dma_start3A_392 = tpu.memref_slice %arg12[%arg0, %add3A_127, %dma_start3A_391] : memref<2x10240x128xf32, #tpu.memory_space<hbm>> -> memref<1x64x128xf32, #tpu.memory_space<hbm>>
      %dma_start3A_393 = tpu.memref_squeeze %dma_start3A_392 : memref<1x64x128xf32, #tpu.memory_space<hbm>> -> memref<64x128xf32, #tpu.memory_space<hbm>>
      %dma_start3A_394 = arith.constant 0 : i32
      %dma_start3A_395 = tpu.memref_slice %arg12[%arg0, %add3A_127, %dma_start3A_394] : memref<2x10240x128xf32, #tpu.memory_space<hbm>> -> memref<1x64x128xf32, #tpu.memory_space<hbm>>
      %dma_start3A_396 = tpu.memref_squeeze %dma_start3A_395 : memref<1x64x128xf32, #tpu.memory_space<hbm>> -> memref<64x128xf32, #tpu.memory_space<hbm>>
      tpu.enqueue_dma source(%arg22 : memref<64x128xf32, #tpu.memory_space<vmem>>) target(%dma_start3A_396 : memref<64x128xf32, #tpu.memory_space<hbm>>) target_semaphore(%run_scoped3A : memref<!tpu.dma_semaphore, #tpu.memory_space<semaphore_mem>>)
      %dma_wait3A_397 = arith.constant 0 : i32
      %dma_wait3A_398 = tpu.memref_slice %arg12[%arg0, %add3A_127, %dma_wait3A_397] : memref<2x10240x128xf32, #tpu.memory_space<hbm>> -> memref<1x64x128xf32, #tpu.memory_space<hbm>>
      %dma_wait3A_399 = tpu.memref_squeeze %dma_wait3A_398 : memref<1x64x128xf32, #tpu.memory_space<hbm>> -> memref<64x128xf32, #tpu.memory_space<hbm>>
      %dma_wait3A_400 = arith.constant 0 : i32
      %dma_wait3A_401 = tpu.memref_slice %arg12[%arg0, %add3A_127, %dma_wait3A_400] : memref<2x10240x128xf32, #tpu.memory_space<hbm>> -> memref<1x64x128xf32, #tpu.memory_space<hbm>>
      %dma_wait3A_402 = tpu.memref_squeeze %dma_wait3A_401 : memref<1x64x128xf32, #tpu.memory_space<hbm>> -> memref<64x128xf32, #tpu.memory_space<hbm>>
      tpu.wait_dma2 semaphore(%run_scoped3A : memref<!tpu.dma_semaphore, #tpu.memory_space<semaphore_mem>>) src(%arg22 : memref<64x128xf32, #tpu.memory_space<vmem>>) dst(%dma_wait3A_402 : memref<64x128xf32, #tpu.memory_space<hbm>>)
      tpu.yield
    }) : () -> ()
    %barrier3A_128 = arith.constant 0 : index
    tpu.barrier barrier_id(%barrier3A_128)
    "tpu.region"() ({
      %run_scoped3A = tpu.sem_alloc : memref<!tpu.dma_semaphore, #tpu.memory_space<semaphore_mem>>
      tpu.enqueue_dma source(%arg11 : memref<64x128xf32, #tpu.memory_space<hbm>>) target(%arg22 : memref<64x128xf32, #tpu.memory_space<vmem>>) target_semaphore(%run_scoped3A : memref<!tpu.dma_semaphore, #tpu.memory_space<semaphore_mem>>)
      tpu.wait_dma2 semaphore(%run_scoped3A : memref<!tpu.dma_semaphore, #tpu.memory_space<semaphore_mem>>) src(%arg11 : memref<64x128xf32, #tpu.memory_space<hbm>>) dst(%arg22 : memref<64x128xf32, #tpu.memory_space<vmem>>)
      tpu.yield
    }) : () -> ()
    %mul3A_129 = arith.constant 640 : i32
    %mul3A_130 = arith.muli %arg1, %mul3A_129 : i32
    %add3A_131 = arith.constant 0 : i32
    %add3A_132 = arith.addi %mul3A_130, %add3A_131 : i32
    "tpu.region"() ({
      %run_scoped3A = tpu.sem_alloc : memref<!tpu.dma_semaphore, #tpu.memory_space<semaphore_mem>>
      %dma_start3A_391 = arith.constant 0 : i32
      %dma_start3A_392 = tpu.memref_slice %arg15[%add3A_132, %dma_start3A_391] : memref<10240x128xf32, #tpu.memory_space<vmem_shared>> -> memref<64x128xf32, #tpu.memory_space<vmem_shared>>
      %dma_start3A_393 = arith.constant 0 : i32
      %dma_start3A_394 = tpu.memref_slice %arg15[%add3A_132, %dma_start3A_393] : memref<10240x128xf32, #tpu.memory_space<vmem_shared>> -> memref<64x128xf32, #tpu.memory_space<vmem_shared>>
      tpu.enqueue_dma source(%arg22 : memref<64x128xf32, #tpu.memory_space<vmem>>) target(%dma_start3A_394 : memref<64x128xf32, #tpu.memory_space<vmem_shared>>) target_semaphore(%run_scoped3A : memref<!tpu.dma_semaphore, #tpu.memory_space<semaphore_mem>>)
      %dma_wait3A_395 = arith.constant 0 : i32
      %dma_wait3A_396 = tpu.memref_slice %arg15[%add3A_132, %dma_wait3A_395] : memref<10240x128xf32, #tpu.memory_space<vmem_shared>> -> memref<64x128xf32, #tpu.memory_space<vmem_shared>>
      %dma_wait3A_397 = arith.constant 0 : i32
      %dma_wait3A_398 = tpu.memref_slice %arg15[%add3A_132, %dma_wait3A_397] : memref<10240x128xf32, #tpu.memory_space<vmem_shared>> -> memref<64x128xf32, #tpu.memory_space<vmem_shared>>
      tpu.wait_dma2 semaphore(%run_scoped3A : memref<!tpu.dma_semaphore, #tpu.memory_space<semaphore_mem>>) src(%arg22 : memref<64x128xf32, #tpu.memory_space<vmem>>) dst(%dma_wait3A_398 : memref<64x128xf32, #tpu.memory_space<vmem_shared>>)
      tpu.yield
    }) : () -> ()
    %mul3A_133 = arith.constant 640 : i32
    %mul3A_134 = arith.muli %arg1, %mul3A_133 : i32
    %add3A_135 = arith.constant 64 : i32
    %add3A_136 = arith.addi %mul3A_134, %add3A_135 : i32
    "tpu.region"() ({
      %run_scoped3A = tpu.sem_alloc : memref<!tpu.dma_semaphore, #tpu.memory_space<semaphore_mem>>
      %dma_start3A_391 = arith.constant 0 : i32
      %dma_start3A_392 = tpu.memref_slice %arg15[%add3A_136, %dma_start3A_391] : memref<10240x128xf32, #tpu.memory_space<vmem_shared>> -> memref<64x128xf32, #tpu.memory_space<vmem_shared>>
      %dma_start3A_393 = arith.constant 0 : i32
      %dma_start3A_394 = tpu.memref_slice %arg15[%add3A_136, %dma_start3A_393] : memref<10240x128xf32, #tpu.memory_space<vmem_shared>> -> memref<64x128xf32, #tpu.memory_space<vmem_shared>>
      tpu.enqueue_dma source(%arg22 : memref<64x128xf32, #tpu.memory_space<vmem>>) target(%dma_start3A_394 : memref<64x128xf32, #tpu.memory_space<vmem_shared>>) target_semaphore(%run_scoped3A : memref<!tpu.dma_semaphore, #tpu.memory_space<semaphore_mem>>)
      %dma_wait3A_395 = arith.constant 0 : i32
      %dma_wait3A_396 = tpu.memref_slice %arg15[%add3A_136, %dma_wait3A_395] : memref<10240x128xf32, #tpu.memory_space<vmem_shared>> -> memref<64x128xf32, #tpu.memory_space<vmem_shared>>
      %dma_wait3A_397 = arith.constant 0 : i32
      %dma_wait3A_398 = tpu.memref_slice %arg15[%add3A_136, %dma_wait3A_397] : memref<10240x128xf32, #tpu.memory_space<vmem_shared>> -> memref<64x128xf32, #tpu.memory_space<vmem_shared>>
      tpu.wait_dma2 semaphore(%run_scoped3A : memref<!tpu.dma_semaphore, #tpu.memory_space<semaphore_mem>>) src(%arg22 : memref<64x128xf32, #tpu.memory_space<vmem>>) dst(%dma_wait3A_398 : memref<64x128xf32, #tpu.memory_space<vmem_shared>>)
      tpu.yield
    }) : () -> ()
    %mul3A_137 = arith.constant 640 : i32
    %mul3A_138 = arith.muli %arg1, %mul3A_137 : i32
    %add3A_139 = arith.constant 128 : i32
    %add3A_140 = arith.addi %mul3A_138, %add3A_139 : i32
    "tpu.region"() ({
      %run_scoped3A = tpu.sem_alloc : memref<!tpu.dma_semaphore, #tpu.memory_space<semaphore_mem>>
      %dma_start3A_391 = arith.constant 0 : i32
      %dma_start3A_392 = tpu.memref_slice %arg15[%add3A_140, %dma_start3A_391] : memref<10240x128xf32, #tpu.memory_space<vmem_shared>> -> memref<64x128xf32, #tpu.memory_space<vmem_shared>>
      %dma_start3A_393 = arith.constant 0 : i32
      %dma_start3A_394 = tpu.memref_slice %arg15[%add3A_140, %dma_start3A_393] : memref<10240x128xf32, #tpu.memory_space<vmem_shared>> -> memref<64x128xf32, #tpu.memory_space<vmem_shared>>
      tpu.enqueue_dma source(%arg22 : memref<64x128xf32, #tpu.memory_space<vmem>>) target(%dma_start3A_394 : memref<64x128xf32, #tpu.memory_space<vmem_shared>>) target_semaphore(%run_scoped3A : memref<!tpu.dma_semaphore, #tpu.memory_space<semaphore_mem>>)
      %dma_wait3A_395 = arith.constant 0 : i32
      %dma_wait3A_396 = tpu.memref_slice %arg15[%add3A_140, %dma_wait3A_395] : memref<10240x128xf32, #tpu.memory_space<vmem_shared>> -> memref<64x128xf32, #tpu.memory_space<vmem_shared>>
      %dma_wait3A_397 = arith.constant 0 : i32
      %dma_wait3A_398 = tpu.memref_slice %arg15[%add3A_140, %dma_wait3A_397] : memref<10240x128xf32, #tpu.memory_space<vmem_shared>> -> memref<64x128xf32, #tpu.memory_space<vmem_shared>>
      tpu.wait_dma2 semaphore(%run_scoped3A : memref<!tpu.dma_semaphore, #tpu.memory_space<semaphore_mem>>) src(%arg22 : memref<64x128xf32, #tpu.memory_space<vmem>>) dst(%dma_wait3A_398 : memref<64x128xf32, #tpu.memory_space<vmem_shared>>)
      tpu.yield
    }) : () -> ()
    %mul3A_141 = arith.constant 640 : i32
    %mul3A_142 = arith.muli %arg1, %mul3A_141 : i32
    %add3A_143 = arith.constant 192 : i32
    %add3A_144 = arith.addi %mul3A_142, %add3A_143 : i32
    "tpu.region"() ({
      %run_scoped3A = tpu.sem_alloc : memref<!tpu.dma_semaphore, #tpu.memory_space<semaphore_mem>>
      %dma_start3A_391 = arith.constant 0 : i32
      %dma_start3A_392 = tpu.memref_slice %arg15[%add3A_144, %dma_start3A_391] : memref<10240x128xf32, #tpu.memory_space<vmem_shared>> -> memref<64x128xf32, #tpu.memory_space<vmem_shared>>
      %dma_start3A_393 = arith.constant 0 : i32
      %dma_start3A_394 = tpu.memref_slice %arg15[%add3A_144, %dma_start3A_393] : memref<10240x128xf32, #tpu.memory_space<vmem_shared>> -> memref<64x128xf32, #tpu.memory_space<vmem_shared>>
      tpu.enqueue_dma source(%arg22 : memref<64x128xf32, #tpu.memory_space<vmem>>) target(%dma_start3A_394 : memref<64x128xf32, #tpu.memory_space<vmem_shared>>) target_semaphore(%run_scoped3A : memref<!tpu.dma_semaphore, #tpu.memory_space<semaphore_mem>>)
      %dma_wait3A_395 = arith.constant 0 : i32
      %dma_wait3A_396 = tpu.memref_slice %arg15[%add3A_144, %dma_wait3A_395] : memref<10240x128xf32, #tpu.memory_space<vmem_shared>> -> memref<64x128xf32, #tpu.memory_space<vmem_shared>>
      %dma_wait3A_397 = arith.constant 0 : i32
      %dma_wait3A_398 = tpu.memref_slice %arg15[%add3A_144, %dma_wait3A_397] : memref<10240x128xf32, #tpu.memory_space<vmem_shared>> -> memref<64x128xf32, #tpu.memory_space<vmem_shared>>
      tpu.wait_dma2 semaphore(%run_scoped3A : memref<!tpu.dma_semaphore, #tpu.memory_space<semaphore_mem>>) src(%arg22 : memref<64x128xf32, #tpu.memory_space<vmem>>) dst(%dma_wait3A_398 : memref<64x128xf32, #tpu.memory_space<vmem_shared>>)
      tpu.yield
    }) : () -> ()
    %mul3A_145 = arith.constant 640 : i32
    %mul3A_146 = arith.muli %arg1, %mul3A_145 : i32
    %add3A_147 = arith.constant 256 : i32
    %add3A_148 = arith.addi %mul3A_146, %add3A_147 : i32
    "tpu.region"() ({
      %run_scoped3A = tpu.sem_alloc : memref<!tpu.dma_semaphore, #tpu.memory_space<semaphore_mem>>
      %dma_start3A_391 = arith.constant 0 : i32
      %dma_start3A_392 = tpu.memref_slice %arg15[%add3A_148, %dma_start3A_391] : memref<10240x128xf32, #tpu.memory_space<vmem_shared>> -> memref<64x128xf32, #tpu.memory_space<vmem_shared>>
      %dma_start3A_393 = arith.constant 0 : i32
      %dma_start3A_394 = tpu.memref_slice %arg15[%add3A_148, %dma_start3A_393] : memref<10240x128xf32, #tpu.memory_space<vmem_shared>> -> memref<64x128xf32, #tpu.memory_space<vmem_shared>>
      tpu.enqueue_dma source(%arg22 : memref<64x128xf32, #tpu.memory_space<vmem>>) target(%dma_start3A_394 : memref<64x128xf32, #tpu.memory_space<vmem_shared>>) target_semaphore(%run_scoped3A : memref<!tpu.dma_semaphore, #tpu.memory_space<semaphore_mem>>)
      %dma_wait3A_395 = arith.constant 0 : i32
      %dma_wait3A_396 = tpu.memref_slice %arg15[%add3A_148, %dma_wait3A_395] : memref<10240x128xf32, #tpu.memory_space<vmem_shared>> -> memref<64x128xf32, #tpu.memory_space<vmem_shared>>
      %dma_wait3A_397 = arith.constant 0 : i32
      %dma_wait3A_398 = tpu.memref_slice %arg15[%add3A_148, %dma_wait3A_397] : memref<10240x128xf32, #tpu.memory_space<vmem_shared>> -> memref<64x128xf32, #tpu.memory_space<vmem_shared>>
      tpu.wait_dma2 semaphore(%run_scoped3A : memref<!tpu.dma_semaphore, #tpu.memory_space<semaphore_mem>>) src(%arg22 : memref<64x128xf32, #tpu.memory_space<vmem>>) dst(%dma_wait3A_398 : memref<64x128xf32, #tpu.memory_space<vmem_shared>>)
      tpu.yield
    }) : () -> ()
    %mul3A_149 = arith.constant 640 : i32
    %mul3A_150 = arith.muli %arg1, %mul3A_149 : i32
    %add3A_151 = arith.constant 320 : i32
    %add3A_152 = arith.addi %mul3A_150, %add3A_151 : i32
    "tpu.region"() ({
      %run_scoped3A = tpu.sem_alloc : memref<!tpu.dma_semaphore, #tpu.memory_space<semaphore_mem>>
      %dma_start3A_391 = arith.constant 0 : i32
      %dma_start3A_392 = tpu.memref_slice %arg15[%add3A_152, %dma_start3A_391] : memref<10240x128xf32, #tpu.memory_space<vmem_shared>> -> memref<64x128xf32, #tpu.memory_space<vmem_shared>>
      %dma_start3A_393 = arith.constant 0 : i32
      %dma_start3A_394 = tpu.memref_slice %arg15[%add3A_152, %dma_start3A_393] : memref<10240x128xf32, #tpu.memory_space<vmem_shared>> -> memref<64x128xf32, #tpu.memory_space<vmem_shared>>
      tpu.enqueue_dma source(%arg22 : memref<64x128xf32, #tpu.memory_space<vmem>>) target(%dma_start3A_394 : memref<64x128xf32, #tpu.memory_space<vmem_shared>>) target_semaphore(%run_scoped3A : memref<!tpu.dma_semaphore, #tpu.memory_space<semaphore_mem>>)
      %dma_wait3A_395 = arith.constant 0 : i32
      %dma_wait3A_396 = tpu.memref_slice %arg15[%add3A_152, %dma_wait3A_395] : memref<10240x128xf32, #tpu.memory_space<vmem_shared>> -> memref<64x128xf32, #tpu.memory_space<vmem_shared>>
      %dma_wait3A_397 = arith.constant 0 : i32
      %dma_wait3A_398 = tpu.memref_slice %arg15[%add3A_152, %dma_wait3A_397] : memref<10240x128xf32, #tpu.memory_space<vmem_shared>> -> memref<64x128xf32, #tpu.memory_space<vmem_shared>>
      tpu.wait_dma2 semaphore(%run_scoped3A : memref<!tpu.dma_semaphore, #tpu.memory_space<semaphore_mem>>) src(%arg22 : memref<64x128xf32, #tpu.memory_space<vmem>>) dst(%dma_wait3A_398 : memref<64x128xf32, #tpu.memory_space<vmem_shared>>)
      tpu.yield
    }) : () -> ()
    %mul3A_153 = arith.constant 640 : i32
    %mul3A_154 = arith.muli %arg1, %mul3A_153 : i32
    %add3A_155 = arith.constant 384 : i32
    %add3A_156 = arith.addi %mul3A_154, %add3A_155 : i32
    "tpu.region"() ({
      %run_scoped3A = tpu.sem_alloc : memref<!tpu.dma_semaphore, #tpu.memory_space<semaphore_mem>>
      %dma_start3A_391 = arith.constant 0 : i32
      %dma_start3A_392 = tpu.memref_slice %arg15[%add3A_156, %dma_start3A_391] : memref<10240x128xf32, #tpu.memory_space<vmem_shared>> -> memref<64x128xf32, #tpu.memory_space<vmem_shared>>
      %dma_start3A_393 = arith.constant 0 : i32
      %dma_start3A_394 = tpu.memref_slice %arg15[%add3A_156, %dma_start3A_393] : memref<10240x128xf32, #tpu.memory_space<vmem_shared>> -> memref<64x128xf32, #tpu.memory_space<vmem_shared>>
      tpu.enqueue_dma source(%arg22 : memref<64x128xf32, #tpu.memory_space<vmem>>) target(%dma_start3A_394 : memref<64x128xf32, #tpu.memory_space<vmem_shared>>) target_semaphore(%run_scoped3A : memref<!tpu.dma_semaphore, #tpu.memory_space<semaphore_mem>>)
      %dma_wait3A_395 = arith.constant 0 : i32
      %dma_wait3A_396 = tpu.memref_slice %arg15[%add3A_156, %dma_wait3A_395] : memref<10240x128xf32, #tpu.memory_space<vmem_shared>> -> memref<64x128xf32, #tpu.memory_space<vmem_shared>>
      %dma_wait3A_397 = arith.constant 0 : i32
      %dma_wait3A_398 = tpu.memref_slice %arg15[%add3A_156, %dma_wait3A_397] : memref<10240x128xf32, #tpu.memory_space<vmem_shared>> -> memref<64x128xf32, #tpu.memory_space<vmem_shared>>
      tpu.wait_dma2 semaphore(%run_scoped3A : memref<!tpu.dma_semaphore, #tpu.memory_space<semaphore_mem>>) src(%arg22 : memref<64x128xf32, #tpu.memory_space<vmem>>) dst(%dma_wait3A_398 : memref<64x128xf32, #tpu.memory_space<vmem_shared>>)
      tpu.yield
    }) : () -> ()
    %mul3A_157 = arith.constant 640 : i32
    %mul3A_158 = arith.muli %arg1, %mul3A_157 : i32
    %add3A_159 = arith.constant 448 : i32
    %add3A_160 = arith.addi %mul3A_158, %add3A_159 : i32
    "tpu.region"() ({
      %run_scoped3A = tpu.sem_alloc : memref<!tpu.dma_semaphore, #tpu.memory_space<semaphore_mem>>
      %dma_start3A_391 = arith.constant 0 : i32
      %dma_start3A_392 = tpu.memref_slice %arg15[%add3A_160, %dma_start3A_391] : memref<10240x128xf32, #tpu.memory_space<vmem_shared>> -> memref<64x128xf32, #tpu.memory_space<vmem_shared>>
      %dma_start3A_393 = arith.constant 0 : i32
      %dma_start3A_394 = tpu.memref_slice %arg15[%add3A_160, %dma_start3A_393] : memref<10240x128xf32, #tpu.memory_space<vmem_shared>> -> memref<64x128xf32, #tpu.memory_space<vmem_shared>>
      tpu.enqueue_dma source(%arg22 : memref<64x128xf32, #tpu.memory_space<vmem>>) target(%dma_start3A_394 : memref<64x128xf32, #tpu.memory_space<vmem_shared>>) target_semaphore(%run_scoped3A : memref<!tpu.dma_semaphore, #tpu.memory_space<semaphore_mem>>)
      %dma_wait3A_395 = arith.constant 0 : i32
      %dma_wait3A_396 = tpu.memref_slice %arg15[%add3A_160, %dma_wait3A_395] : memref<10240x128xf32, #tpu.memory_space<vmem_shared>> -> memref<64x128xf32, #tpu.memory_space<vmem_shared>>
      %dma_wait3A_397 = arith.constant 0 : i32
      %dma_wait3A_398 = tpu.memref_slice %arg15[%add3A_160, %dma_wait3A_397] : memref<10240x128xf32, #tpu.memory_space<vmem_shared>> -> memref<64x128xf32, #tpu.memory_space<vmem_shared>>
      tpu.wait_dma2 semaphore(%run_scoped3A : memref<!tpu.dma_semaphore, #tpu.memory_space<semaphore_mem>>) src(%arg22 : memref<64x128xf32, #tpu.memory_space<vmem>>) dst(%dma_wait3A_398 : memref<64x128xf32, #tpu.memory_space<vmem_shared>>)
      tpu.yield
    }) : () -> ()
    %mul3A_161 = arith.constant 640 : i32
    %mul3A_162 = arith.muli %arg1, %mul3A_161 : i32
    %add3A_163 = arith.constant 512 : i32
    %add3A_164 = arith.addi %mul3A_162, %add3A_163 : i32
    "tpu.region"() ({
      %run_scoped3A = tpu.sem_alloc : memref<!tpu.dma_semaphore, #tpu.memory_space<semaphore_mem>>
      %dma_start3A_391 = arith.constant 0 : i32
      %dma_start3A_392 = tpu.memref_slice %arg15[%add3A_164, %dma_start3A_391] : memref<10240x128xf32, #tpu.memory_space<vmem_shared>> -> memref<64x128xf32, #tpu.memory_space<vmem_shared>>
      %dma_start3A_393 = arith.constant 0 : i32
      %dma_start3A_394 = tpu.memref_slice %arg15[%add3A_164, %dma_start3A_393] : memref<10240x128xf32, #tpu.memory_space<vmem_shared>> -> memref<64x128xf32, #tpu.memory_space<vmem_shared>>
      tpu.enqueue_dma source(%arg22 : memref<64x128xf32, #tpu.memory_space<vmem>>) target(%dma_start3A_394 : memref<64x128xf32, #tpu.memory_space<vmem_shared>>) target_semaphore(%run_scoped3A : memref<!tpu.dma_semaphore, #tpu.memory_space<semaphore_mem>>)
      %dma_wait3A_395 = arith.constant 0 : i32
      %dma_wait3A_396 = tpu.memref_slice %arg15[%add3A_164, %dma_wait3A_395] : memref<10240x128xf32, #tpu.memory_space<vmem_shared>> -> memref<64x128xf32, #tpu.memory_space<vmem_shared>>
      %dma_wait3A_397 = arith.constant 0 : i32
      %dma_wait3A_398 = tpu.memref_slice %arg15[%add3A_164, %dma_wait3A_397] : memref<10240x128xf32, #tpu.memory_space<vmem_shared>> -> memref<64x128xf32, #tpu.memory_space<vmem_shared>>
      tpu.wait_dma2 semaphore(%run_scoped3A : memref<!tpu.dma_semaphore, #tpu.memory_space<semaphore_mem>>) src(%arg22 : memref<64x128xf32, #tpu.memory_space<vmem>>) dst(%dma_wait3A_398 : memref<64x128xf32, #tpu.memory_space<vmem_shared>>)
      tpu.yield
    }) : () -> ()
    %mul3A_165 = arith.constant 640 : i32
    %mul3A_166 = arith.muli %arg1, %mul3A_165 : i32
    %add3A_167 = arith.constant 576 : i32
    %add3A_168 = arith.addi %mul3A_166, %add3A_167 : i32
    "tpu.region"() ({
      %run_scoped3A = tpu.sem_alloc : memref<!tpu.dma_semaphore, #tpu.memory_space<semaphore_mem>>
      %dma_start3A_391 = arith.constant 0 : i32
      %dma_start3A_392 = tpu.memref_slice %arg15[%add3A_168, %dma_start3A_391] : memref<10240x128xf32, #tpu.memory_space<vmem_shared>> -> memref<64x128xf32, #tpu.memory_space<vmem_shared>>
      %dma_start3A_393 = arith.constant 0 : i32
      %dma_start3A_394 = tpu.memref_slice %arg15[%add3A_168, %dma_start3A_393] : memref<10240x128xf32, #tpu.memory_space<vmem_shared>> -> memref<64x128xf32, #tpu.memory_space<vmem_shared>>
      tpu.enqueue_dma source(%arg22 : memref<64x128xf32, #tpu.memory_space<vmem>>) target(%dma_start3A_394 : memref<64x128xf32, #tpu.memory_space<vmem_shared>>) target_semaphore(%run_scoped3A : memref<!tpu.dma_semaphore, #tpu.memory_space<semaphore_mem>>)
      %dma_wait3A_395 = arith.constant 0 : i32
      %dma_wait3A_396 = tpu.memref_slice %arg15[%add3A_168, %dma_wait3A_395] : memref<10240x128xf32, #tpu.memory_space<vmem_shared>> -> memref<64x128xf32, #tpu.memory_space<vmem_shared>>
      %dma_wait3A_397 = arith.constant 0 : i32
      %dma_wait3A_398 = tpu.memref_slice %arg15[%add3A_168, %dma_wait3A_397] : memref<10240x128xf32, #tpu.memory_space<vmem_shared>> -> memref<64x128xf32, #tpu.memory_space<vmem_shared>>
      tpu.wait_dma2 semaphore(%run_scoped3A : memref<!tpu.dma_semaphore, #tpu.memory_space<semaphore_mem>>) src(%arg22 : memref<64x128xf32, #tpu.memory_space<vmem>>) dst(%dma_wait3A_398 : memref<64x128xf32, #tpu.memory_space<vmem_shared>>)
      tpu.yield
    }) : () -> ()
    %add3A_169 = arith.constant 0 : i32
    %add3A_170 = arith.addi %add3A, %add3A_169 : i32
    %multiple_of3A_171 = tpu.assume_multiple %add3A_170, 8 : i32
    %dma_start3A_172 = tpu.memref_slice %arg7[%multiple_of3A_171] : memref<320000xi32, #tpu.memory_space<hbm>> -> memref<80xi32, #tpu.memory_space<hbm>>
    %dma_start3A_173 = tpu.memref_slice %arg7[%multiple_of3A_171] : memref<320000xi32, #tpu.memory_space<hbm>> -> memref<80xi32, #tpu.memory_space<hbm>>
    tpu.enqueue_dma source(%dma_start3A_173 : memref<80xi32, #tpu.memory_space<hbm>>) target(%arg16 : memref<80xi32, #tpu.memory_space<vmem>>) target_semaphore(%arg27 : memref<!tpu.dma_semaphore, #tpu.memory_space<semaphore_mem>>)
    %add3A_174 = arith.constant 0 : i32
    %add3A_175 = arith.addi %add3A, %add3A_174 : i32
    %multiple_of3A_176 = tpu.assume_multiple %add3A_175, 8 : i32
    %dma_start3A_177 = tpu.memref_slice %arg8[%multiple_of3A_176] : memref<320000xi32, #tpu.memory_space<hbm>> -> memref<80xi32, #tpu.memory_space<hbm>>
    %dma_start3A_178 = tpu.memref_slice %arg8[%multiple_of3A_176] : memref<320000xi32, #tpu.memory_space<hbm>> -> memref<80xi32, #tpu.memory_space<hbm>>
    tpu.enqueue_dma source(%dma_start3A_178 : memref<80xi32, #tpu.memory_space<hbm>>) target(%arg18 : memref<80xi32, #tpu.memory_space<vmem>>) target_semaphore(%arg29 : memref<!tpu.dma_semaphore, #tpu.memory_space<semaphore_mem>>)
    %add3A_179 = arith.constant 80 : i32
    %add3A_180 = arith.addi %add3A, %add3A_179 : i32
    %multiple_of3A_181 = tpu.assume_multiple %add3A_180, 8 : i32
    %dma_start3A_182 = tpu.memref_slice %arg7[%multiple_of3A_181] : memref<320000xi32, #tpu.memory_space<hbm>> -> memref<80xi32, #tpu.memory_space<hbm>>
    %dma_start3A_183 = tpu.memref_slice %arg7[%multiple_of3A_181] : memref<320000xi32, #tpu.memory_space<hbm>> -> memref<80xi32, #tpu.memory_space<hbm>>
    tpu.enqueue_dma source(%dma_start3A_183 : memref<80xi32, #tpu.memory_space<hbm>>) target(%arg17 : memref<80xi32, #tpu.memory_space<vmem>>) target_semaphore(%arg28 : memref<!tpu.dma_semaphore, #tpu.memory_space<semaphore_mem>>)
    %add3A_184 = arith.constant 80 : i32
    %add3A_185 = arith.addi %add3A, %add3A_184 : i32
    %multiple_of3A_186 = tpu.assume_multiple %add3A_185, 8 : i32
    %dma_start3A_187 = tpu.memref_slice %arg8[%multiple_of3A_186] : memref<320000xi32, #tpu.memory_space<hbm>> -> memref<80xi32, #tpu.memory_space<hbm>>
    %dma_start3A_188 = tpu.memref_slice %arg8[%multiple_of3A_186] : memref<320000xi32, #tpu.memory_space<hbm>> -> memref<80xi32, #tpu.memory_space<hbm>>
    tpu.enqueue_dma source(%dma_start3A_188 : memref<80xi32, #tpu.memory_space<hbm>>) target(%arg19 : memref<80xi32, #tpu.memory_space<vmem>>) target_semaphore(%arg30 : memref<!tpu.dma_semaphore, #tpu.memory_space<semaphore_mem>>)
    %barrier3A_189 = arith.constant 0 : index
    tpu.barrier barrier_id(%barrier3A_189)
    %add3A_190 = arith.constant 0 : i32
    %add3A_191 = arith.addi %add3A, %add3A_190 : i32
    %multiple_of3A_192 = tpu.assume_multiple %add3A_191, 8 : i32
    %dma_wait3A_193 = tpu.memref_slice %arg7[%multiple_of3A_192] : memref<320000xi32, #tpu.memory_space<hbm>> -> memref<80xi32, #tpu.memory_space<hbm>>
    %dma_wait3A_194 = tpu.memref_slice %arg7[%multiple_of3A_192] : memref<320000xi32, #tpu.memory_space<hbm>> -> memref<80xi32, #tpu.memory_space<hbm>>
    tpu.wait_dma2 semaphore(%arg27 : memref<!tpu.dma_semaphore, #tpu.memory_space<semaphore_mem>>) src(%dma_wait3A_194 : memref<80xi32, #tpu.memory_space<hbm>>) dst(%arg16 : memref<80xi32, #tpu.memory_space<vmem>>)
    %dma_start3A_195 = arith.constant 0 : i32
    %dma_start3A_196 = arith.constant 0 : i32
    %dma_start3A_197 = tpu.memref_slice %arg3[%dma_start3A_195, %dma_start3A_196] : memref<10000x128xf32, #tpu.memory_space<hbm>> -> memref<10000x128xf32, #tpu.memory_space<hbm>>
    tpu.enqueue_indirect_dma source(%dma_start3A_197 : memref<10000x128xf32, #tpu.memory_space<hbm>>) target(%arg20 : memref<80x128xf32, #tpu.memory_space<vmem>>) offsets(%arg16 : memref<80xi32, #tpu.memory_space<vmem>>) semaphore(%arg23 : memref<!tpu.dma_semaphore, #tpu.memory_space<semaphore_mem>>)
    %scan3A_198 = arith.constant 0 : i32
    %scan3A_199 = arith.constant 0 : i32
    %scan3A_200 = arith.constant 62 : i32
    %scan3A_201 = arith.addi %scan3A_199, %scan3A_200 : i32
    %scan3A_202 = arith.constant 1 : i32
    scf.for %scan3A_391 = %scan3A_199 to %scan3A_201 step %scan3A_202  : i32 {
      %mul3A_392 = arith.constant 2 : i32
      %mul3A_393 = arith.muli %mul3A_392, %scan3A_391 : i32
      %add3A_394 = arith.constant 0 : i32
      %add3A_395 = arith.addi %add3A, %add3A_394 : i32
      %multiple_of3A_396 = tpu.assume_multiple %add3A_395, 8 : i32
      %dma_wait3A_397 = tpu.memref_slice %arg7[%multiple_of3A_396] : memref<320000xi32, #tpu.memory_space<hbm>> -> memref<80xi32, #tpu.memory_space<hbm>>
      %dma_wait3A_398 = tpu.memref_slice %arg7[%multiple_of3A_396] : memref<320000xi32, #tpu.memory_space<hbm>> -> memref<80xi32, #tpu.memory_space<hbm>>
      tpu.wait_dma2 semaphore(%arg28 : memref<!tpu.dma_semaphore, #tpu.memory_space<semaphore_mem>>) src(%dma_wait3A_398 : memref<80xi32, #tpu.memory_space<hbm>>) dst(%arg17 : memref<80xi32, #tpu.memory_space<vmem>>)
      %dma_start3A_399 = arith.constant 0 : i32
      %dma_start3A_400 = arith.constant 0 : i32
      %dma_start3A_401 = tpu.memref_slice %arg3[%dma_start3A_399, %dma_start3A_400] : memref<10000x128xf32, #tpu.memory_space<hbm>> -> memref<10000x128xf32, #tpu.memory_space<hbm>>
      tpu.enqueue_indirect_dma source(%dma_start3A_401 : memref<10000x128xf32, #tpu.memory_space<hbm>>) target(%arg21 : memref<80x128xf32, #tpu.memory_space<vmem>>) offsets(%arg17 : memref<80xi32, #tpu.memory_space<vmem>>) semaphore(%arg24 : memref<!tpu.dma_semaphore, #tpu.memory_space<semaphore_mem>>)
      %dma_wait3A_402 = arith.constant 0 : i32
      %dma_wait3A_403 = arith.constant 0 : i32
      %dma_wait3A_404 = tpu.memref_slice %arg3[%dma_wait3A_402, %dma_wait3A_403] : memref<10000x128xf32, #tpu.memory_space<hbm>> -> memref<10000x128xf32, #tpu.memory_space<hbm>>
      tpu.wait_indirect_dma semaphore(%arg23 : memref<!tpu.dma_semaphore, #tpu.memory_space<semaphore_mem>>) src(%dma_wait3A_404 : memref<10000x128xf32, #tpu.memory_space<hbm>>) dst(%arg20 : memref<80x128xf32, #tpu.memory_space<vmem>>)
      %add3A_405 = arith.constant 2 : i32
      %add3A_406 = arith.addi %mul3A_393, %add3A_405 : i32
      %lt3A = arith.constant 125 : i32
      %lt3A_407 = arith.cmpi slt, %add3A_406, %lt3A : i32
      %convert_element_type3A = arith.extui %lt3A_407 : i1 to i32
      %cond3A = arith.constant 0 : i32
      %cond3A_408 = arith.cmpi ne, %convert_element_type3A, %cond3A : i32
      scf.if %cond3A_408 {
        %add3A_455 = arith.constant 2 : i32
        %add3A_456 = arith.addi %mul3A_393, %add3A_455 : i32
        %mul3A_457 = arith.constant 80 : i32
        %mul3A_458 = arith.muli %add3A_456, %mul3A_457 : i32
        %add3A_459 = arith.addi %add3A, %mul3A_458 : i32
        %multiple_of3A_460 = tpu.assume_multiple %add3A_459, 8 : i32
        %dma_start3A_461 = tpu.memref_slice %arg7[%multiple_of3A_460] : memref<320000xi32, #tpu.memory_space<hbm>> -> memref<80xi32, #tpu.memory_space<hbm>>
        %dma_start3A_462 = tpu.memref_slice %arg7[%multiple_of3A_460] : memref<320000xi32, #tpu.memory_space<hbm>> -> memref<80xi32, #tpu.memory_space<hbm>>
        tpu.enqueue_dma source(%dma_start3A_462 : memref<80xi32, #tpu.memory_space<hbm>>) target(%arg16 : memref<80xi32, #tpu.memory_space<vmem>>) target_semaphore(%arg27 : memref<!tpu.dma_semaphore, #tpu.memory_space<semaphore_mem>>)
      } else {
      }
      %add3A_409 = arith.constant 0 : i32
      %add3A_410 = arith.addi %add3A, %add3A_409 : i32
      %multiple_of3A_411 = tpu.assume_multiple %add3A_410, 8 : i32
      %dma_wait3A_412 = tpu.memref_slice %arg8[%multiple_of3A_411] : memref<320000xi32, #tpu.memory_space<hbm>> -> memref<80xi32, #tpu.memory_space<hbm>>
      %dma_wait3A_413 = tpu.memref_slice %arg8[%multiple_of3A_411] : memref<320000xi32, #tpu.memory_space<hbm>> -> memref<80xi32, #tpu.memory_space<hbm>>
      tpu.wait_dma2 semaphore(%arg29 : memref<!tpu.dma_semaphore, #tpu.memory_space<semaphore_mem>>) src(%dma_wait3A_413 : memref<80xi32, #tpu.memory_space<hbm>>) dst(%arg18 : memref<80xi32, #tpu.memory_space<vmem>>)
      %dma_start3A_414 = arith.constant 0 : i32
      %dma_start3A_415 = arith.constant 0 : i32
      %dma_start3A_416 = tpu.memref_slice %arg15[%dma_start3A_414, %dma_start3A_415] : memref<10240x128xf32, #tpu.memory_space<vmem_shared>> -> memref<10240x128xf32, #tpu.memory_space<vmem_shared>>
      tpu.enqueue_indirect_dma source(%arg20 : memref<80x128xf32, #tpu.memory_space<vmem>>) target(%dma_start3A_416 : memref<10240x128xf32, #tpu.memory_space<vmem_shared>>) offsets(%arg18 : memref<80xi32, #tpu.memory_space<vmem>>) semaphore(%arg25 : memref<!tpu.dma_semaphore, #tpu.memory_space<semaphore_mem>>) {add = true}
      %dma_wait3A_417 = arith.constant 0 : i32
      %dma_wait3A_418 = arith.constant 0 : i32
      %dma_wait3A_419 = tpu.memref_slice %arg15[%dma_wait3A_417, %dma_wait3A_418] : memref<10240x128xf32, #tpu.memory_space<vmem_shared>> -> memref<10240x128xf32, #tpu.memory_space<vmem_shared>>
      tpu.wait_indirect_dma semaphore(%arg25 : memref<!tpu.dma_semaphore, #tpu.memory_space<semaphore_mem>>) src(%arg20 : memref<80x128xf32, #tpu.memory_space<vmem>>) dst(%dma_wait3A_419 : memref<10240x128xf32, #tpu.memory_space<vmem_shared>>)
      %add3A_420 = arith.constant 2 : i32
      %add3A_421 = arith.addi %mul3A_393, %add3A_420 : i32
      %lt3A_422 = arith.constant 125 : i32
      %lt3A_423 = arith.cmpi slt, %add3A_421, %lt3A_422 : i32
      %convert_element_type3A_424 = arith.extui %lt3A_423 : i1 to i32
      %cond3A_425 = arith.constant 0 : i32
      %cond3A_426 = arith.cmpi ne, %convert_element_type3A_424, %cond3A_425 : i32
      scf.if %cond3A_426 {
        %add3A_455 = arith.constant 2 : i32
        %add3A_456 = arith.addi %mul3A_393, %add3A_455 : i32
        %mul3A_457 = arith.constant 80 : i32
        %mul3A_458 = arith.muli %add3A_456, %mul3A_457 : i32
        %add3A_459 = arith.addi %add3A, %mul3A_458 : i32
        %multiple_of3A_460 = tpu.assume_multiple %add3A_459, 8 : i32
        %dma_start3A_461 = tpu.memref_slice %arg8[%multiple_of3A_460] : memref<320000xi32, #tpu.memory_space<hbm>> -> memref<80xi32, #tpu.memory_space<hbm>>
        %dma_start3A_462 = tpu.memref_slice %arg8[%multiple_of3A_460] : memref<320000xi32, #tpu.memory_space<hbm>> -> memref<80xi32, #tpu.memory_space<hbm>>
        tpu.enqueue_dma source(%dma_start3A_462 : memref<80xi32, #tpu.memory_space<hbm>>) target(%arg18 : memref<80xi32, #tpu.memory_space<vmem>>) target_semaphore(%arg29 : memref<!tpu.dma_semaphore, #tpu.memory_space<semaphore_mem>>)
        %add3A_463 = arith.constant 0 : i32
        %add3A_464 = arith.addi %add3A, %add3A_463 : i32
        %multiple_of3A_465 = tpu.assume_multiple %add3A_464, 8 : i32
        %dma_wait3A_466 = tpu.memref_slice %arg7[%multiple_of3A_465] : memref<320000xi32, #tpu.memory_space<hbm>> -> memref<80xi32, #tpu.memory_space<hbm>>
        %dma_wait3A_467 = tpu.memref_slice %arg7[%multiple_of3A_465] : memref<320000xi32, #tpu.memory_space<hbm>> -> memref<80xi32, #tpu.memory_space<hbm>>
        tpu.wait_dma2 semaphore(%arg27 : memref<!tpu.dma_semaphore, #tpu.memory_space<semaphore_mem>>) src(%dma_wait3A_467 : memref<80xi32, #tpu.memory_space<hbm>>) dst(%arg16 : memref<80xi32, #tpu.memory_space<vmem>>)
        %dma_start3A_468 = arith.constant 0 : i32
        %dma_start3A_469 = arith.constant 0 : i32
        %dma_start3A_470 = tpu.memref_slice %arg3[%dma_start3A_468, %dma_start3A_469] : memref<10000x128xf32, #tpu.memory_space<hbm>> -> memref<10000x128xf32, #tpu.memory_space<hbm>>
        tpu.enqueue_indirect_dma source(%dma_start3A_470 : memref<10000x128xf32, #tpu.memory_space<hbm>>) target(%arg20 : memref<80x128xf32, #tpu.memory_space<vmem>>) offsets(%arg16 : memref<80xi32, #tpu.memory_space<vmem>>) semaphore(%arg23 : memref<!tpu.dma_semaphore, #tpu.memory_space<semaphore_mem>>)
      } else {
      }
      %dma_wait3A_427 = arith.constant 0 : i32
      %dma_wait3A_428 = arith.constant 0 : i32
      %dma_wait3A_429 = tpu.memref_slice %arg3[%dma_wait3A_427, %dma_wait3A_428] : memref<10000x128xf32, #tpu.memory_space<hbm>> -> memref<10000x128xf32, #tpu.memory_space<hbm>>
      tpu.wait_indirect_dma semaphore(%arg24 : memref<!tpu.dma_semaphore, #tpu.memory_space<semaphore_mem>>) src(%dma_wait3A_429 : memref<10000x128xf32, #tpu.memory_space<hbm>>) dst(%arg21 : memref<80x128xf32, #tpu.memory_space<vmem>>)
      %add3A_430 = arith.constant 3 : i32
      %add3A_431 = arith.addi %mul3A_393, %add3A_430 : i32
      %lt3A_432 = arith.constant 125 : i32
      %lt3A_433 = arith.cmpi slt, %add3A_431, %lt3A_432 : i32
      %convert_element_type3A_434 = arith.extui %lt3A_433 : i1 to i32
      %cond3A_435 = arith.constant 0 : i32
      %cond3A_436 = arith.cmpi ne, %convert_element_type3A_434, %cond3A_435 : i32
      scf.if %cond3A_436 {
        %add3A_455 = arith.constant 3 : i32
        %add3A_456 = arith.addi %mul3A_393, %add3A_455 : i32
        %mul3A_457 = arith.constant 80 : i32
        %mul3A_458 = arith.muli %add3A_456, %mul3A_457 : i32
        %add3A_459 = arith.addi %add3A, %mul3A_458 : i32
        %multiple_of3A_460 = tpu.assume_multiple %add3A_459, 8 : i32
        %dma_start3A_461 = tpu.memref_slice %arg7[%multiple_of3A_460] : memref<320000xi32, #tpu.memory_space<hbm>> -> memref<80xi32, #tpu.memory_space<hbm>>
        %dma_start3A_462 = tpu.memref_slice %arg7[%multiple_of3A_460] : memref<320000xi32, #tpu.memory_space<hbm>> -> memref<80xi32, #tpu.memory_space<hbm>>
        tpu.enqueue_dma source(%dma_start3A_462 : memref<80xi32, #tpu.memory_space<hbm>>) target(%arg17 : memref<80xi32, #tpu.memory_space<vmem>>) target_semaphore(%arg28 : memref<!tpu.dma_semaphore, #tpu.memory_space<semaphore_mem>>)
      } else {
      }
      %add3A_437 = arith.constant 0 : i32
      %add3A_438 = arith.addi %add3A, %add3A_437 : i32
      %multiple_of3A_439 = tpu.assume_multiple %add3A_438, 8 : i32
      %dma_wait3A_440 = tpu.memref_slice %arg8[%multiple_of3A_439] : memref<320000xi32, #tpu.memory_space<hbm>> -> memref<80xi32, #tpu.memory_space<hbm>>
      %dma_wait3A_441 = tpu.memref_slice %arg8[%multiple_of3A_439] : memref<320000xi32, #tpu.memory_space<hbm>> -> memref<80xi32, #tpu.memory_space<hbm>>
      tpu.wait_dma2 semaphore(%arg30 : memref<!tpu.dma_semaphore, #tpu.memory_space<semaphore_mem>>) src(%dma_wait3A_441 : memref<80xi32, #tpu.memory_space<hbm>>) dst(%arg19 : memref<80xi32, #tpu.memory_space<vmem>>)
      %dma_start3A_442 = arith.constant 0 : i32
      %dma_start3A_443 = arith.constant 0 : i32
      %dma_start3A_444 = tpu.memref_slice %arg15[%dma_start3A_442, %dma_start3A_443] : memref<10240x128xf32, #tpu.memory_space<vmem_shared>> -> memref<10240x128xf32, #tpu.memory_space<vmem_shared>>
      tpu.enqueue_indirect_dma source(%arg21 : memref<80x128xf32, #tpu.memory_space<vmem>>) target(%dma_start3A_444 : memref<10240x128xf32, #tpu.memory_space<vmem_shared>>) offsets(%arg19 : memref<80xi32, #tpu.memory_space<vmem>>) semaphore(%arg26 : memref<!tpu.dma_semaphore, #tpu.memory_space<semaphore_mem>>) {add = true}
      %dma_wait3A_445 = arith.constant 0 : i32
      %dma_wait3A_446 = arith.constant 0 : i32
      %dma_wait3A_447 = tpu.memref_slice %arg15[%dma_wait3A_445, %dma_wait3A_446] : memref<10240x128xf32, #tpu.memory_space<vmem_shared>> -> memref<10240x128xf32, #tpu.memory_space<vmem_shared>>
      tpu.wait_indirect_dma semaphore(%arg26 : memref<!tpu.dma_semaphore, #tpu.memory_space<semaphore_mem>>) src(%arg21 : memref<80x128xf32, #tpu.memory_space<vmem>>) dst(%dma_wait3A_447 : memref<10240x128xf32, #tpu.memory_space<vmem_shared>>)
      %add3A_448 = arith.constant 3 : i32
      %add3A_449 = arith.addi %mul3A_393, %add3A_448 : i32
      %lt3A_450 = arith.constant 125 : i32
      %lt3A_451 = arith.cmpi slt, %add3A_449, %lt3A_450 : i32
      %convert_element_type3A_452 = arith.extui %lt3A_451 : i1 to i32
      %cond3A_453 = arith.constant 0 : i32
      %cond3A_454 = arith.cmpi ne, %convert_element_type3A_452, %cond3A_453 : i32
      scf.if %cond3A_454 {
        %add3A_455 = arith.constant 3 : i32
        %add3A_456 = arith.addi %mul3A_393, %add3A_455 : i32
        %mul3A_457 = arith.constant 80 : i32
        %mul3A_458 = arith.muli %add3A_456, %mul3A_457 : i32
        %add3A_459 = arith.addi %add3A, %mul3A_458 : i32
        %multiple_of3A_460 = tpu.assume_multiple %add3A_459, 8 : i32
        %dma_start3A_461 = tpu.memref_slice %arg8[%multiple_of3A_460] : memref<320000xi32, #tpu.memory_space<hbm>> -> memref<80xi32, #tpu.memory_space<hbm>>
        %dma_start3A_462 = tpu.memref_slice %arg8[%multiple_of3A_460] : memref<320000xi32, #tpu.memory_space<hbm>> -> memref<80xi32, #tpu.memory_space<hbm>>
        tpu.enqueue_dma source(%dma_start3A_462 : memref<80xi32, #tpu.memory_space<hbm>>) target(%arg19 : memref<80xi32, #tpu.memory_space<vmem>>) target_semaphore(%arg30 : memref<!tpu.dma_semaphore, #tpu.memory_space<semaphore_mem>>)
      } else {
      }
    }
    %scan3A_203 = arith.constant 62 : i32
    %dma_wait3A_204 = arith.constant 0 : i32
    %dma_wait3A_205 = arith.constant 0 : i32
    %dma_wait3A_206 = tpu.memref_slice %arg3[%dma_wait3A_204, %dma_wait3A_205] : memref<10000x128xf32, #tpu.memory_space<hbm>> -> memref<10000x128xf32, #tpu.memory_space<hbm>>
    tpu.wait_indirect_dma semaphore(%arg23 : memref<!tpu.dma_semaphore, #tpu.memory_space<semaphore_mem>>) src(%dma_wait3A_206 : memref<10000x128xf32, #tpu.memory_space<hbm>>) dst(%arg20 : memref<80x128xf32, #tpu.memory_space<vmem>>)
    %add3A_207 = arith.constant 0 : i32
    %add3A_208 = arith.addi %add3A, %add3A_207 : i32
    %multiple_of3A_209 = tpu.assume_multiple %add3A_208, 8 : i32
    %dma_wait3A_210 = tpu.memref_slice %arg8[%multiple_of3A_209] : memref<320000xi32, #tpu.memory_space<hbm>> -> memref<80xi32, #tpu.memory_space<hbm>>
    %dma_wait3A_211 = tpu.memref_slice %arg8[%multiple_of3A_209] : memref<320000xi32, #tpu.memory_space<hbm>> -> memref<80xi32, #tpu.memory_space<hbm>>
    tpu.wait_dma2 semaphore(%arg29 : memref<!tpu.dma_semaphore, #tpu.memory_space<semaphore_mem>>) src(%dma_wait3A_211 : memref<80xi32, #tpu.memory_space<hbm>>) dst(%arg18 : memref<80xi32, #tpu.memory_space<vmem>>)
    %dma_start3A_212 = arith.constant 0 : i32
    %dma_start3A_213 = arith.constant 0 : i32
    %dma_start3A_214 = tpu.memref_slice %arg15[%dma_start3A_212, %dma_start3A_213] : memref<10240x128xf32, #tpu.memory_space<vmem_shared>> -> memref<10240x128xf32, #tpu.memory_space<vmem_shared>>
    tpu.enqueue_indirect_dma source(%arg20 : memref<80x128xf32, #tpu.memory_space<vmem>>) target(%dma_start3A_214 : memref<10240x128xf32, #tpu.memory_space<vmem_shared>>) offsets(%arg18 : memref<80xi32, #tpu.memory_space<vmem>>) semaphore(%arg25 : memref<!tpu.dma_semaphore, #tpu.memory_space<semaphore_mem>>) {add = true}
    %dma_wait3A_215 = arith.constant 0 : i32
    %dma_wait3A_216 = arith.constant 0 : i32
    %dma_wait3A_217 = tpu.memref_slice %arg15[%dma_wait3A_215, %dma_wait3A_216] : memref<10240x128xf32, #tpu.memory_space<vmem_shared>> -> memref<10240x128xf32, #tpu.memory_space<vmem_shared>>
    tpu.wait_indirect_dma semaphore(%arg25 : memref<!tpu.dma_semaphore, #tpu.memory_space<semaphore_mem>>) src(%arg20 : memref<80x128xf32, #tpu.memory_space<vmem>>) dst(%dma_wait3A_217 : memref<10240x128xf32, #tpu.memory_space<vmem_shared>>)
    %barrier3A_218 = arith.constant 0 : index
    tpu.barrier barrier_id(%barrier3A_218)
    %mul3A_219 = arith.constant 640 : i32
    %mul3A_220 = arith.muli %arg1, %mul3A_219 : i32
    %add3A_221 = arith.constant 0 : i32
    %add3A_222 = arith.addi %mul3A_220, %add3A_221 : i32
    "tpu.region"() ({
      %run_scoped3A = tpu.sem_alloc : memref<!tpu.dma_semaphore, #tpu.memory_space<semaphore_mem>>
      %dma_start3A_391 = arith.constant 0 : i32
      %dma_start3A_392 = tpu.memref_slice %arg15[%add3A_222, %dma_start3A_391] : memref<10240x128xf32, #tpu.memory_space<vmem_shared>> -> memref<64x128xf32, #tpu.memory_space<vmem_shared>>
      %dma_start3A_393 = arith.constant 0 : i32
      %dma_start3A_394 = tpu.memref_slice %arg15[%add3A_222, %dma_start3A_393] : memref<10240x128xf32, #tpu.memory_space<vmem_shared>> -> memref<64x128xf32, #tpu.memory_space<vmem_shared>>
      tpu.enqueue_dma source(%dma_start3A_394 : memref<64x128xf32, #tpu.memory_space<vmem_shared>>) target(%arg22 : memref<64x128xf32, #tpu.memory_space<vmem>>) target_semaphore(%run_scoped3A : memref<!tpu.dma_semaphore, #tpu.memory_space<semaphore_mem>>)
      %dma_wait3A_395 = arith.constant 0 : i32
      %dma_wait3A_396 = tpu.memref_slice %arg15[%add3A_222, %dma_wait3A_395] : memref<10240x128xf32, #tpu.memory_space<vmem_shared>> -> memref<64x128xf32, #tpu.memory_space<vmem_shared>>
      %dma_wait3A_397 = arith.constant 0 : i32
      %dma_wait3A_398 = tpu.memref_slice %arg15[%add3A_222, %dma_wait3A_397] : memref<10240x128xf32, #tpu.memory_space<vmem_shared>> -> memref<64x128xf32, #tpu.memory_space<vmem_shared>>
      tpu.wait_dma2 semaphore(%run_scoped3A : memref<!tpu.dma_semaphore, #tpu.memory_space<semaphore_mem>>) src(%dma_wait3A_398 : memref<64x128xf32, #tpu.memory_space<vmem_shared>>) dst(%arg22 : memref<64x128xf32, #tpu.memory_space<vmem>>)
      tpu.yield
    }) : () -> ()
    "tpu.region"() ({
      %run_scoped3A = tpu.sem_alloc : memref<!tpu.dma_semaphore, #tpu.memory_space<semaphore_mem>>
      %dma_start3A_391 = arith.constant 0 : i32
      %dma_start3A_392 = tpu.memref_slice %arg13[%arg0, %add3A_222, %dma_start3A_391] : memref<2x10240x128xf32, #tpu.memory_space<hbm>> -> memref<1x64x128xf32, #tpu.memory_space<hbm>>
      %dma_start3A_393 = tpu.memref_squeeze %dma_start3A_392 : memref<1x64x128xf32, #tpu.memory_space<hbm>> -> memref<64x128xf32, #tpu.memory_space<hbm>>
      %dma_start3A_394 = arith.constant 0 : i32
      %dma_start3A_395 = tpu.memref_slice %arg13[%arg0, %add3A_222, %dma_start3A_394] : memref<2x10240x128xf32, #tpu.memory_space<hbm>> -> memref<1x64x128xf32, #tpu.memory_space<hbm>>
      %dma_start3A_396 = tpu.memref_squeeze %dma_start3A_395 : memref<1x64x128xf32, #tpu.memory_space<hbm>> -> memref<64x128xf32, #tpu.memory_space<hbm>>
      tpu.enqueue_dma source(%arg22 : memref<64x128xf32, #tpu.memory_space<vmem>>) target(%dma_start3A_396 : memref<64x128xf32, #tpu.memory_space<hbm>>) target_semaphore(%run_scoped3A : memref<!tpu.dma_semaphore, #tpu.memory_space<semaphore_mem>>)
      %dma_wait3A_397 = arith.constant 0 : i32
      %dma_wait3A_398 = tpu.memref_slice %arg13[%arg0, %add3A_222, %dma_wait3A_397] : memref<2x10240x128xf32, #tpu.memory_space<hbm>> -> memref<1x64x128xf32, #tpu.memory_space<hbm>>
      %dma_wait3A_399 = tpu.memref_squeeze %dma_wait3A_398 : memref<1x64x128xf32, #tpu.memory_space<hbm>> -> memref<64x128xf32, #tpu.memory_space<hbm>>
      %dma_wait3A_400 = arith.constant 0 : i32
      %dma_wait3A_401 = tpu.memref_slice %arg13[%arg0, %add3A_222, %dma_wait3A_400] : memref<2x10240x128xf32, #tpu.memory_space<hbm>> -> memref<1x64x128xf32, #tpu.memory_space<hbm>>
      %dma_wait3A_402 = tpu.memref_squeeze %dma_wait3A_401 : memref<1x64x128xf32, #tpu.memory_space<hbm>> -> memref<64x128xf32, #tpu.memory_space<hbm>>
      tpu.wait_dma2 semaphore(%run_scoped3A : memref<!tpu.dma_semaphore, #tpu.memory_space<semaphore_mem>>) src(%arg22 : memref<64x128xf32, #tpu.memory_space<vmem>>) dst(%dma_wait3A_402 : memref<64x128xf32, #tpu.memory_space<hbm>>)
      tpu.yield
    }) : () -> ()
    %mul3A_223 = arith.constant 640 : i32
    %mul3A_224 = arith.muli %arg1, %mul3A_223 : i32
    %add3A_225 = arith.constant 64 : i32
    %add3A_226 = arith.addi %mul3A_224, %add3A_225 : i32
    "tpu.region"() ({
      %run_scoped3A = tpu.sem_alloc : memref<!tpu.dma_semaphore, #tpu.memory_space<semaphore_mem>>
      %dma_start3A_391 = arith.constant 0 : i32
      %dma_start3A_392 = tpu.memref_slice %arg15[%add3A_226, %dma_start3A_391] : memref<10240x128xf32, #tpu.memory_space<vmem_shared>> -> memref<64x128xf32, #tpu.memory_space<vmem_shared>>
      %dma_start3A_393 = arith.constant 0 : i32
      %dma_start3A_394 = tpu.memref_slice %arg15[%add3A_226, %dma_start3A_393] : memref<10240x128xf32, #tpu.memory_space<vmem_shared>> -> memref<64x128xf32, #tpu.memory_space<vmem_shared>>
      tpu.enqueue_dma source(%dma_start3A_394 : memref<64x128xf32, #tpu.memory_space<vmem_shared>>) target(%arg22 : memref<64x128xf32, #tpu.memory_space<vmem>>) target_semaphore(%run_scoped3A : memref<!tpu.dma_semaphore, #tpu.memory_space<semaphore_mem>>)
      %dma_wait3A_395 = arith.constant 0 : i32
      %dma_wait3A_396 = tpu.memref_slice %arg15[%add3A_226, %dma_wait3A_395] : memref<10240x128xf32, #tpu.memory_space<vmem_shared>> -> memref<64x128xf32, #tpu.memory_space<vmem_shared>>
      %dma_wait3A_397 = arith.constant 0 : i32
      %dma_wait3A_398 = tpu.memref_slice %arg15[%add3A_226, %dma_wait3A_397] : memref<10240x128xf32, #tpu.memory_space<vmem_shared>> -> memref<64x128xf32, #tpu.memory_space<vmem_shared>>
      tpu.wait_dma2 semaphore(%run_scoped3A : memref<!tpu.dma_semaphore, #tpu.memory_space<semaphore_mem>>) src(%dma_wait3A_398 : memref<64x128xf32, #tpu.memory_space<vmem_shared>>) dst(%arg22 : memref<64x128xf32, #tpu.memory_space<vmem>>)
      tpu.yield
    }) : () -> ()
    "tpu.region"() ({
      %run_scoped3A = tpu.sem_alloc : memref<!tpu.dma_semaphore, #tpu.memory_space<semaphore_mem>>
      %dma_start3A_391 = arith.constant 0 : i32
      %dma_start3A_392 = tpu.memref_slice %arg13[%arg0, %add3A_226, %dma_start3A_391] : memref<2x10240x128xf32, #tpu.memory_space<hbm>> -> memref<1x64x128xf32, #tpu.memory_space<hbm>>
      %dma_start3A_393 = tpu.memref_squeeze %dma_start3A_392 : memref<1x64x128xf32, #tpu.memory_space<hbm>> -> memref<64x128xf32, #tpu.memory_space<hbm>>
      %dma_start3A_394 = arith.constant 0 : i32
      %dma_start3A_395 = tpu.memref_slice %arg13[%arg0, %add3A_226, %dma_start3A_394] : memref<2x10240x128xf32, #tpu.memory_space<hbm>> -> memref<1x64x128xf32, #tpu.memory_space<hbm>>
      %dma_start3A_396 = tpu.memref_squeeze %dma_start3A_395 : memref<1x64x128xf32, #tpu.memory_space<hbm>> -> memref<64x128xf32, #tpu.memory_space<hbm>>
      tpu.enqueue_dma source(%arg22 : memref<64x128xf32, #tpu.memory_space<vmem>>) target(%dma_start3A_396 : memref<64x128xf32, #tpu.memory_space<hbm>>) target_semaphore(%run_scoped3A : memref<!tpu.dma_semaphore, #tpu.memory_space<semaphore_mem>>)
      %dma_wait3A_397 = arith.constant 0 : i32
      %dma_wait3A_398 = tpu.memref_slice %arg13[%arg0, %add3A_226, %dma_wait3A_397] : memref<2x10240x128xf32, #tpu.memory_space<hbm>> -> memref<1x64x128xf32, #tpu.memory_space<hbm>>
      %dma_wait3A_399 = tpu.memref_squeeze %dma_wait3A_398 : memref<1x64x128xf32, #tpu.memory_space<hbm>> -> memref<64x128xf32, #tpu.memory_space<hbm>>
      %dma_wait3A_400 = arith.constant 0 : i32
      %dma_wait3A_401 = tpu.memref_slice %arg13[%arg0, %add3A_226, %dma_wait3A_400] : memref<2x10240x128xf32, #tpu.memory_space<hbm>> -> memref<1x64x128xf32, #tpu.memory_space<hbm>>
      %dma_wait3A_402 = tpu.memref_squeeze %dma_wait3A_401 : memref<1x64x128xf32, #tpu.memory_space<hbm>> -> memref<64x128xf32, #tpu.memory_space<hbm>>
      tpu.wait_dma2 semaphore(%run_scoped3A : memref<!tpu.dma_semaphore, #tpu.memory_space<semaphore_mem>>) src(%arg22 : memref<64x128xf32, #tpu.memory_space<vmem>>) dst(%dma_wait3A_402 : memref<64x128xf32, #tpu.memory_space<hbm>>)
      tpu.yield
    }) : () -> ()
    %mul3A_227 = arith.constant 640 : i32
    %mul3A_228 = arith.muli %arg1, %mul3A_227 : i32
    %add3A_229 = arith.constant 128 : i32
    %add3A_230 = arith.addi %mul3A_228, %add3A_229 : i32
    "tpu.region"() ({
      %run_scoped3A = tpu.sem_alloc : memref<!tpu.dma_semaphore, #tpu.memory_space<semaphore_mem>>
      %dma_start3A_391 = arith.constant 0 : i32
      %dma_start3A_392 = tpu.memref_slice %arg15[%add3A_230, %dma_start3A_391] : memref<10240x128xf32, #tpu.memory_space<vmem_shared>> -> memref<64x128xf32, #tpu.memory_space<vmem_shared>>
      %dma_start3A_393 = arith.constant 0 : i32
      %dma_start3A_394 = tpu.memref_slice %arg15[%add3A_230, %dma_start3A_393] : memref<10240x128xf32, #tpu.memory_space<vmem_shared>> -> memref<64x128xf32, #tpu.memory_space<vmem_shared>>
      tpu.enqueue_dma source(%dma_start3A_394 : memref<64x128xf32, #tpu.memory_space<vmem_shared>>) target(%arg22 : memref<64x128xf32, #tpu.memory_space<vmem>>) target_semaphore(%run_scoped3A : memref<!tpu.dma_semaphore, #tpu.memory_space<semaphore_mem>>)
      %dma_wait3A_395 = arith.constant 0 : i32
      %dma_wait3A_396 = tpu.memref_slice %arg15[%add3A_230, %dma_wait3A_395] : memref<10240x128xf32, #tpu.memory_space<vmem_shared>> -> memref<64x128xf32, #tpu.memory_space<vmem_shared>>
      %dma_wait3A_397 = arith.constant 0 : i32
      %dma_wait3A_398 = tpu.memref_slice %arg15[%add3A_230, %dma_wait3A_397] : memref<10240x128xf32, #tpu.memory_space<vmem_shared>> -> memref<64x128xf32, #tpu.memory_space<vmem_shared>>
      tpu.wait_dma2 semaphore(%run_scoped3A : memref<!tpu.dma_semaphore, #tpu.memory_space<semaphore_mem>>) src(%dma_wait3A_398 : memref<64x128xf32, #tpu.memory_space<vmem_shared>>) dst(%arg22 : memref<64x128xf32, #tpu.memory_space<vmem>>)
      tpu.yield
    }) : () -> ()
    "tpu.region"() ({
      %run_scoped3A = tpu.sem_alloc : memref<!tpu.dma_semaphore, #tpu.memory_space<semaphore_mem>>
      %dma_start3A_391 = arith.constant 0 : i32
      %dma_start3A_392 = tpu.memref_slice %arg13[%arg0, %add3A_230, %dma_start3A_391] : memref<2x10240x128xf32, #tpu.memory_space<hbm>> -> memref<1x64x128xf32, #tpu.memory_space<hbm>>
      %dma_start3A_393 = tpu.memref_squeeze %dma_start3A_392 : memref<1x64x128xf32, #tpu.memory_space<hbm>> -> memref<64x128xf32, #tpu.memory_space<hbm>>
      %dma_start3A_394 = arith.constant 0 : i32
      %dma_start3A_395 = tpu.memref_slice %arg13[%arg0, %add3A_230, %dma_start3A_394] : memref<2x10240x128xf32, #tpu.memory_space<hbm>> -> memref<1x64x128xf32, #tpu.memory_space<hbm>>
      %dma_start3A_396 = tpu.memref_squeeze %dma_start3A_395 : memref<1x64x128xf32, #tpu.memory_space<hbm>> -> memref<64x128xf32, #tpu.memory_space<hbm>>
      tpu.enqueue_dma source(%arg22 : memref<64x128xf32, #tpu.memory_space<vmem>>) target(%dma_start3A_396 : memref<64x128xf32, #tpu.memory_space<hbm>>) target_semaphore(%run_scoped3A : memref<!tpu.dma_semaphore, #tpu.memory_space<semaphore_mem>>)
      %dma_wait3A_397 = arith.constant 0 : i32
      %dma_wait3A_398 = tpu.memref_slice %arg13[%arg0, %add3A_230, %dma_wait3A_397] : memref<2x10240x128xf32, #tpu.memory_space<hbm>> -> memref<1x64x128xf32, #tpu.memory_space<hbm>>
      %dma_wait3A_399 = tpu.memref_squeeze %dma_wait3A_398 : memref<1x64x128xf32, #tpu.memory_space<hbm>> -> memref<64x128xf32, #tpu.memory_space<hbm>>
      %dma_wait3A_400 = arith.constant 0 : i32
      %dma_wait3A_401 = tpu.memref_slice %arg13[%arg0, %add3A_230, %dma_wait3A_400] : memref<2x10240x128xf32, #tpu.memory_space<hbm>> -> memref<1x64x128xf32, #tpu.memory_space<hbm>>
      %dma_wait3A_402 = tpu.memref_squeeze %dma_wait3A_401 : memref<1x64x128xf32, #tpu.memory_space<hbm>> -> memref<64x128xf32, #tpu.memory_space<hbm>>
      tpu.wait_dma2 semaphore(%run_scoped3A : memref<!tpu.dma_semaphore, #tpu.memory_space<semaphore_mem>>) src(%arg22 : memref<64x128xf32, #tpu.memory_space<vmem>>) dst(%dma_wait3A_402 : memref<64x128xf32, #tpu.memory_space<hbm>>)
      tpu.yield
    }) : () -> ()
    %mul3A_231 = arith.constant 640 : i32
    %mul3A_232 = arith.muli %arg1, %mul3A_231 : i32
    %add3A_233 = arith.constant 192 : i32
    %add3A_234 = arith.addi %mul3A_232, %add3A_233 : i32
    "tpu.region"() ({
      %run_scoped3A = tpu.sem_alloc : memref<!tpu.dma_semaphore, #tpu.memory_space<semaphore_mem>>
      %dma_start3A_391 = arith.constant 0 : i32
      %dma_start3A_392 = tpu.memref_slice %arg15[%add3A_234, %dma_start3A_391] : memref<10240x128xf32, #tpu.memory_space<vmem_shared>> -> memref<64x128xf32, #tpu.memory_space<vmem_shared>>
      %dma_start3A_393 = arith.constant 0 : i32
      %dma_start3A_394 = tpu.memref_slice %arg15[%add3A_234, %dma_start3A_393] : memref<10240x128xf32, #tpu.memory_space<vmem_shared>> -> memref<64x128xf32, #tpu.memory_space<vmem_shared>>
      tpu.enqueue_dma source(%dma_start3A_394 : memref<64x128xf32, #tpu.memory_space<vmem_shared>>) target(%arg22 : memref<64x128xf32, #tpu.memory_space<vmem>>) target_semaphore(%run_scoped3A : memref<!tpu.dma_semaphore, #tpu.memory_space<semaphore_mem>>)
      %dma_wait3A_395 = arith.constant 0 : i32
      %dma_wait3A_396 = tpu.memref_slice %arg15[%add3A_234, %dma_wait3A_395] : memref<10240x128xf32, #tpu.memory_space<vmem_shared>> -> memref<64x128xf32, #tpu.memory_space<vmem_shared>>
      %dma_wait3A_397 = arith.constant 0 : i32
      %dma_wait3A_398 = tpu.memref_slice %arg15[%add3A_234, %dma_wait3A_397] : memref<10240x128xf32, #tpu.memory_space<vmem_shared>> -> memref<64x128xf32, #tpu.memory_space<vmem_shared>>
      tpu.wait_dma2 semaphore(%run_scoped3A : memref<!tpu.dma_semaphore, #tpu.memory_space<semaphore_mem>>) src(%dma_wait3A_398 : memref<64x128xf32, #tpu.memory_space<vmem_shared>>) dst(%arg22 : memref<64x128xf32, #tpu.memory_space<vmem>>)
      tpu.yield
    }) : () -> ()
    "tpu.region"() ({
      %run_scoped3A = tpu.sem_alloc : memref<!tpu.dma_semaphore, #tpu.memory_space<semaphore_mem>>
      %dma_start3A_391 = arith.constant 0 : i32
      %dma_start3A_392 = tpu.memref_slice %arg13[%arg0, %add3A_234, %dma_start3A_391] : memref<2x10240x128xf32, #tpu.memory_space<hbm>> -> memref<1x64x128xf32, #tpu.memory_space<hbm>>
      %dma_start3A_393 = tpu.memref_squeeze %dma_start3A_392 : memref<1x64x128xf32, #tpu.memory_space<hbm>> -> memref<64x128xf32, #tpu.memory_space<hbm>>
      %dma_start3A_394 = arith.constant 0 : i32
      %dma_start3A_395 = tpu.memref_slice %arg13[%arg0, %add3A_234, %dma_start3A_394] : memref<2x10240x128xf32, #tpu.memory_space<hbm>> -> memref<1x64x128xf32, #tpu.memory_space<hbm>>
      %dma_start3A_396 = tpu.memref_squeeze %dma_start3A_395 : memref<1x64x128xf32, #tpu.memory_space<hbm>> -> memref<64x128xf32, #tpu.memory_space<hbm>>
      tpu.enqueue_dma source(%arg22 : memref<64x128xf32, #tpu.memory_space<vmem>>) target(%dma_start3A_396 : memref<64x128xf32, #tpu.memory_space<hbm>>) target_semaphore(%run_scoped3A : memref<!tpu.dma_semaphore, #tpu.memory_space<semaphore_mem>>)
      %dma_wait3A_397 = arith.constant 0 : i32
      %dma_wait3A_398 = tpu.memref_slice %arg13[%arg0, %add3A_234, %dma_wait3A_397] : memref<2x10240x128xf32, #tpu.memory_space<hbm>> -> memref<1x64x128xf32, #tpu.memory_space<hbm>>
      %dma_wait3A_399 = tpu.memref_squeeze %dma_wait3A_398 : memref<1x64x128xf32, #tpu.memory_space<hbm>> -> memref<64x128xf32, #tpu.memory_space<hbm>>
      %dma_wait3A_400 = arith.constant 0 : i32
      %dma_wait3A_401 = tpu.memref_slice %arg13[%arg0, %add3A_234, %dma_wait3A_400] : memref<2x10240x128xf32, #tpu.memory_space<hbm>> -> memref<1x64x128xf32, #tpu.memory_space<hbm>>
      %dma_wait3A_402 = tpu.memref_squeeze %dma_wait3A_401 : memref<1x64x128xf32, #tpu.memory_space<hbm>> -> memref<64x128xf32, #tpu.memory_space<hbm>>
      tpu.wait_dma2 semaphore(%run_scoped3A : memref<!tpu.dma_semaphore, #tpu.memory_space<semaphore_mem>>) src(%arg22 : memref<64x128xf32, #tpu.memory_space<vmem>>) dst(%dma_wait3A_402 : memref<64x128xf32, #tpu.memory_space<hbm>>)
      tpu.yield
    }) : () -> ()
    %mul3A_235 = arith.constant 640 : i32
    %mul3A_236 = arith.muli %arg1, %mul3A_235 : i32
    %add3A_237 = arith.constant 256 : i32
    %add3A_238 = arith.addi %mul3A_236, %add3A_237 : i32
    "tpu.region"() ({
      %run_scoped3A = tpu.sem_alloc : memref<!tpu.dma_semaphore, #tpu.memory_space<semaphore_mem>>
      %dma_start3A_391 = arith.constant 0 : i32
      %dma_start3A_392 = tpu.memref_slice %arg15[%add3A_238, %dma_start3A_391] : memref<10240x128xf32, #tpu.memory_space<vmem_shared>> -> memref<64x128xf32, #tpu.memory_space<vmem_shared>>
      %dma_start3A_393 = arith.constant 0 : i32
      %dma_start3A_394 = tpu.memref_slice %arg15[%add3A_238, %dma_start3A_393] : memref<10240x128xf32, #tpu.memory_space<vmem_shared>> -> memref<64x128xf32, #tpu.memory_space<vmem_shared>>
      tpu.enqueue_dma source(%dma_start3A_394 : memref<64x128xf32, #tpu.memory_space<vmem_shared>>) target(%arg22 : memref<64x128xf32, #tpu.memory_space<vmem>>) target_semaphore(%run_scoped3A : memref<!tpu.dma_semaphore, #tpu.memory_space<semaphore_mem>>)
      %dma_wait3A_395 = arith.constant 0 : i32
      %dma_wait3A_396 = tpu.memref_slice %arg15[%add3A_238, %dma_wait3A_395] : memref<10240x128xf32, #tpu.memory_space<vmem_shared>> -> memref<64x128xf32, #tpu.memory_space<vmem_shared>>
      %dma_wait3A_397 = arith.constant 0 : i32
      %dma_wait3A_398 = tpu.memref_slice %arg15[%add3A_238, %dma_wait3A_397] : memref<10240x128xf32, #tpu.memory_space<vmem_shared>> -> memref<64x128xf32, #tpu.memory_space<vmem_shared>>
      tpu.wait_dma2 semaphore(%run_scoped3A : memref<!tpu.dma_semaphore, #tpu.memory_space<semaphore_mem>>) src(%dma_wait3A_398 : memref<64x128xf32, #tpu.memory_space<vmem_shared>>) dst(%arg22 : memref<64x128xf32, #tpu.memory_space<vmem>>)
      tpu.yield
    }) : () -> ()
    "tpu.region"() ({
      %run_scoped3A = tpu.sem_alloc : memref<!tpu.dma_semaphore, #tpu.memory_space<semaphore_mem>>
      %dma_start3A_391 = arith.constant 0 : i32
      %dma_start3A_392 = tpu.memref_slice %arg13[%arg0, %add3A_238, %dma_start3A_391] : memref<2x10240x128xf32, #tpu.memory_space<hbm>> -> memref<1x64x128xf32, #tpu.memory_space<hbm>>
      %dma_start3A_393 = tpu.memref_squeeze %dma_start3A_392 : memref<1x64x128xf32, #tpu.memory_space<hbm>> -> memref<64x128xf32, #tpu.memory_space<hbm>>
      %dma_start3A_394 = arith.constant 0 : i32
      %dma_start3A_395 = tpu.memref_slice %arg13[%arg0, %add3A_238, %dma_start3A_394] : memref<2x10240x128xf32, #tpu.memory_space<hbm>> -> memref<1x64x128xf32, #tpu.memory_space<hbm>>
      %dma_start3A_396 = tpu.memref_squeeze %dma_start3A_395 : memref<1x64x128xf32, #tpu.memory_space<hbm>> -> memref<64x128xf32, #tpu.memory_space<hbm>>
      tpu.enqueue_dma source(%arg22 : memref<64x128xf32, #tpu.memory_space<vmem>>) target(%dma_start3A_396 : memref<64x128xf32, #tpu.memory_space<hbm>>) target_semaphore(%run_scoped3A : memref<!tpu.dma_semaphore, #tpu.memory_space<semaphore_mem>>)
      %dma_wait3A_397 = arith.constant 0 : i32
      %dma_wait3A_398 = tpu.memref_slice %arg13[%arg0, %add3A_238, %dma_wait3A_397] : memref<2x10240x128xf32, #tpu.memory_space<hbm>> -> memref<1x64x128xf32, #tpu.memory_space<hbm>>
      %dma_wait3A_399 = tpu.memref_squeeze %dma_wait3A_398 : memref<1x64x128xf32, #tpu.memory_space<hbm>> -> memref<64x128xf32, #tpu.memory_space<hbm>>
      %dma_wait3A_400 = arith.constant 0 : i32
      %dma_wait3A_401 = tpu.memref_slice %arg13[%arg0, %add3A_238, %dma_wait3A_400] : memref<2x10240x128xf32, #tpu.memory_space<hbm>> -> memref<1x64x128xf32, #tpu.memory_space<hbm>>
      %dma_wait3A_402 = tpu.memref_squeeze %dma_wait3A_401 : memref<1x64x128xf32, #tpu.memory_space<hbm>> -> memref<64x128xf32, #tpu.memory_space<hbm>>
      tpu.wait_dma2 semaphore(%run_scoped3A : memref<!tpu.dma_semaphore, #tpu.memory_space<semaphore_mem>>) src(%arg22 : memref<64x128xf32, #tpu.memory_space<vmem>>) dst(%dma_wait3A_402 : memref<64x128xf32, #tpu.memory_space<hbm>>)
      tpu.yield
    }) : () -> ()
    %mul3A_239 = arith.constant 640 : i32
    %mul3A_240 = arith.muli %arg1, %mul3A_239 : i32
    %add3A_241 = arith.constant 320 : i32
    %add3A_242 = arith.addi %mul3A_240, %add3A_241 : i32
    "tpu.region"() ({
      %run_scoped3A = tpu.sem_alloc : memref<!tpu.dma_semaphore, #tpu.memory_space<semaphore_mem>>
      %dma_start3A_391 = arith.constant 0 : i32
      %dma_start3A_392 = tpu.memref_slice %arg15[%add3A_242, %dma_start3A_391] : memref<10240x128xf32, #tpu.memory_space<vmem_shared>> -> memref<64x128xf32, #tpu.memory_space<vmem_shared>>
      %dma_start3A_393 = arith.constant 0 : i32
      %dma_start3A_394 = tpu.memref_slice %arg15[%add3A_242, %dma_start3A_393] : memref<10240x128xf32, #tpu.memory_space<vmem_shared>> -> memref<64x128xf32, #tpu.memory_space<vmem_shared>>
      tpu.enqueue_dma source(%dma_start3A_394 : memref<64x128xf32, #tpu.memory_space<vmem_shared>>) target(%arg22 : memref<64x128xf32, #tpu.memory_space<vmem>>) target_semaphore(%run_scoped3A : memref<!tpu.dma_semaphore, #tpu.memory_space<semaphore_mem>>)
      %dma_wait3A_395 = arith.constant 0 : i32
      %dma_wait3A_396 = tpu.memref_slice %arg15[%add3A_242, %dma_wait3A_395] : memref<10240x128xf32, #tpu.memory_space<vmem_shared>> -> memref<64x128xf32, #tpu.memory_space<vmem_shared>>
      %dma_wait3A_397 = arith.constant 0 : i32
      %dma_wait3A_398 = tpu.memref_slice %arg15[%add3A_242, %dma_wait3A_397] : memref<10240x128xf32, #tpu.memory_space<vmem_shared>> -> memref<64x128xf32, #tpu.memory_space<vmem_shared>>
      tpu.wait_dma2 semaphore(%run_scoped3A : memref<!tpu.dma_semaphore, #tpu.memory_space<semaphore_mem>>) src(%dma_wait3A_398 : memref<64x128xf32, #tpu.memory_space<vmem_shared>>) dst(%arg22 : memref<64x128xf32, #tpu.memory_space<vmem>>)
      tpu.yield
    }) : () -> ()
    "tpu.region"() ({
      %run_scoped3A = tpu.sem_alloc : memref<!tpu.dma_semaphore, #tpu.memory_space<semaphore_mem>>
      %dma_start3A_391 = arith.constant 0 : i32
      %dma_start3A_392 = tpu.memref_slice %arg13[%arg0, %add3A_242, %dma_start3A_391] : memref<2x10240x128xf32, #tpu.memory_space<hbm>> -> memref<1x64x128xf32, #tpu.memory_space<hbm>>
      %dma_start3A_393 = tpu.memref_squeeze %dma_start3A_392 : memref<1x64x128xf32, #tpu.memory_space<hbm>> -> memref<64x128xf32, #tpu.memory_space<hbm>>
      %dma_start3A_394 = arith.constant 0 : i32
      %dma_start3A_395 = tpu.memref_slice %arg13[%arg0, %add3A_242, %dma_start3A_394] : memref<2x10240x128xf32, #tpu.memory_space<hbm>> -> memref<1x64x128xf32, #tpu.memory_space<hbm>>
      %dma_start3A_396 = tpu.memref_squeeze %dma_start3A_395 : memref<1x64x128xf32, #tpu.memory_space<hbm>> -> memref<64x128xf32, #tpu.memory_space<hbm>>
      tpu.enqueue_dma source(%arg22 : memref<64x128xf32, #tpu.memory_space<vmem>>) target(%dma_start3A_396 : memref<64x128xf32, #tpu.memory_space<hbm>>) target_semaphore(%run_scoped3A : memref<!tpu.dma_semaphore, #tpu.memory_space<semaphore_mem>>)
      %dma_wait3A_397 = arith.constant 0 : i32
      %dma_wait3A_398 = tpu.memref_slice %arg13[%arg0, %add3A_242, %dma_wait3A_397] : memref<2x10240x128xf32, #tpu.memory_space<hbm>> -> memref<1x64x128xf32, #tpu.memory_space<hbm>>
      %dma_wait3A_399 = tpu.memref_squeeze %dma_wait3A_398 : memref<1x64x128xf32, #tpu.memory_space<hbm>> -> memref<64x128xf32, #tpu.memory_space<hbm>>
      %dma_wait3A_400 = arith.constant 0 : i32
      %dma_wait3A_401 = tpu.memref_slice %arg13[%arg0, %add3A_242, %dma_wait3A_400] : memref<2x10240x128xf32, #tpu.memory_space<hbm>> -> memref<1x64x128xf32, #tpu.memory_space<hbm>>
      %dma_wait3A_402 = tpu.memref_squeeze %dma_wait3A_401 : memref<1x64x128xf32, #tpu.memory_space<hbm>> -> memref<64x128xf32, #tpu.memory_space<hbm>>
      tpu.wait_dma2 semaphore(%run_scoped3A : memref<!tpu.dma_semaphore, #tpu.memory_space<semaphore_mem>>) src(%arg22 : memref<64x128xf32, #tpu.memory_space<vmem>>) dst(%dma_wait3A_402 : memref<64x128xf32, #tpu.memory_space<hbm>>)
      tpu.yield
    }) : () -> ()
    %mul3A_243 = arith.constant 640 : i32
    %mul3A_244 = arith.muli %arg1, %mul3A_243 : i32
    %add3A_245 = arith.constant 384 : i32
    %add3A_246 = arith.addi %mul3A_244, %add3A_245 : i32
    "tpu.region"() ({
      %run_scoped3A = tpu.sem_alloc : memref<!tpu.dma_semaphore, #tpu.memory_space<semaphore_mem>>
      %dma_start3A_391 = arith.constant 0 : i32
      %dma_start3A_392 = tpu.memref_slice %arg15[%add3A_246, %dma_start3A_391] : memref<10240x128xf32, #tpu.memory_space<vmem_shared>> -> memref<64x128xf32, #tpu.memory_space<vmem_shared>>
      %dma_start3A_393 = arith.constant 0 : i32
      %dma_start3A_394 = tpu.memref_slice %arg15[%add3A_246, %dma_start3A_393] : memref<10240x128xf32, #tpu.memory_space<vmem_shared>> -> memref<64x128xf32, #tpu.memory_space<vmem_shared>>
      tpu.enqueue_dma source(%dma_start3A_394 : memref<64x128xf32, #tpu.memory_space<vmem_shared>>) target(%arg22 : memref<64x128xf32, #tpu.memory_space<vmem>>) target_semaphore(%run_scoped3A : memref<!tpu.dma_semaphore, #tpu.memory_space<semaphore_mem>>)
      %dma_wait3A_395 = arith.constant 0 : i32
      %dma_wait3A_396 = tpu.memref_slice %arg15[%add3A_246, %dma_wait3A_395] : memref<10240x128xf32, #tpu.memory_space<vmem_shared>> -> memref<64x128xf32, #tpu.memory_space<vmem_shared>>
      %dma_wait3A_397 = arith.constant 0 : i32
      %dma_wait3A_398 = tpu.memref_slice %arg15[%add3A_246, %dma_wait3A_397] : memref<10240x128xf32, #tpu.memory_space<vmem_shared>> -> memref<64x128xf32, #tpu.memory_space<vmem_shared>>
      tpu.wait_dma2 semaphore(%run_scoped3A : memref<!tpu.dma_semaphore, #tpu.memory_space<semaphore_mem>>) src(%dma_wait3A_398 : memref<64x128xf32, #tpu.memory_space<vmem_shared>>) dst(%arg22 : memref<64x128xf32, #tpu.memory_space<vmem>>)
      tpu.yield
    }) : () -> ()
    "tpu.region"() ({
      %run_scoped3A = tpu.sem_alloc : memref<!tpu.dma_semaphore, #tpu.memory_space<semaphore_mem>>
      %dma_start3A_391 = arith.constant 0 : i32
      %dma_start3A_392 = tpu.memref_slice %arg13[%arg0, %add3A_246, %dma_start3A_391] : memref<2x10240x128xf32, #tpu.memory_space<hbm>> -> memref<1x64x128xf32, #tpu.memory_space<hbm>>
      %dma_start3A_393 = tpu.memref_squeeze %dma_start3A_392 : memref<1x64x128xf32, #tpu.memory_space<hbm>> -> memref<64x128xf32, #tpu.memory_space<hbm>>
      %dma_start3A_394 = arith.constant 0 : i32
      %dma_start3A_395 = tpu.memref_slice %arg13[%arg0, %add3A_246, %dma_start3A_394] : memref<2x10240x128xf32, #tpu.memory_space<hbm>> -> memref<1x64x128xf32, #tpu.memory_space<hbm>>
      %dma_start3A_396 = tpu.memref_squeeze %dma_start3A_395 : memref<1x64x128xf32, #tpu.memory_space<hbm>> -> memref<64x128xf32, #tpu.memory_space<hbm>>
      tpu.enqueue_dma source(%arg22 : memref<64x128xf32, #tpu.memory_space<vmem>>) target(%dma_start3A_396 : memref<64x128xf32, #tpu.memory_space<hbm>>) target_semaphore(%run_scoped3A : memref<!tpu.dma_semaphore, #tpu.memory_space<semaphore_mem>>)
      %dma_wait3A_397 = arith.constant 0 : i32
      %dma_wait3A_398 = tpu.memref_slice %arg13[%arg0, %add3A_246, %dma_wait3A_397] : memref<2x10240x128xf32, #tpu.memory_space<hbm>> -> memref<1x64x128xf32, #tpu.memory_space<hbm>>
      %dma_wait3A_399 = tpu.memref_squeeze %dma_wait3A_398 : memref<1x64x128xf32, #tpu.memory_space<hbm>> -> memref<64x128xf32, #tpu.memory_space<hbm>>
      %dma_wait3A_400 = arith.constant 0 : i32
      %dma_wait3A_401 = tpu.memref_slice %arg13[%arg0, %add3A_246, %dma_wait3A_400] : memref<2x10240x128xf32, #tpu.memory_space<hbm>> -> memref<1x64x128xf32, #tpu.memory_space<hbm>>
      %dma_wait3A_402 = tpu.memref_squeeze %dma_wait3A_401 : memref<1x64x128xf32, #tpu.memory_space<hbm>> -> memref<64x128xf32, #tpu.memory_space<hbm>>
      tpu.wait_dma2 semaphore(%run_scoped3A : memref<!tpu.dma_semaphore, #tpu.memory_space<semaphore_mem>>) src(%arg22 : memref<64x128xf32, #tpu.memory_space<vmem>>) dst(%dma_wait3A_402 : memref<64x128xf32, #tpu.memory_space<hbm>>)
      tpu.yield
    }) : () -> ()
    %mul3A_247 = arith.constant 640 : i32
    %mul3A_248 = arith.muli %arg1, %mul3A_247 : i32
    %add3A_249 = arith.constant 448 : i32
    %add3A_250 = arith.addi %mul3A_248, %add3A_249 : i32
    "tpu.region"() ({
      %run_scoped3A = tpu.sem_alloc : memref<!tpu.dma_semaphore, #tpu.memory_space<semaphore_mem>>
      %dma_start3A_391 = arith.constant 0 : i32
      %dma_start3A_392 = tpu.memref_slice %arg15[%add3A_250, %dma_start3A_391] : memref<10240x128xf32, #tpu.memory_space<vmem_shared>> -> memref<64x128xf32, #tpu.memory_space<vmem_shared>>
      %dma_start3A_393 = arith.constant 0 : i32
      %dma_start3A_394 = tpu.memref_slice %arg15[%add3A_250, %dma_start3A_393] : memref<10240x128xf32, #tpu.memory_space<vmem_shared>> -> memref<64x128xf32, #tpu.memory_space<vmem_shared>>
      tpu.enqueue_dma source(%dma_start3A_394 : memref<64x128xf32, #tpu.memory_space<vmem_shared>>) target(%arg22 : memref<64x128xf32, #tpu.memory_space<vmem>>) target_semaphore(%run_scoped3A : memref<!tpu.dma_semaphore, #tpu.memory_space<semaphore_mem>>)
      %dma_wait3A_395 = arith.constant 0 : i32
      %dma_wait3A_396 = tpu.memref_slice %arg15[%add3A_250, %dma_wait3A_395] : memref<10240x128xf32, #tpu.memory_space<vmem_shared>> -> memref<64x128xf32, #tpu.memory_space<vmem_shared>>
      %dma_wait3A_397 = arith.constant 0 : i32
      %dma_wait3A_398 = tpu.memref_slice %arg15[%add3A_250, %dma_wait3A_397] : memref<10240x128xf32, #tpu.memory_space<vmem_shared>> -> memref<64x128xf32, #tpu.memory_space<vmem_shared>>
      tpu.wait_dma2 semaphore(%run_scoped3A : memref<!tpu.dma_semaphore, #tpu.memory_space<semaphore_mem>>) src(%dma_wait3A_398 : memref<64x128xf32, #tpu.memory_space<vmem_shared>>) dst(%arg22 : memref<64x128xf32, #tpu.memory_space<vmem>>)
      tpu.yield
    }) : () -> ()
    "tpu.region"() ({
      %run_scoped3A = tpu.sem_alloc : memref<!tpu.dma_semaphore, #tpu.memory_space<semaphore_mem>>
      %dma_start3A_391 = arith.constant 0 : i32
      %dma_start3A_392 = tpu.memref_slice %arg13[%arg0, %add3A_250, %dma_start3A_391] : memref<2x10240x128xf32, #tpu.memory_space<hbm>> -> memref<1x64x128xf32, #tpu.memory_space<hbm>>
      %dma_start3A_393 = tpu.memref_squeeze %dma_start3A_392 : memref<1x64x128xf32, #tpu.memory_space<hbm>> -> memref<64x128xf32, #tpu.memory_space<hbm>>
      %dma_start3A_394 = arith.constant 0 : i32
      %dma_start3A_395 = tpu.memref_slice %arg13[%arg0, %add3A_250, %dma_start3A_394] : memref<2x10240x128xf32, #tpu.memory_space<hbm>> -> memref<1x64x128xf32, #tpu.memory_space<hbm>>
      %dma_start3A_396 = tpu.memref_squeeze %dma_start3A_395 : memref<1x64x128xf32, #tpu.memory_space<hbm>> -> memref<64x128xf32, #tpu.memory_space<hbm>>
      tpu.enqueue_dma source(%arg22 : memref<64x128xf32, #tpu.memory_space<vmem>>) target(%dma_start3A_396 : memref<64x128xf32, #tpu.memory_space<hbm>>) target_semaphore(%run_scoped3A : memref<!tpu.dma_semaphore, #tpu.memory_space<semaphore_mem>>)
      %dma_wait3A_397 = arith.constant 0 : i32
      %dma_wait3A_398 = tpu.memref_slice %arg13[%arg0, %add3A_250, %dma_wait3A_397] : memref<2x10240x128xf32, #tpu.memory_space<hbm>> -> memref<1x64x128xf32, #tpu.memory_space<hbm>>
      %dma_wait3A_399 = tpu.memref_squeeze %dma_wait3A_398 : memref<1x64x128xf32, #tpu.memory_space<hbm>> -> memref<64x128xf32, #tpu.memory_space<hbm>>
      %dma_wait3A_400 = arith.constant 0 : i32
      %dma_wait3A_401 = tpu.memref_slice %arg13[%arg0, %add3A_250, %dma_wait3A_400] : memref<2x10240x128xf32, #tpu.memory_space<hbm>> -> memref<1x64x128xf32, #tpu.memory_space<hbm>>
      %dma_wait3A_402 = tpu.memref_squeeze %dma_wait3A_401 : memref<1x64x128xf32, #tpu.memory_space<hbm>> -> memref<64x128xf32, #tpu.memory_space<hbm>>
      tpu.wait_dma2 semaphore(%run_scoped3A : memref<!tpu.dma_semaphore, #tpu.memory_space<semaphore_mem>>) src(%arg22 : memref<64x128xf32, #tpu.memory_space<vmem>>) dst(%dma_wait3A_402 : memref<64x128xf32, #tpu.memory_space<hbm>>)
      tpu.yield
    }) : () -> ()
    %mul3A_251 = arith.constant 640 : i32
    %mul3A_252 = arith.muli %arg1, %mul3A_251 : i32
    %add3A_253 = arith.constant 512 : i32
    %add3A_254 = arith.addi %mul3A_252, %add3A_253 : i32
    "tpu.region"() ({
      %run_scoped3A = tpu.sem_alloc : memref<!tpu.dma_semaphore, #tpu.memory_space<semaphore_mem>>
      %dma_start3A_391 = arith.constant 0 : i32
      %dma_start3A_392 = tpu.memref_slice %arg15[%add3A_254, %dma_start3A_391] : memref<10240x128xf32, #tpu.memory_space<vmem_shared>> -> memref<64x128xf32, #tpu.memory_space<vmem_shared>>
      %dma_start3A_393 = arith.constant 0 : i32
      %dma_start3A_394 = tpu.memref_slice %arg15[%add3A_254, %dma_start3A_393] : memref<10240x128xf32, #tpu.memory_space<vmem_shared>> -> memref<64x128xf32, #tpu.memory_space<vmem_shared>>
      tpu.enqueue_dma source(%dma_start3A_394 : memref<64x128xf32, #tpu.memory_space<vmem_shared>>) target(%arg22 : memref<64x128xf32, #tpu.memory_space<vmem>>) target_semaphore(%run_scoped3A : memref<!tpu.dma_semaphore, #tpu.memory_space<semaphore_mem>>)
      %dma_wait3A_395 = arith.constant 0 : i32
      %dma_wait3A_396 = tpu.memref_slice %arg15[%add3A_254, %dma_wait3A_395] : memref<10240x128xf32, #tpu.memory_space<vmem_shared>> -> memref<64x128xf32, #tpu.memory_space<vmem_shared>>
      %dma_wait3A_397 = arith.constant 0 : i32
      %dma_wait3A_398 = tpu.memref_slice %arg15[%add3A_254, %dma_wait3A_397] : memref<10240x128xf32, #tpu.memory_space<vmem_shared>> -> memref<64x128xf32, #tpu.memory_space<vmem_shared>>
      tpu.wait_dma2 semaphore(%run_scoped3A : memref<!tpu.dma_semaphore, #tpu.memory_space<semaphore_mem>>) src(%dma_wait3A_398 : memref<64x128xf32, #tpu.memory_space<vmem_shared>>) dst(%arg22 : memref<64x128xf32, #tpu.memory_space<vmem>>)
      tpu.yield
    }) : () -> ()
    "tpu.region"() ({
      %run_scoped3A = tpu.sem_alloc : memref<!tpu.dma_semaphore, #tpu.memory_space<semaphore_mem>>
      %dma_start3A_391 = arith.constant 0 : i32
      %dma_start3A_392 = tpu.memref_slice %arg13[%arg0, %add3A_254, %dma_start3A_391] : memref<2x10240x128xf32, #tpu.memory_space<hbm>> -> memref<1x64x128xf32, #tpu.memory_space<hbm>>
      %dma_start3A_393 = tpu.memref_squeeze %dma_start3A_392 : memref<1x64x128xf32, #tpu.memory_space<hbm>> -> memref<64x128xf32, #tpu.memory_space<hbm>>
      %dma_start3A_394 = arith.constant 0 : i32
      %dma_start3A_395 = tpu.memref_slice %arg13[%arg0, %add3A_254, %dma_start3A_394] : memref<2x10240x128xf32, #tpu.memory_space<hbm>> -> memref<1x64x128xf32, #tpu.memory_space<hbm>>
      %dma_start3A_396 = tpu.memref_squeeze %dma_start3A_395 : memref<1x64x128xf32, #tpu.memory_space<hbm>> -> memref<64x128xf32, #tpu.memory_space<hbm>>
      tpu.enqueue_dma source(%arg22 : memref<64x128xf32, #tpu.memory_space<vmem>>) target(%dma_start3A_396 : memref<64x128xf32, #tpu.memory_space<hbm>>) target_semaphore(%run_scoped3A : memref<!tpu.dma_semaphore, #tpu.memory_space<semaphore_mem>>)
      %dma_wait3A_397 = arith.constant 0 : i32
      %dma_wait3A_398 = tpu.memref_slice %arg13[%arg0, %add3A_254, %dma_wait3A_397] : memref<2x10240x128xf32, #tpu.memory_space<hbm>> -> memref<1x64x128xf32, #tpu.memory_space<hbm>>
      %dma_wait3A_399 = tpu.memref_squeeze %dma_wait3A_398 : memref<1x64x128xf32, #tpu.memory_space<hbm>> -> memref<64x128xf32, #tpu.memory_space<hbm>>
      %dma_wait3A_400 = arith.constant 0 : i32
      %dma_wait3A_401 = tpu.memref_slice %arg13[%arg0, %add3A_254, %dma_wait3A_400] : memref<2x10240x128xf32, #tpu.memory_space<hbm>> -> memref<1x64x128xf32, #tpu.memory_space<hbm>>
      %dma_wait3A_402 = tpu.memref_squeeze %dma_wait3A_401 : memref<1x64x128xf32, #tpu.memory_space<hbm>> -> memref<64x128xf32, #tpu.memory_space<hbm>>
      tpu.wait_dma2 semaphore(%run_scoped3A : memref<!tpu.dma_semaphore, #tpu.memory_space<semaphore_mem>>) src(%arg22 : memref<64x128xf32, #tpu.memory_space<vmem>>) dst(%dma_wait3A_402 : memref<64x128xf32, #tpu.memory_space<hbm>>)
      tpu.yield
    }) : () -> ()
    %mul3A_255 = arith.constant 640 : i32
    %mul3A_256 = arith.muli %arg1, %mul3A_255 : i32
    %add3A_257 = arith.constant 576 : i32
    %add3A_258 = arith.addi %mul3A_256, %add3A_257 : i32
    "tpu.region"() ({
      %run_scoped3A = tpu.sem_alloc : memref<!tpu.dma_semaphore, #tpu.memory_space<semaphore_mem>>
      %dma_start3A_391 = arith.constant 0 : i32
      %dma_start3A_392 = tpu.memref_slice %arg15[%add3A_258, %dma_start3A_391] : memref<10240x128xf32, #tpu.memory_space<vmem_shared>> -> memref<64x128xf32, #tpu.memory_space<vmem_shared>>
      %dma_start3A_393 = arith.constant 0 : i32
      %dma_start3A_394 = tpu.memref_slice %arg15[%add3A_258, %dma_start3A_393] : memref<10240x128xf32, #tpu.memory_space<vmem_shared>> -> memref<64x128xf32, #tpu.memory_space<vmem_shared>>
      tpu.enqueue_dma source(%dma_start3A_394 : memref<64x128xf32, #tpu.memory_space<vmem_shared>>) target(%arg22 : memref<64x128xf32, #tpu.memory_space<vmem>>) target_semaphore(%run_scoped3A : memref<!tpu.dma_semaphore, #tpu.memory_space<semaphore_mem>>)
      %dma_wait3A_395 = arith.constant 0 : i32
      %dma_wait3A_396 = tpu.memref_slice %arg15[%add3A_258, %dma_wait3A_395] : memref<10240x128xf32, #tpu.memory_space<vmem_shared>> -> memref<64x128xf32, #tpu.memory_space<vmem_shared>>
      %dma_wait3A_397 = arith.constant 0 : i32
      %dma_wait3A_398 = tpu.memref_slice %arg15[%add3A_258, %dma_wait3A_397] : memref<10240x128xf32, #tpu.memory_space<vmem_shared>> -> memref<64x128xf32, #tpu.memory_space<vmem_shared>>
      tpu.wait_dma2 semaphore(%run_scoped3A : memref<!tpu.dma_semaphore, #tpu.memory_space<semaphore_mem>>) src(%dma_wait3A_398 : memref<64x128xf32, #tpu.memory_space<vmem_shared>>) dst(%arg22 : memref<64x128xf32, #tpu.memory_space<vmem>>)
      tpu.yield
    }) : () -> ()
    "tpu.region"() ({
      %run_scoped3A = tpu.sem_alloc : memref<!tpu.dma_semaphore, #tpu.memory_space<semaphore_mem>>
      %dma_start3A_391 = arith.constant 0 : i32
      %dma_start3A_392 = tpu.memref_slice %arg13[%arg0, %add3A_258, %dma_start3A_391] : memref<2x10240x128xf32, #tpu.memory_space<hbm>> -> memref<1x64x128xf32, #tpu.memory_space<hbm>>
      %dma_start3A_393 = tpu.memref_squeeze %dma_start3A_392 : memref<1x64x128xf32, #tpu.memory_space<hbm>> -> memref<64x128xf32, #tpu.memory_space<hbm>>
      %dma_start3A_394 = arith.constant 0 : i32
      %dma_start3A_395 = tpu.memref_slice %arg13[%arg0, %add3A_258, %dma_start3A_394] : memref<2x10240x128xf32, #tpu.memory_space<hbm>> -> memref<1x64x128xf32, #tpu.memory_space<hbm>>
      %dma_start3A_396 = tpu.memref_squeeze %dma_start3A_395 : memref<1x64x128xf32, #tpu.memory_space<hbm>> -> memref<64x128xf32, #tpu.memory_space<hbm>>
      tpu.enqueue_dma source(%arg22 : memref<64x128xf32, #tpu.memory_space<vmem>>) target(%dma_start3A_396 : memref<64x128xf32, #tpu.memory_space<hbm>>) target_semaphore(%run_scoped3A : memref<!tpu.dma_semaphore, #tpu.memory_space<semaphore_mem>>)
      %dma_wait3A_397 = arith.constant 0 : i32
      %dma_wait3A_398 = tpu.memref_slice %arg13[%arg0, %add3A_258, %dma_wait3A_397] : memref<2x10240x128xf32, #tpu.memory_space<hbm>> -> memref<1x64x128xf32, #tpu.memory_space<hbm>>
      %dma_wait3A_399 = tpu.memref_squeeze %dma_wait3A_398 : memref<1x64x128xf32, #tpu.memory_space<hbm>> -> memref<64x128xf32, #tpu.memory_space<hbm>>
      %dma_wait3A_400 = arith.constant 0 : i32
      %dma_wait3A_401 = tpu.memref_slice %arg13[%arg0, %add3A_258, %dma_wait3A_400] : memref<2x10240x128xf32, #tpu.memory_space<hbm>> -> memref<1x64x128xf32, #tpu.memory_space<hbm>>
      %dma_wait3A_402 = tpu.memref_squeeze %dma_wait3A_401 : memref<1x64x128xf32, #tpu.memory_space<hbm>> -> memref<64x128xf32, #tpu.memory_space<hbm>>
      tpu.wait_dma2 semaphore(%run_scoped3A : memref<!tpu.dma_semaphore, #tpu.memory_space<semaphore_mem>>) src(%arg22 : memref<64x128xf32, #tpu.memory_space<vmem>>) dst(%dma_wait3A_402 : memref<64x128xf32, #tpu.memory_space<hbm>>)
      tpu.yield
    }) : () -> ()
    %barrier3A_259 = arith.constant 0 : index
    tpu.barrier barrier_id(%barrier3A_259)
    "tpu.region"() ({
      %run_scoped3A = tpu.sem_alloc : memref<!tpu.dma_semaphore, #tpu.memory_space<semaphore_mem>>
      tpu.enqueue_dma source(%arg11 : memref<64x128xf32, #tpu.memory_space<hbm>>) target(%arg22 : memref<64x128xf32, #tpu.memory_space<vmem>>) target_semaphore(%run_scoped3A : memref<!tpu.dma_semaphore, #tpu.memory_space<semaphore_mem>>)
      tpu.wait_dma2 semaphore(%run_scoped3A : memref<!tpu.dma_semaphore, #tpu.memory_space<semaphore_mem>>) src(%arg11 : memref<64x128xf32, #tpu.memory_space<hbm>>) dst(%arg22 : memref<64x128xf32, #tpu.memory_space<vmem>>)
      tpu.yield
    }) : () -> ()
    %mul3A_260 = arith.constant 640 : i32
    %mul3A_261 = arith.muli %arg1, %mul3A_260 : i32
    %add3A_262 = arith.constant 0 : i32
    %add3A_263 = arith.addi %mul3A_261, %add3A_262 : i32
    "tpu.region"() ({
      %run_scoped3A = tpu.sem_alloc : memref<!tpu.dma_semaphore, #tpu.memory_space<semaphore_mem>>
      %dma_start3A_391 = arith.constant 0 : i32
      %dma_start3A_392 = tpu.memref_slice %arg15[%add3A_263, %dma_start3A_391] : memref<10240x128xf32, #tpu.memory_space<vmem_shared>> -> memref<64x128xf32, #tpu.memory_space<vmem_shared>>
      %dma_start3A_393 = arith.constant 0 : i32
      %dma_start3A_394 = tpu.memref_slice %arg15[%add3A_263, %dma_start3A_393] : memref<10240x128xf32, #tpu.memory_space<vmem_shared>> -> memref<64x128xf32, #tpu.memory_space<vmem_shared>>
      tpu.enqueue_dma source(%arg22 : memref<64x128xf32, #tpu.memory_space<vmem>>) target(%dma_start3A_394 : memref<64x128xf32, #tpu.memory_space<vmem_shared>>) target_semaphore(%run_scoped3A : memref<!tpu.dma_semaphore, #tpu.memory_space<semaphore_mem>>)
      %dma_wait3A_395 = arith.constant 0 : i32
      %dma_wait3A_396 = tpu.memref_slice %arg15[%add3A_263, %dma_wait3A_395] : memref<10240x128xf32, #tpu.memory_space<vmem_shared>> -> memref<64x128xf32, #tpu.memory_space<vmem_shared>>
      %dma_wait3A_397 = arith.constant 0 : i32
      %dma_wait3A_398 = tpu.memref_slice %arg15[%add3A_263, %dma_wait3A_397] : memref<10240x128xf32, #tpu.memory_space<vmem_shared>> -> memref<64x128xf32, #tpu.memory_space<vmem_shared>>
      tpu.wait_dma2 semaphore(%run_scoped3A : memref<!tpu.dma_semaphore, #tpu.memory_space<semaphore_mem>>) src(%arg22 : memref<64x128xf32, #tpu.memory_space<vmem>>) dst(%dma_wait3A_398 : memref<64x128xf32, #tpu.memory_space<vmem_shared>>)
      tpu.yield
    }) : () -> ()
    %mul3A_264 = arith.constant 640 : i32
    %mul3A_265 = arith.muli %arg1, %mul3A_264 : i32
    %add3A_266 = arith.constant 64 : i32
    %add3A_267 = arith.addi %mul3A_265, %add3A_266 : i32
    "tpu.region"() ({
      %run_scoped3A = tpu.sem_alloc : memref<!tpu.dma_semaphore, #tpu.memory_space<semaphore_mem>>
      %dma_start3A_391 = arith.constant 0 : i32
      %dma_start3A_392 = tpu.memref_slice %arg15[%add3A_267, %dma_start3A_391] : memref<10240x128xf32, #tpu.memory_space<vmem_shared>> -> memref<64x128xf32, #tpu.memory_space<vmem_shared>>
      %dma_start3A_393 = arith.constant 0 : i32
      %dma_start3A_394 = tpu.memref_slice %arg15[%add3A_267, %dma_start3A_393] : memref<10240x128xf32, #tpu.memory_space<vmem_shared>> -> memref<64x128xf32, #tpu.memory_space<vmem_shared>>
      tpu.enqueue_dma source(%arg22 : memref<64x128xf32, #tpu.memory_space<vmem>>) target(%dma_start3A_394 : memref<64x128xf32, #tpu.memory_space<vmem_shared>>) target_semaphore(%run_scoped3A : memref<!tpu.dma_semaphore, #tpu.memory_space<semaphore_mem>>)
      %dma_wait3A_395 = arith.constant 0 : i32
      %dma_wait3A_396 = tpu.memref_slice %arg15[%add3A_267, %dma_wait3A_395] : memref<10240x128xf32, #tpu.memory_space<vmem_shared>> -> memref<64x128xf32, #tpu.memory_space<vmem_shared>>
      %dma_wait3A_397 = arith.constant 0 : i32
      %dma_wait3A_398 = tpu.memref_slice %arg15[%add3A_267, %dma_wait3A_397] : memref<10240x128xf32, #tpu.memory_space<vmem_shared>> -> memref<64x128xf32, #tpu.memory_space<vmem_shared>>
      tpu.wait_dma2 semaphore(%run_scoped3A : memref<!tpu.dma_semaphore, #tpu.memory_space<semaphore_mem>>) src(%arg22 : memref<64x128xf32, #tpu.memory_space<vmem>>) dst(%dma_wait3A_398 : memref<64x128xf32, #tpu.memory_space<vmem_shared>>)
      tpu.yield
    }) : () -> ()
    %mul3A_268 = arith.constant 640 : i32
    %mul3A_269 = arith.muli %arg1, %mul3A_268 : i32
    %add3A_270 = arith.constant 128 : i32
    %add3A_271 = arith.addi %mul3A_269, %add3A_270 : i32
    "tpu.region"() ({
      %run_scoped3A = tpu.sem_alloc : memref<!tpu.dma_semaphore, #tpu.memory_space<semaphore_mem>>
      %dma_start3A_391 = arith.constant 0 : i32
      %dma_start3A_392 = tpu.memref_slice %arg15[%add3A_271, %dma_start3A_391] : memref<10240x128xf32, #tpu.memory_space<vmem_shared>> -> memref<64x128xf32, #tpu.memory_space<vmem_shared>>
      %dma_start3A_393 = arith.constant 0 : i32
      %dma_start3A_394 = tpu.memref_slice %arg15[%add3A_271, %dma_start3A_393] : memref<10240x128xf32, #tpu.memory_space<vmem_shared>> -> memref<64x128xf32, #tpu.memory_space<vmem_shared>>
      tpu.enqueue_dma source(%arg22 : memref<64x128xf32, #tpu.memory_space<vmem>>) target(%dma_start3A_394 : memref<64x128xf32, #tpu.memory_space<vmem_shared>>) target_semaphore(%run_scoped3A : memref<!tpu.dma_semaphore, #tpu.memory_space<semaphore_mem>>)
      %dma_wait3A_395 = arith.constant 0 : i32
      %dma_wait3A_396 = tpu.memref_slice %arg15[%add3A_271, %dma_wait3A_395] : memref<10240x128xf32, #tpu.memory_space<vmem_shared>> -> memref<64x128xf32, #tpu.memory_space<vmem_shared>>
      %dma_wait3A_397 = arith.constant 0 : i32
      %dma_wait3A_398 = tpu.memref_slice %arg15[%add3A_271, %dma_wait3A_397] : memref<10240x128xf32, #tpu.memory_space<vmem_shared>> -> memref<64x128xf32, #tpu.memory_space<vmem_shared>>
      tpu.wait_dma2 semaphore(%run_scoped3A : memref<!tpu.dma_semaphore, #tpu.memory_space<semaphore_mem>>) src(%arg22 : memref<64x128xf32, #tpu.memory_space<vmem>>) dst(%dma_wait3A_398 : memref<64x128xf32, #tpu.memory_space<vmem_shared>>)
      tpu.yield
    }) : () -> ()
    %mul3A_272 = arith.constant 640 : i32
    %mul3A_273 = arith.muli %arg1, %mul3A_272 : i32
    %add3A_274 = arith.constant 192 : i32
    %add3A_275 = arith.addi %mul3A_273, %add3A_274 : i32
    "tpu.region"() ({
      %run_scoped3A = tpu.sem_alloc : memref<!tpu.dma_semaphore, #tpu.memory_space<semaphore_mem>>
      %dma_start3A_391 = arith.constant 0 : i32
      %dma_start3A_392 = tpu.memref_slice %arg15[%add3A_275, %dma_start3A_391] : memref<10240x128xf32, #tpu.memory_space<vmem_shared>> -> memref<64x128xf32, #tpu.memory_space<vmem_shared>>
      %dma_start3A_393 = arith.constant 0 : i32
      %dma_start3A_394 = tpu.memref_slice %arg15[%add3A_275, %dma_start3A_393] : memref<10240x128xf32, #tpu.memory_space<vmem_shared>> -> memref<64x128xf32, #tpu.memory_space<vmem_shared>>
      tpu.enqueue_dma source(%arg22 : memref<64x128xf32, #tpu.memory_space<vmem>>) target(%dma_start3A_394 : memref<64x128xf32, #tpu.memory_space<vmem_shared>>) target_semaphore(%run_scoped3A : memref<!tpu.dma_semaphore, #tpu.memory_space<semaphore_mem>>)
      %dma_wait3A_395 = arith.constant 0 : i32
      %dma_wait3A_396 = tpu.memref_slice %arg15[%add3A_275, %dma_wait3A_395] : memref<10240x128xf32, #tpu.memory_space<vmem_shared>> -> memref<64x128xf32, #tpu.memory_space<vmem_shared>>
      %dma_wait3A_397 = arith.constant 0 : i32
      %dma_wait3A_398 = tpu.memref_slice %arg15[%add3A_275, %dma_wait3A_397] : memref<10240x128xf32, #tpu.memory_space<vmem_shared>> -> memref<64x128xf32, #tpu.memory_space<vmem_shared>>
      tpu.wait_dma2 semaphore(%run_scoped3A : memref<!tpu.dma_semaphore, #tpu.memory_space<semaphore_mem>>) src(%arg22 : memref<64x128xf32, #tpu.memory_space<vmem>>) dst(%dma_wait3A_398 : memref<64x128xf32, #tpu.memory_space<vmem_shared>>)
      tpu.yield
    }) : () -> ()
    %mul3A_276 = arith.constant 640 : i32
    %mul3A_277 = arith.muli %arg1, %mul3A_276 : i32
    %add3A_278 = arith.constant 256 : i32
    %add3A_279 = arith.addi %mul3A_277, %add3A_278 : i32
    "tpu.region"() ({
      %run_scoped3A = tpu.sem_alloc : memref<!tpu.dma_semaphore, #tpu.memory_space<semaphore_mem>>
      %dma_start3A_391 = arith.constant 0 : i32
      %dma_start3A_392 = tpu.memref_slice %arg15[%add3A_279, %dma_start3A_391] : memref<10240x128xf32, #tpu.memory_space<vmem_shared>> -> memref<64x128xf32, #tpu.memory_space<vmem_shared>>
      %dma_start3A_393 = arith.constant 0 : i32
      %dma_start3A_394 = tpu.memref_slice %arg15[%add3A_279, %dma_start3A_393] : memref<10240x128xf32, #tpu.memory_space<vmem_shared>> -> memref<64x128xf32, #tpu.memory_space<vmem_shared>>
      tpu.enqueue_dma source(%arg22 : memref<64x128xf32, #tpu.memory_space<vmem>>) target(%dma_start3A_394 : memref<64x128xf32, #tpu.memory_space<vmem_shared>>) target_semaphore(%run_scoped3A : memref<!tpu.dma_semaphore, #tpu.memory_space<semaphore_mem>>)
      %dma_wait3A_395 = arith.constant 0 : i32
      %dma_wait3A_396 = tpu.memref_slice %arg15[%add3A_279, %dma_wait3A_395] : memref<10240x128xf32, #tpu.memory_space<vmem_shared>> -> memref<64x128xf32, #tpu.memory_space<vmem_shared>>
      %dma_wait3A_397 = arith.constant 0 : i32
      %dma_wait3A_398 = tpu.memref_slice %arg15[%add3A_279, %dma_wait3A_397] : memref<10240x128xf32, #tpu.memory_space<vmem_shared>> -> memref<64x128xf32, #tpu.memory_space<vmem_shared>>
      tpu.wait_dma2 semaphore(%run_scoped3A : memref<!tpu.dma_semaphore, #tpu.memory_space<semaphore_mem>>) src(%arg22 : memref<64x128xf32, #tpu.memory_space<vmem>>) dst(%dma_wait3A_398 : memref<64x128xf32, #tpu.memory_space<vmem_shared>>)
      tpu.yield
    }) : () -> ()
    %mul3A_280 = arith.constant 640 : i32
    %mul3A_281 = arith.muli %arg1, %mul3A_280 : i32
    %add3A_282 = arith.constant 320 : i32
    %add3A_283 = arith.addi %mul3A_281, %add3A_282 : i32
    "tpu.region"() ({
      %run_scoped3A = tpu.sem_alloc : memref<!tpu.dma_semaphore, #tpu.memory_space<semaphore_mem>>
      %dma_start3A_391 = arith.constant 0 : i32
      %dma_start3A_392 = tpu.memref_slice %arg15[%add3A_283, %dma_start3A_391] : memref<10240x128xf32, #tpu.memory_space<vmem_shared>> -> memref<64x128xf32, #tpu.memory_space<vmem_shared>>
      %dma_start3A_393 = arith.constant 0 : i32
      %dma_start3A_394 = tpu.memref_slice %arg15[%add3A_283, %dma_start3A_393] : memref<10240x128xf32, #tpu.memory_space<vmem_shared>> -> memref<64x128xf32, #tpu.memory_space<vmem_shared>>
      tpu.enqueue_dma source(%arg22 : memref<64x128xf32, #tpu.memory_space<vmem>>) target(%dma_start3A_394 : memref<64x128xf32, #tpu.memory_space<vmem_shared>>) target_semaphore(%run_scoped3A : memref<!tpu.dma_semaphore, #tpu.memory_space<semaphore_mem>>)
      %dma_wait3A_395 = arith.constant 0 : i32
      %dma_wait3A_396 = tpu.memref_slice %arg15[%add3A_283, %dma_wait3A_395] : memref<10240x128xf32, #tpu.memory_space<vmem_shared>> -> memref<64x128xf32, #tpu.memory_space<vmem_shared>>
      %dma_wait3A_397 = arith.constant 0 : i32
      %dma_wait3A_398 = tpu.memref_slice %arg15[%add3A_283, %dma_wait3A_397] : memref<10240x128xf32, #tpu.memory_space<vmem_shared>> -> memref<64x128xf32, #tpu.memory_space<vmem_shared>>
      tpu.wait_dma2 semaphore(%run_scoped3A : memref<!tpu.dma_semaphore, #tpu.memory_space<semaphore_mem>>) src(%arg22 : memref<64x128xf32, #tpu.memory_space<vmem>>) dst(%dma_wait3A_398 : memref<64x128xf32, #tpu.memory_space<vmem_shared>>)
      tpu.yield
    }) : () -> ()
    %mul3A_284 = arith.constant 640 : i32
    %mul3A_285 = arith.muli %arg1, %mul3A_284 : i32
    %add3A_286 = arith.constant 384 : i32
    %add3A_287 = arith.addi %mul3A_285, %add3A_286 : i32
    "tpu.region"() ({
      %run_scoped3A = tpu.sem_alloc : memref<!tpu.dma_semaphore, #tpu.memory_space<semaphore_mem>>
      %dma_start3A_391 = arith.constant 0 : i32
      %dma_start3A_392 = tpu.memref_slice %arg15[%add3A_287, %dma_start3A_391] : memref<10240x128xf32, #tpu.memory_space<vmem_shared>> -> memref<64x128xf32, #tpu.memory_space<vmem_shared>>
      %dma_start3A_393 = arith.constant 0 : i32
      %dma_start3A_394 = tpu.memref_slice %arg15[%add3A_287, %dma_start3A_393] : memref<10240x128xf32, #tpu.memory_space<vmem_shared>> -> memref<64x128xf32, #tpu.memory_space<vmem_shared>>
      tpu.enqueue_dma source(%arg22 : memref<64x128xf32, #tpu.memory_space<vmem>>) target(%dma_start3A_394 : memref<64x128xf32, #tpu.memory_space<vmem_shared>>) target_semaphore(%run_scoped3A : memref<!tpu.dma_semaphore, #tpu.memory_space<semaphore_mem>>)
      %dma_wait3A_395 = arith.constant 0 : i32
      %dma_wait3A_396 = tpu.memref_slice %arg15[%add3A_287, %dma_wait3A_395] : memref<10240x128xf32, #tpu.memory_space<vmem_shared>> -> memref<64x128xf32, #tpu.memory_space<vmem_shared>>
      %dma_wait3A_397 = arith.constant 0 : i32
      %dma_wait3A_398 = tpu.memref_slice %arg15[%add3A_287, %dma_wait3A_397] : memref<10240x128xf32, #tpu.memory_space<vmem_shared>> -> memref<64x128xf32, #tpu.memory_space<vmem_shared>>
      tpu.wait_dma2 semaphore(%run_scoped3A : memref<!tpu.dma_semaphore, #tpu.memory_space<semaphore_mem>>) src(%arg22 : memref<64x128xf32, #tpu.memory_space<vmem>>) dst(%dma_wait3A_398 : memref<64x128xf32, #tpu.memory_space<vmem_shared>>)
      tpu.yield
    }) : () -> ()
    %mul3A_288 = arith.constant 640 : i32
    %mul3A_289 = arith.muli %arg1, %mul3A_288 : i32
    %add3A_290 = arith.constant 448 : i32
    %add3A_291 = arith.addi %mul3A_289, %add3A_290 : i32
    "tpu.region"() ({
      %run_scoped3A = tpu.sem_alloc : memref<!tpu.dma_semaphore, #tpu.memory_space<semaphore_mem>>
      %dma_start3A_391 = arith.constant 0 : i32
      %dma_start3A_392 = tpu.memref_slice %arg15[%add3A_291, %dma_start3A_391] : memref<10240x128xf32, #tpu.memory_space<vmem_shared>> -> memref<64x128xf32, #tpu.memory_space<vmem_shared>>
      %dma_start3A_393 = arith.constant 0 : i32
      %dma_start3A_394 = tpu.memref_slice %arg15[%add3A_291, %dma_start3A_393] : memref<10240x128xf32, #tpu.memory_space<vmem_shared>> -> memref<64x128xf32, #tpu.memory_space<vmem_shared>>
      tpu.enqueue_dma source(%arg22 : memref<64x128xf32, #tpu.memory_space<vmem>>) target(%dma_start3A_394 : memref<64x128xf32, #tpu.memory_space<vmem_shared>>) target_semaphore(%run_scoped3A : memref<!tpu.dma_semaphore, #tpu.memory_space<semaphore_mem>>)
      %dma_wait3A_395 = arith.constant 0 : i32
      %dma_wait3A_396 = tpu.memref_slice %arg15[%add3A_291, %dma_wait3A_395] : memref<10240x128xf32, #tpu.memory_space<vmem_shared>> -> memref<64x128xf32, #tpu.memory_space<vmem_shared>>
      %dma_wait3A_397 = arith.constant 0 : i32
      %dma_wait3A_398 = tpu.memref_slice %arg15[%add3A_291, %dma_wait3A_397] : memref<10240x128xf32, #tpu.memory_space<vmem_shared>> -> memref<64x128xf32, #tpu.memory_space<vmem_shared>>
      tpu.wait_dma2 semaphore(%run_scoped3A : memref<!tpu.dma_semaphore, #tpu.memory_space<semaphore_mem>>) src(%arg22 : memref<64x128xf32, #tpu.memory_space<vmem>>) dst(%dma_wait3A_398 : memref<64x128xf32, #tpu.memory_space<vmem_shared>>)
      tpu.yield
    }) : () -> ()
    %mul3A_292 = arith.constant 640 : i32
    %mul3A_293 = arith.muli %arg1, %mul3A_292 : i32
    %add3A_294 = arith.constant 512 : i32
    %add3A_295 = arith.addi %mul3A_293, %add3A_294 : i32
    "tpu.region"() ({
      %run_scoped3A = tpu.sem_alloc : memref<!tpu.dma_semaphore, #tpu.memory_space<semaphore_mem>>
      %dma_start3A_391 = arith.constant 0 : i32
      %dma_start3A_392 = tpu.memref_slice %arg15[%add3A_295, %dma_start3A_391] : memref<10240x128xf32, #tpu.memory_space<vmem_shared>> -> memref<64x128xf32, #tpu.memory_space<vmem_shared>>
      %dma_start3A_393 = arith.constant 0 : i32
      %dma_start3A_394 = tpu.memref_slice %arg15[%add3A_295, %dma_start3A_393] : memref<10240x128xf32, #tpu.memory_space<vmem_shared>> -> memref<64x128xf32, #tpu.memory_space<vmem_shared>>
      tpu.enqueue_dma source(%arg22 : memref<64x128xf32, #tpu.memory_space<vmem>>) target(%dma_start3A_394 : memref<64x128xf32, #tpu.memory_space<vmem_shared>>) target_semaphore(%run_scoped3A : memref<!tpu.dma_semaphore, #tpu.memory_space<semaphore_mem>>)
      %dma_wait3A_395 = arith.constant 0 : i32
      %dma_wait3A_396 = tpu.memref_slice %arg15[%add3A_295, %dma_wait3A_395] : memref<10240x128xf32, #tpu.memory_space<vmem_shared>> -> memref<64x128xf32, #tpu.memory_space<vmem_shared>>
      %dma_wait3A_397 = arith.constant 0 : i32
      %dma_wait3A_398 = tpu.memref_slice %arg15[%add3A_295, %dma_wait3A_397] : memref<10240x128xf32, #tpu.memory_space<vmem_shared>> -> memref<64x128xf32, #tpu.memory_space<vmem_shared>>
      tpu.wait_dma2 semaphore(%run_scoped3A : memref<!tpu.dma_semaphore, #tpu.memory_space<semaphore_mem>>) src(%arg22 : memref<64x128xf32, #tpu.memory_space<vmem>>) dst(%dma_wait3A_398 : memref<64x128xf32, #tpu.memory_space<vmem_shared>>)
      tpu.yield
    }) : () -> ()
    %mul3A_296 = arith.constant 640 : i32
    %mul3A_297 = arith.muli %arg1, %mul3A_296 : i32
    %add3A_298 = arith.constant 576 : i32
    %add3A_299 = arith.addi %mul3A_297, %add3A_298 : i32
    "tpu.region"() ({
      %run_scoped3A = tpu.sem_alloc : memref<!tpu.dma_semaphore, #tpu.memory_space<semaphore_mem>>
      %dma_start3A_391 = arith.constant 0 : i32
      %dma_start3A_392 = tpu.memref_slice %arg15[%add3A_299, %dma_start3A_391] : memref<10240x128xf32, #tpu.memory_space<vmem_shared>> -> memref<64x128xf32, #tpu.memory_space<vmem_shared>>
      %dma_start3A_393 = arith.constant 0 : i32
      %dma_start3A_394 = tpu.memref_slice %arg15[%add3A_299, %dma_start3A_393] : memref<10240x128xf32, #tpu.memory_space<vmem_shared>> -> memref<64x128xf32, #tpu.memory_space<vmem_shared>>
      tpu.enqueue_dma source(%arg22 : memref<64x128xf32, #tpu.memory_space<vmem>>) target(%dma_start3A_394 : memref<64x128xf32, #tpu.memory_space<vmem_shared>>) target_semaphore(%run_scoped3A : memref<!tpu.dma_semaphore, #tpu.memory_space<semaphore_mem>>)
      %dma_wait3A_395 = arith.constant 0 : i32
      %dma_wait3A_396 = tpu.memref_slice %arg15[%add3A_299, %dma_wait3A_395] : memref<10240x128xf32, #tpu.memory_space<vmem_shared>> -> memref<64x128xf32, #tpu.memory_space<vmem_shared>>
      %dma_wait3A_397 = arith.constant 0 : i32
      %dma_wait3A_398 = tpu.memref_slice %arg15[%add3A_299, %dma_wait3A_397] : memref<10240x128xf32, #tpu.memory_space<vmem_shared>> -> memref<64x128xf32, #tpu.memory_space<vmem_shared>>
      tpu.wait_dma2 semaphore(%run_scoped3A : memref<!tpu.dma_semaphore, #tpu.memory_space<semaphore_mem>>) src(%arg22 : memref<64x128xf32, #tpu.memory_space<vmem>>) dst(%dma_wait3A_398 : memref<64x128xf32, #tpu.memory_space<vmem_shared>>)
      tpu.yield
    }) : () -> ()
    %add3A_300 = arith.constant 0 : i32
    %add3A_301 = arith.addi %add3A, %add3A_300 : i32
    %multiple_of3A_302 = tpu.assume_multiple %add3A_301, 8 : i32
    %dma_start3A_303 = tpu.memref_slice %arg9[%multiple_of3A_302] : memref<320000xi32, #tpu.memory_space<hbm>> -> memref<80xi32, #tpu.memory_space<hbm>>
    %dma_start3A_304 = tpu.memref_slice %arg9[%multiple_of3A_302] : memref<320000xi32, #tpu.memory_space<hbm>> -> memref<80xi32, #tpu.memory_space<hbm>>
    tpu.enqueue_dma source(%dma_start3A_304 : memref<80xi32, #tpu.memory_space<hbm>>) target(%arg16 : memref<80xi32, #tpu.memory_space<vmem>>) target_semaphore(%arg27 : memref<!tpu.dma_semaphore, #tpu.memory_space<semaphore_mem>>)
    %add3A_305 = arith.constant 0 : i32
    %add3A_306 = arith.addi %add3A, %add3A_305 : i32
    %multiple_of3A_307 = tpu.assume_multiple %add3A_306, 8 : i32
    %dma_start3A_308 = tpu.memref_slice %arg10[%multiple_of3A_307] : memref<320000xi32, #tpu.memory_space<hbm>> -> memref<80xi32, #tpu.memory_space<hbm>>
    %dma_start3A_309 = tpu.memref_slice %arg10[%multiple_of3A_307] : memref<320000xi32, #tpu.memory_space<hbm>> -> memref<80xi32, #tpu.memory_space<hbm>>
    tpu.enqueue_dma source(%dma_start3A_309 : memref<80xi32, #tpu.memory_space<hbm>>) target(%arg18 : memref<80xi32, #tpu.memory_space<vmem>>) target_semaphore(%arg29 : memref<!tpu.dma_semaphore, #tpu.memory_space<semaphore_mem>>)
    %add3A_310 = arith.constant 80 : i32
    %add3A_311 = arith.addi %add3A, %add3A_310 : i32
    %multiple_of3A_312 = tpu.assume_multiple %add3A_311, 8 : i32
    %dma_start3A_313 = tpu.memref_slice %arg9[%multiple_of3A_312] : memref<320000xi32, #tpu.memory_space<hbm>> -> memref<80xi32, #tpu.memory_space<hbm>>
    %dma_start3A_314 = tpu.memref_slice %arg9[%multiple_of3A_312] : memref<320000xi32, #tpu.memory_space<hbm>> -> memref<80xi32, #tpu.memory_space<hbm>>
    tpu.enqueue_dma source(%dma_start3A_314 : memref<80xi32, #tpu.memory_space<hbm>>) target(%arg17 : memref<80xi32, #tpu.memory_space<vmem>>) target_semaphore(%arg28 : memref<!tpu.dma_semaphore, #tpu.memory_space<semaphore_mem>>)
    %add3A_315 = arith.constant 80 : i32
    %add3A_316 = arith.addi %add3A, %add3A_315 : i32
    %multiple_of3A_317 = tpu.assume_multiple %add3A_316, 8 : i32
    %dma_start3A_318 = tpu.memref_slice %arg10[%multiple_of3A_317] : memref<320000xi32, #tpu.memory_space<hbm>> -> memref<80xi32, #tpu.memory_space<hbm>>
    %dma_start3A_319 = tpu.memref_slice %arg10[%multiple_of3A_317] : memref<320000xi32, #tpu.memory_space<hbm>> -> memref<80xi32, #tpu.memory_space<hbm>>
    tpu.enqueue_dma source(%dma_start3A_319 : memref<80xi32, #tpu.memory_space<hbm>>) target(%arg19 : memref<80xi32, #tpu.memory_space<vmem>>) target_semaphore(%arg30 : memref<!tpu.dma_semaphore, #tpu.memory_space<semaphore_mem>>)
    %barrier3A_320 = arith.constant 0 : index
    tpu.barrier barrier_id(%barrier3A_320)
    %add3A_321 = arith.constant 0 : i32
    %add3A_322 = arith.addi %add3A, %add3A_321 : i32
    %multiple_of3A_323 = tpu.assume_multiple %add3A_322, 8 : i32
    %dma_wait3A_324 = tpu.memref_slice %arg9[%multiple_of3A_323] : memref<320000xi32, #tpu.memory_space<hbm>> -> memref<80xi32, #tpu.memory_space<hbm>>
    %dma_wait3A_325 = tpu.memref_slice %arg9[%multiple_of3A_323] : memref<320000xi32, #tpu.memory_space<hbm>> -> memref<80xi32, #tpu.memory_space<hbm>>
    tpu.wait_dma2 semaphore(%arg27 : memref<!tpu.dma_semaphore, #tpu.memory_space<semaphore_mem>>) src(%dma_wait3A_325 : memref<80xi32, #tpu.memory_space<hbm>>) dst(%arg16 : memref<80xi32, #tpu.memory_space<vmem>>)
    %dma_start3A_326 = arith.constant 0 : i32
    %dma_start3A_327 = arith.constant 0 : i32
    %dma_start3A_328 = tpu.memref_slice %arg4[%dma_start3A_326, %dma_start3A_327] : memref<10000x128xf32, #tpu.memory_space<hbm>> -> memref<10000x128xf32, #tpu.memory_space<hbm>>
    tpu.enqueue_indirect_dma source(%dma_start3A_328 : memref<10000x128xf32, #tpu.memory_space<hbm>>) target(%arg20 : memref<80x128xf32, #tpu.memory_space<vmem>>) offsets(%arg16 : memref<80xi32, #tpu.memory_space<vmem>>) semaphore(%arg23 : memref<!tpu.dma_semaphore, #tpu.memory_space<semaphore_mem>>)
    %scan3A_329 = arith.constant 0 : i32
    %scan3A_330 = arith.constant 0 : i32
    %scan3A_331 = arith.constant 62 : i32
    %scan3A_332 = arith.addi %scan3A_330, %scan3A_331 : i32
    %scan3A_333 = arith.constant 1 : i32
    scf.for %scan3A_391 = %scan3A_330 to %scan3A_332 step %scan3A_333  : i32 {
      %mul3A_392 = arith.constant 2 : i32
      %mul3A_393 = arith.muli %mul3A_392, %scan3A_391 : i32
      %add3A_394 = arith.constant 0 : i32
      %add3A_395 = arith.addi %add3A, %add3A_394 : i32
      %multiple_of3A_396 = tpu.assume_multiple %add3A_395, 8 : i32
      %dma_wait3A_397 = tpu.memref_slice %arg9[%multiple_of3A_396] : memref<320000xi32, #tpu.memory_space<hbm>> -> memref<80xi32, #tpu.memory_space<hbm>>
      %dma_wait3A_398 = tpu.memref_slice %arg9[%multiple_of3A_396] : memref<320000xi32, #tpu.memory_space<hbm>> -> memref<80xi32, #tpu.memory_space<hbm>>
      tpu.wait_dma2 semaphore(%arg28 : memref<!tpu.dma_semaphore, #tpu.memory_space<semaphore_mem>>) src(%dma_wait3A_398 : memref<80xi32, #tpu.memory_space<hbm>>) dst(%arg17 : memref<80xi32, #tpu.memory_space<vmem>>)
      %dma_start3A_399 = arith.constant 0 : i32
      %dma_start3A_400 = arith.constant 0 : i32
      %dma_start3A_401 = tpu.memref_slice %arg4[%dma_start3A_399, %dma_start3A_400] : memref<10000x128xf32, #tpu.memory_space<hbm>> -> memref<10000x128xf32, #tpu.memory_space<hbm>>
      tpu.enqueue_indirect_dma source(%dma_start3A_401 : memref<10000x128xf32, #tpu.memory_space<hbm>>) target(%arg21 : memref<80x128xf32, #tpu.memory_space<vmem>>) offsets(%arg17 : memref<80xi32, #tpu.memory_space<vmem>>) semaphore(%arg24 : memref<!tpu.dma_semaphore, #tpu.memory_space<semaphore_mem>>)
      %dma_wait3A_402 = arith.constant 0 : i32
      %dma_wait3A_403 = arith.constant 0 : i32
      %dma_wait3A_404 = tpu.memref_slice %arg4[%dma_wait3A_402, %dma_wait3A_403] : memref<10000x128xf32, #tpu.memory_space<hbm>> -> memref<10000x128xf32, #tpu.memory_space<hbm>>
      tpu.wait_indirect_dma semaphore(%arg23 : memref<!tpu.dma_semaphore, #tpu.memory_space<semaphore_mem>>) src(%dma_wait3A_404 : memref<10000x128xf32, #tpu.memory_space<hbm>>) dst(%arg20 : memref<80x128xf32, #tpu.memory_space<vmem>>)
      %add3A_405 = arith.constant 2 : i32
      %add3A_406 = arith.addi %mul3A_393, %add3A_405 : i32
      %lt3A = arith.constant 125 : i32
      %lt3A_407 = arith.cmpi slt, %add3A_406, %lt3A : i32
      %convert_element_type3A = arith.extui %lt3A_407 : i1 to i32
      %cond3A = arith.constant 0 : i32
      %cond3A_408 = arith.cmpi ne, %convert_element_type3A, %cond3A : i32
      scf.if %cond3A_408 {
        %add3A_455 = arith.constant 2 : i32
        %add3A_456 = arith.addi %mul3A_393, %add3A_455 : i32
        %mul3A_457 = arith.constant 80 : i32
        %mul3A_458 = arith.muli %add3A_456, %mul3A_457 : i32
        %add3A_459 = arith.addi %add3A, %mul3A_458 : i32
        %multiple_of3A_460 = tpu.assume_multiple %add3A_459, 8 : i32
        %dma_start3A_461 = tpu.memref_slice %arg9[%multiple_of3A_460] : memref<320000xi32, #tpu.memory_space<hbm>> -> memref<80xi32, #tpu.memory_space<hbm>>
        %dma_start3A_462 = tpu.memref_slice %arg9[%multiple_of3A_460] : memref<320000xi32, #tpu.memory_space<hbm>> -> memref<80xi32, #tpu.memory_space<hbm>>
        tpu.enqueue_dma source(%dma_start3A_462 : memref<80xi32, #tpu.memory_space<hbm>>) target(%arg16 : memref<80xi32, #tpu.memory_space<vmem>>) target_semaphore(%arg27 : memref<!tpu.dma_semaphore, #tpu.memory_space<semaphore_mem>>)
      } else {
      }
      %add3A_409 = arith.constant 0 : i32
      %add3A_410 = arith.addi %add3A, %add3A_409 : i32
      %multiple_of3A_411 = tpu.assume_multiple %add3A_410, 8 : i32
      %dma_wait3A_412 = tpu.memref_slice %arg10[%multiple_of3A_411] : memref<320000xi32, #tpu.memory_space<hbm>> -> memref<80xi32, #tpu.memory_space<hbm>>
      %dma_wait3A_413 = tpu.memref_slice %arg10[%multiple_of3A_411] : memref<320000xi32, #tpu.memory_space<hbm>> -> memref<80xi32, #tpu.memory_space<hbm>>
      tpu.wait_dma2 semaphore(%arg29 : memref<!tpu.dma_semaphore, #tpu.memory_space<semaphore_mem>>) src(%dma_wait3A_413 : memref<80xi32, #tpu.memory_space<hbm>>) dst(%arg18 : memref<80xi32, #tpu.memory_space<vmem>>)
      %dma_start3A_414 = arith.constant 0 : i32
      %dma_start3A_415 = arith.constant 0 : i32
      %dma_start3A_416 = tpu.memref_slice %arg15[%dma_start3A_414, %dma_start3A_415] : memref<10240x128xf32, #tpu.memory_space<vmem_shared>> -> memref<10240x128xf32, #tpu.memory_space<vmem_shared>>
      tpu.enqueue_indirect_dma source(%arg20 : memref<80x128xf32, #tpu.memory_space<vmem>>) target(%dma_start3A_416 : memref<10240x128xf32, #tpu.memory_space<vmem_shared>>) offsets(%arg18 : memref<80xi32, #tpu.memory_space<vmem>>) semaphore(%arg25 : memref<!tpu.dma_semaphore, #tpu.memory_space<semaphore_mem>>) {add = true}
      %dma_wait3A_417 = arith.constant 0 : i32
      %dma_wait3A_418 = arith.constant 0 : i32
      %dma_wait3A_419 = tpu.memref_slice %arg15[%dma_wait3A_417, %dma_wait3A_418] : memref<10240x128xf32, #tpu.memory_space<vmem_shared>> -> memref<10240x128xf32, #tpu.memory_space<vmem_shared>>
      tpu.wait_indirect_dma semaphore(%arg25 : memref<!tpu.dma_semaphore, #tpu.memory_space<semaphore_mem>>) src(%arg20 : memref<80x128xf32, #tpu.memory_space<vmem>>) dst(%dma_wait3A_419 : memref<10240x128xf32, #tpu.memory_space<vmem_shared>>)
      %add3A_420 = arith.constant 2 : i32
      %add3A_421 = arith.addi %mul3A_393, %add3A_420 : i32
      %lt3A_422 = arith.constant 125 : i32
      %lt3A_423 = arith.cmpi slt, %add3A_421, %lt3A_422 : i32
      %convert_element_type3A_424 = arith.extui %lt3A_423 : i1 to i32
      %cond3A_425 = arith.constant 0 : i32
      %cond3A_426 = arith.cmpi ne, %convert_element_type3A_424, %cond3A_425 : i32
      scf.if %cond3A_426 {
        %add3A_455 = arith.constant 2 : i32
        %add3A_456 = arith.addi %mul3A_393, %add3A_455 : i32
        %mul3A_457 = arith.constant 80 : i32
        %mul3A_458 = arith.muli %add3A_456, %mul3A_457 : i32
        %add3A_459 = arith.addi %add3A, %mul3A_458 : i32
        %multiple_of3A_460 = tpu.assume_multiple %add3A_459, 8 : i32
        %dma_start3A_461 = tpu.memref_slice %arg10[%multiple_of3A_460] : memref<320000xi32, #tpu.memory_space<hbm>> -> memref<80xi32, #tpu.memory_space<hbm>>
        %dma_start3A_462 = tpu.memref_slice %arg10[%multiple_of3A_460] : memref<320000xi32, #tpu.memory_space<hbm>> -> memref<80xi32, #tpu.memory_space<hbm>>
        tpu.enqueue_dma source(%dma_start3A_462 : memref<80xi32, #tpu.memory_space<hbm>>) target(%arg18 : memref<80xi32, #tpu.memory_space<vmem>>) target_semaphore(%arg29 : memref<!tpu.dma_semaphore, #tpu.memory_space<semaphore_mem>>)
        %add3A_463 = arith.constant 0 : i32
        %add3A_464 = arith.addi %add3A, %add3A_463 : i32
        %multiple_of3A_465 = tpu.assume_multiple %add3A_464, 8 : i32
        %dma_wait3A_466 = tpu.memref_slice %arg9[%multiple_of3A_465] : memref<320000xi32, #tpu.memory_space<hbm>> -> memref<80xi32, #tpu.memory_space<hbm>>
        %dma_wait3A_467 = tpu.memref_slice %arg9[%multiple_of3A_465] : memref<320000xi32, #tpu.memory_space<hbm>> -> memref<80xi32, #tpu.memory_space<hbm>>
        tpu.wait_dma2 semaphore(%arg27 : memref<!tpu.dma_semaphore, #tpu.memory_space<semaphore_mem>>) src(%dma_wait3A_467 : memref<80xi32, #tpu.memory_space<hbm>>) dst(%arg16 : memref<80xi32, #tpu.memory_space<vmem>>)
        %dma_start3A_468 = arith.constant 0 : i32
        %dma_start3A_469 = arith.constant 0 : i32
        %dma_start3A_470 = tpu.memref_slice %arg4[%dma_start3A_468, %dma_start3A_469] : memref<10000x128xf32, #tpu.memory_space<hbm>> -> memref<10000x128xf32, #tpu.memory_space<hbm>>
        tpu.enqueue_indirect_dma source(%dma_start3A_470 : memref<10000x128xf32, #tpu.memory_space<hbm>>) target(%arg20 : memref<80x128xf32, #tpu.memory_space<vmem>>) offsets(%arg16 : memref<80xi32, #tpu.memory_space<vmem>>) semaphore(%arg23 : memref<!tpu.dma_semaphore, #tpu.memory_space<semaphore_mem>>)
      } else {
      }
      %dma_wait3A_427 = arith.constant 0 : i32
      %dma_wait3A_428 = arith.constant 0 : i32
      %dma_wait3A_429 = tpu.memref_slice %arg4[%dma_wait3A_427, %dma_wait3A_428] : memref<10000x128xf32, #tpu.memory_space<hbm>> -> memref<10000x128xf32, #tpu.memory_space<hbm>>
      tpu.wait_indirect_dma semaphore(%arg24 : memref<!tpu.dma_semaphore, #tpu.memory_space<semaphore_mem>>) src(%dma_wait3A_429 : memref<10000x128xf32, #tpu.memory_space<hbm>>) dst(%arg21 : memref<80x128xf32, #tpu.memory_space<vmem>>)
      %add3A_430 = arith.constant 3 : i32
      %add3A_431 = arith.addi %mul3A_393, %add3A_430 : i32
      %lt3A_432 = arith.constant 125 : i32
      %lt3A_433 = arith.cmpi slt, %add3A_431, %lt3A_432 : i32
      %convert_element_type3A_434 = arith.extui %lt3A_433 : i1 to i32
      %cond3A_435 = arith.constant 0 : i32
      %cond3A_436 = arith.cmpi ne, %convert_element_type3A_434, %cond3A_435 : i32
      scf.if %cond3A_436 {
        %add3A_455 = arith.constant 3 : i32
        %add3A_456 = arith.addi %mul3A_393, %add3A_455 : i32
        %mul3A_457 = arith.constant 80 : i32
        %mul3A_458 = arith.muli %add3A_456, %mul3A_457 : i32
        %add3A_459 = arith.addi %add3A, %mul3A_458 : i32
        %multiple_of3A_460 = tpu.assume_multiple %add3A_459, 8 : i32
        %dma_start3A_461 = tpu.memref_slice %arg9[%multiple_of3A_460] : memref<320000xi32, #tpu.memory_space<hbm>> -> memref<80xi32, #tpu.memory_space<hbm>>
        %dma_start3A_462 = tpu.memref_slice %arg9[%multiple_of3A_460] : memref<320000xi32, #tpu.memory_space<hbm>> -> memref<80xi32, #tpu.memory_space<hbm>>
        tpu.enqueue_dma source(%dma_start3A_462 : memref<80xi32, #tpu.memory_space<hbm>>) target(%arg17 : memref<80xi32, #tpu.memory_space<vmem>>) target_semaphore(%arg28 : memref<!tpu.dma_semaphore, #tpu.memory_space<semaphore_mem>>)
      } else {
      }
      %add3A_437 = arith.constant 0 : i32
      %add3A_438 = arith.addi %add3A, %add3A_437 : i32
      %multiple_of3A_439 = tpu.assume_multiple %add3A_438, 8 : i32
      %dma_wait3A_440 = tpu.memref_slice %arg10[%multiple_of3A_439] : memref<320000xi32, #tpu.memory_space<hbm>> -> memref<80xi32, #tpu.memory_space<hbm>>
      %dma_wait3A_441 = tpu.memref_slice %arg10[%multiple_of3A_439] : memref<320000xi32, #tpu.memory_space<hbm>> -> memref<80xi32, #tpu.memory_space<hbm>>
      tpu.wait_dma2 semaphore(%arg30 : memref<!tpu.dma_semaphore, #tpu.memory_space<semaphore_mem>>) src(%dma_wait3A_441 : memref<80xi32, #tpu.memory_space<hbm>>) dst(%arg19 : memref<80xi32, #tpu.memory_space<vmem>>)
      %dma_start3A_442 = arith.constant 0 : i32
      %dma_start3A_443 = arith.constant 0 : i32
      %dma_start3A_444 = tpu.memref_slice %arg15[%dma_start3A_442, %dma_start3A_443] : memref<10240x128xf32, #tpu.memory_space<vmem_shared>> -> memref<10240x128xf32, #tpu.memory_space<vmem_shared>>
      tpu.enqueue_indirect_dma source(%arg21 : memref<80x128xf32, #tpu.memory_space<vmem>>) target(%dma_start3A_444 : memref<10240x128xf32, #tpu.memory_space<vmem_shared>>) offsets(%arg19 : memref<80xi32, #tpu.memory_space<vmem>>) semaphore(%arg26 : memref<!tpu.dma_semaphore, #tpu.memory_space<semaphore_mem>>) {add = true}
      %dma_wait3A_445 = arith.constant 0 : i32
      %dma_wait3A_446 = arith.constant 0 : i32
      %dma_wait3A_447 = tpu.memref_slice %arg15[%dma_wait3A_445, %dma_wait3A_446] : memref<10240x128xf32, #tpu.memory_space<vmem_shared>> -> memref<10240x128xf32, #tpu.memory_space<vmem_shared>>
      tpu.wait_indirect_dma semaphore(%arg26 : memref<!tpu.dma_semaphore, #tpu.memory_space<semaphore_mem>>) src(%arg21 : memref<80x128xf32, #tpu.memory_space<vmem>>) dst(%dma_wait3A_447 : memref<10240x128xf32, #tpu.memory_space<vmem_shared>>)
      %add3A_448 = arith.constant 3 : i32
      %add3A_449 = arith.addi %mul3A_393, %add3A_448 : i32
      %lt3A_450 = arith.constant 125 : i32
      %lt3A_451 = arith.cmpi slt, %add3A_449, %lt3A_450 : i32
      %convert_element_type3A_452 = arith.extui %lt3A_451 : i1 to i32
      %cond3A_453 = arith.constant 0 : i32
      %cond3A_454 = arith.cmpi ne, %convert_element_type3A_452, %cond3A_453 : i32
      scf.if %cond3A_454 {
        %add3A_455 = arith.constant 3 : i32
        %add3A_456 = arith.addi %mul3A_393, %add3A_455 : i32
        %mul3A_457 = arith.constant 80 : i32
        %mul3A_458 = arith.muli %add3A_456, %mul3A_457 : i32
        %add3A_459 = arith.addi %add3A, %mul3A_458 : i32
        %multiple_of3A_460 = tpu.assume_multiple %add3A_459, 8 : i32
        %dma_start3A_461 = tpu.memref_slice %arg10[%multiple_of3A_460] : memref<320000xi32, #tpu.memory_space<hbm>> -> memref<80xi32, #tpu.memory_space<hbm>>
        %dma_start3A_462 = tpu.memref_slice %arg10[%multiple_of3A_460] : memref<320000xi32, #tpu.memory_space<hbm>> -> memref<80xi32, #tpu.memory_space<hbm>>
        tpu.enqueue_dma source(%dma_start3A_462 : memref<80xi32, #tpu.memory_space<hbm>>) target(%arg19 : memref<80xi32, #tpu.memory_space<vmem>>) target_semaphore(%arg30 : memref<!tpu.dma_semaphore, #tpu.memory_space<semaphore_mem>>)
      } else {
      }
    }
    %scan3A_334 = arith.constant 62 : i32
    %dma_wait3A_335 = arith.constant 0 : i32
    %dma_wait3A_336 = arith.constant 0 : i32
    %dma_wait3A_337 = tpu.memref_slice %arg4[%dma_wait3A_335, %dma_wait3A_336] : memref<10000x128xf32, #tpu.memory_space<hbm>> -> memref<10000x128xf32, #tpu.memory_space<hbm>>
    tpu.wait_indirect_dma semaphore(%arg23 : memref<!tpu.dma_semaphore, #tpu.memory_space<semaphore_mem>>) src(%dma_wait3A_337 : memref<10000x128xf32, #tpu.memory_space<hbm>>) dst(%arg20 : memref<80x128xf32, #tpu.memory_space<vmem>>)
    %add3A_338 = arith.constant 0 : i32
    %add3A_339 = arith.addi %add3A, %add3A_338 : i32
    %multiple_of3A_340 = tpu.assume_multiple %add3A_339, 8 : i32
    %dma_wait3A_341 = tpu.memref_slice %arg10[%multiple_of3A_340] : memref<320000xi32, #tpu.memory_space<hbm>> -> memref<80xi32, #tpu.memory_space<hbm>>
    %dma_wait3A_342 = tpu.memref_slice %arg10[%multiple_of3A_340] : memref<320000xi32, #tpu.memory_space<hbm>> -> memref<80xi32, #tpu.memory_space<hbm>>
    tpu.wait_dma2 semaphore(%arg29 : memref<!tpu.dma_semaphore, #tpu.memory_space<semaphore_mem>>) src(%dma_wait3A_342 : memref<80xi32, #tpu.memory_space<hbm>>) dst(%arg18 : memref<80xi32, #tpu.memory_space<vmem>>)
    %dma_start3A_343 = arith.constant 0 : i32
    %dma_start3A_344 = arith.constant 0 : i32
    %dma_start3A_345 = tpu.memref_slice %arg15[%dma_start3A_343, %dma_start3A_344] : memref<10240x128xf32, #tpu.memory_space<vmem_shared>> -> memref<10240x128xf32, #tpu.memory_space<vmem_shared>>
    tpu.enqueue_indirect_dma source(%arg20 : memref<80x128xf32, #tpu.memory_space<vmem>>) target(%dma_start3A_345 : memref<10240x128xf32, #tpu.memory_space<vmem_shared>>) offsets(%arg18 : memref<80xi32, #tpu.memory_space<vmem>>) semaphore(%arg25 : memref<!tpu.dma_semaphore, #tpu.memory_space<semaphore_mem>>) {add = true}
    %dma_wait3A_346 = arith.constant 0 : i32
    %dma_wait3A_347 = arith.constant 0 : i32
    %dma_wait3A_348 = tpu.memref_slice %arg15[%dma_wait3A_346, %dma_wait3A_347] : memref<10240x128xf32, #tpu.memory_space<vmem_shared>> -> memref<10240x128xf32, #tpu.memory_space<vmem_shared>>
    tpu.wait_indirect_dma semaphore(%arg25 : memref<!tpu.dma_semaphore, #tpu.memory_space<semaphore_mem>>) src(%arg20 : memref<80x128xf32, #tpu.memory_space<vmem>>) dst(%dma_wait3A_348 : memref<10240x128xf32, #tpu.memory_space<vmem_shared>>)
    %barrier3A_349 = arith.constant 0 : index
    tpu.barrier barrier_id(%barrier3A_349)
    %mul3A_350 = arith.constant 640 : i32
    %mul3A_351 = arith.muli %arg1, %mul3A_350 : i32
    %add3A_352 = arith.constant 0 : i32
    %add3A_353 = arith.addi %mul3A_351, %add3A_352 : i32
    "tpu.region"() ({
      %run_scoped3A = tpu.sem_alloc : memref<!tpu.dma_semaphore, #tpu.memory_space<semaphore_mem>>
      %dma_start3A_391 = arith.constant 0 : i32
      %dma_start3A_392 = tpu.memref_slice %arg15[%add3A_353, %dma_start3A_391] : memref<10240x128xf32, #tpu.memory_space<vmem_shared>> -> memref<64x128xf32, #tpu.memory_space<vmem_shared>>
      %dma_start3A_393 = arith.constant 0 : i32
      %dma_start3A_394 = tpu.memref_slice %arg15[%add3A_353, %dma_start3A_393] : memref<10240x128xf32, #tpu.memory_space<vmem_shared>> -> memref<64x128xf32, #tpu.memory_space<vmem_shared>>
      tpu.enqueue_dma source(%dma_start3A_394 : memref<64x128xf32, #tpu.memory_space<vmem_shared>>) target(%arg22 : memref<64x128xf32, #tpu.memory_space<vmem>>) target_semaphore(%run_scoped3A : memref<!tpu.dma_semaphore, #tpu.memory_space<semaphore_mem>>)
      %dma_wait3A_395 = arith.constant 0 : i32
      %dma_wait3A_396 = tpu.memref_slice %arg15[%add3A_353, %dma_wait3A_395] : memref<10240x128xf32, #tpu.memory_space<vmem_shared>> -> memref<64x128xf32, #tpu.memory_space<vmem_shared>>
      %dma_wait3A_397 = arith.constant 0 : i32
      %dma_wait3A_398 = tpu.memref_slice %arg15[%add3A_353, %dma_wait3A_397] : memref<10240x128xf32, #tpu.memory_space<vmem_shared>> -> memref<64x128xf32, #tpu.memory_space<vmem_shared>>
      tpu.wait_dma2 semaphore(%run_scoped3A : memref<!tpu.dma_semaphore, #tpu.memory_space<semaphore_mem>>) src(%dma_wait3A_398 : memref<64x128xf32, #tpu.memory_space<vmem_shared>>) dst(%arg22 : memref<64x128xf32, #tpu.memory_space<vmem>>)
      tpu.yield
    }) : () -> ()
    "tpu.region"() ({
      %run_scoped3A = tpu.sem_alloc : memref<!tpu.dma_semaphore, #tpu.memory_space<semaphore_mem>>
      %dma_start3A_391 = arith.constant 0 : i32
      %dma_start3A_392 = tpu.memref_slice %arg14[%arg0, %add3A_353, %dma_start3A_391] : memref<2x10240x128xf32, #tpu.memory_space<hbm>> -> memref<1x64x128xf32, #tpu.memory_space<hbm>>
      %dma_start3A_393 = tpu.memref_squeeze %dma_start3A_392 : memref<1x64x128xf32, #tpu.memory_space<hbm>> -> memref<64x128xf32, #tpu.memory_space<hbm>>
      %dma_start3A_394 = arith.constant 0 : i32
      %dma_start3A_395 = tpu.memref_slice %arg14[%arg0, %add3A_353, %dma_start3A_394] : memref<2x10240x128xf32, #tpu.memory_space<hbm>> -> memref<1x64x128xf32, #tpu.memory_space<hbm>>
      %dma_start3A_396 = tpu.memref_squeeze %dma_start3A_395 : memref<1x64x128xf32, #tpu.memory_space<hbm>> -> memref<64x128xf32, #tpu.memory_space<hbm>>
      tpu.enqueue_dma source(%arg22 : memref<64x128xf32, #tpu.memory_space<vmem>>) target(%dma_start3A_396 : memref<64x128xf32, #tpu.memory_space<hbm>>) target_semaphore(%run_scoped3A : memref<!tpu.dma_semaphore, #tpu.memory_space<semaphore_mem>>)
      %dma_wait3A_397 = arith.constant 0 : i32
      %dma_wait3A_398 = tpu.memref_slice %arg14[%arg0, %add3A_353, %dma_wait3A_397] : memref<2x10240x128xf32, #tpu.memory_space<hbm>> -> memref<1x64x128xf32, #tpu.memory_space<hbm>>
      %dma_wait3A_399 = tpu.memref_squeeze %dma_wait3A_398 : memref<1x64x128xf32, #tpu.memory_space<hbm>> -> memref<64x128xf32, #tpu.memory_space<hbm>>
      %dma_wait3A_400 = arith.constant 0 : i32
      %dma_wait3A_401 = tpu.memref_slice %arg14[%arg0, %add3A_353, %dma_wait3A_400] : memref<2x10240x128xf32, #tpu.memory_space<hbm>> -> memref<1x64x128xf32, #tpu.memory_space<hbm>>
      %dma_wait3A_402 = tpu.memref_squeeze %dma_wait3A_401 : memref<1x64x128xf32, #tpu.memory_space<hbm>> -> memref<64x128xf32, #tpu.memory_space<hbm>>
      tpu.wait_dma2 semaphore(%run_scoped3A : memref<!tpu.dma_semaphore, #tpu.memory_space<semaphore_mem>>) src(%arg22 : memref<64x128xf32, #tpu.memory_space<vmem>>) dst(%dma_wait3A_402 : memref<64x128xf32, #tpu.memory_space<hbm>>)
      tpu.yield
    }) : () -> ()
    %mul3A_354 = arith.constant 640 : i32
    %mul3A_355 = arith.muli %arg1, %mul3A_354 : i32
    %add3A_356 = arith.constant 64 : i32
    %add3A_357 = arith.addi %mul3A_355, %add3A_356 : i32
    "tpu.region"() ({
      %run_scoped3A = tpu.sem_alloc : memref<!tpu.dma_semaphore, #tpu.memory_space<semaphore_mem>>
      %dma_start3A_391 = arith.constant 0 : i32
      %dma_start3A_392 = tpu.memref_slice %arg15[%add3A_357, %dma_start3A_391] : memref<10240x128xf32, #tpu.memory_space<vmem_shared>> -> memref<64x128xf32, #tpu.memory_space<vmem_shared>>
      %dma_start3A_393 = arith.constant 0 : i32
      %dma_start3A_394 = tpu.memref_slice %arg15[%add3A_357, %dma_start3A_393] : memref<10240x128xf32, #tpu.memory_space<vmem_shared>> -> memref<64x128xf32, #tpu.memory_space<vmem_shared>>
      tpu.enqueue_dma source(%dma_start3A_394 : memref<64x128xf32, #tpu.memory_space<vmem_shared>>) target(%arg22 : memref<64x128xf32, #tpu.memory_space<vmem>>) target_semaphore(%run_scoped3A : memref<!tpu.dma_semaphore, #tpu.memory_space<semaphore_mem>>)
      %dma_wait3A_395 = arith.constant 0 : i32
      %dma_wait3A_396 = tpu.memref_slice %arg15[%add3A_357, %dma_wait3A_395] : memref<10240x128xf32, #tpu.memory_space<vmem_shared>> -> memref<64x128xf32, #tpu.memory_space<vmem_shared>>
      %dma_wait3A_397 = arith.constant 0 : i32
      %dma_wait3A_398 = tpu.memref_slice %arg15[%add3A_357, %dma_wait3A_397] : memref<10240x128xf32, #tpu.memory_space<vmem_shared>> -> memref<64x128xf32, #tpu.memory_space<vmem_shared>>
      tpu.wait_dma2 semaphore(%run_scoped3A : memref<!tpu.dma_semaphore, #tpu.memory_space<semaphore_mem>>) src(%dma_wait3A_398 : memref<64x128xf32, #tpu.memory_space<vmem_shared>>) dst(%arg22 : memref<64x128xf32, #tpu.memory_space<vmem>>)
      tpu.yield
    }) : () -> ()
    "tpu.region"() ({
      %run_scoped3A = tpu.sem_alloc : memref<!tpu.dma_semaphore, #tpu.memory_space<semaphore_mem>>
      %dma_start3A_391 = arith.constant 0 : i32
      %dma_start3A_392 = tpu.memref_slice %arg14[%arg0, %add3A_357, %dma_start3A_391] : memref<2x10240x128xf32, #tpu.memory_space<hbm>> -> memref<1x64x128xf32, #tpu.memory_space<hbm>>
      %dma_start3A_393 = tpu.memref_squeeze %dma_start3A_392 : memref<1x64x128xf32, #tpu.memory_space<hbm>> -> memref<64x128xf32, #tpu.memory_space<hbm>>
      %dma_start3A_394 = arith.constant 0 : i32
      %dma_start3A_395 = tpu.memref_slice %arg14[%arg0, %add3A_357, %dma_start3A_394] : memref<2x10240x128xf32, #tpu.memory_space<hbm>> -> memref<1x64x128xf32, #tpu.memory_space<hbm>>
      %dma_start3A_396 = tpu.memref_squeeze %dma_start3A_395 : memref<1x64x128xf32, #tpu.memory_space<hbm>> -> memref<64x128xf32, #tpu.memory_space<hbm>>
      tpu.enqueue_dma source(%arg22 : memref<64x128xf32, #tpu.memory_space<vmem>>) target(%dma_start3A_396 : memref<64x128xf32, #tpu.memory_space<hbm>>) target_semaphore(%run_scoped3A : memref<!tpu.dma_semaphore, #tpu.memory_space<semaphore_mem>>)
      %dma_wait3A_397 = arith.constant 0 : i32
      %dma_wait3A_398 = tpu.memref_slice %arg14[%arg0, %add3A_357, %dma_wait3A_397] : memref<2x10240x128xf32, #tpu.memory_space<hbm>> -> memref<1x64x128xf32, #tpu.memory_space<hbm>>
      %dma_wait3A_399 = tpu.memref_squeeze %dma_wait3A_398 : memref<1x64x128xf32, #tpu.memory_space<hbm>> -> memref<64x128xf32, #tpu.memory_space<hbm>>
      %dma_wait3A_400 = arith.constant 0 : i32
      %dma_wait3A_401 = tpu.memref_slice %arg14[%arg0, %add3A_357, %dma_wait3A_400] : memref<2x10240x128xf32, #tpu.memory_space<hbm>> -> memref<1x64x128xf32, #tpu.memory_space<hbm>>
      %dma_wait3A_402 = tpu.memref_squeeze %dma_wait3A_401 : memref<1x64x128xf32, #tpu.memory_space<hbm>> -> memref<64x128xf32, #tpu.memory_space<hbm>>
      tpu.wait_dma2 semaphore(%run_scoped3A : memref<!tpu.dma_semaphore, #tpu.memory_space<semaphore_mem>>) src(%arg22 : memref<64x128xf32, #tpu.memory_space<vmem>>) dst(%dma_wait3A_402 : memref<64x128xf32, #tpu.memory_space<hbm>>)
      tpu.yield
    }) : () -> ()
    %mul3A_358 = arith.constant 640 : i32
    %mul3A_359 = arith.muli %arg1, %mul3A_358 : i32
    %add3A_360 = arith.constant 128 : i32
    %add3A_361 = arith.addi %mul3A_359, %add3A_360 : i32
    "tpu.region"() ({
      %run_scoped3A = tpu.sem_alloc : memref<!tpu.dma_semaphore, #tpu.memory_space<semaphore_mem>>
      %dma_start3A_391 = arith.constant 0 : i32
      %dma_start3A_392 = tpu.memref_slice %arg15[%add3A_361, %dma_start3A_391] : memref<10240x128xf32, #tpu.memory_space<vmem_shared>> -> memref<64x128xf32, #tpu.memory_space<vmem_shared>>
      %dma_start3A_393 = arith.constant 0 : i32
      %dma_start3A_394 = tpu.memref_slice %arg15[%add3A_361, %dma_start3A_393] : memref<10240x128xf32, #tpu.memory_space<vmem_shared>> -> memref<64x128xf32, #tpu.memory_space<vmem_shared>>
      tpu.enqueue_dma source(%dma_start3A_394 : memref<64x128xf32, #tpu.memory_space<vmem_shared>>) target(%arg22 : memref<64x128xf32, #tpu.memory_space<vmem>>) target_semaphore(%run_scoped3A : memref<!tpu.dma_semaphore, #tpu.memory_space<semaphore_mem>>)
      %dma_wait3A_395 = arith.constant 0 : i32
      %dma_wait3A_396 = tpu.memref_slice %arg15[%add3A_361, %dma_wait3A_395] : memref<10240x128xf32, #tpu.memory_space<vmem_shared>> -> memref<64x128xf32, #tpu.memory_space<vmem_shared>>
      %dma_wait3A_397 = arith.constant 0 : i32
      %dma_wait3A_398 = tpu.memref_slice %arg15[%add3A_361, %dma_wait3A_397] : memref<10240x128xf32, #tpu.memory_space<vmem_shared>> -> memref<64x128xf32, #tpu.memory_space<vmem_shared>>
      tpu.wait_dma2 semaphore(%run_scoped3A : memref<!tpu.dma_semaphore, #tpu.memory_space<semaphore_mem>>) src(%dma_wait3A_398 : memref<64x128xf32, #tpu.memory_space<vmem_shared>>) dst(%arg22 : memref<64x128xf32, #tpu.memory_space<vmem>>)
      tpu.yield
    }) : () -> ()
    "tpu.region"() ({
      %run_scoped3A = tpu.sem_alloc : memref<!tpu.dma_semaphore, #tpu.memory_space<semaphore_mem>>
      %dma_start3A_391 = arith.constant 0 : i32
      %dma_start3A_392 = tpu.memref_slice %arg14[%arg0, %add3A_361, %dma_start3A_391] : memref<2x10240x128xf32, #tpu.memory_space<hbm>> -> memref<1x64x128xf32, #tpu.memory_space<hbm>>
      %dma_start3A_393 = tpu.memref_squeeze %dma_start3A_392 : memref<1x64x128xf32, #tpu.memory_space<hbm>> -> memref<64x128xf32, #tpu.memory_space<hbm>>
      %dma_start3A_394 = arith.constant 0 : i32
      %dma_start3A_395 = tpu.memref_slice %arg14[%arg0, %add3A_361, %dma_start3A_394] : memref<2x10240x128xf32, #tpu.memory_space<hbm>> -> memref<1x64x128xf32, #tpu.memory_space<hbm>>
      %dma_start3A_396 = tpu.memref_squeeze %dma_start3A_395 : memref<1x64x128xf32, #tpu.memory_space<hbm>> -> memref<64x128xf32, #tpu.memory_space<hbm>>
      tpu.enqueue_dma source(%arg22 : memref<64x128xf32, #tpu.memory_space<vmem>>) target(%dma_start3A_396 : memref<64x128xf32, #tpu.memory_space<hbm>>) target_semaphore(%run_scoped3A : memref<!tpu.dma_semaphore, #tpu.memory_space<semaphore_mem>>)
      %dma_wait3A_397 = arith.constant 0 : i32
      %dma_wait3A_398 = tpu.memref_slice %arg14[%arg0, %add3A_361, %dma_wait3A_397] : memref<2x10240x128xf32, #tpu.memory_space<hbm>> -> memref<1x64x128xf32, #tpu.memory_space<hbm>>
      %dma_wait3A_399 = tpu.memref_squeeze %dma_wait3A_398 : memref<1x64x128xf32, #tpu.memory_space<hbm>> -> memref<64x128xf32, #tpu.memory_space<hbm>>
      %dma_wait3A_400 = arith.constant 0 : i32
      %dma_wait3A_401 = tpu.memref_slice %arg14[%arg0, %add3A_361, %dma_wait3A_400] : memref<2x10240x128xf32, #tpu.memory_space<hbm>> -> memref<1x64x128xf32, #tpu.memory_space<hbm>>
      %dma_wait3A_402 = tpu.memref_squeeze %dma_wait3A_401 : memref<1x64x128xf32, #tpu.memory_space<hbm>> -> memref<64x128xf32, #tpu.memory_space<hbm>>
      tpu.wait_dma2 semaphore(%run_scoped3A : memref<!tpu.dma_semaphore, #tpu.memory_space<semaphore_mem>>) src(%arg22 : memref<64x128xf32, #tpu.memory_space<vmem>>) dst(%dma_wait3A_402 : memref<64x128xf32, #tpu.memory_space<hbm>>)
      tpu.yield
    }) : () -> ()
    %mul3A_362 = arith.constant 640 : i32
    %mul3A_363 = arith.muli %arg1, %mul3A_362 : i32
    %add3A_364 = arith.constant 192 : i32
    %add3A_365 = arith.addi %mul3A_363, %add3A_364 : i32
    "tpu.region"() ({
      %run_scoped3A = tpu.sem_alloc : memref<!tpu.dma_semaphore, #tpu.memory_space<semaphore_mem>>
      %dma_start3A_391 = arith.constant 0 : i32
      %dma_start3A_392 = tpu.memref_slice %arg15[%add3A_365, %dma_start3A_391] : memref<10240x128xf32, #tpu.memory_space<vmem_shared>> -> memref<64x128xf32, #tpu.memory_space<vmem_shared>>
      %dma_start3A_393 = arith.constant 0 : i32
      %dma_start3A_394 = tpu.memref_slice %arg15[%add3A_365, %dma_start3A_393] : memref<10240x128xf32, #tpu.memory_space<vmem_shared>> -> memref<64x128xf32, #tpu.memory_space<vmem_shared>>
      tpu.enqueue_dma source(%dma_start3A_394 : memref<64x128xf32, #tpu.memory_space<vmem_shared>>) target(%arg22 : memref<64x128xf32, #tpu.memory_space<vmem>>) target_semaphore(%run_scoped3A : memref<!tpu.dma_semaphore, #tpu.memory_space<semaphore_mem>>)
      %dma_wait3A_395 = arith.constant 0 : i32
      %dma_wait3A_396 = tpu.memref_slice %arg15[%add3A_365, %dma_wait3A_395] : memref<10240x128xf32, #tpu.memory_space<vmem_shared>> -> memref<64x128xf32, #tpu.memory_space<vmem_shared>>
      %dma_wait3A_397 = arith.constant 0 : i32
      %dma_wait3A_398 = tpu.memref_slice %arg15[%add3A_365, %dma_wait3A_397] : memref<10240x128xf32, #tpu.memory_space<vmem_shared>> -> memref<64x128xf32, #tpu.memory_space<vmem_shared>>
      tpu.wait_dma2 semaphore(%run_scoped3A : memref<!tpu.dma_semaphore, #tpu.memory_space<semaphore_mem>>) src(%dma_wait3A_398 : memref<64x128xf32, #tpu.memory_space<vmem_shared>>) dst(%arg22 : memref<64x128xf32, #tpu.memory_space<vmem>>)
      tpu.yield
    }) : () -> ()
    "tpu.region"() ({
      %run_scoped3A = tpu.sem_alloc : memref<!tpu.dma_semaphore, #tpu.memory_space<semaphore_mem>>
      %dma_start3A_391 = arith.constant 0 : i32
      %dma_start3A_392 = tpu.memref_slice %arg14[%arg0, %add3A_365, %dma_start3A_391] : memref<2x10240x128xf32, #tpu.memory_space<hbm>> -> memref<1x64x128xf32, #tpu.memory_space<hbm>>
      %dma_start3A_393 = tpu.memref_squeeze %dma_start3A_392 : memref<1x64x128xf32, #tpu.memory_space<hbm>> -> memref<64x128xf32, #tpu.memory_space<hbm>>
      %dma_start3A_394 = arith.constant 0 : i32
      %dma_start3A_395 = tpu.memref_slice %arg14[%arg0, %add3A_365, %dma_start3A_394] : memref<2x10240x128xf32, #tpu.memory_space<hbm>> -> memref<1x64x128xf32, #tpu.memory_space<hbm>>
      %dma_start3A_396 = tpu.memref_squeeze %dma_start3A_395 : memref<1x64x128xf32, #tpu.memory_space<hbm>> -> memref<64x128xf32, #tpu.memory_space<hbm>>
      tpu.enqueue_dma source(%arg22 : memref<64x128xf32, #tpu.memory_space<vmem>>) target(%dma_start3A_396 : memref<64x128xf32, #tpu.memory_space<hbm>>) target_semaphore(%run_scoped3A : memref<!tpu.dma_semaphore, #tpu.memory_space<semaphore_mem>>)
      %dma_wait3A_397 = arith.constant 0 : i32
      %dma_wait3A_398 = tpu.memref_slice %arg14[%arg0, %add3A_365, %dma_wait3A_397] : memref<2x10240x128xf32, #tpu.memory_space<hbm>> -> memref<1x64x128xf32, #tpu.memory_space<hbm>>
      %dma_wait3A_399 = tpu.memref_squeeze %dma_wait3A_398 : memref<1x64x128xf32, #tpu.memory_space<hbm>> -> memref<64x128xf32, #tpu.memory_space<hbm>>
      %dma_wait3A_400 = arith.constant 0 : i32
      %dma_wait3A_401 = tpu.memref_slice %arg14[%arg0, %add3A_365, %dma_wait3A_400] : memref<2x10240x128xf32, #tpu.memory_space<hbm>> -> memref<1x64x128xf32, #tpu.memory_space<hbm>>
      %dma_wait3A_402 = tpu.memref_squeeze %dma_wait3A_401 : memref<1x64x128xf32, #tpu.memory_space<hbm>> -> memref<64x128xf32, #tpu.memory_space<hbm>>
      tpu.wait_dma2 semaphore(%run_scoped3A : memref<!tpu.dma_semaphore, #tpu.memory_space<semaphore_mem>>) src(%arg22 : memref<64x128xf32, #tpu.memory_space<vmem>>) dst(%dma_wait3A_402 : memref<64x128xf32, #tpu.memory_space<hbm>>)
      tpu.yield
    }) : () -> ()
    %mul3A_366 = arith.constant 640 : i32
    %mul3A_367 = arith.muli %arg1, %mul3A_366 : i32
    %add3A_368 = arith.constant 256 : i32
    %add3A_369 = arith.addi %mul3A_367, %add3A_368 : i32
    "tpu.region"() ({
      %run_scoped3A = tpu.sem_alloc : memref<!tpu.dma_semaphore, #tpu.memory_space<semaphore_mem>>
      %dma_start3A_391 = arith.constant 0 : i32
      %dma_start3A_392 = tpu.memref_slice %arg15[%add3A_369, %dma_start3A_391] : memref<10240x128xf32, #tpu.memory_space<vmem_shared>> -> memref<64x128xf32, #tpu.memory_space<vmem_shared>>
      %dma_start3A_393 = arith.constant 0 : i32
      %dma_start3A_394 = tpu.memref_slice %arg15[%add3A_369, %dma_start3A_393] : memref<10240x128xf32, #tpu.memory_space<vmem_shared>> -> memref<64x128xf32, #tpu.memory_space<vmem_shared>>
      tpu.enqueue_dma source(%dma_start3A_394 : memref<64x128xf32, #tpu.memory_space<vmem_shared>>) target(%arg22 : memref<64x128xf32, #tpu.memory_space<vmem>>) target_semaphore(%run_scoped3A : memref<!tpu.dma_semaphore, #tpu.memory_space<semaphore_mem>>)
      %dma_wait3A_395 = arith.constant 0 : i32
      %dma_wait3A_396 = tpu.memref_slice %arg15[%add3A_369, %dma_wait3A_395] : memref<10240x128xf32, #tpu.memory_space<vmem_shared>> -> memref<64x128xf32, #tpu.memory_space<vmem_shared>>
      %dma_wait3A_397 = arith.constant 0 : i32
      %dma_wait3A_398 = tpu.memref_slice %arg15[%add3A_369, %dma_wait3A_397] : memref<10240x128xf32, #tpu.memory_space<vmem_shared>> -> memref<64x128xf32, #tpu.memory_space<vmem_shared>>
      tpu.wait_dma2 semaphore(%run_scoped3A : memref<!tpu.dma_semaphore, #tpu.memory_space<semaphore_mem>>) src(%dma_wait3A_398 : memref<64x128xf32, #tpu.memory_space<vmem_shared>>) dst(%arg22 : memref<64x128xf32, #tpu.memory_space<vmem>>)
      tpu.yield
    }) : () -> ()
    "tpu.region"() ({
      %run_scoped3A = tpu.sem_alloc : memref<!tpu.dma_semaphore, #tpu.memory_space<semaphore_mem>>
      %dma_start3A_391 = arith.constant 0 : i32
      %dma_start3A_392 = tpu.memref_slice %arg14[%arg0, %add3A_369, %dma_start3A_391] : memref<2x10240x128xf32, #tpu.memory_space<hbm>> -> memref<1x64x128xf32, #tpu.memory_space<hbm>>
      %dma_start3A_393 = tpu.memref_squeeze %dma_start3A_392 : memref<1x64x128xf32, #tpu.memory_space<hbm>> -> memref<64x128xf32, #tpu.memory_space<hbm>>
      %dma_start3A_394 = arith.constant 0 : i32
      %dma_start3A_395 = tpu.memref_slice %arg14[%arg0, %add3A_369, %dma_start3A_394] : memref<2x10240x128xf32, #tpu.memory_space<hbm>> -> memref<1x64x128xf32, #tpu.memory_space<hbm>>
      %dma_start3A_396 = tpu.memref_squeeze %dma_start3A_395 : memref<1x64x128xf32, #tpu.memory_space<hbm>> -> memref<64x128xf32, #tpu.memory_space<hbm>>
      tpu.enqueue_dma source(%arg22 : memref<64x128xf32, #tpu.memory_space<vmem>>) target(%dma_start3A_396 : memref<64x128xf32, #tpu.memory_space<hbm>>) target_semaphore(%run_scoped3A : memref<!tpu.dma_semaphore, #tpu.memory_space<semaphore_mem>>)
      %dma_wait3A_397 = arith.constant 0 : i32
      %dma_wait3A_398 = tpu.memref_slice %arg14[%arg0, %add3A_369, %dma_wait3A_397] : memref<2x10240x128xf32, #tpu.memory_space<hbm>> -> memref<1x64x128xf32, #tpu.memory_space<hbm>>
      %dma_wait3A_399 = tpu.memref_squeeze %dma_wait3A_398 : memref<1x64x128xf32, #tpu.memory_space<hbm>> -> memref<64x128xf32, #tpu.memory_space<hbm>>
      %dma_wait3A_400 = arith.constant 0 : i32
      %dma_wait3A_401 = tpu.memref_slice %arg14[%arg0, %add3A_369, %dma_wait3A_400] : memref<2x10240x128xf32, #tpu.memory_space<hbm>> -> memref<1x64x128xf32, #tpu.memory_space<hbm>>
      %dma_wait3A_402 = tpu.memref_squeeze %dma_wait3A_401 : memref<1x64x128xf32, #tpu.memory_space<hbm>> -> memref<64x128xf32, #tpu.memory_space<hbm>>
      tpu.wait_dma2 semaphore(%run_scoped3A : memref<!tpu.dma_semaphore, #tpu.memory_space<semaphore_mem>>) src(%arg22 : memref<64x128xf32, #tpu.memory_space<vmem>>) dst(%dma_wait3A_402 : memref<64x128xf32, #tpu.memory_space<hbm>>)
      tpu.yield
    }) : () -> ()
    %mul3A_370 = arith.constant 640 : i32
    %mul3A_371 = arith.muli %arg1, %mul3A_370 : i32
    %add3A_372 = arith.constant 320 : i32
    %add3A_373 = arith.addi %mul3A_371, %add3A_372 : i32
    "tpu.region"() ({
      %run_scoped3A = tpu.sem_alloc : memref<!tpu.dma_semaphore, #tpu.memory_space<semaphore_mem>>
      %dma_start3A_391 = arith.constant 0 : i32
      %dma_start3A_392 = tpu.memref_slice %arg15[%add3A_373, %dma_start3A_391] : memref<10240x128xf32, #tpu.memory_space<vmem_shared>> -> memref<64x128xf32, #tpu.memory_space<vmem_shared>>
      %dma_start3A_393 = arith.constant 0 : i32
      %dma_start3A_394 = tpu.memref_slice %arg15[%add3A_373, %dma_start3A_393] : memref<10240x128xf32, #tpu.memory_space<vmem_shared>> -> memref<64x128xf32, #tpu.memory_space<vmem_shared>>
      tpu.enqueue_dma source(%dma_start3A_394 : memref<64x128xf32, #tpu.memory_space<vmem_shared>>) target(%arg22 : memref<64x128xf32, #tpu.memory_space<vmem>>) target_semaphore(%run_scoped3A : memref<!tpu.dma_semaphore, #tpu.memory_space<semaphore_mem>>)
      %dma_wait3A_395 = arith.constant 0 : i32
      %dma_wait3A_396 = tpu.memref_slice %arg15[%add3A_373, %dma_wait3A_395] : memref<10240x128xf32, #tpu.memory_space<vmem_shared>> -> memref<64x128xf32, #tpu.memory_space<vmem_shared>>
      %dma_wait3A_397 = arith.constant 0 : i32
      %dma_wait3A_398 = tpu.memref_slice %arg15[%add3A_373, %dma_wait3A_397] : memref<10240x128xf32, #tpu.memory_space<vmem_shared>> -> memref<64x128xf32, #tpu.memory_space<vmem_shared>>
      tpu.wait_dma2 semaphore(%run_scoped3A : memref<!tpu.dma_semaphore, #tpu.memory_space<semaphore_mem>>) src(%dma_wait3A_398 : memref<64x128xf32, #tpu.memory_space<vmem_shared>>) dst(%arg22 : memref<64x128xf32, #tpu.memory_space<vmem>>)
      tpu.yield
    }) : () -> ()
    "tpu.region"() ({
      %run_scoped3A = tpu.sem_alloc : memref<!tpu.dma_semaphore, #tpu.memory_space<semaphore_mem>>
      %dma_start3A_391 = arith.constant 0 : i32
      %dma_start3A_392 = tpu.memref_slice %arg14[%arg0, %add3A_373, %dma_start3A_391] : memref<2x10240x128xf32, #tpu.memory_space<hbm>> -> memref<1x64x128xf32, #tpu.memory_space<hbm>>
      %dma_start3A_393 = tpu.memref_squeeze %dma_start3A_392 : memref<1x64x128xf32, #tpu.memory_space<hbm>> -> memref<64x128xf32, #tpu.memory_space<hbm>>
      %dma_start3A_394 = arith.constant 0 : i32
      %dma_start3A_395 = tpu.memref_slice %arg14[%arg0, %add3A_373, %dma_start3A_394] : memref<2x10240x128xf32, #tpu.memory_space<hbm>> -> memref<1x64x128xf32, #tpu.memory_space<hbm>>
      %dma_start3A_396 = tpu.memref_squeeze %dma_start3A_395 : memref<1x64x128xf32, #tpu.memory_space<hbm>> -> memref<64x128xf32, #tpu.memory_space<hbm>>
      tpu.enqueue_dma source(%arg22 : memref<64x128xf32, #tpu.memory_space<vmem>>) target(%dma_start3A_396 : memref<64x128xf32, #tpu.memory_space<hbm>>) target_semaphore(%run_scoped3A : memref<!tpu.dma_semaphore, #tpu.memory_space<semaphore_mem>>)
      %dma_wait3A_397 = arith.constant 0 : i32
      %dma_wait3A_398 = tpu.memref_slice %arg14[%arg0, %add3A_373, %dma_wait3A_397] : memref<2x10240x128xf32, #tpu.memory_space<hbm>> -> memref<1x64x128xf32, #tpu.memory_space<hbm>>
      %dma_wait3A_399 = tpu.memref_squeeze %dma_wait3A_398 : memref<1x64x128xf32, #tpu.memory_space<hbm>> -> memref<64x128xf32, #tpu.memory_space<hbm>>
      %dma_wait3A_400 = arith.constant 0 : i32
      %dma_wait3A_401 = tpu.memref_slice %arg14[%arg0, %add3A_373, %dma_wait3A_400] : memref<2x10240x128xf32, #tpu.memory_space<hbm>> -> memref<1x64x128xf32, #tpu.memory_space<hbm>>
      %dma_wait3A_402 = tpu.memref_squeeze %dma_wait3A_401 : memref<1x64x128xf32, #tpu.memory_space<hbm>> -> memref<64x128xf32, #tpu.memory_space<hbm>>
      tpu.wait_dma2 semaphore(%run_scoped3A : memref<!tpu.dma_semaphore, #tpu.memory_space<semaphore_mem>>) src(%arg22 : memref<64x128xf32, #tpu.memory_space<vmem>>) dst(%dma_wait3A_402 : memref<64x128xf32, #tpu.memory_space<hbm>>)
      tpu.yield
    }) : () -> ()
    %mul3A_374 = arith.constant 640 : i32
    %mul3A_375 = arith.muli %arg1, %mul3A_374 : i32
    %add3A_376 = arith.constant 384 : i32
    %add3A_377 = arith.addi %mul3A_375, %add3A_376 : i32
    "tpu.region"() ({
      %run_scoped3A = tpu.sem_alloc : memref<!tpu.dma_semaphore, #tpu.memory_space<semaphore_mem>>
      %dma_start3A_391 = arith.constant 0 : i32
      %dma_start3A_392 = tpu.memref_slice %arg15[%add3A_377, %dma_start3A_391] : memref<10240x128xf32, #tpu.memory_space<vmem_shared>> -> memref<64x128xf32, #tpu.memory_space<vmem_shared>>
      %dma_start3A_393 = arith.constant 0 : i32
      %dma_start3A_394 = tpu.memref_slice %arg15[%add3A_377, %dma_start3A_393] : memref<10240x128xf32, #tpu.memory_space<vmem_shared>> -> memref<64x128xf32, #tpu.memory_space<vmem_shared>>
      tpu.enqueue_dma source(%dma_start3A_394 : memref<64x128xf32, #tpu.memory_space<vmem_shared>>) target(%arg22 : memref<64x128xf32, #tpu.memory_space<vmem>>) target_semaphore(%run_scoped3A : memref<!tpu.dma_semaphore, #tpu.memory_space<semaphore_mem>>)
      %dma_wait3A_395 = arith.constant 0 : i32
      %dma_wait3A_396 = tpu.memref_slice %arg15[%add3A_377, %dma_wait3A_395] : memref<10240x128xf32, #tpu.memory_space<vmem_shared>> -> memref<64x128xf32, #tpu.memory_space<vmem_shared>>
      %dma_wait3A_397 = arith.constant 0 : i32
      %dma_wait3A_398 = tpu.memref_slice %arg15[%add3A_377, %dma_wait3A_397] : memref<10240x128xf32, #tpu.memory_space<vmem_shared>> -> memref<64x128xf32, #tpu.memory_space<vmem_shared>>
      tpu.wait_dma2 semaphore(%run_scoped3A : memref<!tpu.dma_semaphore, #tpu.memory_space<semaphore_mem>>) src(%dma_wait3A_398 : memref<64x128xf32, #tpu.memory_space<vmem_shared>>) dst(%arg22 : memref<64x128xf32, #tpu.memory_space<vmem>>)
      tpu.yield
    }) : () -> ()
    "tpu.region"() ({
      %run_scoped3A = tpu.sem_alloc : memref<!tpu.dma_semaphore, #tpu.memory_space<semaphore_mem>>
      %dma_start3A_391 = arith.constant 0 : i32
      %dma_start3A_392 = tpu.memref_slice %arg14[%arg0, %add3A_377, %dma_start3A_391] : memref<2x10240x128xf32, #tpu.memory_space<hbm>> -> memref<1x64x128xf32, #tpu.memory_space<hbm>>
      %dma_start3A_393 = tpu.memref_squeeze %dma_start3A_392 : memref<1x64x128xf32, #tpu.memory_space<hbm>> -> memref<64x128xf32, #tpu.memory_space<hbm>>
      %dma_start3A_394 = arith.constant 0 : i32
      %dma_start3A_395 = tpu.memref_slice %arg14[%arg0, %add3A_377, %dma_start3A_394] : memref<2x10240x128xf32, #tpu.memory_space<hbm>> -> memref<1x64x128xf32, #tpu.memory_space<hbm>>
      %dma_start3A_396 = tpu.memref_squeeze %dma_start3A_395 : memref<1x64x128xf32, #tpu.memory_space<hbm>> -> memref<64x128xf32, #tpu.memory_space<hbm>>
      tpu.enqueue_dma source(%arg22 : memref<64x128xf32, #tpu.memory_space<vmem>>) target(%dma_start3A_396 : memref<64x128xf32, #tpu.memory_space<hbm>>) target_semaphore(%run_scoped3A : memref<!tpu.dma_semaphore, #tpu.memory_space<semaphore_mem>>)
      %dma_wait3A_397 = arith.constant 0 : i32
      %dma_wait3A_398 = tpu.memref_slice %arg14[%arg0, %add3A_377, %dma_wait3A_397] : memref<2x10240x128xf32, #tpu.memory_space<hbm>> -> memref<1x64x128xf32, #tpu.memory_space<hbm>>
      %dma_wait3A_399 = tpu.memref_squeeze %dma_wait3A_398 : memref<1x64x128xf32, #tpu.memory_space<hbm>> -> memref<64x128xf32, #tpu.memory_space<hbm>>
      %dma_wait3A_400 = arith.constant 0 : i32
      %dma_wait3A_401 = tpu.memref_slice %arg14[%arg0, %add3A_377, %dma_wait3A_400] : memref<2x10240x128xf32, #tpu.memory_space<hbm>> -> memref<1x64x128xf32, #tpu.memory_space<hbm>>
      %dma_wait3A_402 = tpu.memref_squeeze %dma_wait3A_401 : memref<1x64x128xf32, #tpu.memory_space<hbm>> -> memref<64x128xf32, #tpu.memory_space<hbm>>
      tpu.wait_dma2 semaphore(%run_scoped3A : memref<!tpu.dma_semaphore, #tpu.memory_space<semaphore_mem>>) src(%arg22 : memref<64x128xf32, #tpu.memory_space<vmem>>) dst(%dma_wait3A_402 : memref<64x128xf32, #tpu.memory_space<hbm>>)
      tpu.yield
    }) : () -> ()
    %mul3A_378 = arith.constant 640 : i32
    %mul3A_379 = arith.muli %arg1, %mul3A_378 : i32
    %add3A_380 = arith.constant 448 : i32
    %add3A_381 = arith.addi %mul3A_379, %add3A_380 : i32
    "tpu.region"() ({
      %run_scoped3A = tpu.sem_alloc : memref<!tpu.dma_semaphore, #tpu.memory_space<semaphore_mem>>
      %dma_start3A_391 = arith.constant 0 : i32
      %dma_start3A_392 = tpu.memref_slice %arg15[%add3A_381, %dma_start3A_391] : memref<10240x128xf32, #tpu.memory_space<vmem_shared>> -> memref<64x128xf32, #tpu.memory_space<vmem_shared>>
      %dma_start3A_393 = arith.constant 0 : i32
      %dma_start3A_394 = tpu.memref_slice %arg15[%add3A_381, %dma_start3A_393] : memref<10240x128xf32, #tpu.memory_space<vmem_shared>> -> memref<64x128xf32, #tpu.memory_space<vmem_shared>>
      tpu.enqueue_dma source(%dma_start3A_394 : memref<64x128xf32, #tpu.memory_space<vmem_shared>>) target(%arg22 : memref<64x128xf32, #tpu.memory_space<vmem>>) target_semaphore(%run_scoped3A : memref<!tpu.dma_semaphore, #tpu.memory_space<semaphore_mem>>)
      %dma_wait3A_395 = arith.constant 0 : i32
      %dma_wait3A_396 = tpu.memref_slice %arg15[%add3A_381, %dma_wait3A_395] : memref<10240x128xf32, #tpu.memory_space<vmem_shared>> -> memref<64x128xf32, #tpu.memory_space<vmem_shared>>
      %dma_wait3A_397 = arith.constant 0 : i32
      %dma_wait3A_398 = tpu.memref_slice %arg15[%add3A_381, %dma_wait3A_397] : memref<10240x128xf32, #tpu.memory_space<vmem_shared>> -> memref<64x128xf32, #tpu.memory_space<vmem_shared>>
      tpu.wait_dma2 semaphore(%run_scoped3A : memref<!tpu.dma_semaphore, #tpu.memory_space<semaphore_mem>>) src(%dma_wait3A_398 : memref<64x128xf32, #tpu.memory_space<vmem_shared>>) dst(%arg22 : memref<64x128xf32, #tpu.memory_space<vmem>>)
      tpu.yield
    }) : () -> ()
    "tpu.region"() ({
      %run_scoped3A = tpu.sem_alloc : memref<!tpu.dma_semaphore, #tpu.memory_space<semaphore_mem>>
      %dma_start3A_391 = arith.constant 0 : i32
      %dma_start3A_392 = tpu.memref_slice %arg14[%arg0, %add3A_381, %dma_start3A_391] : memref<2x10240x128xf32, #tpu.memory_space<hbm>> -> memref<1x64x128xf32, #tpu.memory_space<hbm>>
      %dma_start3A_393 = tpu.memref_squeeze %dma_start3A_392 : memref<1x64x128xf32, #tpu.memory_space<hbm>> -> memref<64x128xf32, #tpu.memory_space<hbm>>
      %dma_start3A_394 = arith.constant 0 : i32
      %dma_start3A_395 = tpu.memref_slice %arg14[%arg0, %add3A_381, %dma_start3A_394] : memref<2x10240x128xf32, #tpu.memory_space<hbm>> -> memref<1x64x128xf32, #tpu.memory_space<hbm>>
      %dma_start3A_396 = tpu.memref_squeeze %dma_start3A_395 : memref<1x64x128xf32, #tpu.memory_space<hbm>> -> memref<64x128xf32, #tpu.memory_space<hbm>>
      tpu.enqueue_dma source(%arg22 : memref<64x128xf32, #tpu.memory_space<vmem>>) target(%dma_start3A_396 : memref<64x128xf32, #tpu.memory_space<hbm>>) target_semaphore(%run_scoped3A : memref<!tpu.dma_semaphore, #tpu.memory_space<semaphore_mem>>)
      %dma_wait3A_397 = arith.constant 0 : i32
      %dma_wait3A_398 = tpu.memref_slice %arg14[%arg0, %add3A_381, %dma_wait3A_397] : memref<2x10240x128xf32, #tpu.memory_space<hbm>> -> memref<1x64x128xf32, #tpu.memory_space<hbm>>
      %dma_wait3A_399 = tpu.memref_squeeze %dma_wait3A_398 : memref<1x64x128xf32, #tpu.memory_space<hbm>> -> memref<64x128xf32, #tpu.memory_space<hbm>>
      %dma_wait3A_400 = arith.constant 0 : i32
      %dma_wait3A_401 = tpu.memref_slice %arg14[%arg0, %add3A_381, %dma_wait3A_400] : memref<2x10240x128xf32, #tpu.memory_space<hbm>> -> memref<1x64x128xf32, #tpu.memory_space<hbm>>
      %dma_wait3A_402 = tpu.memref_squeeze %dma_wait3A_401 : memref<1x64x128xf32, #tpu.memory_space<hbm>> -> memref<64x128xf32, #tpu.memory_space<hbm>>
      tpu.wait_dma2 semaphore(%run_scoped3A : memref<!tpu.dma_semaphore, #tpu.memory_space<semaphore_mem>>) src(%arg22 : memref<64x128xf32, #tpu.memory_space<vmem>>) dst(%dma_wait3A_402 : memref<64x128xf32, #tpu.memory_space<hbm>>)
      tpu.yield
    }) : () -> ()
    %mul3A_382 = arith.constant 640 : i32
    %mul3A_383 = arith.muli %arg1, %mul3A_382 : i32
    %add3A_384 = arith.constant 512 : i32
    %add3A_385 = arith.addi %mul3A_383, %add3A_384 : i32
    "tpu.region"() ({
      %run_scoped3A = tpu.sem_alloc : memref<!tpu.dma_semaphore, #tpu.memory_space<semaphore_mem>>
      %dma_start3A_391 = arith.constant 0 : i32
      %dma_start3A_392 = tpu.memref_slice %arg15[%add3A_385, %dma_start3A_391] : memref<10240x128xf32, #tpu.memory_space<vmem_shared>> -> memref<64x128xf32, #tpu.memory_space<vmem_shared>>
      %dma_start3A_393 = arith.constant 0 : i32
      %dma_start3A_394 = tpu.memref_slice %arg15[%add3A_385, %dma_start3A_393] : memref<10240x128xf32, #tpu.memory_space<vmem_shared>> -> memref<64x128xf32, #tpu.memory_space<vmem_shared>>
      tpu.enqueue_dma source(%dma_start3A_394 : memref<64x128xf32, #tpu.memory_space<vmem_shared>>) target(%arg22 : memref<64x128xf32, #tpu.memory_space<vmem>>) target_semaphore(%run_scoped3A : memref<!tpu.dma_semaphore, #tpu.memory_space<semaphore_mem>>)
      %dma_wait3A_395 = arith.constant 0 : i32
      %dma_wait3A_396 = tpu.memref_slice %arg15[%add3A_385, %dma_wait3A_395] : memref<10240x128xf32, #tpu.memory_space<vmem_shared>> -> memref<64x128xf32, #tpu.memory_space<vmem_shared>>
      %dma_wait3A_397 = arith.constant 0 : i32
      %dma_wait3A_398 = tpu.memref_slice %arg15[%add3A_385, %dma_wait3A_397] : memref<10240x128xf32, #tpu.memory_space<vmem_shared>> -> memref<64x128xf32, #tpu.memory_space<vmem_shared>>
      tpu.wait_dma2 semaphore(%run_scoped3A : memref<!tpu.dma_semaphore, #tpu.memory_space<semaphore_mem>>) src(%dma_wait3A_398 : memref<64x128xf32, #tpu.memory_space<vmem_shared>>) dst(%arg22 : memref<64x128xf32, #tpu.memory_space<vmem>>)
      tpu.yield
    }) : () -> ()
    "tpu.region"() ({
      %run_scoped3A = tpu.sem_alloc : memref<!tpu.dma_semaphore, #tpu.memory_space<semaphore_mem>>
      %dma_start3A_391 = arith.constant 0 : i32
      %dma_start3A_392 = tpu.memref_slice %arg14[%arg0, %add3A_385, %dma_start3A_391] : memref<2x10240x128xf32, #tpu.memory_space<hbm>> -> memref<1x64x128xf32, #tpu.memory_space<hbm>>
      %dma_start3A_393 = tpu.memref_squeeze %dma_start3A_392 : memref<1x64x128xf32, #tpu.memory_space<hbm>> -> memref<64x128xf32, #tpu.memory_space<hbm>>
      %dma_start3A_394 = arith.constant 0 : i32
      %dma_start3A_395 = tpu.memref_slice %arg14[%arg0, %add3A_385, %dma_start3A_394] : memref<2x10240x128xf32, #tpu.memory_space<hbm>> -> memref<1x64x128xf32, #tpu.memory_space<hbm>>
      %dma_start3A_396 = tpu.memref_squeeze %dma_start3A_395 : memref<1x64x128xf32, #tpu.memory_space<hbm>> -> memref<64x128xf32, #tpu.memory_space<hbm>>
      tpu.enqueue_dma source(%arg22 : memref<64x128xf32, #tpu.memory_space<vmem>>) target(%dma_start3A_396 : memref<64x128xf32, #tpu.memory_space<hbm>>) target_semaphore(%run_scoped3A : memref<!tpu.dma_semaphore, #tpu.memory_space<semaphore_mem>>)
      %dma_wait3A_397 = arith.constant 0 : i32
      %dma_wait3A_398 = tpu.memref_slice %arg14[%arg0, %add3A_385, %dma_wait3A_397] : memref<2x10240x128xf32, #tpu.memory_space<hbm>> -> memref<1x64x128xf32, #tpu.memory_space<hbm>>
      %dma_wait3A_399 = tpu.memref_squeeze %dma_wait3A_398 : memref<1x64x128xf32, #tpu.memory_space<hbm>> -> memref<64x128xf32, #tpu.memory_space<hbm>>
      %dma_wait3A_400 = arith.constant 0 : i32
      %dma_wait3A_401 = tpu.memref_slice %arg14[%arg0, %add3A_385, %dma_wait3A_400] : memref<2x10240x128xf32, #tpu.memory_space<hbm>> -> memref<1x64x128xf32, #tpu.memory_space<hbm>>
      %dma_wait3A_402 = tpu.memref_squeeze %dma_wait3A_401 : memref<1x64x128xf32, #tpu.memory_space<hbm>> -> memref<64x128xf32, #tpu.memory_space<hbm>>
      tpu.wait_dma2 semaphore(%run_scoped3A : memref<!tpu.dma_semaphore, #tpu.memory_space<semaphore_mem>>) src(%arg22 : memref<64x128xf32, #tpu.memory_space<vmem>>) dst(%dma_wait3A_402 : memref<64x128xf32, #tpu.memory_space<hbm>>)
      tpu.yield
    }) : () -> ()
    %mul3A_386 = arith.constant 640 : i32
    %mul3A_387 = arith.muli %arg1, %mul3A_386 : i32
    %add3A_388 = arith.constant 576 : i32
    %add3A_389 = arith.addi %mul3A_387, %add3A_388 : i32
    "tpu.region"() ({
      %run_scoped3A = tpu.sem_alloc : memref<!tpu.dma_semaphore, #tpu.memory_space<semaphore_mem>>
      %dma_start3A_391 = arith.constant 0 : i32
      %dma_start3A_392 = tpu.memref_slice %arg15[%add3A_389, %dma_start3A_391] : memref<10240x128xf32, #tpu.memory_space<vmem_shared>> -> memref<64x128xf32, #tpu.memory_space<vmem_shared>>
      %dma_start3A_393 = arith.constant 0 : i32
      %dma_start3A_394 = tpu.memref_slice %arg15[%add3A_389, %dma_start3A_393] : memref<10240x128xf32, #tpu.memory_space<vmem_shared>> -> memref<64x128xf32, #tpu.memory_space<vmem_shared>>
      tpu.enqueue_dma source(%dma_start3A_394 : memref<64x128xf32, #tpu.memory_space<vmem_shared>>) target(%arg22 : memref<64x128xf32, #tpu.memory_space<vmem>>) target_semaphore(%run_scoped3A : memref<!tpu.dma_semaphore, #tpu.memory_space<semaphore_mem>>)
      %dma_wait3A_395 = arith.constant 0 : i32
      %dma_wait3A_396 = tpu.memref_slice %arg15[%add3A_389, %dma_wait3A_395] : memref<10240x128xf32, #tpu.memory_space<vmem_shared>> -> memref<64x128xf32, #tpu.memory_space<vmem_shared>>
      %dma_wait3A_397 = arith.constant 0 : i32
      %dma_wait3A_398 = tpu.memref_slice %arg15[%add3A_389, %dma_wait3A_397] : memref<10240x128xf32, #tpu.memory_space<vmem_shared>> -> memref<64x128xf32, #tpu.memory_space<vmem_shared>>
      tpu.wait_dma2 semaphore(%run_scoped3A : memref<!tpu.dma_semaphore, #tpu.memory_space<semaphore_mem>>) src(%dma_wait3A_398 : memref<64x128xf32, #tpu.memory_space<vmem_shared>>) dst(%arg22 : memref<64x128xf32, #tpu.memory_space<vmem>>)
      tpu.yield
    }) : () -> ()
    "tpu.region"() ({
      %run_scoped3A = tpu.sem_alloc : memref<!tpu.dma_semaphore, #tpu.memory_space<semaphore_mem>>
      %dma_start3A_391 = arith.constant 0 : i32
      %dma_start3A_392 = tpu.memref_slice %arg14[%arg0, %add3A_389, %dma_start3A_391] : memref<2x10240x128xf32, #tpu.memory_space<hbm>> -> memref<1x64x128xf32, #tpu.memory_space<hbm>>
      %dma_start3A_393 = tpu.memref_squeeze %dma_start3A_392 : memref<1x64x128xf32, #tpu.memory_space<hbm>> -> memref<64x128xf32, #tpu.memory_space<hbm>>
      %dma_start3A_394 = arith.constant 0 : i32
      %dma_start3A_395 = tpu.memref_slice %arg14[%arg0, %add3A_389, %dma_start3A_394] : memref<2x10240x128xf32, #tpu.memory_space<hbm>> -> memref<1x64x128xf32, #tpu.memory_space<hbm>>
      %dma_start3A_396 = tpu.memref_squeeze %dma_start3A_395 : memref<1x64x128xf32, #tpu.memory_space<hbm>> -> memref<64x128xf32, #tpu.memory_space<hbm>>
      tpu.enqueue_dma source(%arg22 : memref<64x128xf32, #tpu.memory_space<vmem>>) target(%dma_start3A_396 : memref<64x128xf32, #tpu.memory_space<hbm>>) target_semaphore(%run_scoped3A : memref<!tpu.dma_semaphore, #tpu.memory_space<semaphore_mem>>)
      %dma_wait3A_397 = arith.constant 0 : i32
      %dma_wait3A_398 = tpu.memref_slice %arg14[%arg0, %add3A_389, %dma_wait3A_397] : memref<2x10240x128xf32, #tpu.memory_space<hbm>> -> memref<1x64x128xf32, #tpu.memory_space<hbm>>
      %dma_wait3A_399 = tpu.memref_squeeze %dma_wait3A_398 : memref<1x64x128xf32, #tpu.memory_space<hbm>> -> memref<64x128xf32, #tpu.memory_space<hbm>>
      %dma_wait3A_400 = arith.constant 0 : i32
      %dma_wait3A_401 = tpu.memref_slice %arg14[%arg0, %add3A_389, %dma_wait3A_400] : memref<2x10240x128xf32, #tpu.memory_space<hbm>> -> memref<1x64x128xf32, #tpu.memory_space<hbm>>
      %dma_wait3A_402 = tpu.memref_squeeze %dma_wait3A_401 : memref<1x64x128xf32, #tpu.memory_space<hbm>> -> memref<64x128xf32, #tpu.memory_space<hbm>>
      tpu.wait_dma2 semaphore(%run_scoped3A : memref<!tpu.dma_semaphore, #tpu.memory_space<semaphore_mem>>) src(%arg22 : memref<64x128xf32, #tpu.memory_space<vmem>>) dst(%dma_wait3A_402 : memref<64x128xf32, #tpu.memory_space<hbm>>)
      tpu.yield
    }) : () -> ()
    %barrier3A_390 = arith.constant 0 : index
    tpu.barrier barrier_id(%barrier3A_390)
    return
  }
}

#map = affine_map<(d0, d1) -> (0)>
#map1 = affine_map<(d0, d1) -> (0, 0, 0)>
module attributes {stable_mosaic.version = 14 : i64} {
  func.func @_deg_body(%arg0: i32, %arg1: i32, %arg2: memref<320000xi32, #tpu.memory_space<hbm>>, %arg3: memref<320000xi32, #tpu.memory_space<hbm>>, %arg4: memref<320000xi32, #tpu.memory_space<hbm>>, %arg5: memref<320000xi32, #tpu.memory_space<hbm>>, %arg6: memref<320000xi32, #tpu.memory_space<hbm>>, %arg7: memref<320000xi32, #tpu.memory_space<hbm>>, %arg8: memref<10000xf32, #tpu.memory_space<hbm>>, %arg9: memref<640xf32, #tpu.memory_space<hbm>>, %arg10: memref<2x1x61440xf32, #tpu.memory_space<hbm>>, %arg11: memref<10240xf32, #tpu.memory_space<vmem_shared>>, %arg12: memref<10240xf32, #tpu.memory_space<vmem_shared>>, %arg13: memref<10240xf32, #tpu.memory_space<vmem_shared>>, %arg14: memref<10240xf32, #tpu.memory_space<vmem_shared>>, %arg15: memref<10240xf32, #tpu.memory_space<vmem_shared>>, %arg16: memref<10240xf32, #tpu.memory_space<vmem_shared>>, %arg17: memref<10000xi32, #tpu.memory_space<vmem>>, %arg18: memref<10000xi32, #tpu.memory_space<vmem>>, %arg19: memref<10000xf32, #tpu.memory_space<vmem>>, %arg20: memref<640xf32, #tpu.memory_space<vmem>>, %arg21: memref<!tpu.dma_semaphore, #tpu.memory_space<semaphore_mem>>, %arg22: memref<!tpu.dma_semaphore, #tpu.memory_space<semaphore_mem>>) attributes {dimension_semantics = [#tpu.dimension_semantics<core_parallel>, #tpu.dimension_semantics<subcore_parallel>], iteration_bounds = array<i64: 2, 16>, scalar_prefetch = 0 : i64, scratch_operands = 12 : i64, tpu.core_type = #tpu.core_type<sc_vector_subcore>, window_params = [{transform_indices = #map}, {transform_indices = #map}, {transform_indices = #map}, {transform_indices = #map}, {transform_indices = #map}, {transform_indices = #map}, {transform_indices = #map}, {transform_indices = #map}, {transform_indices = #map1}]} {
    %mul3A = arith.constant 160000 : i32
    %mul3A_0 = arith.muli %arg0, %mul3A : i32
    %mul3A_1 = arith.constant 10000 : i32
    %mul3A_2 = arith.muli %arg1, %mul3A_1 : i32
    %add3A = arith.addi %mul3A_0, %mul3A_2 : i32
    "tpu.region"() ({
      %run_scoped3A_79 = tpu.sem_alloc : memref<!tpu.dma_semaphore, #tpu.memory_space<semaphore_mem>>
      tpu.enqueue_dma source(%arg9 : memref<640xf32, #tpu.memory_space<hbm>>) target(%arg20 : memref<640xf32, #tpu.memory_space<vmem>>) target_semaphore(%run_scoped3A_79 : memref<!tpu.dma_semaphore, #tpu.memory_space<semaphore_mem>>)
      tpu.wait_dma2 semaphore(%run_scoped3A_79 : memref<!tpu.dma_semaphore, #tpu.memory_space<semaphore_mem>>) src(%arg9 : memref<640xf32, #tpu.memory_space<hbm>>) dst(%arg20 : memref<640xf32, #tpu.memory_space<vmem>>)
      tpu.yield
    }) : () -> ()
    "tpu.region"() ({
      %run_scoped3A_79 = tpu.sem_alloc : memref<!tpu.dma_semaphore, #tpu.memory_space<semaphore_mem>>
      tpu.enqueue_dma source(%arg8 : memref<10000xf32, #tpu.memory_space<hbm>>) target(%arg19 : memref<10000xf32, #tpu.memory_space<vmem>>) target_semaphore(%run_scoped3A_79 : memref<!tpu.dma_semaphore, #tpu.memory_space<semaphore_mem>>)
      tpu.wait_dma2 semaphore(%run_scoped3A_79 : memref<!tpu.dma_semaphore, #tpu.memory_space<semaphore_mem>>) src(%arg8 : memref<10000xf32, #tpu.memory_space<hbm>>) dst(%arg19 : memref<10000xf32, #tpu.memory_space<vmem>>)
      tpu.yield
    }) : () -> ()
    %mul3A_3 = arith.constant 640 : i32
    %mul3A_4 = arith.muli %arg1, %mul3A_3 : i32
    "tpu.region"() ({
      %run_scoped3A_79 = tpu.sem_alloc : memref<!tpu.dma_semaphore, #tpu.memory_space<semaphore_mem>>
      %dma_start3A_80 = tpu.memref_slice %arg11[%mul3A_4] : memref<10240xf32, #tpu.memory_space<vmem_shared>> -> memref<640xf32, #tpu.memory_space<vmem_shared>>
      %dma_start3A_81 = tpu.memref_slice %arg11[%mul3A_4] : memref<10240xf32, #tpu.memory_space<vmem_shared>> -> memref<640xf32, #tpu.memory_space<vmem_shared>>
      tpu.enqueue_dma source(%arg20 : memref<640xf32, #tpu.memory_space<vmem>>) target(%dma_start3A_81 : memref<640xf32, #tpu.memory_space<vmem_shared>>) target_semaphore(%run_scoped3A_79 : memref<!tpu.dma_semaphore, #tpu.memory_space<semaphore_mem>>)
      %dma_wait3A_82 = tpu.memref_slice %arg11[%mul3A_4] : memref<10240xf32, #tpu.memory_space<vmem_shared>> -> memref<640xf32, #tpu.memory_space<vmem_shared>>
      %dma_wait3A_83 = tpu.memref_slice %arg11[%mul3A_4] : memref<10240xf32, #tpu.memory_space<vmem_shared>> -> memref<640xf32, #tpu.memory_space<vmem_shared>>
      tpu.wait_dma2 semaphore(%run_scoped3A_79 : memref<!tpu.dma_semaphore, #tpu.memory_space<semaphore_mem>>) src(%arg20 : memref<640xf32, #tpu.memory_space<vmem>>) dst(%dma_wait3A_83 : memref<640xf32, #tpu.memory_space<vmem_shared>>)
      tpu.yield
    }) : () -> ()
    %mul3A_5 = arith.constant 640 : i32
    %mul3A_6 = arith.muli %arg1, %mul3A_5 : i32
    "tpu.region"() ({
      %run_scoped3A_79 = tpu.sem_alloc : memref<!tpu.dma_semaphore, #tpu.memory_space<semaphore_mem>>
      %dma_start3A_80 = tpu.memref_slice %arg12[%mul3A_6] : memref<10240xf32, #tpu.memory_space<vmem_shared>> -> memref<640xf32, #tpu.memory_space<vmem_shared>>
      %dma_start3A_81 = tpu.memref_slice %arg12[%mul3A_6] : memref<10240xf32, #tpu.memory_space<vmem_shared>> -> memref<640xf32, #tpu.memory_space<vmem_shared>>
      tpu.enqueue_dma source(%arg20 : memref<640xf32, #tpu.memory_space<vmem>>) target(%dma_start3A_81 : memref<640xf32, #tpu.memory_space<vmem_shared>>) target_semaphore(%run_scoped3A_79 : memref<!tpu.dma_semaphore, #tpu.memory_space<semaphore_mem>>)
      %dma_wait3A_82 = tpu.memref_slice %arg12[%mul3A_6] : memref<10240xf32, #tpu.memory_space<vmem_shared>> -> memref<640xf32, #tpu.memory_space<vmem_shared>>
      %dma_wait3A_83 = tpu.memref_slice %arg12[%mul3A_6] : memref<10240xf32, #tpu.memory_space<vmem_shared>> -> memref<640xf32, #tpu.memory_space<vmem_shared>>
      tpu.wait_dma2 semaphore(%run_scoped3A_79 : memref<!tpu.dma_semaphore, #tpu.memory_space<semaphore_mem>>) src(%arg20 : memref<640xf32, #tpu.memory_space<vmem>>) dst(%dma_wait3A_83 : memref<640xf32, #tpu.memory_space<vmem_shared>>)
      tpu.yield
    }) : () -> ()
    %mul3A_7 = arith.constant 640 : i32
    %mul3A_8 = arith.muli %arg1, %mul3A_7 : i32
    "tpu.region"() ({
      %run_scoped3A_79 = tpu.sem_alloc : memref<!tpu.dma_semaphore, #tpu.memory_space<semaphore_mem>>
      %dma_start3A_80 = tpu.memref_slice %arg13[%mul3A_8] : memref<10240xf32, #tpu.memory_space<vmem_shared>> -> memref<640xf32, #tpu.memory_space<vmem_shared>>
      %dma_start3A_81 = tpu.memref_slice %arg13[%mul3A_8] : memref<10240xf32, #tpu.memory_space<vmem_shared>> -> memref<640xf32, #tpu.memory_space<vmem_shared>>
      tpu.enqueue_dma source(%arg20 : memref<640xf32, #tpu.memory_space<vmem>>) target(%dma_start3A_81 : memref<640xf32, #tpu.memory_space<vmem_shared>>) target_semaphore(%run_scoped3A_79 : memref<!tpu.dma_semaphore, #tpu.memory_space<semaphore_mem>>)
      %dma_wait3A_82 = tpu.memref_slice %arg13[%mul3A_8] : memref<10240xf32, #tpu.memory_space<vmem_shared>> -> memref<640xf32, #tpu.memory_space<vmem_shared>>
      %dma_wait3A_83 = tpu.memref_slice %arg13[%mul3A_8] : memref<10240xf32, #tpu.memory_space<vmem_shared>> -> memref<640xf32, #tpu.memory_space<vmem_shared>>
      tpu.wait_dma2 semaphore(%run_scoped3A_79 : memref<!tpu.dma_semaphore, #tpu.memory_space<semaphore_mem>>) src(%arg20 : memref<640xf32, #tpu.memory_space<vmem>>) dst(%dma_wait3A_83 : memref<640xf32, #tpu.memory_space<vmem_shared>>)
      tpu.yield
    }) : () -> ()
    %mul3A_9 = arith.constant 640 : i32
    %mul3A_10 = arith.muli %arg1, %mul3A_9 : i32
    "tpu.region"() ({
      %run_scoped3A_79 = tpu.sem_alloc : memref<!tpu.dma_semaphore, #tpu.memory_space<semaphore_mem>>
      %dma_start3A_80 = tpu.memref_slice %arg14[%mul3A_10] : memref<10240xf32, #tpu.memory_space<vmem_shared>> -> memref<640xf32, #tpu.memory_space<vmem_shared>>
      %dma_start3A_81 = tpu.memref_slice %arg14[%mul3A_10] : memref<10240xf32, #tpu.memory_space<vmem_shared>> -> memref<640xf32, #tpu.memory_space<vmem_shared>>
      tpu.enqueue_dma source(%arg20 : memref<640xf32, #tpu.memory_space<vmem>>) target(%dma_start3A_81 : memref<640xf32, #tpu.memory_space<vmem_shared>>) target_semaphore(%run_scoped3A_79 : memref<!tpu.dma_semaphore, #tpu.memory_space<semaphore_mem>>)
      %dma_wait3A_82 = tpu.memref_slice %arg14[%mul3A_10] : memref<10240xf32, #tpu.memory_space<vmem_shared>> -> memref<640xf32, #tpu.memory_space<vmem_shared>>
      %dma_wait3A_83 = tpu.memref_slice %arg14[%mul3A_10] : memref<10240xf32, #tpu.memory_space<vmem_shared>> -> memref<640xf32, #tpu.memory_space<vmem_shared>>
      tpu.wait_dma2 semaphore(%run_scoped3A_79 : memref<!tpu.dma_semaphore, #tpu.memory_space<semaphore_mem>>) src(%arg20 : memref<640xf32, #tpu.memory_space<vmem>>) dst(%dma_wait3A_83 : memref<640xf32, #tpu.memory_space<vmem_shared>>)
      tpu.yield
    }) : () -> ()
    %mul3A_11 = arith.constant 640 : i32
    %mul3A_12 = arith.muli %arg1, %mul3A_11 : i32
    "tpu.region"() ({
      %run_scoped3A_79 = tpu.sem_alloc : memref<!tpu.dma_semaphore, #tpu.memory_space<semaphore_mem>>
      %dma_start3A_80 = tpu.memref_slice %arg15[%mul3A_12] : memref<10240xf32, #tpu.memory_space<vmem_shared>> -> memref<640xf32, #tpu.memory_space<vmem_shared>>
      %dma_start3A_81 = tpu.memref_slice %arg15[%mul3A_12] : memref<10240xf32, #tpu.memory_space<vmem_shared>> -> memref<640xf32, #tpu.memory_space<vmem_shared>>
      tpu.enqueue_dma source(%arg20 : memref<640xf32, #tpu.memory_space<vmem>>) target(%dma_start3A_81 : memref<640xf32, #tpu.memory_space<vmem_shared>>) target_semaphore(%run_scoped3A_79 : memref<!tpu.dma_semaphore, #tpu.memory_space<semaphore_mem>>)
      %dma_wait3A_82 = tpu.memref_slice %arg15[%mul3A_12] : memref<10240xf32, #tpu.memory_space<vmem_shared>> -> memref<640xf32, #tpu.memory_space<vmem_shared>>
      %dma_wait3A_83 = tpu.memref_slice %arg15[%mul3A_12] : memref<10240xf32, #tpu.memory_space<vmem_shared>> -> memref<640xf32, #tpu.memory_space<vmem_shared>>
      tpu.wait_dma2 semaphore(%run_scoped3A_79 : memref<!tpu.dma_semaphore, #tpu.memory_space<semaphore_mem>>) src(%arg20 : memref<640xf32, #tpu.memory_space<vmem>>) dst(%dma_wait3A_83 : memref<640xf32, #tpu.memory_space<vmem_shared>>)
      tpu.yield
    }) : () -> ()
    %mul3A_13 = arith.constant 640 : i32
    %mul3A_14 = arith.muli %arg1, %mul3A_13 : i32
    "tpu.region"() ({
      %run_scoped3A_79 = tpu.sem_alloc : memref<!tpu.dma_semaphore, #tpu.memory_space<semaphore_mem>>
      %dma_start3A_80 = tpu.memref_slice %arg16[%mul3A_14] : memref<10240xf32, #tpu.memory_space<vmem_shared>> -> memref<640xf32, #tpu.memory_space<vmem_shared>>
      %dma_start3A_81 = tpu.memref_slice %arg16[%mul3A_14] : memref<10240xf32, #tpu.memory_space<vmem_shared>> -> memref<640xf32, #tpu.memory_space<vmem_shared>>
      tpu.enqueue_dma source(%arg20 : memref<640xf32, #tpu.memory_space<vmem>>) target(%dma_start3A_81 : memref<640xf32, #tpu.memory_space<vmem_shared>>) target_semaphore(%run_scoped3A_79 : memref<!tpu.dma_semaphore, #tpu.memory_space<semaphore_mem>>)
      %dma_wait3A_82 = tpu.memref_slice %arg16[%mul3A_14] : memref<10240xf32, #tpu.memory_space<vmem_shared>> -> memref<640xf32, #tpu.memory_space<vmem_shared>>
      %dma_wait3A_83 = tpu.memref_slice %arg16[%mul3A_14] : memref<10240xf32, #tpu.memory_space<vmem_shared>> -> memref<640xf32, #tpu.memory_space<vmem_shared>>
      tpu.wait_dma2 semaphore(%run_scoped3A_79 : memref<!tpu.dma_semaphore, #tpu.memory_space<semaphore_mem>>) src(%arg20 : memref<640xf32, #tpu.memory_space<vmem>>) dst(%dma_wait3A_83 : memref<640xf32, #tpu.memory_space<vmem_shared>>)
      tpu.yield
    }) : () -> ()
    %dma_start3A = tpu.memref_slice %arg2[%add3A] : memref<320000xi32, #tpu.memory_space<hbm>> -> memref<10000xi32, #tpu.memory_space<hbm>>
    %dma_start3A_15 = tpu.memref_slice %arg2[%add3A] : memref<320000xi32, #tpu.memory_space<hbm>> -> memref<10000xi32, #tpu.memory_space<hbm>>
    tpu.enqueue_dma source(%dma_start3A_15 : memref<10000xi32, #tpu.memory_space<hbm>>) target(%arg17 : memref<10000xi32, #tpu.memory_space<vmem>>) target_semaphore(%arg21 : memref<!tpu.dma_semaphore, #tpu.memory_space<semaphore_mem>>)
    %barrier3A = arith.constant 0 : index
    tpu.barrier barrier_id(%barrier3A)
    %dma_wait3A = tpu.memref_slice %arg2[%add3A] : memref<320000xi32, #tpu.memory_space<hbm>> -> memref<10000xi32, #tpu.memory_space<hbm>>
    %dma_wait3A_16 = tpu.memref_slice %arg2[%add3A] : memref<320000xi32, #tpu.memory_space<hbm>> -> memref<10000xi32, #tpu.memory_space<hbm>>
    tpu.wait_dma2 semaphore(%arg21 : memref<!tpu.dma_semaphore, #tpu.memory_space<semaphore_mem>>) src(%dma_wait3A_16 : memref<10000xi32, #tpu.memory_space<hbm>>) dst(%arg17 : memref<10000xi32, #tpu.memory_space<vmem>>)
    %dma_start3A_17 = tpu.memref_slice %arg3[%add3A] : memref<320000xi32, #tpu.memory_space<hbm>> -> memref<10000xi32, #tpu.memory_space<hbm>>
    %dma_start3A_18 = tpu.memref_slice %arg3[%add3A] : memref<320000xi32, #tpu.memory_space<hbm>> -> memref<10000xi32, #tpu.memory_space<hbm>>
    tpu.enqueue_dma source(%dma_start3A_18 : memref<10000xi32, #tpu.memory_space<hbm>>) target(%arg18 : memref<10000xi32, #tpu.memory_space<vmem>>) target_semaphore(%arg22 : memref<!tpu.dma_semaphore, #tpu.memory_space<semaphore_mem>>)
    "tpu.region"() ({
      %run_scoped3A_79 = tpu.sem_alloc : memref<!tpu.dma_semaphore, #tpu.memory_space<semaphore_mem>>
      %dma_start3A_80 = arith.constant 0 : i32
      %dma_start3A_81 = tpu.memref_slice %arg11[%dma_start3A_80] : memref<10240xf32, #tpu.memory_space<vmem_shared>> -> memref<10240xf32, #tpu.memory_space<vmem_shared>>
      tpu.enqueue_indirect_dma source(%arg19 : memref<10000xf32, #tpu.memory_space<vmem>>) target(%dma_start3A_81 : memref<10240xf32, #tpu.memory_space<vmem_shared>>) offsets(%arg17 : memref<10000xi32, #tpu.memory_space<vmem>>) semaphore(%run_scoped3A_79 : memref<!tpu.dma_semaphore, #tpu.memory_space<semaphore_mem>>) {add = true}
      %dma_wait3A_82 = arith.constant 0 : i32
      %dma_wait3A_83 = tpu.memref_slice %arg11[%dma_wait3A_82] : memref<10240xf32, #tpu.memory_space<vmem_shared>> -> memref<10240xf32, #tpu.memory_space<vmem_shared>>
      tpu.wait_indirect_dma semaphore(%run_scoped3A_79 : memref<!tpu.dma_semaphore, #tpu.memory_space<semaphore_mem>>) src(%arg19 : memref<10000xf32, #tpu.memory_space<vmem>>) dst(%dma_wait3A_83 : memref<10240xf32, #tpu.memory_space<vmem_shared>>)
      tpu.yield
    }) : () -> ()
    %dma_wait3A_19 = tpu.memref_slice %arg3[%add3A] : memref<320000xi32, #tpu.memory_space<hbm>> -> memref<10000xi32, #tpu.memory_space<hbm>>
    %dma_wait3A_20 = tpu.memref_slice %arg3[%add3A] : memref<320000xi32, #tpu.memory_space<hbm>> -> memref<10000xi32, #tpu.memory_space<hbm>>
    tpu.wait_dma2 semaphore(%arg22 : memref<!tpu.dma_semaphore, #tpu.memory_space<semaphore_mem>>) src(%dma_wait3A_20 : memref<10000xi32, #tpu.memory_space<hbm>>) dst(%arg18 : memref<10000xi32, #tpu.memory_space<vmem>>)
    %dma_start3A_21 = tpu.memref_slice %arg4[%add3A] : memref<320000xi32, #tpu.memory_space<hbm>> -> memref<10000xi32, #tpu.memory_space<hbm>>
    %dma_start3A_22 = tpu.memref_slice %arg4[%add3A] : memref<320000xi32, #tpu.memory_space<hbm>> -> memref<10000xi32, #tpu.memory_space<hbm>>
    tpu.enqueue_dma source(%dma_start3A_22 : memref<10000xi32, #tpu.memory_space<hbm>>) target(%arg17 : memref<10000xi32, #tpu.memory_space<vmem>>) target_semaphore(%arg21 : memref<!tpu.dma_semaphore, #tpu.memory_space<semaphore_mem>>)
    "tpu.region"() ({
      %run_scoped3A_79 = tpu.sem_alloc : memref<!tpu.dma_semaphore, #tpu.memory_space<semaphore_mem>>
      %dma_start3A_80 = arith.constant 0 : i32
      %dma_start3A_81 = tpu.memref_slice %arg12[%dma_start3A_80] : memref<10240xf32, #tpu.memory_space<vmem_shared>> -> memref<10240xf32, #tpu.memory_space<vmem_shared>>
      tpu.enqueue_indirect_dma source(%arg19 : memref<10000xf32, #tpu.memory_space<vmem>>) target(%dma_start3A_81 : memref<10240xf32, #tpu.memory_space<vmem_shared>>) offsets(%arg18 : memref<10000xi32, #tpu.memory_space<vmem>>) semaphore(%run_scoped3A_79 : memref<!tpu.dma_semaphore, #tpu.memory_space<semaphore_mem>>) {add = true}
      %dma_wait3A_82 = arith.constant 0 : i32
      %dma_wait3A_83 = tpu.memref_slice %arg12[%dma_wait3A_82] : memref<10240xf32, #tpu.memory_space<vmem_shared>> -> memref<10240xf32, #tpu.memory_space<vmem_shared>>
      tpu.wait_indirect_dma semaphore(%run_scoped3A_79 : memref<!tpu.dma_semaphore, #tpu.memory_space<semaphore_mem>>) src(%arg19 : memref<10000xf32, #tpu.memory_space<vmem>>) dst(%dma_wait3A_83 : memref<10240xf32, #tpu.memory_space<vmem_shared>>)
      tpu.yield
    }) : () -> ()
    %dma_wait3A_23 = tpu.memref_slice %arg4[%add3A] : memref<320000xi32, #tpu.memory_space<hbm>> -> memref<10000xi32, #tpu.memory_space<hbm>>
    %dma_wait3A_24 = tpu.memref_slice %arg4[%add3A] : memref<320000xi32, #tpu.memory_space<hbm>> -> memref<10000xi32, #tpu.memory_space<hbm>>
    tpu.wait_dma2 semaphore(%arg21 : memref<!tpu.dma_semaphore, #tpu.memory_space<semaphore_mem>>) src(%dma_wait3A_24 : memref<10000xi32, #tpu.memory_space<hbm>>) dst(%arg17 : memref<10000xi32, #tpu.memory_space<vmem>>)
    %dma_start3A_25 = tpu.memref_slice %arg5[%add3A] : memref<320000xi32, #tpu.memory_space<hbm>> -> memref<10000xi32, #tpu.memory_space<hbm>>
    %dma_start3A_26 = tpu.memref_slice %arg5[%add3A] : memref<320000xi32, #tpu.memory_space<hbm>> -> memref<10000xi32, #tpu.memory_space<hbm>>
    tpu.enqueue_dma source(%dma_start3A_26 : memref<10000xi32, #tpu.memory_space<hbm>>) target(%arg18 : memref<10000xi32, #tpu.memory_space<vmem>>) target_semaphore(%arg22 : memref<!tpu.dma_semaphore, #tpu.memory_space<semaphore_mem>>)
    "tpu.region"() ({
      %run_scoped3A_79 = tpu.sem_alloc : memref<!tpu.dma_semaphore, #tpu.memory_space<semaphore_mem>>
      %dma_start3A_80 = arith.constant 0 : i32
      %dma_start3A_81 = tpu.memref_slice %arg13[%dma_start3A_80] : memref<10240xf32, #tpu.memory_space<vmem_shared>> -> memref<10240xf32, #tpu.memory_space<vmem_shared>>
      tpu.enqueue_indirect_dma source(%arg19 : memref<10000xf32, #tpu.memory_space<vmem>>) target(%dma_start3A_81 : memref<10240xf32, #tpu.memory_space<vmem_shared>>) offsets(%arg17 : memref<10000xi32, #tpu.memory_space<vmem>>) semaphore(%run_scoped3A_79 : memref<!tpu.dma_semaphore, #tpu.memory_space<semaphore_mem>>) {add = true}
      %dma_wait3A_82 = arith.constant 0 : i32
      %dma_wait3A_83 = tpu.memref_slice %arg13[%dma_wait3A_82] : memref<10240xf32, #tpu.memory_space<vmem_shared>> -> memref<10240xf32, #tpu.memory_space<vmem_shared>>
      tpu.wait_indirect_dma semaphore(%run_scoped3A_79 : memref<!tpu.dma_semaphore, #tpu.memory_space<semaphore_mem>>) src(%arg19 : memref<10000xf32, #tpu.memory_space<vmem>>) dst(%dma_wait3A_83 : memref<10240xf32, #tpu.memory_space<vmem_shared>>)
      tpu.yield
    }) : () -> ()
    %dma_wait3A_27 = tpu.memref_slice %arg5[%add3A] : memref<320000xi32, #tpu.memory_space<hbm>> -> memref<10000xi32, #tpu.memory_space<hbm>>
    %dma_wait3A_28 = tpu.memref_slice %arg5[%add3A] : memref<320000xi32, #tpu.memory_space<hbm>> -> memref<10000xi32, #tpu.memory_space<hbm>>
    tpu.wait_dma2 semaphore(%arg22 : memref<!tpu.dma_semaphore, #tpu.memory_space<semaphore_mem>>) src(%dma_wait3A_28 : memref<10000xi32, #tpu.memory_space<hbm>>) dst(%arg18 : memref<10000xi32, #tpu.memory_space<vmem>>)
    %dma_start3A_29 = tpu.memref_slice %arg6[%add3A] : memref<320000xi32, #tpu.memory_space<hbm>> -> memref<10000xi32, #tpu.memory_space<hbm>>
    %dma_start3A_30 = tpu.memref_slice %arg6[%add3A] : memref<320000xi32, #tpu.memory_space<hbm>> -> memref<10000xi32, #tpu.memory_space<hbm>>
    tpu.enqueue_dma source(%dma_start3A_30 : memref<10000xi32, #tpu.memory_space<hbm>>) target(%arg17 : memref<10000xi32, #tpu.memory_space<vmem>>) target_semaphore(%arg21 : memref<!tpu.dma_semaphore, #tpu.memory_space<semaphore_mem>>)
    "tpu.region"() ({
      %run_scoped3A_79 = tpu.sem_alloc : memref<!tpu.dma_semaphore, #tpu.memory_space<semaphore_mem>>
      %dma_start3A_80 = arith.constant 0 : i32
      %dma_start3A_81 = tpu.memref_slice %arg14[%dma_start3A_80] : memref<10240xf32, #tpu.memory_space<vmem_shared>> -> memref<10240xf32, #tpu.memory_space<vmem_shared>>
      tpu.enqueue_indirect_dma source(%arg19 : memref<10000xf32, #tpu.memory_space<vmem>>) target(%dma_start3A_81 : memref<10240xf32, #tpu.memory_space<vmem_shared>>) offsets(%arg18 : memref<10000xi32, #tpu.memory_space<vmem>>) semaphore(%run_scoped3A_79 : memref<!tpu.dma_semaphore, #tpu.memory_space<semaphore_mem>>) {add = true}
      %dma_wait3A_82 = arith.constant 0 : i32
      %dma_wait3A_83 = tpu.memref_slice %arg14[%dma_wait3A_82] : memref<10240xf32, #tpu.memory_space<vmem_shared>> -> memref<10240xf32, #tpu.memory_space<vmem_shared>>
      tpu.wait_indirect_dma semaphore(%run_scoped3A_79 : memref<!tpu.dma_semaphore, #tpu.memory_space<semaphore_mem>>) src(%arg19 : memref<10000xf32, #tpu.memory_space<vmem>>) dst(%dma_wait3A_83 : memref<10240xf32, #tpu.memory_space<vmem_shared>>)
      tpu.yield
    }) : () -> ()
    %dma_wait3A_31 = tpu.memref_slice %arg6[%add3A] : memref<320000xi32, #tpu.memory_space<hbm>> -> memref<10000xi32, #tpu.memory_space<hbm>>
    %dma_wait3A_32 = tpu.memref_slice %arg6[%add3A] : memref<320000xi32, #tpu.memory_space<hbm>> -> memref<10000xi32, #tpu.memory_space<hbm>>
    tpu.wait_dma2 semaphore(%arg21 : memref<!tpu.dma_semaphore, #tpu.memory_space<semaphore_mem>>) src(%dma_wait3A_32 : memref<10000xi32, #tpu.memory_space<hbm>>) dst(%arg17 : memref<10000xi32, #tpu.memory_space<vmem>>)
    %dma_start3A_33 = tpu.memref_slice %arg7[%add3A] : memref<320000xi32, #tpu.memory_space<hbm>> -> memref<10000xi32, #tpu.memory_space<hbm>>
    %dma_start3A_34 = tpu.memref_slice %arg7[%add3A] : memref<320000xi32, #tpu.memory_space<hbm>> -> memref<10000xi32, #tpu.memory_space<hbm>>
    tpu.enqueue_dma source(%dma_start3A_34 : memref<10000xi32, #tpu.memory_space<hbm>>) target(%arg18 : memref<10000xi32, #tpu.memory_space<vmem>>) target_semaphore(%arg22 : memref<!tpu.dma_semaphore, #tpu.memory_space<semaphore_mem>>)
    "tpu.region"() ({
      %run_scoped3A_79 = tpu.sem_alloc : memref<!tpu.dma_semaphore, #tpu.memory_space<semaphore_mem>>
      %dma_start3A_80 = arith.constant 0 : i32
      %dma_start3A_81 = tpu.memref_slice %arg15[%dma_start3A_80] : memref<10240xf32, #tpu.memory_space<vmem_shared>> -> memref<10240xf32, #tpu.memory_space<vmem_shared>>
      tpu.enqueue_indirect_dma source(%arg19 : memref<10000xf32, #tpu.memory_space<vmem>>) target(%dma_start3A_81 : memref<10240xf32, #tpu.memory_space<vmem_shared>>) offsets(%arg17 : memref<10000xi32, #tpu.memory_space<vmem>>) semaphore(%run_scoped3A_79 : memref<!tpu.dma_semaphore, #tpu.memory_space<semaphore_mem>>) {add = true}
      %dma_wait3A_82 = arith.constant 0 : i32
      %dma_wait3A_83 = tpu.memref_slice %arg15[%dma_wait3A_82] : memref<10240xf32, #tpu.memory_space<vmem_shared>> -> memref<10240xf32, #tpu.memory_space<vmem_shared>>
      tpu.wait_indirect_dma semaphore(%run_scoped3A_79 : memref<!tpu.dma_semaphore, #tpu.memory_space<semaphore_mem>>) src(%arg19 : memref<10000xf32, #tpu.memory_space<vmem>>) dst(%dma_wait3A_83 : memref<10240xf32, #tpu.memory_space<vmem_shared>>)
      tpu.yield
    }) : () -> ()
    %dma_wait3A_35 = tpu.memref_slice %arg7[%add3A] : memref<320000xi32, #tpu.memory_space<hbm>> -> memref<10000xi32, #tpu.memory_space<hbm>>
    %dma_wait3A_36 = tpu.memref_slice %arg7[%add3A] : memref<320000xi32, #tpu.memory_space<hbm>> -> memref<10000xi32, #tpu.memory_space<hbm>>
    tpu.wait_dma2 semaphore(%arg22 : memref<!tpu.dma_semaphore, #tpu.memory_space<semaphore_mem>>) src(%dma_wait3A_36 : memref<10000xi32, #tpu.memory_space<hbm>>) dst(%arg18 : memref<10000xi32, #tpu.memory_space<vmem>>)
    "tpu.region"() ({
      %run_scoped3A_79 = tpu.sem_alloc : memref<!tpu.dma_semaphore, #tpu.memory_space<semaphore_mem>>
      %dma_start3A_80 = arith.constant 0 : i32
      %dma_start3A_81 = tpu.memref_slice %arg16[%dma_start3A_80] : memref<10240xf32, #tpu.memory_space<vmem_shared>> -> memref<10240xf32, #tpu.memory_space<vmem_shared>>
      tpu.enqueue_indirect_dma source(%arg19 : memref<10000xf32, #tpu.memory_space<vmem>>) target(%dma_start3A_81 : memref<10240xf32, #tpu.memory_space<vmem_shared>>) offsets(%arg18 : memref<10000xi32, #tpu.memory_space<vmem>>) semaphore(%run_scoped3A_79 : memref<!tpu.dma_semaphore, #tpu.memory_space<semaphore_mem>>) {add = true}
      %dma_wait3A_82 = arith.constant 0 : i32
      %dma_wait3A_83 = tpu.memref_slice %arg16[%dma_wait3A_82] : memref<10240xf32, #tpu.memory_space<vmem_shared>> -> memref<10240xf32, #tpu.memory_space<vmem_shared>>
      tpu.wait_indirect_dma semaphore(%run_scoped3A_79 : memref<!tpu.dma_semaphore, #tpu.memory_space<semaphore_mem>>) src(%arg19 : memref<10000xf32, #tpu.memory_space<vmem>>) dst(%dma_wait3A_83 : memref<10240xf32, #tpu.memory_space<vmem_shared>>)
      tpu.yield
    }) : () -> ()
    %barrier3A_37 = arith.constant 0 : index
    tpu.barrier barrier_id(%barrier3A_37)
    %mul3A_38 = arith.constant 640 : i32
    %mul3A_39 = arith.muli %arg1, %mul3A_38 : i32
    "tpu.region"() ({
      %run_scoped3A_79 = tpu.sem_alloc : memref<!tpu.dma_semaphore, #tpu.memory_space<semaphore_mem>>
      %dma_start3A_80 = tpu.memref_slice %arg11[%mul3A_39] : memref<10240xf32, #tpu.memory_space<vmem_shared>> -> memref<640xf32, #tpu.memory_space<vmem_shared>>
      %dma_start3A_81 = tpu.memref_slice %arg11[%mul3A_39] : memref<10240xf32, #tpu.memory_space<vmem_shared>> -> memref<640xf32, #tpu.memory_space<vmem_shared>>
      tpu.enqueue_dma source(%dma_start3A_81 : memref<640xf32, #tpu.memory_space<vmem_shared>>) target(%arg20 : memref<640xf32, #tpu.memory_space<vmem>>) target_semaphore(%run_scoped3A_79 : memref<!tpu.dma_semaphore, #tpu.memory_space<semaphore_mem>>)
      %dma_wait3A_82 = tpu.memref_slice %arg11[%mul3A_39] : memref<10240xf32, #tpu.memory_space<vmem_shared>> -> memref<640xf32, #tpu.memory_space<vmem_shared>>
      %dma_wait3A_83 = tpu.memref_slice %arg11[%mul3A_39] : memref<10240xf32, #tpu.memory_space<vmem_shared>> -> memref<640xf32, #tpu.memory_space<vmem_shared>>
      tpu.wait_dma2 semaphore(%run_scoped3A_79 : memref<!tpu.dma_semaphore, #tpu.memory_space<semaphore_mem>>) src(%dma_wait3A_83 : memref<640xf32, #tpu.memory_space<vmem_shared>>) dst(%arg20 : memref<640xf32, #tpu.memory_space<vmem>>)
      tpu.yield
    }) : () -> ()
    %mul3A_40 = arith.constant 640 : i32
    %mul3A_41 = arith.muli %arg1, %mul3A_40 : i32
    %add3A_42 = arith.constant 0 : i32
    %add3A_43 = arith.addi %add3A_42, %mul3A_41 : i32
    %run_scoped3A = arith.constant 0 : i32
    "tpu.region"() ({
      %run_scoped3A_79 = tpu.sem_alloc : memref<!tpu.dma_semaphore, #tpu.memory_space<semaphore_mem>>
      %dma_start3A_80 = tpu.memref_slice %arg10[%arg0, %run_scoped3A, %add3A_43] : memref<2x1x61440xf32, #tpu.memory_space<hbm>> -> memref<1x1x640xf32, #tpu.memory_space<hbm>>
      %dma_start3A_81 = tpu.memref_squeeze %dma_start3A_80 : memref<1x1x640xf32, #tpu.memory_space<hbm>> -> memref<640xf32, #tpu.memory_space<hbm>>
      %dma_start3A_82 = tpu.memref_slice %arg10[%arg0, %run_scoped3A, %add3A_43] : memref<2x1x61440xf32, #tpu.memory_space<hbm>> -> memref<1x1x640xf32, #tpu.memory_space<hbm>>
      %dma_start3A_83 = tpu.memref_squeeze %dma_start3A_82 : memref<1x1x640xf32, #tpu.memory_space<hbm>> -> memref<640xf32, #tpu.memory_space<hbm>>
      tpu.enqueue_dma source(%arg20 : memref<640xf32, #tpu.memory_space<vmem>>) target(%dma_start3A_83 : memref<640xf32, #tpu.memory_space<hbm>>) target_semaphore(%run_scoped3A_79 : memref<!tpu.dma_semaphore, #tpu.memory_space<semaphore_mem>>)
      %dma_wait3A_84 = tpu.memref_slice %arg10[%arg0, %run_scoped3A, %add3A_43] : memref<2x1x61440xf32, #tpu.memory_space<hbm>> -> memref<1x1x640xf32, #tpu.memory_space<hbm>>
      %dma_wait3A_85 = tpu.memref_squeeze %dma_wait3A_84 : memref<1x1x640xf32, #tpu.memory_space<hbm>> -> memref<640xf32, #tpu.memory_space<hbm>>
      %dma_wait3A_86 = tpu.memref_slice %arg10[%arg0, %run_scoped3A, %add3A_43] : memref<2x1x61440xf32, #tpu.memory_space<hbm>> -> memref<1x1x640xf32, #tpu.memory_space<hbm>>
      %dma_wait3A_87 = tpu.memref_squeeze %dma_wait3A_86 : memref<1x1x640xf32, #tpu.memory_space<hbm>> -> memref<640xf32, #tpu.memory_space<hbm>>
      tpu.wait_dma2 semaphore(%run_scoped3A_79 : memref<!tpu.dma_semaphore, #tpu.memory_space<semaphore_mem>>) src(%arg20 : memref<640xf32, #tpu.memory_space<vmem>>) dst(%dma_wait3A_87 : memref<640xf32, #tpu.memory_space<hbm>>)
      tpu.yield
    }) : () -> ()
    %mul3A_44 = arith.constant 640 : i32
    %mul3A_45 = arith.muli %arg1, %mul3A_44 : i32
    "tpu.region"() ({
      %run_scoped3A_79 = tpu.sem_alloc : memref<!tpu.dma_semaphore, #tpu.memory_space<semaphore_mem>>
      %dma_start3A_80 = tpu.memref_slice %arg12[%mul3A_45] : memref<10240xf32, #tpu.memory_space<vmem_shared>> -> memref<640xf32, #tpu.memory_space<vmem_shared>>
      %dma_start3A_81 = tpu.memref_slice %arg12[%mul3A_45] : memref<10240xf32, #tpu.memory_space<vmem_shared>> -> memref<640xf32, #tpu.memory_space<vmem_shared>>
      tpu.enqueue_dma source(%dma_start3A_81 : memref<640xf32, #tpu.memory_space<vmem_shared>>) target(%arg20 : memref<640xf32, #tpu.memory_space<vmem>>) target_semaphore(%run_scoped3A_79 : memref<!tpu.dma_semaphore, #tpu.memory_space<semaphore_mem>>)
      %dma_wait3A_82 = tpu.memref_slice %arg12[%mul3A_45] : memref<10240xf32, #tpu.memory_space<vmem_shared>> -> memref<640xf32, #tpu.memory_space<vmem_shared>>
      %dma_wait3A_83 = tpu.memref_slice %arg12[%mul3A_45] : memref<10240xf32, #tpu.memory_space<vmem_shared>> -> memref<640xf32, #tpu.memory_space<vmem_shared>>
      tpu.wait_dma2 semaphore(%run_scoped3A_79 : memref<!tpu.dma_semaphore, #tpu.memory_space<semaphore_mem>>) src(%dma_wait3A_83 : memref<640xf32, #tpu.memory_space<vmem_shared>>) dst(%arg20 : memref<640xf32, #tpu.memory_space<vmem>>)
      tpu.yield
    }) : () -> ()
    %mul3A_46 = arith.constant 640 : i32
    %mul3A_47 = arith.muli %arg1, %mul3A_46 : i32
    %add3A_48 = arith.constant 10240 : i32
    %add3A_49 = arith.addi %add3A_48, %mul3A_47 : i32
    %run_scoped3A_50 = arith.constant 0 : i32
    "tpu.region"() ({
      %run_scoped3A_79 = tpu.sem_alloc : memref<!tpu.dma_semaphore, #tpu.memory_space<semaphore_mem>>
      %dma_start3A_80 = tpu.memref_slice %arg10[%arg0, %run_scoped3A_50, %add3A_49] : memref<2x1x61440xf32, #tpu.memory_space<hbm>> -> memref<1x1x640xf32, #tpu.memory_space<hbm>>
      %dma_start3A_81 = tpu.memref_squeeze %dma_start3A_80 : memref<1x1x640xf32, #tpu.memory_space<hbm>> -> memref<640xf32, #tpu.memory_space<hbm>>
      %dma_start3A_82 = tpu.memref_slice %arg10[%arg0, %run_scoped3A_50, %add3A_49] : memref<2x1x61440xf32, #tpu.memory_space<hbm>> -> memref<1x1x640xf32, #tpu.memory_space<hbm>>
      %dma_start3A_83 = tpu.memref_squeeze %dma_start3A_82 : memref<1x1x640xf32, #tpu.memory_space<hbm>> -> memref<640xf32, #tpu.memory_space<hbm>>
      tpu.enqueue_dma source(%arg20 : memref<640xf32, #tpu.memory_space<vmem>>) target(%dma_start3A_83 : memref<640xf32, #tpu.memory_space<hbm>>) target_semaphore(%run_scoped3A_79 : memref<!tpu.dma_semaphore, #tpu.memory_space<semaphore_mem>>)
      %dma_wait3A_84 = tpu.memref_slice %arg10[%arg0, %run_scoped3A_50, %add3A_49] : memref<2x1x61440xf32, #tpu.memory_space<hbm>> -> memref<1x1x640xf32, #tpu.memory_space<hbm>>
      %dma_wait3A_85 = tpu.memref_squeeze %dma_wait3A_84 : memref<1x1x640xf32, #tpu.memory_space<hbm>> -> memref<640xf32, #tpu.memory_space<hbm>>
      %dma_wait3A_86 = tpu.memref_slice %arg10[%arg0, %run_scoped3A_50, %add3A_49] : memref<2x1x61440xf32, #tpu.memory_space<hbm>> -> memref<1x1x640xf32, #tpu.memory_space<hbm>>
      %dma_wait3A_87 = tpu.memref_squeeze %dma_wait3A_86 : memref<1x1x640xf32, #tpu.memory_space<hbm>> -> memref<640xf32, #tpu.memory_space<hbm>>
      tpu.wait_dma2 semaphore(%run_scoped3A_79 : memref<!tpu.dma_semaphore, #tpu.memory_space<semaphore_mem>>) src(%arg20 : memref<640xf32, #tpu.memory_space<vmem>>) dst(%dma_wait3A_87 : memref<640xf32, #tpu.memory_space<hbm>>)
      tpu.yield
    }) : () -> ()
    %mul3A_51 = arith.constant 640 : i32
    %mul3A_52 = arith.muli %arg1, %mul3A_51 : i32
    "tpu.region"() ({
      %run_scoped3A_79 = tpu.sem_alloc : memref<!tpu.dma_semaphore, #tpu.memory_space<semaphore_mem>>
      %dma_start3A_80 = tpu.memref_slice %arg13[%mul3A_52] : memref<10240xf32, #tpu.memory_space<vmem_shared>> -> memref<640xf32, #tpu.memory_space<vmem_shared>>
      %dma_start3A_81 = tpu.memref_slice %arg13[%mul3A_52] : memref<10240xf32, #tpu.memory_space<vmem_shared>> -> memref<640xf32, #tpu.memory_space<vmem_shared>>
      tpu.enqueue_dma source(%dma_start3A_81 : memref<640xf32, #tpu.memory_space<vmem_shared>>) target(%arg20 : memref<640xf32, #tpu.memory_space<vmem>>) target_semaphore(%run_scoped3A_79 : memref<!tpu.dma_semaphore, #tpu.memory_space<semaphore_mem>>)
      %dma_wait3A_82 = tpu.memref_slice %arg13[%mul3A_52] : memref<10240xf32, #tpu.memory_space<vmem_shared>> -> memref<640xf32, #tpu.memory_space<vmem_shared>>
      %dma_wait3A_83 = tpu.memref_slice %arg13[%mul3A_52] : memref<10240xf32, #tpu.memory_space<vmem_shared>> -> memref<640xf32, #tpu.memory_space<vmem_shared>>
      tpu.wait_dma2 semaphore(%run_scoped3A_79 : memref<!tpu.dma_semaphore, #tpu.memory_space<semaphore_mem>>) src(%dma_wait3A_83 : memref<640xf32, #tpu.memory_space<vmem_shared>>) dst(%arg20 : memref<640xf32, #tpu.memory_space<vmem>>)
      tpu.yield
    }) : () -> ()
    %mul3A_53 = arith.constant 640 : i32
    %mul3A_54 = arith.muli %arg1, %mul3A_53 : i32
    %add3A_55 = arith.constant 20480 : i32
    %add3A_56 = arith.addi %add3A_55, %mul3A_54 : i32
    %run_scoped3A_57 = arith.constant 0 : i32
    "tpu.region"() ({
      %run_scoped3A_79 = tpu.sem_alloc : memref<!tpu.dma_semaphore, #tpu.memory_space<semaphore_mem>>
      %dma_start3A_80 = tpu.memref_slice %arg10[%arg0, %run_scoped3A_57, %add3A_56] : memref<2x1x61440xf32, #tpu.memory_space<hbm>> -> memref<1x1x640xf32, #tpu.memory_space<hbm>>
      %dma_start3A_81 = tpu.memref_squeeze %dma_start3A_80 : memref<1x1x640xf32, #tpu.memory_space<hbm>> -> memref<640xf32, #tpu.memory_space<hbm>>
      %dma_start3A_82 = tpu.memref_slice %arg10[%arg0, %run_scoped3A_57, %add3A_56] : memref<2x1x61440xf32, #tpu.memory_space<hbm>> -> memref<1x1x640xf32, #tpu.memory_space<hbm>>
      %dma_start3A_83 = tpu.memref_squeeze %dma_start3A_82 : memref<1x1x640xf32, #tpu.memory_space<hbm>> -> memref<640xf32, #tpu.memory_space<hbm>>
      tpu.enqueue_dma source(%arg20 : memref<640xf32, #tpu.memory_space<vmem>>) target(%dma_start3A_83 : memref<640xf32, #tpu.memory_space<hbm>>) target_semaphore(%run_scoped3A_79 : memref<!tpu.dma_semaphore, #tpu.memory_space<semaphore_mem>>)
      %dma_wait3A_84 = tpu.memref_slice %arg10[%arg0, %run_scoped3A_57, %add3A_56] : memref<2x1x61440xf32, #tpu.memory_space<hbm>> -> memref<1x1x640xf32, #tpu.memory_space<hbm>>
      %dma_wait3A_85 = tpu.memref_squeeze %dma_wait3A_84 : memref<1x1x640xf32, #tpu.memory_space<hbm>> -> memref<640xf32, #tpu.memory_space<hbm>>
      %dma_wait3A_86 = tpu.memref_slice %arg10[%arg0, %run_scoped3A_57, %add3A_56] : memref<2x1x61440xf32, #tpu.memory_space<hbm>> -> memref<1x1x640xf32, #tpu.memory_space<hbm>>
      %dma_wait3A_87 = tpu.memref_squeeze %dma_wait3A_86 : memref<1x1x640xf32, #tpu.memory_space<hbm>> -> memref<640xf32, #tpu.memory_space<hbm>>
      tpu.wait_dma2 semaphore(%run_scoped3A_79 : memref<!tpu.dma_semaphore, #tpu.memory_space<semaphore_mem>>) src(%arg20 : memref<640xf32, #tpu.memory_space<vmem>>) dst(%dma_wait3A_87 : memref<640xf32, #tpu.memory_space<hbm>>)
      tpu.yield
    }) : () -> ()
    %mul3A_58 = arith.constant 640 : i32
    %mul3A_59 = arith.muli %arg1, %mul3A_58 : i32
    "tpu.region"() ({
      %run_scoped3A_79 = tpu.sem_alloc : memref<!tpu.dma_semaphore, #tpu.memory_space<semaphore_mem>>
      %dma_start3A_80 = tpu.memref_slice %arg14[%mul3A_59] : memref<10240xf32, #tpu.memory_space<vmem_shared>> -> memref<640xf32, #tpu.memory_space<vmem_shared>>
      %dma_start3A_81 = tpu.memref_slice %arg14[%mul3A_59] : memref<10240xf32, #tpu.memory_space<vmem_shared>> -> memref<640xf32, #tpu.memory_space<vmem_shared>>
      tpu.enqueue_dma source(%dma_start3A_81 : memref<640xf32, #tpu.memory_space<vmem_shared>>) target(%arg20 : memref<640xf32, #tpu.memory_space<vmem>>) target_semaphore(%run_scoped3A_79 : memref<!tpu.dma_semaphore, #tpu.memory_space<semaphore_mem>>)
      %dma_wait3A_82 = tpu.memref_slice %arg14[%mul3A_59] : memref<10240xf32, #tpu.memory_space<vmem_shared>> -> memref<640xf32, #tpu.memory_space<vmem_shared>>
      %dma_wait3A_83 = tpu.memref_slice %arg14[%mul3A_59] : memref<10240xf32, #tpu.memory_space<vmem_shared>> -> memref<640xf32, #tpu.memory_space<vmem_shared>>
      tpu.wait_dma2 semaphore(%run_scoped3A_79 : memref<!tpu.dma_semaphore, #tpu.memory_space<semaphore_mem>>) src(%dma_wait3A_83 : memref<640xf32, #tpu.memory_space<vmem_shared>>) dst(%arg20 : memref<640xf32, #tpu.memory_space<vmem>>)
      tpu.yield
    }) : () -> ()
    %mul3A_60 = arith.constant 640 : i32
    %mul3A_61 = arith.muli %arg1, %mul3A_60 : i32
    %add3A_62 = arith.constant 30720 : i32
    %add3A_63 = arith.addi %add3A_62, %mul3A_61 : i32
    %run_scoped3A_64 = arith.constant 0 : i32
    "tpu.region"() ({
      %run_scoped3A_79 = tpu.sem_alloc : memref<!tpu.dma_semaphore, #tpu.memory_space<semaphore_mem>>
      %dma_start3A_80 = tpu.memref_slice %arg10[%arg0, %run_scoped3A_64, %add3A_63] : memref<2x1x61440xf32, #tpu.memory_space<hbm>> -> memref<1x1x640xf32, #tpu.memory_space<hbm>>
      %dma_start3A_81 = tpu.memref_squeeze %dma_start3A_80 : memref<1x1x640xf32, #tpu.memory_space<hbm>> -> memref<640xf32, #tpu.memory_space<hbm>>
      %dma_start3A_82 = tpu.memref_slice %arg10[%arg0, %run_scoped3A_64, %add3A_63] : memref<2x1x61440xf32, #tpu.memory_space<hbm>> -> memref<1x1x640xf32, #tpu.memory_space<hbm>>
      %dma_start3A_83 = tpu.memref_squeeze %dma_start3A_82 : memref<1x1x640xf32, #tpu.memory_space<hbm>> -> memref<640xf32, #tpu.memory_space<hbm>>
      tpu.enqueue_dma source(%arg20 : memref<640xf32, #tpu.memory_space<vmem>>) target(%dma_start3A_83 : memref<640xf32, #tpu.memory_space<hbm>>) target_semaphore(%run_scoped3A_79 : memref<!tpu.dma_semaphore, #tpu.memory_space<semaphore_mem>>)
      %dma_wait3A_84 = tpu.memref_slice %arg10[%arg0, %run_scoped3A_64, %add3A_63] : memref<2x1x61440xf32, #tpu.memory_space<hbm>> -> memref<1x1x640xf32, #tpu.memory_space<hbm>>
      %dma_wait3A_85 = tpu.memref_squeeze %dma_wait3A_84 : memref<1x1x640xf32, #tpu.memory_space<hbm>> -> memref<640xf32, #tpu.memory_space<hbm>>
      %dma_wait3A_86 = tpu.memref_slice %arg10[%arg0, %run_scoped3A_64, %add3A_63] : memref<2x1x61440xf32, #tpu.memory_space<hbm>> -> memref<1x1x640xf32, #tpu.memory_space<hbm>>
      %dma_wait3A_87 = tpu.memref_squeeze %dma_wait3A_86 : memref<1x1x640xf32, #tpu.memory_space<hbm>> -> memref<640xf32, #tpu.memory_space<hbm>>
      tpu.wait_dma2 semaphore(%run_scoped3A_79 : memref<!tpu.dma_semaphore, #tpu.memory_space<semaphore_mem>>) src(%arg20 : memref<640xf32, #tpu.memory_space<vmem>>) dst(%dma_wait3A_87 : memref<640xf32, #tpu.memory_space<hbm>>)
      tpu.yield
    }) : () -> ()
    %mul3A_65 = arith.constant 640 : i32
    %mul3A_66 = arith.muli %arg1, %mul3A_65 : i32
    "tpu.region"() ({
      %run_scoped3A_79 = tpu.sem_alloc : memref<!tpu.dma_semaphore, #tpu.memory_space<semaphore_mem>>
      %dma_start3A_80 = tpu.memref_slice %arg15[%mul3A_66] : memref<10240xf32, #tpu.memory_space<vmem_shared>> -> memref<640xf32, #tpu.memory_space<vmem_shared>>
      %dma_start3A_81 = tpu.memref_slice %arg15[%mul3A_66] : memref<10240xf32, #tpu.memory_space<vmem_shared>> -> memref<640xf32, #tpu.memory_space<vmem_shared>>
      tpu.enqueue_dma source(%dma_start3A_81 : memref<640xf32, #tpu.memory_space<vmem_shared>>) target(%arg20 : memref<640xf32, #tpu.memory_space<vmem>>) target_semaphore(%run_scoped3A_79 : memref<!tpu.dma_semaphore, #tpu.memory_space<semaphore_mem>>)
      %dma_wait3A_82 = tpu.memref_slice %arg15[%mul3A_66] : memref<10240xf32, #tpu.memory_space<vmem_shared>> -> memref<640xf32, #tpu.memory_space<vmem_shared>>
      %dma_wait3A_83 = tpu.memref_slice %arg15[%mul3A_66] : memref<10240xf32, #tpu.memory_space<vmem_shared>> -> memref<640xf32, #tpu.memory_space<vmem_shared>>
      tpu.wait_dma2 semaphore(%run_scoped3A_79 : memref<!tpu.dma_semaphore, #tpu.memory_space<semaphore_mem>>) src(%dma_wait3A_83 : memref<640xf32, #tpu.memory_space<vmem_shared>>) dst(%arg20 : memref<640xf32, #tpu.memory_space<vmem>>)
      tpu.yield
    }) : () -> ()
    %mul3A_67 = arith.constant 640 : i32
    %mul3A_68 = arith.muli %arg1, %mul3A_67 : i32
    %add3A_69 = arith.constant 40960 : i32
    %add3A_70 = arith.addi %add3A_69, %mul3A_68 : i32
    %run_scoped3A_71 = arith.constant 0 : i32
    "tpu.region"() ({
      %run_scoped3A_79 = tpu.sem_alloc : memref<!tpu.dma_semaphore, #tpu.memory_space<semaphore_mem>>
      %dma_start3A_80 = tpu.memref_slice %arg10[%arg0, %run_scoped3A_71, %add3A_70] : memref<2x1x61440xf32, #tpu.memory_space<hbm>> -> memref<1x1x640xf32, #tpu.memory_space<hbm>>
      %dma_start3A_81 = tpu.memref_squeeze %dma_start3A_80 : memref<1x1x640xf32, #tpu.memory_space<hbm>> -> memref<640xf32, #tpu.memory_space<hbm>>
      %dma_start3A_82 = tpu.memref_slice %arg10[%arg0, %run_scoped3A_71, %add3A_70] : memref<2x1x61440xf32, #tpu.memory_space<hbm>> -> memref<1x1x640xf32, #tpu.memory_space<hbm>>
      %dma_start3A_83 = tpu.memref_squeeze %dma_start3A_82 : memref<1x1x640xf32, #tpu.memory_space<hbm>> -> memref<640xf32, #tpu.memory_space<hbm>>
      tpu.enqueue_dma source(%arg20 : memref<640xf32, #tpu.memory_space<vmem>>) target(%dma_start3A_83 : memref<640xf32, #tpu.memory_space<hbm>>) target_semaphore(%run_scoped3A_79 : memref<!tpu.dma_semaphore, #tpu.memory_space<semaphore_mem>>)
      %dma_wait3A_84 = tpu.memref_slice %arg10[%arg0, %run_scoped3A_71, %add3A_70] : memref<2x1x61440xf32, #tpu.memory_space<hbm>> -> memref<1x1x640xf32, #tpu.memory_space<hbm>>
      %dma_wait3A_85 = tpu.memref_squeeze %dma_wait3A_84 : memref<1x1x640xf32, #tpu.memory_space<hbm>> -> memref<640xf32, #tpu.memory_space<hbm>>
      %dma_wait3A_86 = tpu.memref_slice %arg10[%arg0, %run_scoped3A_71, %add3A_70] : memref<2x1x61440xf32, #tpu.memory_space<hbm>> -> memref<1x1x640xf32, #tpu.memory_space<hbm>>
      %dma_wait3A_87 = tpu.memref_squeeze %dma_wait3A_86 : memref<1x1x640xf32, #tpu.memory_space<hbm>> -> memref<640xf32, #tpu.memory_space<hbm>>
      tpu.wait_dma2 semaphore(%run_scoped3A_79 : memref<!tpu.dma_semaphore, #tpu.memory_space<semaphore_mem>>) src(%arg20 : memref<640xf32, #tpu.memory_space<vmem>>) dst(%dma_wait3A_87 : memref<640xf32, #tpu.memory_space<hbm>>)
      tpu.yield
    }) : () -> ()
    %mul3A_72 = arith.constant 640 : i32
    %mul3A_73 = arith.muli %arg1, %mul3A_72 : i32
    "tpu.region"() ({
      %run_scoped3A_79 = tpu.sem_alloc : memref<!tpu.dma_semaphore, #tpu.memory_space<semaphore_mem>>
      %dma_start3A_80 = tpu.memref_slice %arg16[%mul3A_73] : memref<10240xf32, #tpu.memory_space<vmem_shared>> -> memref<640xf32, #tpu.memory_space<vmem_shared>>
      %dma_start3A_81 = tpu.memref_slice %arg16[%mul3A_73] : memref<10240xf32, #tpu.memory_space<vmem_shared>> -> memref<640xf32, #tpu.memory_space<vmem_shared>>
      tpu.enqueue_dma source(%dma_start3A_81 : memref<640xf32, #tpu.memory_space<vmem_shared>>) target(%arg20 : memref<640xf32, #tpu.memory_space<vmem>>) target_semaphore(%run_scoped3A_79 : memref<!tpu.dma_semaphore, #tpu.memory_space<semaphore_mem>>)
      %dma_wait3A_82 = tpu.memref_slice %arg16[%mul3A_73] : memref<10240xf32, #tpu.memory_space<vmem_shared>> -> memref<640xf32, #tpu.memory_space<vmem_shared>>
      %dma_wait3A_83 = tpu.memref_slice %arg16[%mul3A_73] : memref<10240xf32, #tpu.memory_space<vmem_shared>> -> memref<640xf32, #tpu.memory_space<vmem_shared>>
      tpu.wait_dma2 semaphore(%run_scoped3A_79 : memref<!tpu.dma_semaphore, #tpu.memory_space<semaphore_mem>>) src(%dma_wait3A_83 : memref<640xf32, #tpu.memory_space<vmem_shared>>) dst(%arg20 : memref<640xf32, #tpu.memory_space<vmem>>)
      tpu.yield
    }) : () -> ()
    %mul3A_74 = arith.constant 640 : i32
    %mul3A_75 = arith.muli %arg1, %mul3A_74 : i32
    %add3A_76 = arith.constant 51200 : i32
    %add3A_77 = arith.addi %add3A_76, %mul3A_75 : i32
    %run_scoped3A_78 = arith.constant 0 : i32
    "tpu.region"() ({
      %run_scoped3A_79 = tpu.sem_alloc : memref<!tpu.dma_semaphore, #tpu.memory_space<semaphore_mem>>
      %dma_start3A_80 = tpu.memref_slice %arg10[%arg0, %run_scoped3A_78, %add3A_77] : memref<2x1x61440xf32, #tpu.memory_space<hbm>> -> memref<1x1x640xf32, #tpu.memory_space<hbm>>
      %dma_start3A_81 = tpu.memref_squeeze %dma_start3A_80 : memref<1x1x640xf32, #tpu.memory_space<hbm>> -> memref<640xf32, #tpu.memory_space<hbm>>
      %dma_start3A_82 = tpu.memref_slice %arg10[%arg0, %run_scoped3A_78, %add3A_77] : memref<2x1x61440xf32, #tpu.memory_space<hbm>> -> memref<1x1x640xf32, #tpu.memory_space<hbm>>
      %dma_start3A_83 = tpu.memref_squeeze %dma_start3A_82 : memref<1x1x640xf32, #tpu.memory_space<hbm>> -> memref<640xf32, #tpu.memory_space<hbm>>
      tpu.enqueue_dma source(%arg20 : memref<640xf32, #tpu.memory_space<vmem>>) target(%dma_start3A_83 : memref<640xf32, #tpu.memory_space<hbm>>) target_semaphore(%run_scoped3A_79 : memref<!tpu.dma_semaphore, #tpu.memory_space<semaphore_mem>>)
      %dma_wait3A_84 = tpu.memref_slice %arg10[%arg0, %run_scoped3A_78, %add3A_77] : memref<2x1x61440xf32, #tpu.memory_space<hbm>> -> memref<1x1x640xf32, #tpu.memory_space<hbm>>
      %dma_wait3A_85 = tpu.memref_squeeze %dma_wait3A_84 : memref<1x1x640xf32, #tpu.memory_space<hbm>> -> memref<640xf32, #tpu.memory_space<hbm>>
      %dma_wait3A_86 = tpu.memref_slice %arg10[%arg0, %run_scoped3A_78, %add3A_77] : memref<2x1x61440xf32, #tpu.memory_space<hbm>> -> memref<1x1x640xf32, #tpu.memory_space<hbm>>
      %dma_wait3A_87 = tpu.memref_squeeze %dma_wait3A_86 : memref<1x1x640xf32, #tpu.memory_space<hbm>> -> memref<640xf32, #tpu.memory_space<hbm>>
      tpu.wait_dma2 semaphore(%run_scoped3A_79 : memref<!tpu.dma_semaphore, #tpu.memory_space<semaphore_mem>>) src(%arg20 : memref<640xf32, #tpu.memory_space<vmem>>) dst(%dma_wait3A_87 : memref<640xf32, #tpu.memory_space<hbm>>)
      tpu.yield
    }) : () -> ()
    return
  }
}

module attributes {stable_mosaic.version = 14 : i64} {
  func.func @_h_body(%arg0: memref<10000x128xf32, #tpu.memory_space<vmem>>, %arg1: memref<2x10240x6xf32, #tpu.memory_space<vmem>>, %arg2: memref<3x10000x128xf32, #tpu.memory_space<vmem>>) attributes {dimension_semantics = [], scalar_prefetch = 0 : i64, scratch_operands = 0 : i64, tpu.core_type = #tpu.core_type<tc>} {
    %get3A = arith.constant 0 : index
    %get3A_0 = arith.constant 0 : index
    %get3A_1 = arith.constant 0 : index
    %get3A_2 = vector.load %arg1[%get3A, %get3A_0, %get3A_1] : memref<2x10240x6xf32, #tpu.memory_space<vmem>>, vector<1x10000x1xf32>
    %get3A_3 = vector.shape_cast %get3A_2 : vector<1x10000x1xf32> to vector<10000x1xf32>
    %get3A_4 = arith.constant 1 : index
    %get3A_5 = arith.constant 0 : index
    %get3A_6 = arith.constant 0 : index
    %get3A_7 = vector.load %arg1[%get3A_4, %get3A_5, %get3A_6] : memref<2x10240x6xf32, #tpu.memory_space<vmem>>, vector<1x10000x1xf32>
    %get3A_8 = vector.shape_cast %get3A_7 : vector<1x10000x1xf32> to vector<10000x1xf32>
    %add3A = arith.addf %get3A_3, %get3A_8 : vector<10000x1xf32>
    %get3A_9 = arith.constant 0 : index
    %get3A_10 = arith.constant 0 : index
    %get3A_11 = vector.load %arg0[%get3A_9, %get3A_10] : memref<10000x128xf32, #tpu.memory_space<vmem>>, vector<10000x128xf32>
    %gt3A = arith.constant 0.000000e+00 : f32
    %gt3A_12 = vector.broadcast %gt3A : f32 to vector<10000x1xf32>
    %gt3A_13 = arith.cmpf ogt, %add3A, %gt3A_12 : vector<10000x1xf32>
    %max3A = arith.constant 9.99999996E-13 : f32
    %max3A_14 = vector.broadcast %max3A : f32 to vector<10000x1xf32>
    %max3A_15 = arith.maximumf %add3A, %max3A_14 : vector<10000x1xf32>
    %rsqrt3A = math.rsqrt %max3A_15 : vector<10000x1xf32>
    %jit3A = arith.constant 0.000000e+00 : f32
    %broadcast_in_dim3A = vector.broadcast %jit3A : f32 to vector<10000x1xf32>
    %select_n3A = arith.select %gt3A_13, %rsqrt3A, %broadcast_in_dim3A : vector<10000x1xi1>, vector<10000x1xf32>
    %mul3A = vector.broadcast %select_n3A : vector<10000x1xf32> to vector<10000x128xf32>
    %mul3A_16 = arith.mulf %get3A_11, %mul3A : vector<10000x128xf32>
    %swap3A = arith.constant 0 : index
    %swap3A_17 = arith.constant 0 : index
    %swap3A_18 = arith.constant 0 : index
    %swap3A_19 = vector.load %arg2[%swap3A, %swap3A_17, %swap3A_18] : memref<3x10000x128xf32, #tpu.memory_space<vmem>>, vector<1x10000x128xf32>
    %swap3A_20 = vector.shape_cast %swap3A_19 : vector<1x10000x128xf32> to vector<10000x128xf32>
    %swap3A_21 = vector.shape_cast %mul3A_16 : vector<10000x128xf32> to vector<1x10000x128xf32>
    tpu.vector_store %arg2[%swap3A, %swap3A_17, %swap3A_18], %swap3A_21 {strides = array<i32>} : memref<3x10000x128xf32, #tpu.memory_space<vmem>>, vector<1x10000x128xf32>,
    %get3A_22 = arith.constant 0 : index
    %get3A_23 = arith.constant 0 : index
    %get3A_24 = arith.constant 2 : index
    %get3A_25 = vector.load %arg1[%get3A_22, %get3A_23, %get3A_24] : memref<2x10240x6xf32, #tpu.memory_space<vmem>>, vector<1x10000x1xf32>
    %get3A_26 = vector.shape_cast %get3A_25 : vector<1x10000x1xf32> to vector<10000x1xf32>
    %get3A_27 = arith.constant 1 : index
    %get3A_28 = arith.constant 0 : index
    %get3A_29 = arith.constant 2 : index
    %get3A_30 = vector.load %arg1[%get3A_27, %get3A_28, %get3A_29] : memref<2x10240x6xf32, #tpu.memory_space<vmem>>, vector<1x10000x1xf32>
    %get3A_31 = vector.shape_cast %get3A_30 : vector<1x10000x1xf32> to vector<10000x1xf32>
    %add3A_32 = arith.addf %get3A_26, %get3A_31 : vector<10000x1xf32>
    %get3A_33 = arith.constant 0 : index
    %get3A_34 = arith.constant 0 : index
    %get3A_35 = vector.load %arg0[%get3A_33, %get3A_34] : memref<10000x128xf32, #tpu.memory_space<vmem>>, vector<10000x128xf32>
    %gt3A_36 = arith.constant 0.000000e+00 : f32
    %gt3A_37 = vector.broadcast %gt3A_36 : f32 to vector<10000x1xf32>
    %gt3A_38 = arith.cmpf ogt, %add3A_32, %gt3A_37 : vector<10000x1xf32>
    %max3A_39 = arith.constant 9.99999996E-13 : f32
    %max3A_40 = vector.broadcast %max3A_39 : f32 to vector<10000x1xf32>
    %max3A_41 = arith.maximumf %add3A_32, %max3A_40 : vector<10000x1xf32>
    %rsqrt3A_42 = math.rsqrt %max3A_41 : vector<10000x1xf32>
    %jit3A_43 = arith.constant 0.000000e+00 : f32
    %broadcast_in_dim3A_44 = vector.broadcast %jit3A_43 : f32 to vector<10000x1xf32>
    %select_n3A_45 = arith.select %gt3A_38, %rsqrt3A_42, %broadcast_in_dim3A_44 : vector<10000x1xi1>, vector<10000x1xf32>
    %mul3A_46 = vector.broadcast %select_n3A_45 : vector<10000x1xf32> to vector<10000x128xf32>
    %mul3A_47 = arith.mulf %get3A_35, %mul3A_46 : vector<10000x128xf32>
    %swap3A_48 = arith.constant 1 : index
    %swap3A_49 = arith.constant 0 : index
    %swap3A_50 = arith.constant 0 : index
    %swap3A_51 = vector.load %arg2[%swap3A_48, %swap3A_49, %swap3A_50] : memref<3x10000x128xf32, #tpu.memory_space<vmem>>, vector<1x10000x128xf32>
    %swap3A_52 = vector.shape_cast %swap3A_51 : vector<1x10000x128xf32> to vector<10000x128xf32>
    %swap3A_53 = vector.shape_cast %mul3A_47 : vector<10000x128xf32> to vector<1x10000x128xf32>
    tpu.vector_store %arg2[%swap3A_48, %swap3A_49, %swap3A_50], %swap3A_53 {strides = array<i32>} : memref<3x10000x128xf32, #tpu.memory_space<vmem>>, vector<1x10000x128xf32>,
    %get3A_54 = arith.constant 0 : index
    %get3A_55 = arith.constant 0 : index
    %get3A_56 = arith.constant 4 : index
    %get3A_57 = vector.load %arg1[%get3A_54, %get3A_55, %get3A_56] : memref<2x10240x6xf32, #tpu.memory_space<vmem>>, vector<1x10000x1xf32>
    %get3A_58 = vector.shape_cast %get3A_57 : vector<1x10000x1xf32> to vector<10000x1xf32>
    %get3A_59 = arith.constant 1 : index
    %get3A_60 = arith.constant 0 : index
    %get3A_61 = arith.constant 4 : index
    %get3A_62 = vector.load %arg1[%get3A_59, %get3A_60, %get3A_61] : memref<2x10240x6xf32, #tpu.memory_space<vmem>>, vector<1x10000x1xf32>
    %get3A_63 = vector.shape_cast %get3A_62 : vector<1x10000x1xf32> to vector<10000x1xf32>
    %add3A_64 = arith.addf %get3A_58, %get3A_63 : vector<10000x1xf32>
    %get3A_65 = arith.constant 0 : index
    %get3A_66 = arith.constant 0 : index
    %get3A_67 = vector.load %arg0[%get3A_65, %get3A_66] : memref<10000x128xf32, #tpu.memory_space<vmem>>, vector<10000x128xf32>
    %gt3A_68 = arith.constant 0.000000e+00 : f32
    %gt3A_69 = vector.broadcast %gt3A_68 : f32 to vector<10000x1xf32>
    %gt3A_70 = arith.cmpf ogt, %add3A_64, %gt3A_69 : vector<10000x1xf32>
    %max3A_71 = arith.constant 9.99999996E-13 : f32
    %max3A_72 = vector.broadcast %max3A_71 : f32 to vector<10000x1xf32>
    %max3A_73 = arith.maximumf %add3A_64, %max3A_72 : vector<10000x1xf32>
    %rsqrt3A_74 = math.rsqrt %max3A_73 : vector<10000x1xf32>
    %jit3A_75 = arith.constant 0.000000e+00 : f32
    %broadcast_in_dim3A_76 = vector.broadcast %jit3A_75 : f32 to vector<10000x1xf32>
    %select_n3A_77 = arith.select %gt3A_70, %rsqrt3A_74, %broadcast_in_dim3A_76 : vector<10000x1xi1>, vector<10000x1xf32>
    %mul3A_78 = vector.broadcast %select_n3A_77 : vector<10000x1xf32> to vector<10000x128xf32>
    %mul3A_79 = arith.mulf %get3A_67, %mul3A_78 : vector<10000x128xf32>
    %swap3A_80 = arith.constant 2 : index
    %swap3A_81 = arith.constant 0 : index
    %swap3A_82 = arith.constant 0 : index
    %swap3A_83 = vector.load %arg2[%swap3A_80, %swap3A_81, %swap3A_82] : memref<3x10000x128xf32, #tpu.memory_space<vmem>>, vector<1x10000x128xf32>
    %swap3A_84 = vector.shape_cast %swap3A_83 : vector<1x10000x128xf32> to vector<10000x128xf32>
    %swap3A_85 = vector.shape_cast %mul3A_79 : vector<10000x128xf32> to vector<1x10000x128xf32>
    tpu.vector_store %arg2[%swap3A_80, %swap3A_81, %swap3A_82], %swap3A_85 {strides = array<i32>} : memref<3x10000x128xf32, #tpu.memory_space<vmem>>, vector<1x10000x128xf32>,
    return
  }
}

module attributes {stable_mosaic.version = 14 : i64} {
  func.func @_comb_body(%arg0: i32, %arg1: memref<2x1000x6xf32, #tpu.memory_space<vmem>>, %arg2: memref<2x1000x128xf32, #tpu.memory_space<vmem>>, %arg3: memref<2x1000x128xf32, #tpu.memory_space<vmem>>, %arg4: memref<2x1000x128xf32, #tpu.memory_space<vmem>>, %arg5: memref<3x128x128xf32, #tpu.memory_space<vmem>>, %arg6: memref<3x128xf32, #tpu.memory_space<vmem>>, %arg7: memref<1000x128xf32, #tpu.memory_space<vmem>>) attributes {dimension_semantics = [#tpu.dimension_semantics<arbitrary>], iteration_bounds = array<i64: 10>, scalar_prefetch = 0 : i64, scratch_operands = 0 : i64, tpu.core_type = #tpu.core_type<tc>, window_params = [{transform_indices = @transform_0, window_bounds = array<i64: 2, 1000, 6>}, {transform_indices = @transform_1, window_bounds = array<i64: 2, 1000, 128>}, {transform_indices = @transform_2, window_bounds = array<i64: 2, 1000, 128>}, {transform_indices = @transform_3, window_bounds = array<i64: 2, 1000, 128>}, {pipeline_mode = #tpu.pipeline_mode<synchronous>, transform_indices = @transform_4, window_bounds = array<i64: 3, 128, 128>}, {pipeline_mode = #tpu.pipeline_mode<synchronous>, transform_indices = @transform_5, window_bounds = array<i64: 3, 128>}, {transform_indices = @transform_6, window_bounds = array<i64: 1000, 128>}]} {
    %broadcast_in_dim3A = arith.constant 0.000000e+00 : f32
    %broadcast_in_dim3A_0 = vector.broadcast %broadcast_in_dim3A : f32 to vector<1000x128xf32>
    %get3A = arith.constant 0 : index
    %get3A_1 = arith.constant 0 : index
    %get3A_2 = arith.constant 1 : index
    %get3A_3 = vector.load %arg1[%get3A, %get3A_1, %get3A_2] : memref<2x1000x6xf32, #tpu.memory_space<vmem>>, vector<1x1000x1xf32>
    %get3A_4 = vector.shape_cast %get3A_3 : vector<1x1000x1xf32> to vector<1000x1xf32>
    %get3A_5 = arith.constant 1 : index
    %get3A_6 = arith.constant 0 : index
    %get3A_7 = arith.constant 1 : index
    %get3A_8 = vector.load %arg1[%get3A_5, %get3A_6, %get3A_7] : memref<2x1000x6xf32, #tpu.memory_space<vmem>>, vector<1x1000x1xf32>
    %get3A_9 = vector.shape_cast %get3A_8 : vector<1x1000x1xf32> to vector<1000x1xf32>
    %add3A = arith.addf %get3A_4, %get3A_9 : vector<1000x1xf32>
    %get3A_10 = arith.constant 0 : index
    %get3A_11 = arith.constant 0 : index
    %get3A_12 = arith.constant 0 : index
    %get3A_13 = vector.load %arg2[%get3A_10, %get3A_11, %get3A_12] : memref<2x1000x128xf32, #tpu.memory_space<vmem>>, vector<1x1000x128xf32>
    %get3A_14 = vector.shape_cast %get3A_13 : vector<1x1000x128xf32> to vector<1000x128xf32>
    %get3A_15 = arith.constant 1 : index
    %get3A_16 = arith.constant 0 : index
    %get3A_17 = arith.constant 0 : index
    %get3A_18 = vector.load %arg2[%get3A_15, %get3A_16, %get3A_17] : memref<2x1000x128xf32, #tpu.memory_space<vmem>>, vector<1x1000x128xf32>
    %get3A_19 = vector.shape_cast %get3A_18 : vector<1x1000x128xf32> to vector<1000x128xf32>
    %add3A_20 = arith.addf %get3A_14, %get3A_19 : vector<1000x128xf32>
    %gt3A = arith.constant 0.000000e+00 : f32
    %gt3A_21 = vector.broadcast %gt3A : f32 to vector<1000x1xf32>
    %gt3A_22 = arith.cmpf ogt, %add3A, %gt3A_21 : vector<1000x1xf32>
    %max3A = arith.constant 9.99999996E-13 : f32
    %max3A_23 = vector.broadcast %max3A : f32 to vector<1000x1xf32>
    %max3A_24 = arith.maximumf %add3A, %max3A_23 : vector<1000x1xf32>
    %rsqrt3A = math.rsqrt %max3A_24 : vector<1000x1xf32>
    %jit3A = arith.constant 0.000000e+00 : f32
    %broadcast_in_dim3A_25 = vector.broadcast %jit3A : f32 to vector<1000x1xf32>
    %select_n3A = arith.select %gt3A_22, %rsqrt3A, %broadcast_in_dim3A_25 : vector<1000x1xi1>, vector<1000x1xf32>
    %mul3A = vector.broadcast %select_n3A : vector<1000x1xf32> to vector<1000x128xf32>
    %mul3A_26 = arith.mulf %add3A_20, %mul3A : vector<1000x128xf32>
    %get3A_27 = arith.constant 0 : index
    %get3A_28 = arith.constant 0 : index
    %get3A_29 = arith.constant 0 : index
    %get3A_30 = vector.load %arg5[%get3A_27, %get3A_28, %get3A_29] : memref<3x128x128xf32, #tpu.memory_space<vmem>>, vector<1x128x128xf32>
    %get3A_31 = vector.shape_cast %get3A_30 : vector<1x128x128xf32> to vector<128x128xf32>
    %dot_general3A = arith.constant dense<0.000000e+00> : vector<1000x128xf32>
    %dot_general3A_32 = tpu.matmul %mul3A_26, %get3A_31, %dot_general3A {dimension_numbers = #tpu.dot_dimension_numbers<[1], [0], [0], [1], [0, 0, 1, 1], [], []>, transpose_lhs_hint = false} : vector<1000x128xf32>, vector<128x128xf32>, vector<1000x128xf32> -> vector<1000x128xf32>
    %add3A_33 = arith.addf %broadcast_in_dim3A_0, %dot_general3A_32 : vector<1000x128xf32>
    %get3A_34 = arith.constant 0 : index
    %get3A_35 = arith.constant 0 : index
    %get3A_36 = arith.constant 3 : index
    %get3A_37 = vector.load %arg1[%get3A_34, %get3A_35, %get3A_36] : memref<2x1000x6xf32, #tpu.memory_space<vmem>>, vector<1x1000x1xf32>
    %get3A_38 = vector.shape_cast %get3A_37 : vector<1x1000x1xf32> to vector<1000x1xf32>
    %get3A_39 = arith.constant 1 : index
    %get3A_40 = arith.constant 0 : index
    %get3A_41 = arith.constant 3 : index
    %get3A_42 = vector.load %arg1[%get3A_39, %get3A_40, %get3A_41] : memref<2x1000x6xf32, #tpu.memory_space<vmem>>, vector<1x1000x1xf32>
    %get3A_43 = vector.shape_cast %get3A_42 : vector<1x1000x1xf32> to vector<1000x1xf32>
    %add3A_44 = arith.addf %get3A_38, %get3A_43 : vector<1000x1xf32>
    %get3A_45 = arith.constant 0 : index
    %get3A_46 = arith.constant 0 : index
    %get3A_47 = arith.constant 0 : index
    %get3A_48 = vector.load %arg3[%get3A_45, %get3A_46, %get3A_47] : memref<2x1000x128xf32, #tpu.memory_space<vmem>>, vector<1x1000x128xf32>
    %get3A_49 = vector.shape_cast %get3A_48 : vector<1x1000x128xf32> to vector<1000x128xf32>
    %get3A_50 = arith.constant 1 : index
    %get3A_51 = arith.constant 0 : index
    %get3A_52 = arith.constant 0 : index
    %get3A_53 = vector.load %arg3[%get3A_50, %get3A_51, %get3A_52] : memref<2x1000x128xf32, #tpu.memory_space<vmem>>, vector<1x1000x128xf32>
    %get3A_54 = vector.shape_cast %get3A_53 : vector<1x1000x128xf32> to vector<1000x128xf32>
    %add3A_55 = arith.addf %get3A_49, %get3A_54 : vector<1000x128xf32>
    %gt3A_56 = arith.constant 0.000000e+00 : f32
    %gt3A_57 = vector.broadcast %gt3A_56 : f32 to vector<1000x1xf32>
    %gt3A_58 = arith.cmpf ogt, %add3A_44, %gt3A_57 : vector<1000x1xf32>
    %max3A_59 = arith.constant 9.99999996E-13 : f32
    %max3A_60 = vector.broadcast %max3A_59 : f32 to vector<1000x1xf32>
    %max3A_61 = arith.maximumf %add3A_44, %max3A_60 : vector<1000x1xf32>
    %rsqrt3A_62 = math.rsqrt %max3A_61 : vector<1000x1xf32>
    %jit3A_63 = arith.constant 0.000000e+00 : f32
    %broadcast_in_dim3A_64 = vector.broadcast %jit3A_63 : f32 to vector<1000x1xf32>
    %select_n3A_65 = arith.select %gt3A_58, %rsqrt3A_62, %broadcast_in_dim3A_64 : vector<1000x1xi1>, vector<1000x1xf32>
    %mul3A_66 = vector.broadcast %select_n3A_65 : vector<1000x1xf32> to vector<1000x128xf32>
    %mul3A_67 = arith.mulf %add3A_55, %mul3A_66 : vector<1000x128xf32>
    %get3A_68 = arith.constant 1 : index
    %get3A_69 = arith.constant 0 : index
    %get3A_70 = arith.constant 0 : index
    %get3A_71 = vector.load %arg5[%get3A_68, %get3A_69, %get3A_70] : memref<3x128x128xf32, #tpu.memory_space<vmem>>, vector<1x128x128xf32>
    %get3A_72 = vector.shape_cast %get3A_71 : vector<1x128x128xf32> to vector<128x128xf32>
    %dot_general3A_73 = arith.constant dense<0.000000e+00> : vector<1000x128xf32>
    %dot_general3A_74 = tpu.matmul %mul3A_67, %get3A_72, %dot_general3A_73 {dimension_numbers = #tpu.dot_dimension_numbers<[1], [0], [0], [1], [0, 0, 1, 1], [], []>, transpose_lhs_hint = false} : vector<1000x128xf32>, vector<128x128xf32>, vector<1000x128xf32> -> vector<1000x128xf32>
    %add3A_75 = arith.addf %add3A_33, %dot_general3A_74 : vector<1000x128xf32>
    %get3A_76 = arith.constant 0 : index
    %get3A_77 = arith.constant 0 : index
    %get3A_78 = arith.constant 5 : index
    %get3A_79 = vector.load %arg1[%get3A_76, %get3A_77, %get3A_78] : memref<2x1000x6xf32, #tpu.memory_space<vmem>>, vector<1x1000x1xf32>
    %get3A_80 = vector.shape_cast %get3A_79 : vector<1x1000x1xf32> to vector<1000x1xf32>
    %get3A_81 = arith.constant 1 : index
    %get3A_82 = arith.constant 0 : index
    %get3A_83 = arith.constant 5 : index
    %get3A_84 = vector.load %arg1[%get3A_81, %get3A_82, %get3A_83] : memref<2x1000x6xf32, #tpu.memory_space<vmem>>, vector<1x1000x1xf32>
    %get3A_85 = vector.shape_cast %get3A_84 : vector<1x1000x1xf32> to vector<1000x1xf32>
    %add3A_86 = arith.addf %get3A_80, %get3A_85 : vector<1000x1xf32>
    %get3A_87 = arith.constant 0 : index
    %get3A_88 = arith.constant 0 : index
    %get3A_89 = arith.constant 0 : index
    %get3A_90 = vector.load %arg4[%get3A_87, %get3A_88, %get3A_89] : memref<2x1000x128xf32, #tpu.memory_space<vmem>>, vector<1x1000x128xf32>
    %get3A_91 = vector.shape_cast %get3A_90 : vector<1x1000x128xf32> to vector<1000x128xf32>
    %get3A_92 = arith.constant 1 : index
    %get3A_93 = arith.constant 0 : index
    %get3A_94 = arith.constant 0 : index
    %get3A_95 = vector.load %arg4[%get3A_92, %get3A_93, %get3A_94] : memref<2x1000x128xf32, #tpu.memory_space<vmem>>, vector<1x1000x128xf32>
    %get3A_96 = vector.shape_cast %get3A_95 : vector<1x1000x128xf32> to vector<1000x128xf32>
    %add3A_97 = arith.addf %get3A_91, %get3A_96 : vector<1000x128xf32>
    %gt3A_98 = arith.constant 0.000000e+00 : f32
    %gt3A_99 = vector.broadcast %gt3A_98 : f32 to vector<1000x1xf32>
    %gt3A_100 = arith.cmpf ogt, %add3A_86, %gt3A_99 : vector<1000x1xf32>
    %max3A_101 = arith.constant 9.99999996E-13 : f32
    %max3A_102 = vector.broadcast %max3A_101 : f32 to vector<1000x1xf32>
    %max3A_103 = arith.maximumf %add3A_86, %max3A_102 : vector<1000x1xf32>
    %rsqrt3A_104 = math.rsqrt %max3A_103 : vector<1000x1xf32>
    %jit3A_105 = arith.constant 0.000000e+00 : f32
    %broadcast_in_dim3A_106 = vector.broadcast %jit3A_105 : f32 to vector<1000x1xf32>
    %select_n3A_107 = arith.select %gt3A_100, %rsqrt3A_104, %broadcast_in_dim3A_106 : vector<1000x1xi1>, vector<1000x1xf32>
    %mul3A_108 = vector.broadcast %select_n3A_107 : vector<1000x1xf32> to vector<1000x128xf32>
    %mul3A_109 = arith.mulf %add3A_97, %mul3A_108 : vector<1000x128xf32>
    %get3A_110 = arith.constant 2 : index
    %get3A_111 = arith.constant 0 : index
    %get3A_112 = arith.constant 0 : index
    %get3A_113 = vector.load %arg5[%get3A_110, %get3A_111, %get3A_112] : memref<3x128x128xf32, #tpu.memory_space<vmem>>, vector<1x128x128xf32>
    %get3A_114 = vector.shape_cast %get3A_113 : vector<1x128x128xf32> to vector<128x128xf32>
    %dot_general3A_115 = arith.constant dense<0.000000e+00> : vector<1000x128xf32>
    %dot_general3A_116 = tpu.matmul %mul3A_109, %get3A_114, %dot_general3A_115 {dimension_numbers = #tpu.dot_dimension_numbers<[1], [0], [0], [1], [0, 0, 1, 1], [], []>, transpose_lhs_hint = false} : vector<1000x128xf32>, vector<128x128xf32>, vector<1000x128xf32> -> vector<1000x128xf32>
    %add3A_117 = arith.addf %add3A_75, %dot_general3A_116 : vector<1000x128xf32>
    %get3A_118 = arith.constant 0 : index
    %get3A_119 = arith.constant 0 : index
    %get3A_120 = vector.load %arg6[%get3A_118, %get3A_119] : memref<3x128xf32, #tpu.memory_space<vmem>>, vector<1x128xf32>
    %get3A_121 = arith.constant 1 : index
    %get3A_122 = arith.constant 0 : index
    %get3A_123 = vector.load %arg6[%get3A_121, %get3A_122] : memref<3x128xf32, #tpu.memory_space<vmem>>, vector<1x128xf32>
    %add3A_124 = arith.addf %get3A_120, %get3A_123 : vector<1x128xf32>
    %get3A_125 = arith.constant 2 : index
    %get3A_126 = arith.constant 0 : index
    %get3A_127 = vector.load %arg6[%get3A_125, %get3A_126] : memref<3x128xf32, #tpu.memory_space<vmem>>, vector<1x128xf32>
    %add3A_128 = arith.addf %add3A_124, %get3A_127 : vector<1x128xf32>
    %mul3A_129 = arith.constant 0.333333343 : f32
    %mul3A_130 = vector.broadcast %mul3A_129 : f32 to vector<1000x128xf32>
    %mul3A_131 = arith.mulf %add3A_117, %mul3A_130 : vector<1000x128xf32>
    %mul3A_132 = arith.constant 0.333333343 : f32
    %mul3A_133 = vector.broadcast %mul3A_132 : f32 to vector<1x128xf32>
    %mul3A_134 = arith.mulf %add3A_128, %mul3A_133 : vector<1x128xf32>
    %add3A_135 = vector.broadcast %mul3A_134 : vector<1x128xf32> to vector<1000x128xf32>
    %add3A_136 = arith.addf %mul3A_131, %add3A_135 : vector<1000x128xf32>
    %swap3A = arith.constant 0 : index
    %swap3A_137 = arith.constant 0 : index
    %swap3A_138 = vector.load %arg7[%swap3A, %swap3A_137] : memref<1000x128xf32, #tpu.memory_space<vmem>>, vector<1000x128xf32>
    tpu.vector_store %arg7[%swap3A, %swap3A_137], %add3A_136 {strides = array<i32>} : memref<1000x128xf32, #tpu.memory_space<vmem>>, vector<1000x128xf32>,
    return
  }
  func.func @transform_0(%arg0: i32) -> (i32, i32, i32) {
    %c0_i32 = arith.constant 0 : i32
    %c0_i32_0 = arith.constant 0 : i32
    %c0_i32_1 = arith.constant 0 : i32
    return %c0_i32, %arg0, %c0_i32_0 : i32, i32, i32
  }
  func.func @transform_1(%arg0: i32) -> (i32, i32, i32) {
    %c0_i32 = arith.constant 0 : i32
    %c0_i32_0 = arith.constant 0 : i32
    %c0_i32_1 = arith.constant 0 : i32
    return %c0_i32, %arg0, %c0_i32_0 : i32, i32, i32
  }
  func.func @transform_2(%arg0: i32) -> (i32, i32, i32) {
    %c0_i32 = arith.constant 0 : i32
    %c0_i32_0 = arith.constant 0 : i32
    %c0_i32_1 = arith.constant 0 : i32
    return %c0_i32, %arg0, %c0_i32_0 : i32, i32, i32
  }
  func.func @transform_3(%arg0: i32) -> (i32, i32, i32) {
    %c0_i32 = arith.constant 0 : i32
    %c0_i32_0 = arith.constant 0 : i32
    %c0_i32_1 = arith.constant 0 : i32
    return %c0_i32, %arg0, %c0_i32_0 : i32, i32, i32
  }
  func.func @transform_4(%arg0: i32) -> (i32, i32, i32) {
    %c0_i32 = arith.constant 0 : i32
    %c0_i32_0 = arith.constant 0 : i32
    %c0_i32_1 = arith.constant 0 : i32
    %c0_i32_2 = arith.constant 0 : i32
    return %c0_i32, %c0_i32_0, %c0_i32_1 : i32, i32, i32
  }
  func.func @transform_5(%arg0: i32) -> (i32, i32) {
    %c0_i32 = arith.constant 0 : i32
    %c0_i32_0 = arith.constant 0 : i32
    %c0_i32_1 = arith.constant 0 : i32
    return %c0_i32, %c0_i32_0 : i32, i32
  }
  func.func @transform_6(%arg0: i32) -> (i32, i32) {
    %c0_i32 = arith.constant 0 : i32
    %c0_i32_0 = arith.constant 0 : i32
    return %arg0, %c0_i32 : i32, i32
  }
}

</mosaic_0001>

<sc_bundles>
// kernel: kernel.6.cloned.1.call-start
scs
__scs_entry_jumppad:
0x0: {  	(pc) =	sbr.rel $0x88, $3  }
0x1: {  	(tag) =	ssettag $0x0;
	lr =	simm.s32 $0x1  }
0x2: {  	[smem:$0x3F97] =	sst lr;
	_ =	strace $0xD0000000  }
0x3: {  	_ = 	snop  }
0x4: {  	_ = 	snop  }
0x5: {  	_ = 	snop  }
0x6: {  	_ = 	snop  }
0x7: {  	_ = 	snop  }
__scs_overlays_trampoline_lowered:
0x8: {  	[smem:$0x3FA6] =	sst s0  }
0x9: {  	[smem:$0x3FA7] =	sst s1  }
0xa: {  	[smem:$0x3FA8] =	sst s2  }
0xb: {  	[smem:$0x3FA9] =	sst s3  }
0xc: {  	[smem:$0x3FAA] =	sst s4  }
0xd: {  	[smem:$0x3FAB] =	sst s5  }
0xe: {  	[smem:$0x3FAC] =	sst s6  }
0xf: {  	[smem:$0x3FAD] =	sst s7  }
0x10: {  	[smem:$0x3FAE] =	sst s8  }
0x11: {  	[smem:$0x3FAF] =	sst s9;
	s0 =	simm.s32 @!p0 $0x0  }
0x12: {  	s1 =	sld [smem:$0x3F95];
	s0 =	simm.s32 @p0 $0x1  }
0x13: {  	[smem:$0x3FB0] =	sst s0;
	s0 =	simm.s32 @!p1 $0x0  }
0x14: {  	s2 =	sld [smem:$0x3F94];
	s0 =	simm.s32 @p1 $0x1  }
0x15: {  	[smem:$0x3FB1] =	sst s0;
	s0 =	simm.s32 @!p2 $0x0  }
0x16: {  	s3 =	sld [smem:$0x3FDB];
	s0 =	simm.s32 @p2 $0x1  }
0x17: {  	s4 =	simm.s32 $0x1BF5;
	[smem:$0x3FB3] =	sst s0  }
0x18: {  	s0 =	sld [smem:$0x3F96];
	_ =	swait.ge [sflag:s4], $0x0  }
0x19: {  	s7 =	sld [smem:$0x3F97]  }
0x1a: {  	s8 =	sadd.s32 $0xFFFFE003, lr  }
0x1b: {  	s9 =	sadd.s32 $0xFFFFFEF7, lr;
	s5 =	simm.s32 $0xFFFFFFFF;
	p2 =	slt.u32 s8, $0xFFFFF086  }
0x1c: {  	p1 =	slt.u32 s9, $0xF7A;
	s5 =	simm.s32 @!p2 $0x0  }
0x1d: {  	s5 =	simm.s32 @p1 $0x1;
	p0 =	seq.s32 s7, s2  }
0x1e: {  	s7 =	smul.u32 @!p0 $0xF7A, s2;
	p2 =	seq.s32 @!p0 s5, $0x0  }
0x1f: {  	s9 =	smul.u32 $0xF7A, s1;
	s8 =	simm.s32 @!p0 $0x1BF5;
	p2 =	por !p2, p0  }
0x20: {  	[sflag:s8] =	ssyncset.s32 @!p0 $0xFFFFF086;
	s6 =	sadd.s32 @!p0 s3, s7;
	s7 =	simm.s32 @!p0 $0x108  }
0x21: {  	s3 =	sadd.s32 s3, s9;
	s6 =	sadd.s32 @!p0 $0x88, s6;
	s7 =	simm.s32 @p2 $0x1082  }
0x22: {  	[simem:s7], [sflag:s8] =	dma.local @!p0 [hbm:s6], $0xF7A  }
0x23: {  	s9 =	sor.u32 $0xD0000000, s2;
	s6 =	simm.s32 $0x108;
	_ =	swait.ge @!p0 [sflag:s8], $0x0  }
0x24: {  	s3 =	sadd.s32 $0x88, s3;
	s6 =	simm.s32 @!p1 $0x1082;
	[sflag:s4] =	ssyncset.s32 $0xFFFFF086  }
0x25: {  	[simem:s6], [sflag:s4] =	dma.local [hbm:s3], $0xF7A  }
0x26: {  	[smem:$0x3F97] =	sst s1;
	(tag) =	ssettag s2;
	_ =	strace s9  }
0x27: {  	s1 =	sld [smem:$0x3FA7]  }
0x28: {  	s2 =	sld [smem:$0x3FA8]  }
0x29: {  	s4 =	sld [smem:$0x3FAA]  }
0x2a: {  	p0 =	seq.s32 s5, $0x0;
	s5 =	sld [smem:$0x3FAB]  }
0x2b: {  	s6 =	sld [smem:$0x3FAC]  }
0x2c: {  	s7 =	sld [smem:$0x3FAD]  }
0x2d: {  	s3 =	simm.s32 $0x108;
	s8 =	sld [smem:$0x3FAE]  }
0x2e: {  	s3 =	simm.s32 @!p0 $0x1082;
	s9 =	sld [smem:$0x3FAF]  }
0x2f: {  	lr =	sadd.s32 s0, s3;
	s0 =	sld [smem:$0x3FA6]  }
0x30: {  	s3 =	sld [smem:$0x3FA9]  }
0x31: {  	[smem:$0x3FB2] =	sst s10  }
0x32: {  	s10 =	sld [smem:$0x3FB0];
	_ =	sdelay $0x3  }
0x33: {  	p0 =	seq.s32 s10, $0x1;
	s10 =	sld [smem:$0x3FB2];
	_ =	sdelay $0x3  }
0x34: {  	[smem:$0x3FB2] =	sst s10  }
0x35: {  	s10 =	sld [smem:$0x3FB1];
	_ =	sdelay $0x3  }
0x36: {  	p1 =	seq.s32 s10, $0x1;
	s10 =	sld [smem:$0x3FB2];
	_ =	sdelay $0x3  }
0x37: {  	[smem:$0x3FB2] =	sst s10  }
0x38: {  	s10 =	sld [smem:$0x3FB3]  }
0x39: {  	_ = 	snop;
	(pc) =	sbr.ind lr, $3  }
0x3a: {  	_ = 	snop  }
0x3b: {  	_ = 	snop  }
0x3c: {  	p2 =	seq.s32 s10, $0x1;
	s10 =	sld [smem:$0x3FB2]  }
0x3d: {  	_ =	shalt  }
0x3e: {  	_ =	shalt  }
0x3f: {  	_ =	shalt  }
0x40: {  	_ =	shalt  }
0x41: {  	_ =	shalt  }
0x42: {  	_ =	shalt  }
0x43: {  	_ =	shalt  }
0x44: {  	_ =	shalt  }
0x45: {  	_ =	shalt  }
0x46: {  	_ =	shalt  }
0x47: {  	_ =	shalt  }
0x48: {  	_ =	shalt  }
0x49: {  	_ =	shalt  }
0x4a: {  	_ =	shalt  }
0x4b: {  	_ =	shalt  }
0x4c: {  	_ =	shalt  }
0x4d: {  	_ =	shalt  }
0x4e: {  	_ =	shalt  }
0x4f: {  	_ =	shalt  }
0x50: {  	_ =	shalt  }
0x51: {  	_ =	shalt  }
0x52: {  	_ =	shalt  }
0x53: {  	_ =	shalt  }
0x54: {  	_ =	shalt  }
0x55: {  	_ =	shalt  }
0x56: {  	_ =	shalt  }
0x57: {  	_ =	shalt  }
0x58: {  	_ =	shalt  }
0x59: {  	_ =	shalt  }
0x5a: {  	_ =	shalt  }
0x5b: {  	_ =	shalt  }
0x5c: {  	_ =	shalt  }
0x5d: {  	_ =	shalt  }
0x5e: {  	_ =	shalt  }
0x5f: {  	_ =	shalt  }
0x60: {  	_ =	shalt  }
0x61: {  	_ =	shalt  }
0x62: {  	_ =	shalt  }
0x63: {  	_ =	shalt  }
0x64: {  	_ =	shalt  }
0x65: {  	_ =	shalt  }
0x66: {  	_ =	shalt  }
0x67: {  	_ =	shalt  }
0x68: {  	_ =	shalt  }
0x69: {  	_ =	shalt  }
0x6a: {  	_ =	shalt  }
0x6b: {  	_ =	shalt  }
0x6c: {  	_ =	shalt  }
0x6d: {  	_ =	shalt  }
0x6e: {  	_ =	shalt  }
0x6f: {  	_ =	shalt  }
0x70: {  	_ =	shalt  }
0x71: {  	_ =	shalt  }
0x72: {  	_ =	shalt  }
0x73: {  	_ =	shalt  }
0x74: {  	_ =	shalt  }
0x75: {  	_ =	shalt  }
0x76: {  	_ =	shalt  }
0x77: {  	_ =	shalt  }
0x78: {  	_ =	shalt  }
0x79: {  	_ =	shalt  }
0x7a: {  	_ =	shalt  }
0x7b: {  	_ =	shalt  }
0x7c: {  	_ =	shalt  }
0x7d: {  	_ =	shalt  }
0x7e: {  	_ =	shalt  }
0x7f: {  	_ =	shalt  }
0x80: {  	_ =	shalt  }
0x81: {  	_ =	shalt  }
0x82: {  	_ =	shalt  }
0x83: {  	_ =	shalt  }
0x84: {  	_ =	shalt  }
0x85: {  	_ =	shalt  }
0x86: {  	_ =	shalt  }
0x87: {  	_ =	shalt  }
.Lfunc_end0:
.L_simem_size_0:
called_computation_lowered:
.L_overlay_start_0:
0x88: {  	s2 =	sld [smem:$0x3FD9]  }
0x89: {  	s3 =	sld [smem:$0x3FFE];
	_ =	sdelay $0x1  }
0x8a: {  	s1 =	srdreg.scid  }
0x8b: {  	s0 =	sand.u32 $0x1, s1  }
0x8c: {  	s17 =	sshll.u32 s0, $0xA;
	s2 =	sadd.s32 s3, s2  }
0x8d: {  	s2 =	sadd.s32 s2, s17  }
0x8e: {  	[smem:$0x3FBE] =	sst s2  }
0x8f: {  	_ = 	snop  }
0x90: {  	s2 =	sld [smem:$0x3FD0];
	(tm) =	ssettm $0x1  }
0x91: {  	s18 =	sld [smem:$0x3FFB];
	_ =	sdelay $0x3  }
0x92: {  	_ =	strace s18  }
0x93: {  	s3 =	sld [smem:$0x3FFC];
	_ =	sdelay $0x3  }
0x94: {  	_ =	strace s3  }
0x95: {  	s3 =	sld [smem:$0x3FFD];
	_ =	sdelay $0x3  }
0x96: {  	_ =	strace s3  }
0x97: {  	_ =	strace $0x8FFFFFFF  }
0x98: {  	s19 =	sld [smem:$0x3FDB];
	_ =	sdelay $0x1  }
0x99: {  	s4 =	simm.s32 $_scs_section_size  }
0x9a: {  	s5 =	simm.s32 $_size__tile_overlayer_lowered;
	s6 =	simm.s32 $_tile_overlayer_lowered  }
0x9b: {  	s22 =	simm.s32 $0x1BFF;
	s21 =	sshll.u32 s6, $0x1;
	s3 =	sadd.s32 s4, s19  }
0x9c: {  	s7 =	simm.s32 $0x0;
	s20 =	sshll.u32 s5, $0x1;
	s5 =	sadd.s32 s21, s3  }
0x9d: {  	[timem:s7], [sflag:s22] =	dma.local [hbm:s5], s20  }
0x9e: {  	_ =	swait.ge [sflag:s22], s20  }
0x9f: {  	s4 =	ssub.s32 $0x0, s20;
	[sflag:s22] =	ssyncset.done $0x0  }
0xa0: {  	[sflag:s22] =	ssyncadd.s32 s4;
	_ =	sdelay $0x1  }
0xa1: {  	s23 =	simm.s32 $0x1B8B  }
0xa2: {  	_ =	swait.ge [sflag:s23], $0x1  }
0xa3: {  	[sflag:s23] =	ssyncset.done $0x0  }
0xa4: {  	s25 =	simm.s32 $0x1B8E;
	s24 =	sld [smem:$0x3FFE];
	[sflag:s23] =	ssyncadd.s32 $0xFFFFFFFF  }
0xa5: {  	s26 =	simm.s32 $execute0_lowered;
	[smem:$0x3FD2] =	sst s25  }
0xa6: {  	s5 =	sshll.u32 s26, $0x1;
	_ =	strace $0x80000046;
	[dreg:$0x1] =	wrdreg $0xFFFFFFFF  }
0xa7: {  	s28 =	simm.s32 $_size_execute0_lowered;
	s3 =	sadd.s32 s3, s5;
	[dreg:$0x0] =	wrdreg $0x0  }
0xa8: {  	s5 =	sshll.u32 s28, $0x1;
	[dreg:$0x2] =	wrdreg s3  }
0xa9: {  	[dreg:$0x3] =	wrdreg s5  }
0xaa: {  	[dreg:$0x4] =	wrdreg $0xC0  }
0xab: {  	_ =	task [dreg:s7], $0x5FFFF  }
0xac: {  	[dreg:$0x1] =	wrdreg $0xFFFFFFFF  }
0xad: {  	[dreg:$0x0] =	wrdreg $0x60  }
0xae: {  	[dreg:$0x2] =	wrdreg s24  }
0xaf: {  	[dreg:$0x3] =	wrdreg s2  }
0xb0: {  	[dreg:$0x4] =	wrdreg $0x0  }
0xb1: {  	[dreg:$0x5] =	wrdreg $0x2800  }
0xb2: {  	[dreg:$0x6] =	wrdreg $0x5000  }
0xb3: {  	[dreg:$0x7] =	wrdreg $0x7800  }
0xb4: {  	[dreg:$0x8] =	wrdreg $0xA000  }
0xb5: {  	[dreg:$0x9] =	wrdreg $0xC800  }
0xb6: {  	[dreg:$0xa] =	wrdreg $0x9  }
0xb7: {  	_ =	task.clear_ibuf [dreg:s7], $0xBFFFF;
	_ =	strace $0x90000046  }
0xb8: {  	s29 =	simm.s32 $0x9;
	_ =	strace $0x80000048  }
0xb9: {  	_ =	swait.ge [sflag:s29], $0x1  }
0xba: {  	[sflag:s29] =	ssyncadd.s32 $0xFFFFFFFF  }
0xbb: {  	_ =	strace $0x90000048  }
0xbc: {  	_ =	sfence  }
0xbd: {  	s30 =	sld [smem:$0x0];
	_ =	sdelay $0x2  }
0xbe: {  	s31 =	sshll.u32 s1, $0xD;
	s1 =	sshrl.u32 s1, $0x2  }
0xbf: {  	s3 =	sand.u32 $0x4000, s31;
	s1 =	sadd.s32 s1, s30  }
0xc0: {  	s0 =	sor.u32 s3, s0;
	s1 =	sshll.u32 s1, $0x11  }
0xc1: {  	s0 =	sor.u32 s1, s0  }
0xc2: {  	s0 =	sadd.s32 $0x8F2B, s0  }
0xc3: {  	[sflag:s0] =	ssyncadd.remote.s32 $0x1  }
0xc4: {  	_ =	sfence.sel $0xFFFF  }
0xc5: {  	[dreg:$0x0] =	wrdreg $0xFFFFFFFF;
	(pc) =	sbr.abs _section_cstart, $3  }
0xc6: {  	[dreg:$0x1] =	wrdreg $0xFFFFFFFF  }
0xc7: {  	_ =	task.clear_ibuf [dreg:s7], $0x2FFFF;
	_ =	strace $0x9FFFFFFF  }
0xc8: {  	(tm) =	ssettm $0x7FFFFFFF  }
0xc9: {  	_ =	shalt  }
tec
execute0_lowered:
.L_overlay_start_1:
0x0: {  	(tag) =	ssettag $0x1  }
0x1: {  	s9 =	rddreg [dreg:$0x0]  }
0x2: {  	s25 =	rddreg [dreg:$0x1]  }
0x3: {  	s0 =	rddreg [dreg:$0x2]  }
0x4: {  	s2 =	rddreg [dreg:$0x3]  }
0x5: {  	s3 =	rddreg [dreg:$0x4]  }
0x6: {  	s1 =	srdreg.scid;
	s18 =	stileid.u32  }
0x7: {  	s5 =	rddreg [dreg:$0x5];
	s4 =	sand.u32 $0x1, s1;
	s11 =	smul.u32 $0x2710, s18  }
0x8: {  	s6 =	rddreg [dreg:$0x6];
	s10 =	smul.u32 $0x27100, s4  }
0x9: {  	s7 =	rddreg [dreg:$0x7];
	s8 =	simm.s32 $0x0  }
0xa: {  	[smem:$0x7FF] =	sst s8;
	s10 =	sadd.s32 s11, s10  }
0xb: {  	s19 =	sadd.s32 $0x3B800, s9;
	_ =	strace $0x80000047;
	s10 =	sshrl.u32 s10, $0x3  }
0xc: {  	[dreg:$0x9] =	wrdreg s19;
	s24 =	sadd.s32 s10, s9;
	s9 =	sadd.s32 $0x3BE00, s9  }
0xd: {  	[dreg:$0xa] =	wrdreg s9;
	s20 =	sadd.s32 $0xA200, s24  }
0xe: {  	s21 =	sadd.s32 $0x400, s24;
	[dreg:$0xb] =	wrdreg s20  }
0xf: {  	[dreg:$0xc] =	wrdreg s21  }
0x10: {  	s22 =	sadd.s32 $0x27C00, s24;
	s23 =	rddreg [dreg:$0xa]  }
0x11: {  	s26 =	sadd.s32 $0x31A00, s24;
	[dreg:$0xd] =	wrdreg s22  }
0x12: {  	s10 =	simm.s32 $0x8580;
	s9 =	simm.s32 $0x3;
	[dreg:$0xe] =	wrdreg s26  }
0x13: {  	[tilespmem:s10], [sflag:$0x3] =	stream.linear.gather [hbm4b:s23+s8], $0x280, $0x38;
	[tilespmem:$0x8800] =	vst v63  }
0x14: {  	_ =	swait.ge [sflag:s9], $0x280  }
0x15: {  	[sflag:s9] =	ssyncset.done $0x0  }
0x16: {  	s11 =	simm.s32 $0x5E00;
	s12 =	rddreg [dreg:$0x9];
	[sflag:s9] =	ssyncadd.s32 $0xFFFFFD80  }
0x17: {  	[tilespmem:s11], [sflag:$0x3] =	stream.linear.gather [hbm4b:s12+s8], $0x2780, $0x38;
	[tilespmem:$0x8800] =	vst v63  }
0x18: {  	s26 =	smul.u32 $0x280, s18;
	_ =	swait.ge [sflag:s9], $0x2780  }
0x19: {  	[sflag:s9] =	ssyncset.done $0x0  }
0x1a: {  	s12 =	sadd.s32 s26, s0;
	[sflag:s9] =	ssyncadd.s32 $0xFFFFD880  }
0x1b: {  	[spmem:s12] =	stream.linear.scatter [tilespmem:s10], [sflag:$0x3], $0x280, $0x38;
	[tilespmem:$0x8800] =	vst v63  }
0x1c: {  	_ =	swait.ge [sflag:s9], $0x280  }
0x1d: {  	[sflag:s9] =	ssyncset.done $0x0  }
0x1e: {  	s13 =	sadd.s32 s26, s2;
	[sflag:s9] =	ssyncadd.s32 $0xFFFFFD80  }
0x1f: {  	[spmem:s13] =	stream.linear.scatter [tilespmem:s10], [sflag:$0x3], $0x280, $0x38;
	[tilespmem:$0x8800] =	vst v63  }
0x20: {  	_ =	swait.ge [sflag:s9], $0x280  }
0x21: {  	[sflag:s9] =	ssyncset.done $0x0  }
0x22: {  	s14 =	sadd.s32 s26, s3;
	[sflag:s9] =	ssyncadd.s32 $0xFFFFFD80  }
0x23: {  	[spmem:s14] =	stream.linear.scatter [tilespmem:s10], [sflag:$0x3], $0x280, $0x38;
	[tilespmem:$0x8800] =	vst v63  }
0x24: {  	_ =	swait.ge [sflag:s9], $0x280  }
0x25: {  	[sflag:s9] =	ssyncset.done $0x0  }
0x26: {  	s15 =	sadd.s32 s26, s5;
	[sflag:s9] =	ssyncadd.s32 $0xFFFFFD80  }
0x27: {  	[spmem:s15] =	stream.linear.scatter [tilespmem:s10], [sflag:$0x3], $0x280, $0x38;
	[tilespmem:$0x8800] =	vst v63  }
0x28: {  	_ =	swait.ge [sflag:s9], $0x280  }
0x29: {  	[sflag:s9] =	ssyncset.done $0x0  }
0x2a: {  	s16 =	sadd.s32 s26, s6;
	[sflag:s9] =	ssyncadd.s32 $0xFFFFFD80  }
0x2b: {  	[spmem:s16] =	stream.linear.scatter [tilespmem:s10], [sflag:$0x3], $0x280, $0x38;
	[tilespmem:$0x8800] =	vst v63  }
0x2c: {  	_ =	swait.ge [sflag:s9], $0x280  }
0x2d: {  	[sflag:s9] =	ssyncset.done $0x0  }
0x2e: {  	s17 =	sadd.s32 s26, s7;
	[sflag:s9] =	ssyncadd.s32 $0xFFFFFD80  }
0x2f: {  	[spmem:s17] =	stream.linear.scatter [tilespmem:s10], [sflag:$0x3], $0x280, $0x38;
	[tilespmem:$0x8800] =	vst v63  }
0x30: {  	_ =	swait.ge [sflag:s9], $0x280  }
0x31: {  	[sflag:s9] =	ssyncset.done $0x0  }
0x32: {  	s18 =	simm.s32 $0xF00;
	s19 =	rddreg [dreg:$0xb];
	[sflag:s9] =	ssyncadd.s32 $0xFFFFFD80  }
0x33: {  	[tilespmem:s18], [sflag:$0x1] =	stream.linear.gather [hbm4b:s19+s8], $0x2710, $0x38;
	[tilespmem:$0x8800] =	vst v63  }
0x34: {  	s19 =	simm.s32 $0x1;
	[bflag:$0x0] =	sbarrier.arrive $0xFFFF  }
0x35: {  	_ =	swait.ge [sflag:s19], $0x2710  }
0x36: {  	[sflag:s19] =	ssyncset.done $0x0  }
0x37: {  	s20 =	simm.s32 $0x3680;
	s21 =	rddreg [dreg:$0xc];
	[sflag:s19] =	ssyncadd.s32 $0xFFFFD8F0  }
0x38: {  	[tilespmem:s20], [sflag:$0x2] =	stream.linear.gather [hbm4b:s21+s8], $0x2710, $0x38;
	[tilespmem:$0x8800] =	vst v63  }
0x39: {  	s21 =	simm.s32 $0x2710  }
0x3a: {  	[spmem:s0] =	stream.indirect.scatter.add.f32 [tilespmem:s11], [sflag:$0x3], $0x1, s18, s21, $0xb8;
	[tilespmem:$0x8800] =	vst v63  }
0x3b: {  	_ =	swait.ge [sflag:s9], $0x2710  }
0x3c: {  	[sflag:s9] =	ssyncset.done $0x0  }
0x3d: {  	s22 =	simm.s32 $0x2;
	[sflag:s9] =	ssyncadd.s32 $0xFFFFD8F0  }
0x3e: {  	_ =	swait.ge [sflag:s22], $0x2710  }
0x3f: {  	[sflag:s22] =	ssyncset.done $0x0  }
0x40: {  	s23 =	rddreg [dreg:$0xd];
	[sflag:s22] =	ssyncadd.s32 $0xFFFFD8F0  }
0x41: {  	[tilespmem:s18], [sflag:$0x1] =	stream.linear.gather [hbm4b:s23+s8], $0x2710, $0x38;
	[tilespmem:$0x8800] =	vst v63  }
0x42: {  	_ = 	snop  }
0x43: {  	[spmem:s2] =	stream.indirect.scatter.add.f32 [tilespmem:s11], [sflag:$0x3], $0x1, s20, s21, $0xb8;
	[tilespmem:$0x8800] =	vst v63  }
0x44: {  	_ =	swait.ge [sflag:s9], $0x2710  }
0x45: {  	[sflag:s9] =	ssyncset.done $0x0  }
0x46: {  	[sflag:s9] =	ssyncadd.s32 $0xFFFFD8F0  }
0x47: {  	_ =	swait.ge [sflag:s19], $0x2710  }
0x48: {  	[sflag:s19] =	ssyncset.done $0x0  }
0x49: {  	s1 =	rddreg [dreg:$0xe];
	[sflag:s19] =	ssyncadd.s32 $0xFFFFD8F0  }
0x4a: {  	[tilespmem:s20], [sflag:$0x2] =	stream.linear.gather [hbm4b:s1+s8], $0x2710, $0x38;
	[tilespmem:$0x8800] =	vst v63  }
0x4b: {  	_ = 	snop  }
0x4c: {  	[spmem:s3] =	stream.indirect.scatter.add.f32 [tilespmem:s11], [sflag:$0x3], $0x1, s18, s21, $0xb8;
	[tilespmem:$0x8800] =	vst v63  }
0x4d: {  	_ =	swait.ge [sflag:s9], $0x2710  }
0x4e: {  	[sflag:s9] =	ssyncset.done $0x0  }
0x4f: {  	[sflag:s9] =	ssyncadd.s32 $0xFFFFD8F0  }
0x50: {  	_ =	swait.ge [sflag:s22], $0x2710  }
0x51: {  	[sflag:s22] =	ssyncset.done $0x0  }
0x52: {  	s23 =	sadd.s32 $0x1DE00, s24;
	[sflag:s22] =	ssyncadd.s32 $0xFFFFD8F0  }
0x53: {  	[tilespmem:s18], [sflag:$0x1] =	stream.linear.gather [hbm4b:s23+s8], $0x2710, $0x38;
	[tilespmem:$0x8800] =	vst v63  }
0x54: {  	_ = 	snop  }
0x55: {  	[spmem:s5] =	stream.indirect.scatter.add.f32 [tilespmem:s11], [sflag:$0x3], $0x1, s20, s21, $0xb8;
	[tilespmem:$0x8800] =	vst v63  }
0x56: {  	_ =	swait.ge [sflag:s9], $0x2710  }
0x57: {  	[sflag:s9] =	ssyncset.done $0x0  }
0x58: {  	[sflag:s9] =	ssyncadd.s32 $0xFFFFD8F0  }
0x59: {  	_ =	swait.ge [sflag:s19], $0x2710  }
0x5a: {  	[sflag:s19] =	ssyncset.done $0x0  }
0x5b: {  	s24 =	sadd.s32 $0x14000, s24;
	[sflag:s19] =	ssyncadd.s32 $0xFFFFD8F0  }
0x5c: {  	[tilespmem:s20], [sflag:$0x2] =	stream.linear.gather [hbm4b:s24+s8], $0x2710, $0x38;
	[tilespmem:$0x8800] =	vst v63  }
0x5d: {  	_ = 	snop  }
0x5e: {  	[spmem:s6] =	stream.indirect.scatter.add.f32 [tilespmem:s11], [sflag:$0x3], $0x1, s18, s21, $0xb8;
	[tilespmem:$0x8800] =	vst v63  }
0x5f: {  	_ =	swait.ge [sflag:s9], $0x2710  }
0x60: {  	[sflag:s9] =	ssyncset.done $0x0  }
0x61: {  	[sflag:s9] =	ssyncadd.s32 $0xFFFFD8F0  }
0x62: {  	_ =	swait.ge [sflag:s22], $0x2710  }
0x63: {  	[sflag:s22] =	ssyncset.done $0x0  }
0x64: {  	[sflag:s22] =	ssyncadd.s32 $0xFFFFD8F0  }
0x65: {  	[spmem:s7] =	stream.indirect.scatter.add.f32 [tilespmem:s11], [sflag:$0x3], $0x1, s20, s21, $0xb8;
	[tilespmem:$0x8800] =	vst v63  }
0x66: {  	_ =	swait.ge [sflag:s9], $0x2710  }
0x67: {  	[sflag:s9] =	ssyncset.done $0x0  }
0x68: {  	[sflag:s9] =	ssyncadd.s32 $0xFFFFD8F0  }
0x69: {  	s28 =	smul.u32 $0xF000, s4;
	[bflag:$0x0] =	sbarrier.arrive $0xFFFF  }
0x6a: {  	[tilespmem:s10], [sflag:$0x3] =	stream.linear.gather [spmem:s12], $0x280, $0x38;
	[tilespmem:$0x8800] =	vst v63  }
0x6b: {  	s26 =	sadd.s32 s26, s28;
	_ =	swait.ge [sflag:s9], $0x280  }
0x6c: {  	s26 =	sshrl.u32 s26, $0x3;
	[sflag:s9] =	ssyncset.done $0x0  }
0x6d: {  	s25 =	sadd.s32 s25, s26;
	[sflag:s9] =	ssyncadd.s32 $0xFFFFFD80  }
0x6e: {  	[hbm4b:s25+s8] =	stream.linear.scatter [tilespmem:s10], [sflag:$0x3], $0x280, $0x38;
	[tilespmem:$0x8800] =	vst v63  }
0x6f: {  	_ =	swait.ge [sflag:s9], $0x280  }
0x70: {  	[sflag:s9] =	ssyncset.done $0x0  }
0x71: {  	[sflag:s9] =	ssyncadd.s32 $0xFFFFFD80  }
0x72: {  	[tilespmem:s10], [sflag:$0x3] =	stream.linear.gather [spmem:s13], $0x280, $0x38;
	[tilespmem:$0x8800] =	vst v63  }
0x73: {  	_ =	swait.ge [sflag:s9], $0x280  }
0x74: {  	[sflag:s9] =	ssyncset.done $0x0  }
0x75: {  	s26 =	sadd.s32 $0x500, s25;
	[sflag:s9] =	ssyncadd.s32 $0xFFFFFD80  }
0x76: {  	[hbm4b:s26+s8] =	stream.linear.scatter [tilespmem:s10], [sflag:$0x3], $0x280, $0x38;
	[tilespmem:$0x8800] =	vst v63  }
0x77: {  	_ =	swait.ge [sflag:s9], $0x280  }
0x78: {  	[sflag:s9] =	ssyncset.done $0x0  }
0x79: {  	[sflag:s9] =	ssyncadd.s32 $0xFFFFFD80  }
0x7a: {  	[tilespmem:s10], [sflag:$0x3] =	stream.linear.gather [spmem:s14], $0x280, $0x38;
	[tilespmem:$0x8800] =	vst v63  }
0x7b: {  	_ =	swait.ge [sflag:s9], $0x280  }
0x7c: {  	[sflag:s9] =	ssyncset.done $0x0  }
0x7d: {  	s28 =	sadd.s32 $0xA00, s25;
	[sflag:s9] =	ssyncadd.s32 $0xFFFFFD80  }
0x7e: {  	[hbm4b:s28+s8] =	stream.linear.scatter [tilespmem:s10], [sflag:$0x3], $0x280, $0x38;
	[tilespmem:$0x8800] =	vst v63  }
0x7f: {  	_ =	swait.ge [sflag:s9], $0x280  }
0x80: {  	[sflag:s9] =	ssyncset.done $0x0  }
0x81: {  	[sflag:s9] =	ssyncadd.s32 $0xFFFFFD80  }
0x82: {  	[tilespmem:s10], [sflag:$0x3] =	stream.linear.gather [spmem:s15], $0x280, $0x38;
	[tilespmem:$0x8800] =	vst v63  }
0x83: {  	_ =	swait.ge [sflag:s9], $0x280  }
0x84: {  	[sflag:s9] =	ssyncset.done $0x0  }
0x85: {  	s29 =	sadd.s32 $0xF00, s25;
	[sflag:s9] =	ssyncadd.s32 $0xFFFFFD80  }
0x86: {  	[hbm4b:s29+s8] =	stream.linear.scatter [tilespmem:s10], [sflag:$0x3], $0x280, $0x38;
	[tilespmem:$0x8800] =	vst v63  }
0x87: {  	_ =	swait.ge [sflag:s9], $0x280  }
0x88: {  	[sflag:s9] =	ssyncset.done $0x0  }
0x89: {  	[sflag:s9] =	ssyncadd.s32 $0xFFFFFD80  }
0x8a: {  	[tilespmem:s10], [sflag:$0x3] =	stream.linear.gather [spmem:s16], $0x280, $0x38;
	[tilespmem:$0x8800] =	vst v63  }
0x8b: {  	_ =	swait.ge [sflag:s9], $0x280  }
0x8c: {  	s4 =	ssub.s32 $0x2, s4;
	[sflag:s9] =	ssyncset.done $0x0  }
0x8d: {  	s31 =	sshrl.u32 s4, $0x1;
	s30 =	sadd.s32 $0x1400, s25;
	[sflag:s9] =	ssyncadd.s32 $0xFFFFFD80  }
0x8e: {  	[hbm4b:s30+s8] =	stream.linear.scatter [tilespmem:s10], [sflag:$0x3], $0x280, $0x38;
	[tilespmem:$0x8800] =	vst v63  }
0x8f: {  	s4 =	ssub.s32 s4, s31;
	_ =	swait.ge [sflag:s9], $0x280  }
0x90: {  	s4 =	smax.u32 s4, $0x1;
	[sflag:s9] =	ssyncset.done $0x0  }
0x91: {  	p0 =	sne.s32 s4, $0x1;
	[sflag:s9] =	ssyncadd.s32 $0xFFFFFD80  }
0x92: {  	[tilespmem:s10], [sflag:$0x3] =	stream.linear.gather [spmem:s17], $0x280, $0x38;
	[tilespmem:$0x8800] =	vst v63  }
.Ltmp0:
0x93: {  	_ =	swait.ge [sflag:s9], $0x280;
	(pc) =	sbr.rel @!p0 .LBB2_2-.Ltmp0, $4  }
0x94: {  	[sflag:s9] =	ssyncset.done $0x0  }
0x95: {  	s31 =	sadd.s32 $0x1900, s25;
	[sflag:s9] =	ssyncadd.s32 $0xFFFFFD80  }
0x96: {  	[hbm4b:s31+s8] =	stream.linear.scatter [tilespmem:s10], [sflag:$0x3], $0x280, $0x38;
	[tilespmem:$0x8800] =	vst v63  }
0x97: {  	s4 =	sadd.s32 $0xFFFFFFFF, s4;
	_ =	swait.ge [sflag:s9], $0x280  }
.LBB2_1:
0x98: {  	[sflag:s9] =	ssyncset.done $0x0  }
0x99: {  	s1 =	rddreg [dreg:$0xa];
	[sflag:s9] =	ssyncadd.s32 $0xFFFFFD80  }
0x9a: {  	[tilespmem:s10], [sflag:$0x3] =	stream.linear.gather [hbm4b:s1+s8], $0x280, $0x38;
	[tilespmem:$0x8800] =	vst v63  }
0x9b: {  	_ =	swait.ge [sflag:s9], $0x280  }
0x9c: {  	[sflag:s9] =	ssyncset.done $0x0  }
0x9d: {  	s1 =	rddreg [dreg:$0x9];
	[sflag:s9] =	ssyncadd.s32 $0xFFFFFD80  }
0x9e: {  	[tilespmem:s11], [sflag:$0x3] =	stream.linear.gather [hbm4b:s1+s8], $0x2780, $0x38;
	[tilespmem:$0x8800] =	vst v63  }
0x9f: {  	_ =	swait.ge [sflag:s9], $0x2780  }
0xa0: {  	[sflag:s9] =	ssyncset.done $0x0  }
0xa1: {  	[sflag:s9] =	ssyncadd.s32 $0xFFFFD880  }
0xa2: {  	[spmem:s12] =	stream.linear.scatter [tilespmem:s10], [sflag:$0x3], $0x280, $0x38;
	[tilespmem:$0x8800] =	vst v63  }
0xa3: {  	_ =	swait.ge [sflag:s9], $0x280  }
0xa4: {  	[sflag:s9] =	ssyncset.done $0x0  }
0xa5: {  	[sflag:s9] =	ssyncadd.s32 $0xFFFFFD80  }
0xa6: {  	[spmem:s13] =	stream.linear.scatter [tilespmem:s10], [sflag:$0x3], $0x280, $0x38;
	[tilespmem:$0x8800] =	vst v63  }
0xa7: {  	_ =	swait.ge [sflag:s9], $0x280  }
0xa8: {  	[sflag:s9] =	ssyncset.done $0x0  }
0xa9: {  	[sflag:s9] =	ssyncadd.s32 $0xFFFFFD80  }
0xaa: {  	[spmem:s14] =	stream.linear.scatter [tilespmem:s10], [sflag:$0x3], $0x280, $0x38;
	[tilespmem:$0x8800] =	vst v63  }
0xab: {  	_ =	swait.ge [sflag:s9], $0x280  }
0xac: {  	[sflag:s9] =	ssyncset.done $0x0  }
0xad: {  	[sflag:s9] =	ssyncadd.s32 $0xFFFFFD80  }
0xae: {  	[spmem:s15] =	stream.linear.scatter [tilespmem:s10], [sflag:$0x3], $0x280, $0x38;
	[tilespmem:$0x8800] =	vst v63  }
0xaf: {  	_ =	swait.ge [sflag:s9], $0x280  }
0xb0: {  	[sflag:s9] =	ssyncset.done $0x0  }
0xb1: {  	[sflag:s9] =	ssyncadd.s32 $0xFFFFFD80  }
0xb2: {  	[spmem:s16] =	stream.linear.scatter [tilespmem:s10], [sflag:$0x3], $0x280, $0x38;
	[tilespmem:$0x8800] =	vst v63  }
0xb3: {  	_ =	swait.ge [sflag:s9], $0x280  }
0xb4: {  	[sflag:s9] =	ssyncset.done $0x0  }
0xb5: {  	[sflag:s9] =	ssyncadd.s32 $0xFFFFFD80  }
0xb6: {  	[spmem:s17] =	stream.linear.scatter [tilespmem:s10], [sflag:$0x3], $0x280, $0x38;
	[tilespmem:$0x8800] =	vst v63  }
0xb7: {  	_ =	swait.ge [sflag:s9], $0x280  }
0xb8: {  	[sflag:s9] =	ssyncset.done $0x0  }
0xb9: {  	s1 =	rddreg [dreg:$0xb];
	[sflag:s9] =	ssyncadd.s32 $0xFFFFFD80  }
0xba: {  	[tilespmem:s18], [sflag:$0x1] =	stream.linear.gather [hbm4b:s1+s8], $0x2710, $0x38;
	[tilespmem:$0x8800] =	vst v63  }
0xbb: {  	[bflag:$0x0] =	sbarrier.arrive $0xFFFF  }
0xbc: {  	_ =	swait.ge [sflag:s19], $0x2710  }
0xbd: {  	[sflag:s19] =	ssyncset.done $0x0  }
0xbe: {  	s1 =	rddreg [dreg:$0xc];
	[sflag:s19] =	ssyncadd.s32 $0xFFFFD8F0  }
0xbf: {  	[tilespmem:s20], [sflag:$0x2] =	stream.linear.gather [hbm4b:s1+s8], $0x2710, $0x38;
	[tilespmem:$0x8800] =	vst v63  }
0xc0: {  	_ = 	snop  }
0xc1: {  	[spmem:s0] =	stream.indirect.scatter.add.f32 [tilespmem:s11], [sflag:$0x3], $0x1, s18, s21, $0xb8;
	[tilespmem:$0x8800] =	vst v63  }
0xc2: {  	_ =	swait.ge [sflag:s9], $0x2710  }
0xc3: {  	[sflag:s9] =	ssyncset.done $0x0  }
0xc4: {  	[sflag:s9] =	ssyncadd.s32 $0xFFFFD8F0  }
0xc5: {  	_ =	swait.ge [sflag:s22], $0x2710  }
0xc6: {  	[sflag:s22] =	ssyncset.done $0x0  }
0xc7: {  	s1 =	rddreg [dreg:$0xd];
	[sflag:s22] =	ssyncadd.s32 $0xFFFFD8F0  }
0xc8: {  	[tilespmem:s18], [sflag:$0x1] =	stream.linear.gather [hbm4b:s1+s8], $0x2710, $0x38;
	[tilespmem:$0x8800] =	vst v63  }
0xc9: {  	_ = 	snop  }
0xca: {  	[spmem:s2] =	stream.indirect.scatter.add.f32 [tilespmem:s11], [sflag:$0x3], $0x1, s20, s21, $0xb8;
	[tilespmem:$0x8800] =	vst v63  }
0xcb: {  	_ =	swait.ge [sflag:s9], $0x2710  }
0xcc: {  	[sflag:s9] =	ssyncset.done $0x0  }
0xcd: {  	[sflag:s9] =	ssyncadd.s32 $0xFFFFD8F0  }
0xce: {  	_ =	swait.ge [sflag:s19], $0x2710  }
0xcf: {  	[sflag:s19] =	ssyncset.done $0x0  }
0xd0: {  	s1 =	rddreg [dreg:$0xe];
	[sflag:s19] =	ssyncadd.s32 $0xFFFFD8F0  }
0xd1: {  	[tilespmem:s20], [sflag:$0x2] =	stream.linear.gather [hbm4b:s1+s8], $0x2710, $0x38;
	[tilespmem:$0x8800] =	vst v63  }
0xd2: {  	_ = 	snop  }
0xd3: {  	[spmem:s3] =	stream.indirect.scatter.add.f32 [tilespmem:s11], [sflag:$0x3], $0x1, s18, s21, $0xb8;
	[tilespmem:$0x8800] =	vst v63  }
0xd4: {  	_ =	swait.ge [sflag:s9], $0x2710  }
0xd5: {  	[sflag:s9] =	ssyncset.done $0x0  }
0xd6: {  	[sflag:s9] =	ssyncadd.s32 $0xFFFFD8F0  }
0xd7: {  	_ =	swait.ge [sflag:s22], $0x2710  }
0xd8: {  	[sflag:s22] =	ssyncset.done $0x0  }
0xd9: {  	[sflag:s22] =	ssyncadd.s32 $0xFFFFD8F0  }
0xda: {  	[tilespmem:s18], [sflag:$0x1] =	stream.linear.gather [hbm4b:s23+s8], $0x2710, $0x38;
	[tilespmem:$0x8800] =	vst v63  }
0xdb: {  	_ = 	snop  }
0xdc: {  	[spmem:s5] =	stream.indirect.scatter.add.f32 [tilespmem:s11], [sflag:$0x3], $0x1, s20, s21, $0xb8;
	[tilespmem:$0x8800] =	vst v63  }
0xdd: {  	_ =	swait.ge [sflag:s9], $0x2710  }
0xde: {  	[sflag:s9] =	ssyncset.done $0x0  }
0xdf: {  	[sflag:s9] =	ssyncadd.s32 $0xFFFFD8F0  }
0xe0: {  	_ =	swait.ge [sflag:s19], $0x2710  }
0xe1: {  	[sflag:s19] =	ssyncset.done $0x0  }
0xe2: {  	[sflag:s19] =	ssyncadd.s32 $0xFFFFD8F0  }
0xe3: {  	[tilespmem:s20], [sflag:$0x2] =	stream.linear.gather [hbm4b:s24+s8], $0x2710, $0x38;
	[tilespmem:$0x8800] =	vst v63  }
0xe4: {  	_ = 	snop  }
0xe5: {  	[spmem:s6] =	stream.indirect.scatter.add.f32 [tilespmem:s11], [sflag:$0x3], $0x1, s18, s21, $0xb8;
	[tilespmem:$0x8800] =	vst v63  }
0xe6: {  	_ =	swait.ge [sflag:s9], $0x2710  }
0xe7: {  	[sflag:s9] =	ssyncset.done $0x0  }
0xe8: {  	[sflag:s9] =	ssyncadd.s32 $0xFFFFD8F0  }
0xe9: {  	_ =	swait.ge [sflag:s22], $0x2710  }
0xea: {  	[sflag:s22] =	ssyncset.done $0x0  }
0xeb: {  	[sflag:s22] =	ssyncadd.s32 $0xFFFFD8F0  }
0xec: {  	[spmem:s7] =	stream.indirect.scatter.add.f32 [tilespmem:s11], [sflag:$0x3], $0x1, s20, s21, $0xb8;
	[tilespmem:$0x8800] =	vst v63  }
0xed: {  	_ =	swait.ge [sflag:s9], $0x2710  }
0xee: {  	[sflag:s9] =	ssyncset.done $0x0  }
0xef: {  	[sflag:s9] =	ssyncadd.s32 $0xFFFFD8F0  }
0xf0: {  	[bflag:$0x0] =	sbarrier.arrive $0xFFFF  }
0xf1: {  	[tilespmem:s10], [sflag:$0x3] =	stream.linear.gather [spmem:s12], $0x280, $0x38;
	[tilespmem:$0x8800] =	vst v63  }
0xf2: {  	_ =	swait.ge [sflag:s9], $0x280  }
0xf3: {  	[sflag:s9] =	ssyncset.done $0x0  }
0xf4: {  	[sflag:s9] =	ssyncadd.s32 $0xFFFFFD80  }
0xf5: {  	[hbm4b:s25+s8] =	stream.linear.scatter [tilespmem:s10], [sflag:$0x3], $0x280, $0x38;
	[tilespmem:$0x8800] =	vst v63  }
0xf6: {  	_ =	swait.ge [sflag:s9], $0x280  }
0xf7: {  	[sflag:s9] =	ssyncset.done $0x0  }
0xf8: {  	[sflag:s9] =	ssyncadd.s32 $0xFFFFFD80  }
0xf9: {  	[tilespmem:s10], [sflag:$0x3] =	stream.linear.gather [spmem:s13], $0x280, $0x38;
	[tilespmem:$0x8800] =	vst v63  }
0xfa: {  	_ =	swait.ge [sflag:s9], $0x280  }
0xfb: {  	[sflag:s9] =	ssyncset.done $0x0  }
0xfc: {  	[sflag:s9] =	ssyncadd.s32 $0xFFFFFD80  }
0xfd: {  	[hbm4b:s26+s8] =	stream.linear.scatter [tilespmem:s10], [sflag:$0x3], $0x280, $0x38;
	[tilespmem:$0x8800] =	vst v63  }
0xfe: {  	_ =	swait.ge [sflag:s9], $0x280  }
0xff: {  	[sflag:s9] =	ssyncset.done $0x0  }
0x100: {  	[sflag:s9] =	ssyncadd.s32 $0xFFFFFD80  }
0x101: {  	[tilespmem:s10], [sflag:$0x3] =	stream.linear.gather [spmem:s14], $0x280, $0x38;
	[tilespmem:$0x8800] =	vst v63  }
0x102: {  	_ =	swait.ge [sflag:s9], $0x280  }
0x103: {  	[sflag:s9] =	ssyncset.done $0x0  }
0x104: {  	[sflag:s9] =	ssyncadd.s32 $0xFFFFFD80  }
0x105: {  	[hbm4b:s28+s8] =	stream.linear.scatter [tilespmem:s10], [sflag:$0x3], $0x280, $0x38;
	[tilespmem:$0x8800] =	vst v63  }
0x106: {  	_ =	swait.ge [sflag:s9], $0x280  }
0x107: {  	[sflag:s9] =	ssyncset.done $0x0  }
0x108: {  	[sflag:s9] =	ssyncadd.s32 $0xFFFFFD80  }
0x109: {  	[tilespmem:s10], [sflag:$0x3] =	stream.linear.gather [spmem:s15], $0x280, $0x38;
	[tilespmem:$0x8800] =	vst v63  }
0x10a: {  	_ =	swait.ge [sflag:s9], $0x280  }
0x10b: {  	[sflag:s9] =	ssyncset.done $0x0  }
0x10c: {  	[sflag:s9] =	ssyncadd.s32 $0xFFFFFD80  }
0x10d: {  	[hbm4b:s29+s8] =	stream.linear.scatter [tilespmem:s10], [sflag:$0x3], $0x280, $0x38;
	[tilespmem:$0x8800] =	vst v63  }
0x10e: {  	_ =	swait.ge [sflag:s9], $0x280  }
0x10f: {  	[sflag:s9] =	ssyncset.done $0x0  }
0x110: {  	[sflag:s9] =	ssyncadd.s32 $0xFFFFFD80  }
0x111: {  	[tilespmem:s10], [sflag:$0x3] =	stream.linear.gather [spmem:s16], $0x280, $0x38;
	[tilespmem:$0x8800] =	vst v63  }
0x112: {  	_ =	swait.ge [sflag:s9], $0x280  }
0x113: {  	[sflag:s9] =	ssyncset.done $0x0  }
0x114: {  	[sflag:s9] =	ssyncadd.s32 $0xFFFFFD80  }
0x115: {  	[hbm4b:s30+s8] =	stream.linear.scatter [tilespmem:s10], [sflag:$0x3], $0x280, $0x38;
	[tilespmem:$0x8800] =	vst v63  }
0x116: {  	_ =	swait.ge [sflag:s9], $0x280  }
0x117: {  	[sflag:s9] =	ssyncset.done $0x0  }
0x118: {  	p0 =	sne.s32 s4, $0x1;
	[sflag:s9] =	ssyncadd.s32 $0xFFFFFD80  }
0x119: {  	[tilespmem:s10], [sflag:$0x3] =	stream.linear.gather [spmem:s17], $0x280, $0x38;
	[tilespmem:$0x8800] =	vst v63  }
.Ltmp1:
0x11a: {  	_ =	swait.ge [sflag:s9], $0x280;
	(pc) =	sbr.rel @p0 .LBB2_1-.Ltmp1, $4  }
0x11b: {  	[sflag:s9] =	ssyncset.done $0x0  }
0x11c: {  	[sflag:s9] =	ssyncadd.s32 $0xFFFFFD80  }
0x11d: {  	[hbm4b:s31+s8] =	stream.linear.scatter [tilespmem:s10], [sflag:$0x3], $0x280, $0x38;
	[tilespmem:$0x8800] =	vst v63  }
0x11e: {  	s4 =	sadd.s32 $0xFFFFFFFF, s4;
	_ =	swait.ge [sflag:s9], $0x280  }
.LBB2_2:
0x11f: {  	[sflag:s9] =	ssyncset.done $0x0  }
0x120: {  	[sflag:s9] =	ssyncadd.s32 $0xFFFFFD80  }
0x121: {  	_ =	sfence.sel $0x180000  }
0x122: {  	[bflag:$0x0] =	sbarrier.arrive $0xFFFF  }
0x123: {  	_ =	strace $0x90000047  }
0x124: {  	s0 =	stileid.u32;
	[bflag:$0x2] =	sbarrier.arrive $0xFFFF  }
0x125: {  	p0 =	sne.s32 s0, $0x0;
	s0 =	rddreg [dreg:$0x8]  }
0x126: {  	s0 =	sadd.s32 @!p0 $0x100000, s0  }
0x127: {  	[sflag:s0] =	ssyncadd.tile.s32 @!p0 $0x1;
	_ =	shalt  }
.Lfunc_end2:
_tile_overlayer_lowered:
.L_overlay_start_2:
0x128: {  	(tag) =	ssettag $0x2  }
0x129: {  	s0 =	rddreg [dreg:$0x0];
	s2 =	stileid.u32  }
0x12a: {  	s1 =	rddreg [dreg:$0x1];
	p0 =	sne.s32 s2, $0x0  }
0x12b: {  	s3 =	rddreg [dreg:$0x2];
	[bflag:$0x3] =	sbarrier.arrive $0xFFFF;
	s2 =	simm.s32 @!p0 $0x1C03  }
0x12c: {  	[timem:s3], [sflag:s2] =	dma.local @!p0 [hbm:s0], s1  }
0x12d: {  	s0 =	simm.s32 @!p0 $0x3  }
0x12e: {  	_ =	swait.ge @!p0 [sflag:s0], s1  }
0x12f: {  	s1 =	ssub.s32 @!p0 $0x0, s1;
	[sflag:s0] =	ssyncset.done @!p0 $0x0  }
0x130: {  	[sflag:s0] =	ssyncadd.s32 @!p0 s1  }
0x131: {  	[bflag:$0x3] =	sbarrier.arrive $0xFFFF  }
0x132: {  	_ =	shalt  }

// kernel: kernel.9.cloned.1.call-start
scs
__scs_entry_jumppad:
0x0: {  	(pc) =	sbr.rel $0x88, $3  }
0x1: {  	(tag) =	ssettag $0x0;
	lr =	simm.s32 $0x1  }
0x2: {  	[smem:$0x3F97] =	sst lr;
	_ =	strace $0xD0000000  }
0x3: {  	_ = 	snop  }
0x4: {  	_ = 	snop  }
0x5: {  	_ = 	snop  }
0x6: {  	_ = 	snop  }
0x7: {  	_ = 	snop  }
__scs_overlays_trampoline_lowered:
0x8: {  	[smem:$0x3FA6] =	sst s0  }
0x9: {  	[smem:$0x3FA7] =	sst s1  }
0xa: {  	[smem:$0x3FA8] =	sst s2  }
0xb: {  	[smem:$0x3FA9] =	sst s3  }
0xc: {  	[smem:$0x3FAA] =	sst s4  }
0xd: {  	[smem:$0x3FAB] =	sst s5  }
0xe: {  	[smem:$0x3FAC] =	sst s6  }
0xf: {  	[smem:$0x3FAD] =	sst s7  }
0x10: {  	[smem:$0x3FAE] =	sst s8  }
0x11: {  	[smem:$0x3FAF] =	sst s9;
	s0 =	simm.s32 @!p0 $0x0  }
0x12: {  	s1 =	sld [smem:$0x3F95];
	s0 =	simm.s32 @p0 $0x1  }
0x13: {  	[smem:$0x3FB0] =	sst s0;
	s0 =	simm.s32 @!p1 $0x0  }
0x14: {  	s2 =	sld [smem:$0x3F94];
	s0 =	simm.s32 @p1 $0x1  }
0x15: {  	[smem:$0x3FB1] =	sst s0;
	s0 =	simm.s32 @!p2 $0x0  }
0x16: {  	s3 =	sld [smem:$0x3FDB];
	s0 =	simm.s32 @p2 $0x1  }
0x17: {  	s4 =	simm.s32 $0x1BF5;
	[smem:$0x3FB3] =	sst s0  }
0x18: {  	s0 =	sld [smem:$0x3F96];
	_ =	swait.ge [sflag:s4], $0x0  }
0x19: {  	s7 =	sld [smem:$0x3F97]  }
0x1a: {  	s8 =	sadd.s32 $0xFFFFE003, lr  }
0x1b: {  	s9 =	sadd.s32 $0xFFFFFEF7, lr;
	s5 =	simm.s32 $0xFFFFFFFF;
	p2 =	slt.u32 s8, $0xFFFFF086  }
0x1c: {  	p1 =	slt.u32 s9, $0xF7A;
	s5 =	simm.s32 @!p2 $0x0  }
0x1d: {  	s5 =	simm.s32 @p1 $0x1;
	p0 =	seq.s32 s7, s2  }
0x1e: {  	s7 =	smul.u32 @!p0 $0xF7A, s2;
	p2 =	seq.s32 @!p0 s5, $0x0  }
0x1f: {  	s9 =	smul.u32 $0xF7A, s1;
	s8 =	simm.s32 @!p0 $0x1BF5;
	p2 =	por !p2, p0  }
0x20: {  	[sflag:s8] =	ssyncset.s32 @!p0 $0xFFFFF086;
	s6 =	sadd.s32 @!p0 s3, s7;
	s7 =	simm.s32 @!p0 $0x108  }
0x21: {  	s3 =	sadd.s32 s3, s9;
	s6 =	sadd.s32 @!p0 $0x88, s6;
	s7 =	simm.s32 @p2 $0x1082  }
0x22: {  	[simem:s7], [sflag:s8] =	dma.local @!p0 [hbm:s6], $0xF7A  }
0x23: {  	s9 =	sor.u32 $0xD0000000, s2;
	s6 =	simm.s32 $0x108;
	_ =	swait.ge @!p0 [sflag:s8], $0x0  }
0x24: {  	s3 =	sadd.s32 $0x88, s3;
	s6 =	simm.s32 @!p1 $0x1082;
	[sflag:s4] =	ssyncset.s32 $0xFFFFF086  }
0x25: {  	[simem:s6], [sflag:s4] =	dma.local [hbm:s3], $0xF7A  }
0x26: {  	[smem:$0x3F97] =	sst s1;
	(tag) =	ssettag s2;
	_ =	strace s9  }
0x27: {  	s1 =	sld [smem:$0x3FA7]  }
0x28: {  	s2 =	sld [smem:$0x3FA8]  }
0x29: {  	s4 =	sld [smem:$0x3FAA]  }
0x2a: {  	p0 =	seq.s32 s5, $0x0;
	s5 =	sld [smem:$0x3FAB]  }
0x2b: {  	s6 =	sld [smem:$0x3FAC]  }
0x2c: {  	s7 =	sld [smem:$0x3FAD]  }
0x2d: {  	s3 =	simm.s32 $0x108;
	s8 =	sld [smem:$0x3FAE]  }
0x2e: {  	s3 =	simm.s32 @!p0 $0x1082;
	s9 =	sld [smem:$0x3FAF]  }
0x2f: {  	lr =	sadd.s32 s0, s3;
	s0 =	sld [smem:$0x3FA6]  }
0x30: {  	s3 =	sld [smem:$0x3FA9]  }
0x31: {  	[smem:$0x3FB2] =	sst s10  }
0x32: {  	s10 =	sld [smem:$0x3FB0];
	_ =	sdelay $0x3  }
0x33: {  	p0 =	seq.s32 s10, $0x1;
	s10 =	sld [smem:$0x3FB2];
	_ =	sdelay $0x3  }
0x34: {  	[smem:$0x3FB2] =	sst s10  }
0x35: {  	s10 =	sld [smem:$0x3FB1];
	_ =	sdelay $0x3  }
0x36: {  	p1 =	seq.s32 s10, $0x1;
	s10 =	sld [smem:$0x3FB2];
	_ =	sdelay $0x3  }
0x37: {  	[smem:$0x3FB2] =	sst s10  }
0x38: {  	s10 =	sld [smem:$0x3FB3]  }
0x39: {  	_ = 	snop;
	(pc) =	sbr.ind lr, $3  }
0x3a: {  	_ = 	snop  }
0x3b: {  	_ = 	snop  }
0x3c: {  	p2 =	seq.s32 s10, $0x1;
	s10 =	sld [smem:$0x3FB2]  }
0x3d: {  	_ =	shalt  }
0x3e: {  	_ =	shalt  }
0x3f: {  	_ =	shalt  }
0x40: {  	_ =	shalt  }
0x41: {  	_ =	shalt  }
0x42: {  	_ =	shalt  }
0x43: {  	_ =	shalt  }
0x44: {  	_ =	shalt  }
0x45: {  	_ =	shalt  }
0x46: {  	_ =	shalt  }
0x47: {  	_ =	shalt  }
0x48: {  	_ =	shalt  }
0x49: {  	_ =	shalt  }
0x4a: {  	_ =	shalt  }
0x4b: {  	_ =	shalt  }
0x4c: {  	_ =	shalt  }
0x4d: {  	_ =	shalt  }
0x4e: {  	_ =	shalt  }
0x4f: {  	_ =	shalt  }
0x50: {  	_ =	shalt  }
0x51: {  	_ =	shalt  }
0x52: {  	_ =	shalt  }
0x53: {  	_ =	shalt  }
0x54: {  	_ =	shalt  }
0x55: {  	_ =	shalt  }
0x56: {  	_ =	shalt  }
0x57: {  	_ =	shalt  }
0x58: {  	_ =	shalt  }
0x59: {  	_ =	shalt  }
0x5a: {  	_ =	shalt  }
0x5b: {  	_ =	shalt  }
0x5c: {  	_ =	shalt  }
0x5d: {  	_ =	shalt  }
0x5e: {  	_ =	shalt  }
0x5f: {  	_ =	shalt  }
0x60: {  	_ =	shalt  }
0x61: {  	_ =	shalt  }
0x62: {  	_ =	shalt  }
0x63: {  	_ =	shalt  }
0x64: {  	_ =	shalt  }
0x65: {  	_ =	shalt  }
0x66: {  	_ =	shalt  }
0x67: {  	_ =	shalt  }
0x68: {  	_ =	shalt  }
0x69: {  	_ =	shalt  }
0x6a: {  	_ =	shalt  }
0x6b: {  	_ =	shalt  }
0x6c: {  	_ =	shalt  }
0x6d: {  	_ =	shalt  }
0x6e: {  	_ =	shalt  }
0x6f: {  	_ =	shalt  }
0x70: {  	_ =	shalt  }
0x71: {  	_ =	shalt  }
0x72: {  	_ =	shalt  }
0x73: {  	_ =	shalt  }
0x74: {  	_ =	shalt  }
0x75: {  	_ =	shalt  }
0x76: {  	_ =	shalt  }
0x77: {  	_ =	shalt  }
0x78: {  	_ =	shalt  }
0x79: {  	_ =	shalt  }
0x7a: {  	_ =	shalt  }
0x7b: {  	_ =	shalt  }
0x7c: {  	_ =	shalt  }
0x7d: {  	_ =	shalt  }
0x7e: {  	_ =	shalt  }
0x7f: {  	_ =	shalt  }
0x80: {  	_ =	shalt  }
0x81: {  	_ =	shalt  }
0x82: {  	_ =	shalt  }
0x83: {  	_ =	shalt  }
0x84: {  	_ =	shalt  }
0x85: {  	_ =	shalt  }
0x86: {  	_ =	shalt  }
0x87: {  	_ =	shalt  }
.Lfunc_end0:
.L_simem_size_0:
called_computation.1_lowered:
.L_overlay_start_0:
0x88: {  	s2 =	sld [smem:$0x3FD9]  }
0x89: {  	s3 =	sld [smem:$0x3FFE];
	_ =	sdelay $0x1  }
0x8a: {  	s1 =	srdreg.scid  }
0x8b: {  	s0 =	sand.u32 $0x1, s1  }
0x8c: {  	s17 =	sshll.u32 s0, $0xA;
	s2 =	sadd.s32 s3, s2  }
0x8d: {  	s2 =	sadd.s32 s2, s17  }
0x8e: {  	[smem:$0x3FBE] =	sst s2  }
0x8f: {  	_ = 	snop  }
0x90: {  	s2 =	sld [smem:$0x3FD0];
	(tm) =	ssettm $0x1  }
0x91: {  	s18 =	sld [smem:$0x3FFB];
	_ =	sdelay $0x3  }
0x92: {  	_ =	strace s18  }
0x93: {  	s3 =	sld [smem:$0x3FFC];
	_ =	sdelay $0x3  }
0x94: {  	_ =	strace s3  }
0x95: {  	s3 =	sld [smem:$0x3FFD];
	_ =	sdelay $0x3  }
0x96: {  	_ =	strace s3  }
0x97: {  	_ =	strace $0x8FFFFFFF  }
0x98: {  	s19 =	sld [smem:$0x3FDB];
	_ =	sdelay $0x1  }
0x99: {  	s4 =	simm.s32 $_scs_section_size  }
0x9a: {  	s5 =	simm.s32 $_size__tile_overlayer_lowered;
	s6 =	simm.s32 $_tile_overlayer_lowered  }
0x9b: {  	s22 =	simm.s32 $0x1BFF;
	s21 =	sshll.u32 s6, $0x1;
	s3 =	sadd.s32 s4, s19  }
0x9c: {  	s7 =	simm.s32 $0x0;
	s20 =	sshll.u32 s5, $0x1;
	s5 =	sadd.s32 s21, s3  }
0x9d: {  	[timem:s7], [sflag:s22] =	dma.local [hbm:s5], s20  }
0x9e: {  	_ =	swait.ge [sflag:s22], s20  }
0x9f: {  	s4 =	ssub.s32 $0x0, s20;
	[sflag:s22] =	ssyncset.done $0x0  }
0xa0: {  	[sflag:s22] =	ssyncadd.s32 s4;
	_ =	sdelay $0x1  }
0xa1: {  	s23 =	simm.s32 $0x1B8B  }
0xa2: {  	_ =	swait.ge [sflag:s23], $0x1  }
0xa3: {  	[sflag:s23] =	ssyncset.done $0x0  }
0xa4: {  	s25 =	simm.s32 $0x1B8E;
	s24 =	sld [smem:$0x3FFE];
	[sflag:s23] =	ssyncadd.s32 $0xFFFFFFFF  }
0xa5: {  	s26 =	simm.s32 $execute0_lowered;
	[smem:$0x3FD2] =	sst s25  }
0xa6: {  	s5 =	sshll.u32 s26, $0x1;
	_ =	strace $0x80000049;
	[dreg:$0x1] =	wrdreg $0xFFFFFFFF  }
0xa7: {  	s28 =	simm.s32 $_size_execute0_lowered;
	s3 =	sadd.s32 s3, s5;
	[dreg:$0x0] =	wrdreg $0x0  }
0xa8: {  	s5 =	sshll.u32 s28, $0x1;
	[dreg:$0x2] =	wrdreg s3  }
0xa9: {  	[dreg:$0x3] =	wrdreg s5  }
0xaa: {  	[dreg:$0x4] =	wrdreg $0xC0  }
0xab: {  	_ =	task [dreg:s7], $0x5FFFF  }
0xac: {  	[dreg:$0x1] =	wrdreg $0xFFFFFFFF  }
0xad: {  	[dreg:$0x0] =	wrdreg $0x60  }
0xae: {  	[dreg:$0x2] =	wrdreg s24  }
0xaf: {  	[dreg:$0x3] =	wrdreg s2  }
0xb0: {  	[dreg:$0x4] =	wrdreg $0x0  }
0xb1: {  	[dreg:$0x5] =	wrdreg $0x9  }
0xb2: {  	_ =	task.clear_ibuf [dreg:s7], $0x6FFFF;
	_ =	strace $0x90000049  }
0xb3: {  	s29 =	simm.s32 $0x9;
	_ =	strace $0x8000004B  }
0xb4: {  	_ =	swait.ge [sflag:s29], $0x1  }
0xb5: {  	[sflag:s29] =	ssyncadd.s32 $0xFFFFFFFF  }
0xb6: {  	_ =	strace $0x9000004B  }
0xb7: {  	_ =	sfence  }
0xb8: {  	s30 =	sld [smem:$0x0];
	_ =	sdelay $0x2  }
0xb9: {  	s31 =	sshll.u32 s1, $0xD;
	s1 =	sshrl.u32 s1, $0x2  }
0xba: {  	s3 =	sand.u32 $0x4000, s31;
	s1 =	sadd.s32 s1, s30  }
0xbb: {  	s0 =	sor.u32 s3, s0;
	s1 =	sshll.u32 s1, $0x11  }
0xbc: {  	s0 =	sor.u32 s1, s0  }
0xbd: {  	s0 =	sadd.s32 $0x8F2B, s0  }
0xbe: {  	[sflag:s0] =	ssyncadd.remote.s32 $0x1  }
0xbf: {  	_ =	sfence.sel $0xFFFF  }
0xc0: {  	[dreg:$0x0] =	wrdreg $0xFFFFFFFF;
	(pc) =	sbr.abs _section_cstart, $3  }
0xc1: {  	[dreg:$0x1] =	wrdreg $0xFFFFFFFF  }
0xc2: {  	_ =	task.clear_ibuf [dreg:s7], $0x2FFFF;
	_ =	strace $0x9FFFFFFF  }
0xc3: {  	(tm) =	ssettm $0x7FFFFFFF  }
tec
execute0_lowered:
.L_overlay_start_1:
0x0: {  	(tag) =	ssettag $0x1  }
0x1: {  	s0 =	srdreg.scid;
	s25 =	stileid.u32  }
0x2: {  	s3 =	rddreg [dreg:$0x0];
	s5 =	smul.u32 $0x2710, s25  }
0x3: {  	s1 =	simm.s32 $0x0;
	s4 =	sand.u32 $0x1, s0;
	s9 =	smul.u32 $0x14000, s25  }
0x4: {  	[smem:$0x7FF] =	sst s1;
	s8 =	sadd.s32 $0x3BC00, s3;
	s0 =	smul.u32 $0x27100, s4  }
0x5: {  	s10 =	sadd.s32 $0xFF000, s3;
	s2 =	ssub.s32 $0x2, s4;
	s4 =	smul.u32 $0x140000, s4  }
0x6: {  	s6 =	sshrl.u32 s2, $0x1;
	s12 =	sadd.s32 $0x4000, s9;
	s7 =	sadd.s32 $0x6000, s9  }
0x7: {  	s15 =	sadd.s32 $0x8000, s9;
	s16 =	sadd.s32 $0xA000, s9;
	s17 =	sadd.s32 $0xC000, s9  }
0x8: {  	s13 =	sadd.s32 $0xE000, s9;
	s18 =	sadd.s32 $0x10000, s9;
	s14 =	sadd.s32 $0x12000, s9  }
0x9: {  	s2 =	ssub.s32 s2, s6;
	s0 =	sadd.s32 s5, s0;
	s6 =	sor.u32 $0x2000, s9  }
0xa: {  	s24 =	sadd.s32 s9, s4;
	s11 =	sadd.s32 s4, s12;
	s19 =	sadd.s32 s4, s7  }
0xb: {  	s20 =	sadd.s32 s4, s15;
	s5 =	sshrl.u32 s24, $0x3;
	s26 =	sadd.s32 s4, s6  }
0xc: {  	s11 =	sshrl.u32 s11, $0x3;
	s9 =	sshrl.u32 s26, $0x3;
	s26 =	sadd.s32 s8, s5  }
0xd: {  	s21 =	sadd.s32 s4, s16;
	s31 =	sadd.s32 s8, s11;
	[dreg:$0x4] =	wrdreg s26  }
0xe: {  	s20 =	sshrl.u32 s20, $0x3;
	s28 =	sadd.s32 s8, s9;
	[dreg:$0x6] =	wrdreg s31  }
0xf: {  	s22 =	sadd.s32 s4, s17;
	s31 =	sadd.s32 s8, s20;
	[dreg:$0x5] =	wrdreg s28  }
0x10: {  	s19 =	sshrl.u32 s19, $0x3;
	s26 =	sadd.s32 s10, s11;
	[dreg:$0x8] =	wrdreg s31  }
0x11: {  	s22 =	sshrl.u32 s22, $0x3;
	s28 =	sadd.s32 s8, s19;
	[dreg:$0x10] =	wrdreg s26  }
0x12: {  	s21 =	sshrl.u32 s21, $0x3;
	s31 =	sadd.s32 s8, s22;
	[dreg:$0x7] =	wrdreg s28  }
0x13: {  	s24 =	sadd.s32 s4, s18;
	s26 =	sadd.s32 s10, s21;
	[dreg:$0xa] =	wrdreg s31  }
0x14: {  	s24 =	sshrl.u32 s24, $0x3;
	s28 =	sadd.s32 s8, s21;
	[dreg:$0x13] =	wrdreg s26  }
0x15: {  	s31 =	sadd.s32 s8, s24;
	[dreg:$0x9] =	wrdreg s28  }
0x16: {  	s23 =	sadd.s32 s4, s13;
	s26 =	sadd.s32 s10, s24;
	[dreg:$0xc] =	wrdreg s31  }
0x17: {  	s4 =	sadd.s32 s4, s14;
	s23 =	sshrl.u32 s23, $0x3;
	[dreg:$0x16] =	wrdreg s26  }
0x18: {  	s4 =	sshrl.u32 s4, $0x3;
	s28 =	sadd.s32 s8, s23;
	s26 =	rddreg [dreg:$0x2]  }
0x19: {  	s8 =	sadd.s32 s8, s4;
	[dreg:$0xb] =	wrdreg s28  }
0x1a: {  	s31 =	sadd.s32 s10, s9;
	[dreg:$0xd] =	wrdreg s8  }
0x1b: {  	s28 =	sadd.s32 s10, s5;
	[dreg:$0xf] =	wrdreg s31  }
0x1c: {  	s31 =	sadd.s32 s10, s20;
	[dreg:$0xe] =	wrdreg s28  }
0x1d: {  	s28 =	sadd.s32 s10, s19;
	[dreg:$0x12] =	wrdreg s31  }
0x1e: {  	s31 =	sadd.s32 s10, s23;
	[dreg:$0x11] =	wrdreg s28  }
0x1f: {  	s28 =	sadd.s32 s10, s22;
	[dreg:$0x15] =	wrdreg s31  }
0x20: {  	s31 =	sadd.s32 $0x14F000, s3;
	[dreg:$0x14] =	wrdreg s28;
	s28 =	sadd.s32 s10, s4  }
0x21: {  	s5 =	sadd.s32 s31, s5;
	[dreg:$0x17] =	wrdreg s28  }
0x22: {  	s9 =	sadd.s32 s31, s9;
	[dreg:$0x18] =	wrdreg s5  }
0x23: {  	s10 =	sadd.s32 s31, s11;
	[dreg:$0x19] =	wrdreg s9  }
0x24: {  	s11 =	sadd.s32 s31, s19;
	[dreg:$0x1a] =	wrdreg s10  }
0x25: {  	s19 =	sadd.s32 s31, s20;
	[dreg:$0x1b] =	wrdreg s11  }
0x26: {  	[dreg:$0x1c] =	wrdreg s19  }
0x27: {  	s20 =	sadd.s32 s31, s21;
	s10 =	rddreg [dreg:$0x1]  }
0x28: {  	s21 =	sadd.s32 s31, s22;
	[dreg:$0x1d] =	wrdreg s20  }
0x29: {  	s22 =	sadd.s32 s31, s23;
	[dreg:$0x1e] =	wrdreg s21  }
0x2a: {  	s24 =	sadd.s32 s31, s24;
	[dreg:$0x1f] =	wrdreg s22  }
0x2b: {  	s4 =	sadd.s32 s31, s4;
	[smem:$0x7D3] =	sst s24  }
0x2c: {  	s8 =	sadd.s32 s6, s26;
	[smem:$0x7D4] =	sst s4  }
0x2d: {  	s9 =	sadd.s32 s12, s26;
	_ =	strace $0x8000004A;
	[smem:$0x7D6] =	sst s8  }
0x2e: {  	s12 =	sadd.s32 s7, s26;
	[smem:$0x7D7] =	sst s9  }
0x2f: {  	s15 =	sadd.s32 s15, s26;
	[smem:$0x7D8] =	sst s12  }
0x30: {  	s2 =	smax.u32 s2, $0x1;
	[smem:$0x7D9] =	sst s15  }
0x31: {  	s21 =	sadd.s32 $0x400, s3;
	[smem:$0x7E1] =	sst s2  }
0x32: {  	s22 =	sadd.s32 $0xA200, s3;
	[smem:$0x7EF] =	sst s21  }
0x33: {  	s11 =	sadd.s32 $0x31A00, s3;
	[smem:$0x7F1] =	sst s22  }
0x34: {  	s20 =	sadd.s32 $0x14000, s3;
	[smem:$0x7F3] =	sst s11  }
0x35: {  	s30 =	sadd.s32 $0x3B800, s3;
	s19 =	sadd.s32 $0x1DE00, s3;
	[smem:$0x7F5] =	sst s20  }
0x36: {  	s23 =	smul.u32 $0x50000, s25;
	s28 =	sadd.s32 $0x27C00, s3;
	[smem:$0x7F6] =	sst s19  }
0x37: {  	s4 =	sadd.s32 $0xD7E00, s3;
	s5 =	sadd.s32 $0xB0C00, s3;
	[smem:$0x7F7] =	sst s28  }
0x38: {  	s3 =	sshrl.u32 s0, $0x3;
	s7 =	sadd.s32 s14, s26;
	[smem:$0x7F8] =	sst s30  }
0x39: {  	s25 =	sshrl.u32 s23, $0x2;
	s23 =	sadd.s32 s16, s26;
	[smem:$0x7FC] =	sst s7  }
0x3a: {  	s8 =	sadd.s32 s17, s26;
	s17 =	sadd.s32 s22, s3;
	[smem:$0x7DA] =	sst s23  }
0x3b: {  	[smem:$0x7E2] =	sst s17  }
0x3c: {  	s9 =	sadd.s32 s13, s26;
	[smem:$0x7F9] =	sst s8  }
0x3d: {  	s24 =	sadd.s32 $0xA, s3;
	s31 =	sadd.s32 s25, s26;
	[smem:$0x7FA] =	sst s9  }
0x3e: {  	s13 =	sadd.s32 s21, s24;
	[smem:$0x7D5] =	sst s31  }
0x3f: {  	s14 =	sadd.s32 s28, s24;
	[smem:$0x7DC] =	sst s13  }
0x40: {  	s15 =	sadd.s32 s11, s24;
	[smem:$0x7DD] =	sst s14  }
0x41: {  	s16 =	sadd.s32 s19, s24;
	[smem:$0x7DE] =	sst s15  }
0x42: {  	s6 =	sadd.s32 s20, s24;
	[smem:$0x7DF] =	sst s16  }
0x43: {  	s25 =	sadd.s32 s18, s26;
	s18 =	sadd.s32 s21, s3;
	[smem:$0x7E0] =	sst s6  }
0x44: {  	s12 =	sadd.s32 $0x4D8, s3;
	s23 =	sadd.s32 s28, s3;
	[smem:$0x7E3] =	sst s18  }
0x45: {  	s2 =	sadd.s32 s20, s12;
	[smem:$0x7E4] =	sst s23  }
0x46: {  	s17 =	sadd.s32 $0xF0, s0;
	s0 =	sadd.s32 $0xA0, s0;
	[smem:$0x7ED] =	sst s2  }
0x47: {  	[smem:$0x7EE] =	sst s0  }
0x48: {  	s31 =	sadd.s32 s22, s24;
	[smem:$0x7FB] =	sst s25  }
0x49: {  	s24 =	sadd.s32 s11, s3;
	[smem:$0x7DB] =	sst s31  }
0x4a: {  	s6 =	sadd.s32 s20, s3;
	[smem:$0x7E5] =	sst s24  }
0x4b: {  	s13 =	sadd.s32 s21, s12;
	[smem:$0x7E7] =	sst s6  }
0x4c: {  	s29 =	simm.s32 $0x4;
	s14 =	sadd.s32 s28, s12;
	[smem:$0x7E9] =	sst s13  }
0x4d: {  	s15 =	sadd.s32 s11, s12;
	s16 =	sadd.s32 s19, s12;
	[smem:$0x7EA] =	sst s14  }
0x4e: {  	s18 =	sshrl.u32 s17, $0x3;
	s17 =	simm.s32 $0x14200;
	[smem:$0x7EB] =	sst s15  }
0x4f: {  	s31 =	sadd.s32 s19, s3;
	s3 =	sadd.s32 s22, s12;
	[smem:$0x7EC] =	sst s16  }
0x50: {  	s21 =	sadd.s32 s18, s21;
	s23 =	sadd.s32 s18, s22;
	s24 =	sadd.s32 s18, s28  }
0x51: {  	s0 =	sadd.s32 s18, s20;
	s2 =	sadd.s32 s18, s19;
	s6 =	simm.s32 $0x19200  }
0x52: {  	s12 =	simm.s32 $0x14000;
	s13 =	simm.s32 $0x14080;
	[smem:$0x7E6] =	sst s31  }
0x53: {  	s14 =	simm.s32 $0x14180;
	s15 =	simm.s32 $0x5;
	[smem:$0x7E8] =	sst s3  }
0x54: {  	s16 =	simm.s32 $0x50;
	s19 =	simm.s32 $0x16A00;
	[smem:$0x7F0] =	sst s21  }
0x55: {  	s20 =	simm.s32 $0x1;
	s22 =	simm.s32 $0x3;
	[smem:$0x7F2] =	sst s23  }
0x56: {  	s31 =	sadd.s32 s18, s11;
	[smem:$0x7F4] =	sst s24;
	s24 =	simm.s32 $0x14100  }
0x57: {  	s18 =	simm.s32 $0x6;
	s21 =	simm.s32 $0x7;
	s3 =	simm.s32 $0x2  }
0x58: {  	s23 =	simm.s32 $0x8;
	s11 =	simm.s32 $0x0;
	[smem:$0x7FD] =	sst s31  }
.LBB2_1:
0x59: {  	[smem:$0x7D1] =	sst s11;
	s28 =	simm.s32 $0x9  }
0x5a: {  	[tilespmem:s6], [sflag:$0x9] =	stream.linear.gather [hbm4b:s30+s1], $0x2000, $0x38;
	[tilespmem:$0x1B200] =	vst v63  }
0x5b: {  	s9 =	sld [smem:$0x7D9];
	_ =	swait.ge [sflag:s28], $0x2000  }
0x5c: {  	s11 =	smov.u32 s10;
	s10 =	sld [smem:$0x7D5]  }
0x5d: {  	[sflag:s28] =	ssyncset.done $0x0  }
0x5e: {  	[sflag:s28] =	ssyncadd.s32 $0xFFFFE000  }
0x5f: {  	[spmem:s10] =	stream.linear.scatter [tilespmem:s6], [sflag:$0x9], $0x2000, $0x38;
	[tilespmem:$0x1B200] =	vst v63  }
0x60: {  	_ =	swait.ge [sflag:s28], $0x2000  }
0x61: {  	s10 =	sld [smem:$0x7D6]  }
0x62: {  	[sflag:s28] =	ssyncset.done $0x0  }
0x63: {  	[sflag:s28] =	ssyncadd.s32 $0xFFFFE000  }
0x64: {  	[spmem:s10] =	stream.linear.scatter [tilespmem:s6], [sflag:$0x9], $0x2000, $0x38;
	[tilespmem:$0x1B200] =	vst v63  }
0x65: {  	_ =	swait.ge [sflag:s28], $0x2000  }
0x66: {  	s10 =	sld [smem:$0x7D7]  }
0x67: {  	[sflag:s28] =	ssyncset.done $0x0  }
0x68: {  	[sflag:s28] =	ssyncadd.s32 $0xFFFFE000  }
0x69: {  	[spmem:s10] =	stream.linear.scatter [tilespmem:s6], [sflag:$0x9], $0x2000, $0x38;
	[tilespmem:$0x1B200] =	vst v63  }
0x6a: {  	_ =	swait.ge [sflag:s28], $0x2000  }
0x6b: {  	s10 =	sld [smem:$0x7D8]  }
0x6c: {  	[sflag:s28] =	ssyncset.done $0x0  }
0x6d: {  	[sflag:s28] =	ssyncadd.s32 $0xFFFFE000  }
0x6e: {  	[spmem:s10] =	stream.linear.scatter [tilespmem:s6], [sflag:$0x9], $0x2000, $0x38;
	[tilespmem:$0x1B200] =	vst v63  }
0x6f: {  	_ =	swait.ge [sflag:s28], $0x2000  }
0x70: {  	[sflag:s28] =	ssyncset.done $0x0  }
0x71: {  	[sflag:s28] =	ssyncadd.s32 $0xFFFFE000  }
0x72: {  	[spmem:s9] =	stream.linear.scatter [tilespmem:s6], [sflag:$0x9], $0x2000, $0x38;
	[tilespmem:$0x1B200] =	vst v63  }
0x73: {  	_ =	swait.ge [sflag:s28], $0x2000  }
0x74: {  	s10 =	sld [smem:$0x7DA]  }
0x75: {  	[sflag:s28] =	ssyncset.done $0x0  }
0x76: {  	[sflag:s28] =	ssyncadd.s32 $0xFFFFE000  }
0x77: {  	[spmem:s10] =	stream.linear.scatter [tilespmem:s6], [sflag:$0x9], $0x2000, $0x38;
	[tilespmem:$0x1B200] =	vst v63  }
0x78: {  	_ =	swait.ge [sflag:s28], $0x2000  }
0x79: {  	[sflag:s28] =	ssyncset.done $0x0  }
0x7a: {  	[sflag:s28] =	ssyncadd.s32 $0xFFFFE000  }
0x7b: {  	[spmem:s8] =	stream.linear.scatter [tilespmem:s6], [sflag:$0x9], $0x2000, $0x38;
	[tilespmem:$0x1B200] =	vst v63  }
0x7c: {  	_ =	swait.ge [sflag:s28], $0x2000  }
0x7d: {  	s9 =	sld [smem:$0x7FA]  }
0x7e: {  	[sflag:s28] =	ssyncset.done $0x0  }
0x7f: {  	[sflag:s28] =	ssyncadd.s32 $0xFFFFE000  }
0x80: {  	[spmem:s9] =	stream.linear.scatter [tilespmem:s6], [sflag:$0x9], $0x2000, $0x38;
	[tilespmem:$0x1B200] =	vst v63  }
0x81: {  	_ =	swait.ge [sflag:s28], $0x2000  }
0x82: {  	[sflag:s28] =	ssyncset.done $0x0  }
0x83: {  	[sflag:s28] =	ssyncadd.s32 $0xFFFFE000  }
0x84: {  	[spmem:s25] =	stream.linear.scatter [tilespmem:s6], [sflag:$0x9], $0x2000, $0x38;
	[tilespmem:$0x1B200] =	vst v63  }
0x85: {  	_ =	swait.ge [sflag:s28], $0x2000  }
0x86: {  	[sflag:s28] =	ssyncset.done $0x0  }
0x87: {  	[sflag:s28] =	ssyncadd.s32 $0xFFFFE000  }
0x88: {  	[spmem:s7] =	stream.linear.scatter [tilespmem:s6], [sflag:$0x9], $0x2000, $0x38;
	[tilespmem:$0x1B200] =	vst v63  }
0x89: {  	_ =	swait.ge [sflag:s28], $0x2000  }
0x8a: {  	s10 =	sld [smem:$0x7E2]  }
0x8b: {  	[sflag:s28] =	ssyncset.done $0x0  }
0x8c: {  	s25 =	sld [smem:$0x7E3];
	[sflag:s28] =	ssyncadd.s32 $0xFFFFE000  }
0x8d: {  	[tilespmem:s12], [sflag:$0x5] =	stream.linear.gather [hbm4b:s10+s1], $0x50, $0x38;
	[tilespmem:$0x1B200] =	vst v63  }
0x8e: {  	s7 =	sld [smem:$0x7DB]  }
0x8f: {  	[tilespmem:s24], [sflag:$0x7] =	stream.linear.gather [hbm4b:s25+s1], $0x50, $0x38;
	[tilespmem:$0x1B200] =	vst v63  }
0x90: {  	s8 =	sld [smem:$0x7DC]  }
0x91: {  	[tilespmem:s13], [sflag:$0x6] =	stream.linear.gather [hbm4b:s7+s1], $0x50, $0x38;
	[tilespmem:$0x1B200] =	vst v63  }
0x92: {  	_ = 	snop  }
0x93: {  	[tilespmem:s14], [sflag:$0x8] =	stream.linear.gather [hbm4b:s8+s1], $0x50, $0x38;
	[tilespmem:$0x1B200] =	vst v63  }
0x94: {  	[bflag:$0x0] =	sbarrier.arrive $0xFFFF  }
0x95: {  	_ =	swait.ge [sflag:s15], $0x50  }
0x96: {  	[sflag:s15] =	ssyncset.done $0x0  }
0x97: {  	[sflag:s15] =	ssyncadd.s32 $0xFFFFFFB0  }
0x98: {  	[tilespmem:s17], [sflag:$0x1] =	stream.indirect.gather [hbm4b:s4+s16], $0x80, s12, s16, $0xb8;
	[tilespmem:$0x1B200] =	vst v63  }
0x99: {  	_ =	swait.ge [sflag:s18], $0x50  }
0x9a: {  	[sflag:s18] =	ssyncset.done $0x0  }
0x9b: {  	[sflag:s18] =	ssyncadd.s32 $0xFFFFFFB0  }
0x9c: {  	[tilespmem:s19], [sflag:$0x2] =	stream.indirect.gather [hbm4b:s4+s16], $0x80, s13, s16, $0xb8;
	[tilespmem:$0x1B200] =	vst v63  }
0x9d: {  	_ =	swait.ge [sflag:s20], $0x2800  }
0x9e: {  	s7 =	sld [smem:$0x7EE]  }
0x9f: {  	s25 =	sld [smem:$0x7F1];
	_ =	sdelay $0x1  }
0xa0: {  	[sflag:s20] =	ssyncset.done $0x0;
	s9 =	sshrl.u32 s7, $0x3  }
0xa1: {  	[sflag:s20] =	ssyncadd.s32 $0xFFFFD800;
	s10 =	sadd.s32 s25, s9  }
0xa2: {  	[tilespmem:s12], [sflag:$0x5] =	stream.linear.gather [hbm4b:s10+s1], $0x50, $0x38;
	[tilespmem:$0x1B200] =	vst v63  }
0xa3: {  	_ =	swait.ge [sflag:s21], $0x50  }
0xa4: {  	[sflag:s21] =	ssyncset.done $0x0  }
0xa5: {  	[sflag:s21] =	ssyncadd.s32 $0xFFFFFFB0  }
0xa6: {  	[spmem:s26] =	stream.indirect.scatter.add.f32 [tilespmem:s17], [sflag:$0x3], $0x80, s24, s16, $0xb8;
	[tilespmem:$0x1B200] =	vst v63  }
0xa7: {  	_ =	swait.ge [sflag:s22], $0x2800  }
0xa8: {  	s28 =	sld [smem:$0x7EF];
	_ =	sdelay $0x1  }
0xa9: {  	[sflag:s22] =	ssyncset.done $0x0  }
0xaa: {  	[smem:$0x7D2] =	sst s9;
	[sflag:s22] =	ssyncadd.s32 $0xFFFFD800;
	s9 =	sadd.s32 s28, s9  }
0xab: {  	[tilespmem:s24], [sflag:$0x7] =	stream.linear.gather [hbm4b:s9+s1], $0x50, $0x38;
	[tilespmem:$0x1B200] =	vst v63  }
0xac: {  	_ =	swait.ge [sflag:s15], $0x50  }
0xad: {  	[sflag:s15] =	ssyncset.done $0x0  }
0xae: {  	[sflag:s15] =	ssyncadd.s32 $0xFFFFFFB0  }
0xaf: {  	[tilespmem:s17], [sflag:$0x1] =	stream.indirect.gather [hbm4b:s4+s16], $0x80, s12, s16, $0xb8;
	[tilespmem:$0x1B200] =	vst v63  }
0xb0: {  	_ =	swait.ge [sflag:s3], $0x2800  }
0xb1: {  	s31 =	sld [smem:$0x7F2];
	_ =	sdelay $0x1  }
0xb2: {  	[sflag:s3] =	ssyncset.done $0x0  }
0xb3: {  	[sflag:s3] =	ssyncadd.s32 $0xFFFFD800;
	s10 =	sadd.s32 $0x0, s31  }
0xb4: {  	[tilespmem:s13], [sflag:$0x6] =	stream.linear.gather [hbm4b:s10+s1], $0x50, $0x38;
	[tilespmem:$0x1B200] =	vst v63  }
0xb5: {  	_ =	swait.ge [sflag:s23], $0x50  }
0xb6: {  	[sflag:s23] =	ssyncset.done $0x0  }
0xb7: {  	[sflag:s23] =	ssyncadd.s32 $0xFFFFFFB0  }
0xb8: {  	[spmem:s26] =	stream.indirect.scatter.add.f32 [tilespmem:s19], [sflag:$0x4], $0x80, s14, s16, $0xb8;
	[tilespmem:$0x1B200] =	vst v63  }
0xb9: {  	_ =	swait.ge [sflag:s29], $0x2800  }
0xba: {  	s30 =	sld [smem:$0x7F0];
	_ =	sdelay $0x1  }
0xbb: {  	s6 =	simm.s32 $0x14;
	[sflag:s29] =	ssyncset.done $0x0  }
0xbc: {  	s7 =	sadd.s32 $0xA0, s7;
	[sflag:s29] =	ssyncadd.s32 $0xFFFFD800;
	s8 =	sadd.s32 $0x0, s30  }
.LBB2_2:
0xbd: {  	[tilespmem:s14], [sflag:$0x8] =	stream.linear.gather [hbm4b:s8+s1], $0x50, $0x38;
	[tilespmem:$0x1B200] =	vst v63  }
0xbe: {  	s8 =	smov.u32 s6  }
0xbf: {  	p0 =	sne.s32 s6, $0x4B0;
	s6 =	sadd.s32 $0x14, s6;
	_ =	swait.ge [sflag:s18], $0x50  }
0xc0: {  	[sflag:s18] =	ssyncset.done $0x0  }
0xc1: {  	[sflag:s18] =	ssyncadd.s32 $0xFFFFFFB0  }
0xc2: {  	[tilespmem:s19], [sflag:$0x2] =	stream.indirect.gather [hbm4b:s4+s16], $0x80, s13, s16, $0xb8;
	[tilespmem:$0x1B200] =	vst v63  }
0xc3: {  	_ =	swait.ge [sflag:s20], $0x2800  }
0xc4: {  	s9 =	sshrl.u32 s7, $0x3;
	[sflag:s20] =	ssyncset.done $0x0  }
0xc5: {  	s10 =	sadd.s32 s25, s9;
	[sflag:s20] =	ssyncadd.s32 $0xFFFFD800  }
0xc6: {  	[tilespmem:s12], [sflag:$0x5] =	stream.linear.gather [hbm4b:s10+s1], $0x50, $0x38;
	[tilespmem:$0x1B200] =	vst v63  }
0xc7: {  	_ =	swait.ge [sflag:s21], $0x50  }
0xc8: {  	[sflag:s21] =	ssyncset.done $0x0  }
0xc9: {  	[sflag:s21] =	ssyncadd.s32 $0xFFFFFFB0  }
0xca: {  	[spmem:s26] =	stream.indirect.scatter.add.f32 [tilespmem:s17], [sflag:$0x3], $0x80, s24, s16, $0xb8;
	[tilespmem:$0x1B200] =	vst v63  }
0xcb: {  	_ =	swait.ge [sflag:s22], $0x2800  }
0xcc: {  	[sflag:s22] =	ssyncset.done $0x0  }
0xcd: {  	s9 =	sadd.s32 s28, s9;
	[sflag:s22] =	ssyncadd.s32 $0xFFFFD800  }
0xce: {  	[tilespmem:s24], [sflag:$0x7] =	stream.linear.gather [hbm4b:s9+s1], $0x50, $0x38;
	[tilespmem:$0x1B200] =	vst v63  }
0xcf: {  	_ =	swait.ge [sflag:s15], $0x50  }
0xd0: {  	[sflag:s15] =	ssyncset.done $0x0  }
0xd1: {  	[sflag:s15] =	ssyncadd.s32 $0xFFFFFFB0  }
0xd2: {  	[tilespmem:s17], [sflag:$0x1] =	stream.indirect.gather [hbm4b:s4+s16], $0x80, s12, s16, $0xb8;
	[tilespmem:$0x1B200] =	vst v63  }
0xd3: {  	_ =	swait.ge [sflag:s3], $0x2800  }
0xd4: {  	[sflag:s3] =	ssyncset.done $0x0  }
0xd5: {  	s9 =	sadd.s32 s8, s31;
	[sflag:s3] =	ssyncadd.s32 $0xFFFFD800  }
0xd6: {  	[tilespmem:s13], [sflag:$0x6] =	stream.linear.gather [hbm4b:s9+s1], $0x50, $0x38;
	[tilespmem:$0x1B200] =	vst v63  }
0xd7: {  	_ =	swait.ge [sflag:s23], $0x50  }
0xd8: {  	[sflag:s23] =	ssyncset.done $0x0  }
.Ltmp0:
0xd9: {  	[sflag:s23] =	ssyncadd.s32 $0xFFFFFFB0;
	(pc) =	sbr.rel @p0 .LBB2_2-.Ltmp0, $4  }
0xda: {  	[spmem:s26] =	stream.indirect.scatter.add.f32 [tilespmem:s19], [sflag:$0x4], $0x80, s14, s16, $0xb8;
	[tilespmem:$0x1B200] =	vst v63  }
0xdb: {  	_ =	swait.ge [sflag:s29], $0x2800  }
0xdc: {  	[sflag:s29] =	ssyncset.done $0x0  }
0xdd: {  	s7 =	sadd.s32 $0xA0, s7;
	s8 =	sadd.s32 s8, s30;
	[sflag:s29] =	ssyncadd.s32 $0xFFFFD800  }
0xde: {  	[tilespmem:s14], [sflag:$0x8] =	stream.linear.gather [hbm4b:s8+s1], $0x50, $0x38;
	[tilespmem:$0x1B200] =	vst v63  }
0xdf: {  	_ =	swait.ge [sflag:s18], $0x50  }
0xe0: {  	[sflag:s18] =	ssyncset.done $0x0  }
0xe1: {  	[sflag:s18] =	ssyncadd.s32 $0xFFFFFFB0  }
0xe2: {  	[tilespmem:s19], [sflag:$0x2] =	stream.indirect.gather [hbm4b:s4+s16], $0x80, s13, s16, $0xb8;
	[tilespmem:$0x1B200] =	vst v63  }
0xe3: {  	_ =	swait.ge [sflag:s20], $0x2800  }
0xe4: {  	s6 =	sld [smem:$0x7E8]  }
0xe5: {  	[sflag:s20] =	ssyncset.done $0x0  }
0xe6: {  	s8 =	simm.s32 $0x0;
	[sflag:s20] =	ssyncadd.s32 $0xFFFFD800  }
0xe7: {  	[tilespmem:s12], [sflag:$0x5] =	stream.linear.gather [hbm4b:s6+s8], $0x50, $0x38;
	[tilespmem:$0x1B200] =	vst v63  }
0xe8: {  	_ =	swait.ge [sflag:s21], $0x50  }
0xe9: {  	[sflag:s21] =	ssyncset.done $0x0  }
0xea: {  	[sflag:s21] =	ssyncadd.s32 $0xFFFFFFB0  }
0xeb: {  	[spmem:s26] =	stream.indirect.scatter.add.f32 [tilespmem:s17], [sflag:$0x3], $0x80, s24, s16, $0xb8;
	[tilespmem:$0x1B200] =	vst v63  }
0xec: {  	_ =	swait.ge [sflag:s22], $0x2800  }
0xed: {  	s7 =	sld [smem:$0x7E9]  }
0xee: {  	[sflag:s22] =	ssyncset.done $0x0  }
0xef: {  	[sflag:s22] =	ssyncadd.s32 $0xFFFFD800  }
0xf0: {  	[tilespmem:s24], [sflag:$0x7] =	stream.linear.gather [hbm4b:s7+s8], $0x50, $0x38;
	[tilespmem:$0x1B200] =	vst v63  }
0xf1: {  	_ =	swait.ge [sflag:s15], $0x50  }
0xf2: {  	[sflag:s15] =	ssyncset.done $0x0  }
0xf3: {  	[sflag:s15] =	ssyncadd.s32 $0xFFFFFFB0  }
0xf4: {  	[tilespmem:s17], [sflag:$0x1] =	stream.indirect.gather [hbm4b:s4+s16], $0x80, s12, s16, $0xb8;
	[tilespmem:$0x1B200] =	vst v63  }
0xf5: {  	_ =	swait.ge [sflag:s3], $0x2800  }
0xf6: {  	[sflag:s3] =	ssyncset.done $0x0  }
0xf7: {  	[sflag:s3] =	ssyncadd.s32 $0xFFFFD800  }
0xf8: {  	_ =	swait.ge [sflag:s23], $0x50  }
0xf9: {  	[sflag:s23] =	ssyncset.done $0x0  }
0xfa: {  	[sflag:s23] =	ssyncadd.s32 $0xFFFFFFB0  }
0xfb: {  	[spmem:s26] =	stream.indirect.scatter.add.f32 [tilespmem:s19], [sflag:$0x4], $0x80, s14, s16, $0xb8;
	[tilespmem:$0x1B200] =	vst v63  }
0xfc: {  	_ =	swait.ge [sflag:s29], $0x2800  }
0xfd: {  	[sflag:s29] =	ssyncset.done $0x0  }
0xfe: {  	[sflag:s29] =	ssyncadd.s32 $0xFFFFD800  }
0xff: {  	_ =	swait.ge [sflag:s20], $0x2800  }
0x100: {  	[sflag:s20] =	ssyncset.done $0x0  }
0x101: {  	[sflag:s20] =	ssyncadd.s32 $0xFFFFD800  }
0x102: {  	_ =	swait.ge [sflag:s21], $0x50  }
0x103: {  	[sflag:s21] =	ssyncset.done $0x0  }
0x104: {  	[sflag:s21] =	ssyncadd.s32 $0xFFFFFFB0  }
0x105: {  	[spmem:s26] =	stream.indirect.scatter.add.f32 [tilespmem:s17], [sflag:$0x3], $0x80, s24, s16, $0xb8;
	[tilespmem:$0x1B200] =	vst v63  }
0x106: {  	_ =	swait.ge [sflag:s22], $0x2800  }
0x107: {  	[sflag:s22] =	ssyncset.done $0x0  }
0x108: {  	[sflag:s22] =	ssyncadd.s32 $0xFFFFD800  }
0x109: {  	[bflag:$0x0] =	sbarrier.arrive $0xFFFF  }
0x10a: {  	s9 =	sld [smem:$0x7D5];
	_ =	sdelay $0x1  }
0x10b: {  	s31 =	simm.s32 $0x19200;
	s7 =	simm.s32 $0x9  }
0x10c: {  	[tilespmem:s31], [sflag:$0x9] =	stream.linear.gather [spmem:s9], $0x2000, $0x38;
	[tilespmem:$0x1B200] =	vst v63  }
0x10d: {  	_ =	swait.ge [sflag:s7], $0x2000  }
0x10e: {  	[sflag:s7] =	ssyncset.done $0x0  }
0x10f: {  	s10 =	rddreg [dreg:$0x4];
	[sflag:s7] =	ssyncadd.s32 $0xFFFFE000  }
0x110: {  	[hbm4b:s10+s8] =	stream.linear.scatter [tilespmem:s31], [sflag:$0x9], $0x2000, $0x38;
	[tilespmem:$0x1B200] =	vst v63  }
0x111: {  	_ =	swait.ge [sflag:s7], $0x2000  }
0x112: {  	s25 =	sld [smem:$0x7D6]  }
0x113: {  	[sflag:s7] =	ssyncset.done $0x0  }
0x114: {  	[sflag:s7] =	ssyncadd.s32 $0xFFFFE000  }
0x115: {  	[tilespmem:s31], [sflag:$0x9] =	stream.linear.gather [spmem:s25], $0x2000, $0x38;
	[tilespmem:$0x1B200] =	vst v63  }
0x116: {  	_ =	swait.ge [sflag:s7], $0x2000  }
0x117: {  	[sflag:s7] =	ssyncset.done $0x0  }
0x118: {  	s9 =	rddreg [dreg:$0x5];
	[sflag:s7] =	ssyncadd.s32 $0xFFFFE000  }
0x119: {  	[hbm4b:s9+s8] =	stream.linear.scatter [tilespmem:s31], [sflag:$0x9], $0x2000, $0x38;
	[tilespmem:$0x1B200] =	vst v63  }
0x11a: {  	_ =	swait.ge [sflag:s7], $0x2000  }
0x11b: {  	s10 =	sld [smem:$0x7D7]  }
0x11c: {  	[sflag:s7] =	ssyncset.done $0x0  }
0x11d: {  	[sflag:s7] =	ssyncadd.s32 $0xFFFFE000  }
0x11e: {  	[tilespmem:s31], [sflag:$0x9] =	stream.linear.gather [spmem:s10], $0x2000, $0x38;
	[tilespmem:$0x1B200] =	vst v63  }
0x11f: {  	_ =	swait.ge [sflag:s7], $0x2000  }
0x120: {  	[sflag:s7] =	ssyncset.done $0x0  }
0x121: {  	s25 =	rddreg [dreg:$0x6];
	[sflag:s7] =	ssyncadd.s32 $0xFFFFE000  }
0x122: {  	[hbm4b:s25+s8] =	stream.linear.scatter [tilespmem:s31], [sflag:$0x9], $0x2000, $0x38;
	[tilespmem:$0x1B200] =	vst v63  }
0x123: {  	_ =	swait.ge [sflag:s7], $0x2000  }
0x124: {  	s9 =	sld [smem:$0x7D8]  }
0x125: {  	[sflag:s7] =	ssyncset.done $0x0  }
0x126: {  	[sflag:s7] =	ssyncadd.s32 $0xFFFFE000  }
0x127: {  	[tilespmem:s31], [sflag:$0x9] =	stream.linear.gather [spmem:s9], $0x2000, $0x38;
	[tilespmem:$0x1B200] =	vst v63  }
0x128: {  	_ =	swait.ge [sflag:s7], $0x2000  }
0x129: {  	[sflag:s7] =	ssyncset.done $0x0  }
0x12a: {  	s10 =	rddreg [dreg:$0x7];
	[sflag:s7] =	ssyncadd.s32 $0xFFFFE000  }
0x12b: {  	[hbm4b:s10+s8] =	stream.linear.scatter [tilespmem:s31], [sflag:$0x9], $0x2000, $0x38;
	[tilespmem:$0x1B200] =	vst v63  }
0x12c: {  	_ =	swait.ge [sflag:s7], $0x2000  }
0x12d: {  	s25 =	sld [smem:$0x7D9]  }
0x12e: {  	[sflag:s7] =	ssyncset.done $0x0  }
0x12f: {  	[sflag:s7] =	ssyncadd.s32 $0xFFFFE000  }
0x130: {  	[tilespmem:s31], [sflag:$0x9] =	stream.linear.gather [spmem:s25], $0x2000, $0x38;
	[tilespmem:$0x1B200] =	vst v63  }
0x131: {  	_ =	swait.ge [sflag:s7], $0x2000  }
0x132: {  	[sflag:s7] =	ssyncset.done $0x0  }
0x133: {  	s9 =	rddreg [dreg:$0x8];
	[sflag:s7] =	ssyncadd.s32 $0xFFFFE000  }
0x134: {  	[hbm4b:s9+s8] =	stream.linear.scatter [tilespmem:s31], [sflag:$0x9], $0x2000, $0x38;
	[tilespmem:$0x1B200] =	vst v63  }
0x135: {  	_ =	swait.ge [sflag:s7], $0x2000  }
0x136: {  	s25 =	sld [smem:$0x7DA]  }
0x137: {  	[sflag:s7] =	ssyncset.done $0x0  }
0x138: {  	[sflag:s7] =	ssyncadd.s32 $0xFFFFE000  }
0x139: {  	[tilespmem:s31], [sflag:$0x9] =	stream.linear.gather [spmem:s25], $0x2000, $0x38;
	[tilespmem:$0x1B200] =	vst v63  }
0x13a: {  	_ =	swait.ge [sflag:s7], $0x2000  }
0x13b: {  	[sflag:s7] =	ssyncset.done $0x0  }
0x13c: {  	s10 =	rddreg [dreg:$0x9];
	[sflag:s7] =	ssyncadd.s32 $0xFFFFE000  }
0x13d: {  	[hbm4b:s10+s8] =	stream.linear.scatter [tilespmem:s31], [sflag:$0x9], $0x2000, $0x38;
	[tilespmem:$0x1B200] =	vst v63  }
0x13e: {  	_ =	swait.ge [sflag:s7], $0x2000  }
0x13f: {  	s28 =	sld [smem:$0x7F9]  }
0x140: {  	[sflag:s7] =	ssyncset.done $0x0  }
0x141: {  	[sflag:s7] =	ssyncadd.s32 $0xFFFFE000  }
0x142: {  	[tilespmem:s31], [sflag:$0x9] =	stream.linear.gather [spmem:s28], $0x2000, $0x38;
	[tilespmem:$0x1B200] =	vst v63  }
0x143: {  	_ =	swait.ge [sflag:s7], $0x2000  }
0x144: {  	[sflag:s7] =	ssyncset.done $0x0  }
0x145: {  	s9 =	rddreg [dreg:$0xa];
	[sflag:s7] =	ssyncadd.s32 $0xFFFFE000  }
0x146: {  	[hbm4b:s9+s8] =	stream.linear.scatter [tilespmem:s31], [sflag:$0x9], $0x2000, $0x38;
	[tilespmem:$0x1B200] =	vst v63  }
0x147: {  	_ =	swait.ge [sflag:s7], $0x2000  }
0x148: {  	s9 =	sld [smem:$0x7FA]  }
0x149: {  	[sflag:s7] =	ssyncset.done $0x0  }
0x14a: {  	[sflag:s7] =	ssyncadd.s32 $0xFFFFE000  }
0x14b: {  	[tilespmem:s31], [sflag:$0x9] =	stream.linear.gather [spmem:s9], $0x2000, $0x38;
	[tilespmem:$0x1B200] =	vst v63  }
0x14c: {  	_ =	swait.ge [sflag:s7], $0x2000  }
0x14d: {  	[sflag:s7] =	ssyncset.done $0x0  }
0x14e: {  	s10 =	rddreg [dreg:$0xb];
	[sflag:s7] =	ssyncadd.s32 $0xFFFFE000  }
0x14f: {  	[hbm4b:s10+s8] =	stream.linear.scatter [tilespmem:s31], [sflag:$0x9], $0x2000, $0x38;
	[tilespmem:$0x1B200] =	vst v63  }
0x150: {  	_ =	swait.ge [sflag:s7], $0x2000  }
0x151: {  	s30 =	sld [smem:$0x7FB]  }
0x152: {  	[sflag:s7] =	ssyncset.done $0x0  }
0x153: {  	[sflag:s7] =	ssyncadd.s32 $0xFFFFE000  }
0x154: {  	[tilespmem:s31], [sflag:$0x9] =	stream.linear.gather [spmem:s30], $0x2000, $0x38;
	[tilespmem:$0x1B200] =	vst v63  }
0x155: {  	_ =	swait.ge [sflag:s7], $0x2000  }
0x156: {  	[sflag:s7] =	ssyncset.done $0x0  }
0x157: {  	s10 =	rddreg [dreg:$0xc];
	[sflag:s7] =	ssyncadd.s32 $0xFFFFE000  }
0x158: {  	[hbm4b:s10+s8] =	stream.linear.scatter [tilespmem:s31], [sflag:$0x9], $0x2000, $0x38;
	[tilespmem:$0x1B200] =	vst v63  }
0x159: {  	_ =	swait.ge [sflag:s7], $0x2000  }
0x15a: {  	s10 =	sld [smem:$0x7FC]  }
0x15b: {  	[sflag:s7] =	ssyncset.done $0x0  }
0x15c: {  	[sflag:s7] =	ssyncadd.s32 $0xFFFFE000  }
0x15d: {  	[tilespmem:s31], [sflag:$0x9] =	stream.linear.gather [spmem:s10], $0x2000, $0x38;
	[tilespmem:$0x1B200] =	vst v63  }
0x15e: {  	_ =	swait.ge [sflag:s7], $0x2000  }
0x15f: {  	[sflag:s7] =	ssyncset.done $0x0  }
0x160: {  	s6 =	rddreg [dreg:$0xd];
	[sflag:s7] =	ssyncadd.s32 $0xFFFFE000  }
0x161: {  	[hbm4b:s6+s8] =	stream.linear.scatter [tilespmem:s31], [sflag:$0x9], $0x2000, $0x38;
	[tilespmem:$0x1B200] =	vst v63  }
0x162: {  	_ =	swait.ge [sflag:s7], $0x2000  }
0x163: {  	[sflag:s7] =	ssyncset.done $0x0  }
0x164: {  	[sflag:s7] =	ssyncadd.s32 $0xFFFFE000  }
0x165: {  	[bflag:$0x0] =	sbarrier.arrive $0xFFFF  }
0x166: {  	s6 =	sld [smem:$0x7F8];
	_ =	sdelay $0x2  }
0x167: {  	[tilespmem:s31], [sflag:$0x9] =	stream.linear.gather [hbm4b:s6+s8], $0x2000, $0x38;
	[tilespmem:$0x1B200] =	vst v63  }
0x168: {  	_ =	swait.ge [sflag:s7], $0x2000  }
0x169: {  	s8 =	sld [smem:$0x7D5]  }
0x16a: {  	[sflag:s7] =	ssyncset.done $0x0  }
0x16b: {  	[sflag:s7] =	ssyncadd.s32 $0xFFFFE000  }
0x16c: {  	[spmem:s8] =	stream.linear.scatter [tilespmem:s31], [sflag:$0x9], $0x2000, $0x38;
	[tilespmem:$0x1B200] =	vst v63  }
0x16d: {  	_ =	swait.ge [sflag:s7], $0x2000  }
0x16e: {  	s8 =	sld [smem:$0x7D6]  }
0x16f: {  	[sflag:s7] =	ssyncset.done $0x0  }
0x170: {  	[sflag:s7] =	ssyncadd.s32 $0xFFFFE000  }
0x171: {  	[spmem:s8] =	stream.linear.scatter [tilespmem:s31], [sflag:$0x9], $0x2000, $0x38;
	[tilespmem:$0x1B200] =	vst v63  }
0x172: {  	_ =	swait.ge [sflag:s7], $0x2000  }
0x173: {  	s8 =	sld [smem:$0x7D7]  }
0x174: {  	[sflag:s7] =	ssyncset.done $0x0  }
0x175: {  	[sflag:s7] =	ssyncadd.s32 $0xFFFFE000  }
0x176: {  	[spmem:s8] =	stream.linear.scatter [tilespmem:s31], [sflag:$0x9], $0x2000, $0x38;
	[tilespmem:$0x1B200] =	vst v63  }
0x177: {  	_ =	swait.ge [sflag:s7], $0x2000  }
0x178: {  	s8 =	sld [smem:$0x7D8]  }
0x179: {  	[sflag:s7] =	ssyncset.done $0x0  }
0x17a: {  	[sflag:s7] =	ssyncadd.s32 $0xFFFFE000  }
0x17b: {  	[spmem:s8] =	stream.linear.scatter [tilespmem:s31], [sflag:$0x9], $0x2000, $0x38;
	[tilespmem:$0x1B200] =	vst v63  }
0x17c: {  	_ =	swait.ge [sflag:s7], $0x2000  }
0x17d: {  	s8 =	sld [smem:$0x7D9]  }
0x17e: {  	[sflag:s7] =	ssyncset.done $0x0  }
0x17f: {  	[sflag:s7] =	ssyncadd.s32 $0xFFFFE000  }
0x180: {  	[spmem:s8] =	stream.linear.scatter [tilespmem:s31], [sflag:$0x9], $0x2000, $0x38;
	[tilespmem:$0x1B200] =	vst v63  }
0x181: {  	_ =	swait.ge [sflag:s7], $0x2000  }
0x182: {  	[sflag:s7] =	ssyncset.done $0x0  }
0x183: {  	[sflag:s7] =	ssyncadd.s32 $0xFFFFE000  }
0x184: {  	[spmem:s25] =	stream.linear.scatter [tilespmem:s31], [sflag:$0x9], $0x2000, $0x38;
	[tilespmem:$0x1B200] =	vst v63  }
0x185: {  	_ =	swait.ge [sflag:s7], $0x2000  }
0x186: {  	[sflag:s7] =	ssyncset.done $0x0  }
0x187: {  	[sflag:s7] =	ssyncadd.s32 $0xFFFFE000  }
0x188: {  	[spmem:s28] =	stream.linear.scatter [tilespmem:s31], [sflag:$0x9], $0x2000, $0x38;
	[tilespmem:$0x1B200] =	vst v63  }
0x189: {  	_ =	swait.ge [sflag:s7], $0x2000  }
0x18a: {  	[sflag:s7] =	ssyncset.done $0x0  }
0x18b: {  	[sflag:s7] =	ssyncadd.s32 $0xFFFFE000  }
0x18c: {  	[spmem:s9] =	stream.linear.scatter [tilespmem:s31], [sflag:$0x9], $0x2000, $0x38;
	[tilespmem:$0x1B200] =	vst v63  }
0x18d: {  	_ =	swait.ge [sflag:s7], $0x2000  }
0x18e: {  	[sflag:s7] =	ssyncset.done $0x0  }
0x18f: {  	[sflag:s7] =	ssyncadd.s32 $0xFFFFE000  }
0x190: {  	[spmem:s30] =	stream.linear.scatter [tilespmem:s31], [sflag:$0x9], $0x2000, $0x38;
	[tilespmem:$0x1B200] =	vst v63  }
0x191: {  	_ =	swait.ge [sflag:s7], $0x2000  }
0x192: {  	[sflag:s7] =	ssyncset.done $0x0  }
0x193: {  	[sflag:s7] =	ssyncadd.s32 $0xFFFFE000  }
0x194: {  	[spmem:s10] =	stream.linear.scatter [tilespmem:s31], [sflag:$0x9], $0x2000, $0x38;
	[tilespmem:$0x1B200] =	vst v63  }
0x195: {  	_ =	swait.ge [sflag:s7], $0x2000  }
0x196: {  	s9 =	sld [smem:$0x7E4]  }
0x197: {  	[sflag:s7] =	ssyncset.done $0x0  }
0x198: {  	s10 =	simm.s32 $0x0;
	s25 =	sld [smem:$0x7E5];
	[sflag:s7] =	ssyncadd.s32 $0xFFFFE000  }
0x199: {  	[tilespmem:s12], [sflag:$0x5] =	stream.linear.gather [hbm4b:s9+s10], $0x50, $0x38;
	[tilespmem:$0x1B200] =	vst v63  }
0x19a: {  	s8 =	sld [smem:$0x7DD]  }
0x19b: {  	[tilespmem:s24], [sflag:$0x7] =	stream.linear.gather [hbm4b:s25+s10], $0x50, $0x38;
	[tilespmem:$0x1B200] =	vst v63  }
0x19c: {  	s9 =	sld [smem:$0x7DE]  }
0x19d: {  	[tilespmem:s13], [sflag:$0x6] =	stream.linear.gather [hbm4b:s8+s10], $0x50, $0x38;
	[tilespmem:$0x1B200] =	vst v63  }
0x19e: {  	_ = 	snop  }
0x19f: {  	[tilespmem:s14], [sflag:$0x8] =	stream.linear.gather [hbm4b:s9+s10], $0x50, $0x38;
	[tilespmem:$0x1B200] =	vst v63  }
0x1a0: {  	[bflag:$0x0] =	sbarrier.arrive $0xFFFF  }
0x1a1: {  	_ =	swait.ge [sflag:s15], $0x50  }
0x1a2: {  	[sflag:s15] =	ssyncset.done $0x0  }
0x1a3: {  	[sflag:s15] =	ssyncadd.s32 $0xFFFFFFB0  }
0x1a4: {  	[tilespmem:s17], [sflag:$0x1] =	stream.indirect.gather [hbm4b:s5+s16], $0x80, s12, s16, $0xb8;
	[tilespmem:$0x1B200] =	vst v63  }
0x1a5: {  	_ =	swait.ge [sflag:s18], $0x50  }
0x1a6: {  	[sflag:s18] =	ssyncset.done $0x0  }
0x1a7: {  	[sflag:s18] =	ssyncadd.s32 $0xFFFFFFB0  }
0x1a8: {  	[tilespmem:s19], [sflag:$0x2] =	stream.indirect.gather [hbm4b:s5+s16], $0x80, s13, s16, $0xb8;
	[tilespmem:$0x1B200] =	vst v63  }
0x1a9: {  	_ =	swait.ge [sflag:s20], $0x2800  }
0x1aa: {  	s28 =	sld [smem:$0x7F7]  }
0x1ab: {  	s10 =	sld [smem:$0x7D2];
	_ =	sdelay $0x1  }
0x1ac: {  	[sflag:s20] =	ssyncset.done $0x0  }
0x1ad: {  	[sflag:s20] =	ssyncadd.s32 $0xFFFFD800;
	s25 =	sadd.s32 s28, s10  }
0x1ae: {  	[tilespmem:s12], [sflag:$0x5] =	stream.linear.gather [hbm4b:s25+s1], $0x50, $0x38;
	[tilespmem:$0x1B200] =	vst v63  }
0x1af: {  	_ =	swait.ge [sflag:s21], $0x50  }
0x1b0: {  	[sflag:s21] =	ssyncset.done $0x0  }
0x1b1: {  	[sflag:s21] =	ssyncadd.s32 $0xFFFFFFB0  }
0x1b2: {  	[spmem:s26] =	stream.indirect.scatter.add.f32 [tilespmem:s17], [sflag:$0x3], $0x80, s24, s16, $0xb8;
	[tilespmem:$0x1B200] =	vst v63  }
0x1b3: {  	_ =	swait.ge [sflag:s22], $0x2800  }
0x1b4: {  	s25 =	sld [smem:$0x7F3];
	_ =	sdelay $0x1  }
0x1b5: {  	[sflag:s22] =	ssyncset.done $0x0  }
0x1b6: {  	[sflag:s22] =	ssyncadd.s32 $0xFFFFD800;
	s8 =	sadd.s32 s25, s10  }
0x1b7: {  	[tilespmem:s24], [sflag:$0x7] =	stream.linear.gather [hbm4b:s8+s1], $0x50, $0x38;
	[tilespmem:$0x1B200] =	vst v63  }
0x1b8: {  	_ =	swait.ge [sflag:s15], $0x50  }
0x1b9: {  	[sflag:s15] =	ssyncset.done $0x0  }
0x1ba: {  	[sflag:s15] =	ssyncadd.s32 $0xFFFFFFB0  }
0x1bb: {  	[tilespmem:s17], [sflag:$0x1] =	stream.indirect.gather [hbm4b:s5+s16], $0x80, s12, s16, $0xb8;
	[tilespmem:$0x1B200] =	vst v63  }
0x1bc: {  	_ =	swait.ge [sflag:s3], $0x2800  }
0x1bd: {  	s30 =	sld [smem:$0x7F4];
	_ =	sdelay $0x1  }
0x1be: {  	[sflag:s3] =	ssyncset.done $0x0  }
0x1bf: {  	[sflag:s3] =	ssyncadd.s32 $0xFFFFD800;
	s9 =	sadd.s32 $0x0, s30  }
0x1c0: {  	[tilespmem:s13], [sflag:$0x6] =	stream.linear.gather [hbm4b:s9+s1], $0x50, $0x38;
	[tilespmem:$0x1B200] =	vst v63  }
0x1c1: {  	_ =	swait.ge [sflag:s23], $0x50  }
0x1c2: {  	[sflag:s23] =	ssyncset.done $0x0  }
0x1c3: {  	[sflag:s23] =	ssyncadd.s32 $0xFFFFFFB0  }
0x1c4: {  	[spmem:s26] =	stream.indirect.scatter.add.f32 [tilespmem:s19], [sflag:$0x4], $0x80, s14, s16, $0xb8;
	[tilespmem:$0x1B200] =	vst v63  }
0x1c5: {  	_ =	swait.ge [sflag:s29], $0x2800  }
0x1c6: {  	s31 =	sld [smem:$0x7FD]  }
0x1c7: {  	s10 =	sld [smem:$0x7EE];
	_ =	sdelay $0x1  }
0x1c8: {  	s6 =	simm.s32 $0x14;
	[sflag:s29] =	ssyncset.done $0x0  }
0x1c9: {  	[sflag:s29] =	ssyncadd.s32 $0xFFFFD800;
	s8 =	sadd.s32 $0x0, s31;
	s7 =	sadd.s32 $0xA0, s10  }
.LBB2_4:
0x1ca: {  	[tilespmem:s14], [sflag:$0x8] =	stream.linear.gather [hbm4b:s8+s1], $0x50, $0x38;
	[tilespmem:$0x1B200] =	vst v63  }
0x1cb: {  	s8 =	smov.u32 s6  }
0x1cc: {  	p0 =	sne.s32 s6, $0x4B0;
	s6 =	sadd.s32 $0x14, s6;
	_ =	swait.ge [sflag:s18], $0x50  }
0x1cd: {  	[sflag:s18] =	ssyncset.done $0x0  }
0x1ce: {  	[sflag:s18] =	ssyncadd.s32 $0xFFFFFFB0  }
0x1cf: {  	[tilespmem:s19], [sflag:$0x2] =	stream.indirect.gather [hbm4b:s5+s16], $0x80, s13, s16, $0xb8;
	[tilespmem:$0x1B200] =	vst v63  }
0x1d0: {  	_ =	swait.ge [sflag:s20], $0x2800  }
0x1d1: {  	s9 =	sshrl.u32 s7, $0x3;
	[sflag:s20] =	ssyncset.done $0x0  }
0x1d2: {  	s10 =	sadd.s32 s28, s9;
	[sflag:s20] =	ssyncadd.s32 $0xFFFFD800  }
0x1d3: {  	[tilespmem:s12], [sflag:$0x5] =	stream.linear.gather [hbm4b:s10+s1], $0x50, $0x38;
	[tilespmem:$0x1B200] =	vst v63  }
0x1d4: {  	_ =	swait.ge [sflag:s21], $0x50  }
0x1d5: {  	[sflag:s21] =	ssyncset.done $0x0  }
0x1d6: {  	[sflag:s21] =	ssyncadd.s32 $0xFFFFFFB0  }
0x1d7: {  	[spmem:s26] =	stream.indirect.scatter.add.f32 [tilespmem:s17], [sflag:$0x3], $0x80, s24, s16, $0xb8;
	[tilespmem:$0x1B200] =	vst v63  }
0x1d8: {  	_ =	swait.ge [sflag:s22], $0x2800  }
0x1d9: {  	[sflag:s22] =	ssyncset.done $0x0  }
0x1da: {  	s9 =	sadd.s32 s25, s9;
	[sflag:s22] =	ssyncadd.s32 $0xFFFFD800  }
0x1db: {  	[tilespmem:s24], [sflag:$0x7] =	stream.linear.gather [hbm4b:s9+s1], $0x50, $0x38;
	[tilespmem:$0x1B200] =	vst v63  }
0x1dc: {  	_ =	swait.ge [sflag:s15], $0x50  }
0x1dd: {  	[sflag:s15] =	ssyncset.done $0x0  }
0x1de: {  	[sflag:s15] =	ssyncadd.s32 $0xFFFFFFB0  }
0x1df: {  	[tilespmem:s17], [sflag:$0x1] =	stream.indirect.gather [hbm4b:s5+s16], $0x80, s12, s16, $0xb8;
	[tilespmem:$0x1B200] =	vst v63  }
0x1e0: {  	_ =	swait.ge [sflag:s3], $0x2800  }
0x1e1: {  	[sflag:s3] =	ssyncset.done $0x0  }
0x1e2: {  	s9 =	sadd.s32 s8, s30;
	[sflag:s3] =	ssyncadd.s32 $0xFFFFD800  }
0x1e3: {  	[tilespmem:s13], [sflag:$0x6] =	stream.linear.gather [hbm4b:s9+s1], $0x50, $0x38;
	[tilespmem:$0x1B200] =	vst v63  }
0x1e4: {  	_ =	swait.ge [sflag:s23], $0x50  }
0x1e5: {  	[sflag:s23] =	ssyncset.done $0x0  }
.Ltmp1:
0x1e6: {  	[sflag:s23] =	ssyncadd.s32 $0xFFFFFFB0;
	(pc) =	sbr.rel @p0 .LBB2_4-.Ltmp1, $4  }
0x1e7: {  	[spmem:s26] =	stream.indirect.scatter.add.f32 [tilespmem:s19], [sflag:$0x4], $0x80, s14, s16, $0xb8;
	[tilespmem:$0x1B200] =	vst v63  }
0x1e8: {  	_ =	swait.ge [sflag:s29], $0x2800  }
0x1e9: {  	[sflag:s29] =	ssyncset.done $0x0  }
0x1ea: {  	s7 =	sadd.s32 $0xA0, s7;
	s8 =	sadd.s32 s8, s31;
	[sflag:s29] =	ssyncadd.s32 $0xFFFFD800  }
0x1eb: {  	[tilespmem:s14], [sflag:$0x8] =	stream.linear.gather [hbm4b:s8+s1], $0x50, $0x38;
	[tilespmem:$0x1B200] =	vst v63  }
0x1ec: {  	_ =	swait.ge [sflag:s18], $0x50  }
0x1ed: {  	[sflag:s18] =	ssyncset.done $0x0  }
0x1ee: {  	[sflag:s18] =	ssyncadd.s32 $0xFFFFFFB0  }
0x1ef: {  	[tilespmem:s19], [sflag:$0x2] =	stream.indirect.gather [hbm4b:s5+s16], $0x80, s13, s16, $0xb8;
	[tilespmem:$0x1B200] =	vst v63  }
0x1f0: {  	_ =	swait.ge [sflag:s20], $0x2800  }
0x1f1: {  	s6 =	sld [smem:$0x7EA]  }
0x1f2: {  	[sflag:s20] =	ssyncset.done $0x0  }
0x1f3: {  	s9 =	simm.s32 $0x0;
	[sflag:s20] =	ssyncadd.s32 $0xFFFFD800  }
0x1f4: {  	[tilespmem:s12], [sflag:$0x5] =	stream.linear.gather [hbm4b:s6+s9], $0x50, $0x38;
	[tilespmem:$0x1B200] =	vst v63  }
0x1f5: {  	_ =	swait.ge [sflag:s21], $0x50  }
0x1f6: {  	[sflag:s21] =	ssyncset.done $0x0  }
0x1f7: {  	[sflag:s21] =	ssyncadd.s32 $0xFFFFFFB0  }
0x1f8: {  	[spmem:s26] =	stream.indirect.scatter.add.f32 [tilespmem:s17], [sflag:$0x3], $0x80, s24, s16, $0xb8;
	[tilespmem:$0x1B200] =	vst v63  }
0x1f9: {  	_ =	swait.ge [sflag:s22], $0x2800  }
0x1fa: {  	s31 =	sld [smem:$0x7EB]  }
0x1fb: {  	[sflag:s22] =	ssyncset.done $0x0  }
0x1fc: {  	[sflag:s22] =	ssyncadd.s32 $0xFFFFD800  }
0x1fd: {  	[tilespmem:s24], [sflag:$0x7] =	stream.linear.gather [hbm4b:s31+s9], $0x50, $0x38;
	[tilespmem:$0x1B200] =	vst v63  }
0x1fe: {  	_ =	swait.ge [sflag:s15], $0x50  }
0x1ff: {  	[sflag:s15] =	ssyncset.done $0x0  }
0x200: {  	[sflag:s15] =	ssyncadd.s32 $0xFFFFFFB0  }
0x201: {  	[tilespmem:s17], [sflag:$0x1] =	stream.indirect.gather [hbm4b:s5+s16], $0x80, s12, s16, $0xb8;
	[tilespmem:$0x1B200] =	vst v63  }
0x202: {  	_ =	swait.ge [sflag:s3], $0x2800  }
0x203: {  	[sflag:s3] =	ssyncset.done $0x0  }
0x204: {  	[sflag:s3] =	ssyncadd.s32 $0xFFFFD800  }
0x205: {  	_ =	swait.ge [sflag:s23], $0x50  }
0x206: {  	[sflag:s23] =	ssyncset.done $0x0  }
0x207: {  	[sflag:s23] =	ssyncadd.s32 $0xFFFFFFB0  }
0x208: {  	[spmem:s26] =	stream.indirect.scatter.add.f32 [tilespmem:s19], [sflag:$0x4], $0x80, s14, s16, $0xb8;
	[tilespmem:$0x1B200] =	vst v63  }
0x209: {  	_ =	swait.ge [sflag:s29], $0x2800  }
0x20a: {  	[sflag:s29] =	ssyncset.done $0x0  }
0x20b: {  	[sflag:s29] =	ssyncadd.s32 $0xFFFFD800  }
0x20c: {  	_ =	swait.ge [sflag:s20], $0x2800  }
0x20d: {  	[sflag:s20] =	ssyncset.done $0x0  }
0x20e: {  	[sflag:s20] =	ssyncadd.s32 $0xFFFFD800  }
0x20f: {  	_ =	swait.ge [sflag:s21], $0x50  }
0x210: {  	[sflag:s21] =	ssyncset.done $0x0  }
0x211: {  	[sflag:s21] =	ssyncadd.s32 $0xFFFFFFB0  }
0x212: {  	[spmem:s26] =	stream.indirect.scatter.add.f32 [tilespmem:s17], [sflag:$0x3], $0x80, s24, s16, $0xb8;
	[tilespmem:$0x1B200] =	vst v63  }
0x213: {  	_ =	swait.ge [sflag:s22], $0x2800  }
0x214: {  	[sflag:s22] =	ssyncset.done $0x0  }
0x215: {  	[sflag:s22] =	ssyncadd.s32 $0xFFFFD800  }
0x216: {  	[bflag:$0x0] =	sbarrier.arrive $0xFFFF  }
0x217: {  	s7 =	sld [smem:$0x7D5];
	_ =	sdelay $0x1  }
0x218: {  	s8 =	simm.s32 $0x19200  }
0x219: {  	[tilespmem:s8], [sflag:$0x9] =	stream.linear.gather [spmem:s7], $0x2000, $0x38;
	[tilespmem:$0x1B200] =	vst v63  }
0x21a: {  	s7 =	simm.s32 $0x9  }
0x21b: {  	_ =	swait.ge [sflag:s7], $0x2000  }
0x21c: {  	[sflag:s7] =	ssyncset.done $0x0  }
0x21d: {  	s10 =	rddreg [dreg:$0xe];
	[sflag:s7] =	ssyncadd.s32 $0xFFFFE000  }
0x21e: {  	[hbm4b:s10+s9] =	stream.linear.scatter [tilespmem:s8], [sflag:$0x9], $0x2000, $0x38;
	[tilespmem:$0x1B200] =	vst v63  }
0x21f: {  	_ =	swait.ge [sflag:s7], $0x2000  }
0x220: {  	s25 =	sld [smem:$0x7D6]  }
0x221: {  	[sflag:s7] =	ssyncset.done $0x0  }
0x222: {  	[sflag:s7] =	ssyncadd.s32 $0xFFFFE000  }
0x223: {  	[tilespmem:s8], [sflag:$0x9] =	stream.linear.gather [spmem:s25], $0x2000, $0x38;
	[tilespmem:$0x1B200] =	vst v63  }
0x224: {  	_ =	swait.ge [sflag:s7], $0x2000  }
0x225: {  	[sflag:s7] =	ssyncset.done $0x0  }
0x226: {  	s28 =	rddreg [dreg:$0xf];
	[sflag:s7] =	ssyncadd.s32 $0xFFFFE000  }
0x227: {  	[hbm4b:s28+s9] =	stream.linear.scatter [tilespmem:s8], [sflag:$0x9], $0x2000, $0x38;
	[tilespmem:$0x1B200] =	vst v63  }
0x228: {  	_ =	swait.ge [sflag:s7], $0x2000  }
0x229: {  	s31 =	sld [smem:$0x7D7]  }
0x22a: {  	[sflag:s7] =	ssyncset.done $0x0  }
0x22b: {  	[sflag:s7] =	ssyncadd.s32 $0xFFFFE000  }
0x22c: {  	[tilespmem:s8], [sflag:$0x9] =	stream.linear.gather [spmem:s31], $0x2000, $0x38;
	[tilespmem:$0x1B200] =	vst v63  }
0x22d: {  	_ =	swait.ge [sflag:s7], $0x2000  }
0x22e: {  	[sflag:s7] =	ssyncset.done $0x0  }
0x22f: {  	s10 =	rddreg [dreg:$0x10];
	[sflag:s7] =	ssyncadd.s32 $0xFFFFE000  }
0x230: {  	[hbm4b:s10+s9] =	stream.linear.scatter [tilespmem:s8], [sflag:$0x9], $0x2000, $0x38;
	[tilespmem:$0x1B200] =	vst v63  }
0x231: {  	_ =	swait.ge [sflag:s7], $0x2000  }
0x232: {  	s25 =	sld [smem:$0x7D8]  }
0x233: {  	[sflag:s7] =	ssyncset.done $0x0  }
0x234: {  	[sflag:s7] =	ssyncadd.s32 $0xFFFFE000  }
0x235: {  	[tilespmem:s8], [sflag:$0x9] =	stream.linear.gather [spmem:s25], $0x2000, $0x38;
	[tilespmem:$0x1B200] =	vst v63  }
0x236: {  	_ =	swait.ge [sflag:s7], $0x2000  }
0x237: {  	[sflag:s7] =	ssyncset.done $0x0  }
0x238: {  	s28 =	rddreg [dreg:$0x11];
	[sflag:s7] =	ssyncadd.s32 $0xFFFFE000  }
0x239: {  	[hbm4b:s28+s9] =	stream.linear.scatter [tilespmem:s8], [sflag:$0x9], $0x2000, $0x38;
	[tilespmem:$0x1B200] =	vst v63  }
0x23a: {  	_ =	swait.ge [sflag:s7], $0x2000  }
0x23b: {  	s10 =	sld [smem:$0x7D9]  }
0x23c: {  	[sflag:s7] =	ssyncset.done $0x0  }
0x23d: {  	[sflag:s7] =	ssyncadd.s32 $0xFFFFE000  }
0x23e: {  	[tilespmem:s8], [sflag:$0x9] =	stream.linear.gather [spmem:s10], $0x2000, $0x38;
	[tilespmem:$0x1B200] =	vst v63  }
0x23f: {  	_ =	swait.ge [sflag:s7], $0x2000  }
0x240: {  	[sflag:s7] =	ssyncset.done $0x0  }
0x241: {  	s31 =	rddreg [dreg:$0x12];
	[sflag:s7] =	ssyncadd.s32 $0xFFFFE000  }
0x242: {  	[hbm4b:s31+s9] =	stream.linear.scatter [tilespmem:s8], [sflag:$0x9], $0x2000, $0x38;
	[tilespmem:$0x1B200] =	vst v63  }
0x243: {  	_ =	swait.ge [sflag:s7], $0x2000  }
0x244: {  	s25 =	sld [smem:$0x7DA]  }
0x245: {  	[sflag:s7] =	ssyncset.done $0x0  }
0x246: {  	[sflag:s7] =	ssyncadd.s32 $0xFFFFE000  }
0x247: {  	[tilespmem:s8], [sflag:$0x9] =	stream.linear.gather [spmem:s25], $0x2000, $0x38;
	[tilespmem:$0x1B200] =	vst v63  }
0x248: {  	_ =	swait.ge [sflag:s7], $0x2000  }
0x249: {  	[sflag:s7] =	ssyncset.done $0x0  }
0x24a: {  	s28 =	rddreg [dreg:$0x13];
	[sflag:s7] =	ssyncadd.s32 $0xFFFFE000  }
0x24b: {  	[hbm4b:s28+s9] =	stream.linear.scatter [tilespmem:s8], [sflag:$0x9], $0x2000, $0x38;
	[tilespmem:$0x1B200] =	vst v63  }
0x24c: {  	_ =	swait.ge [sflag:s7], $0x2000  }
0x24d: {  	s31 =	sld [smem:$0x7F9]  }
0x24e: {  	[sflag:s7] =	ssyncset.done $0x0  }
0x24f: {  	[sflag:s7] =	ssyncadd.s32 $0xFFFFE000  }
0x250: {  	[tilespmem:s8], [sflag:$0x9] =	stream.linear.gather [spmem:s31], $0x2000, $0x38;
	[tilespmem:$0x1B200] =	vst v63  }
0x251: {  	_ =	swait.ge [sflag:s7], $0x2000  }
0x252: {  	[sflag:s7] =	ssyncset.done $0x0  }
0x253: {  	s25 =	rddreg [dreg:$0x14];
	[sflag:s7] =	ssyncadd.s32 $0xFFFFE000  }
0x254: {  	[hbm4b:s25+s9] =	stream.linear.scatter [tilespmem:s8], [sflag:$0x9], $0x2000, $0x38;
	[tilespmem:$0x1B200] =	vst v63  }
0x255: {  	_ =	swait.ge [sflag:s7], $0x2000  }
0x256: {  	s28 =	sld [smem:$0x7FA]  }
0x257: {  	[sflag:s7] =	ssyncset.done $0x0  }
0x258: {  	[sflag:s7] =	ssyncadd.s32 $0xFFFFE000  }
0x259: {  	[tilespmem:s8], [sflag:$0x9] =	stream.linear.gather [spmem:s28], $0x2000, $0x38;
	[tilespmem:$0x1B200] =	vst v63  }
0x25a: {  	_ =	swait.ge [sflag:s7], $0x2000  }
0x25b: {  	[sflag:s7] =	ssyncset.done $0x0  }
0x25c: {  	s31 =	rddreg [dreg:$0x15];
	[sflag:s7] =	ssyncadd.s32 $0xFFFFE000  }
0x25d: {  	[hbm4b:s31+s9] =	stream.linear.scatter [tilespmem:s8], [sflag:$0x9], $0x2000, $0x38;
	[tilespmem:$0x1B200] =	vst v63  }
0x25e: {  	_ =	swait.ge [sflag:s7], $0x2000  }
0x25f: {  	s30 =	sld [smem:$0x7FB]  }
0x260: {  	[sflag:s7] =	ssyncset.done $0x0  }
0x261: {  	[sflag:s7] =	ssyncadd.s32 $0xFFFFE000  }
0x262: {  	[tilespmem:s8], [sflag:$0x9] =	stream.linear.gather [spmem:s30], $0x2000, $0x38;
	[tilespmem:$0x1B200] =	vst v63  }
0x263: {  	_ =	swait.ge [sflag:s7], $0x2000  }
0x264: {  	[sflag:s7] =	ssyncset.done $0x0  }
0x265: {  	s25 =	rddreg [dreg:$0x16];
	[sflag:s7] =	ssyncadd.s32 $0xFFFFE000  }
0x266: {  	[hbm4b:s25+s9] =	stream.linear.scatter [tilespmem:s8], [sflag:$0x9], $0x2000, $0x38;
	[tilespmem:$0x1B200] =	vst v63  }
0x267: {  	_ =	swait.ge [sflag:s7], $0x2000  }
0x268: {  	s25 =	sld [smem:$0x7FC]  }
0x269: {  	[sflag:s7] =	ssyncset.done $0x0  }
0x26a: {  	[sflag:s7] =	ssyncadd.s32 $0xFFFFE000  }
0x26b: {  	[tilespmem:s8], [sflag:$0x9] =	stream.linear.gather [spmem:s25], $0x2000, $0x38;
	[tilespmem:$0x1B200] =	vst v63  }
0x26c: {  	_ =	swait.ge [sflag:s7], $0x2000  }
0x26d: {  	[sflag:s7] =	ssyncset.done $0x0  }
0x26e: {  	s28 =	rddreg [dreg:$0x17];
	[sflag:s7] =	ssyncadd.s32 $0xFFFFE000  }
0x26f: {  	[hbm4b:s28+s9] =	stream.linear.scatter [tilespmem:s8], [sflag:$0x9], $0x2000, $0x38;
	[tilespmem:$0x1B200] =	vst v63  }
0x270: {  	_ =	swait.ge [sflag:s7], $0x2000  }
0x271: {  	[sflag:s7] =	ssyncset.done $0x0  }
0x272: {  	[sflag:s7] =	ssyncadd.s32 $0xFFFFE000  }
0x273: {  	[bflag:$0x0] =	sbarrier.arrive $0xFFFF  }
0x274: {  	s31 =	sld [smem:$0x7F8];
	_ =	sdelay $0x2  }
0x275: {  	[tilespmem:s8], [sflag:$0x9] =	stream.linear.gather [hbm4b:s31+s9], $0x2000, $0x38;
	[tilespmem:$0x1B200] =	vst v63  }
0x276: {  	_ =	swait.ge [sflag:s7], $0x2000  }
0x277: {  	s9 =	sld [smem:$0x7D5]  }
0x278: {  	[sflag:s7] =	ssyncset.done $0x0  }
0x279: {  	[sflag:s7] =	ssyncadd.s32 $0xFFFFE000  }
0x27a: {  	[spmem:s9] =	stream.linear.scatter [tilespmem:s8], [sflag:$0x9], $0x2000, $0x38;
	[tilespmem:$0x1B200] =	vst v63  }
0x27b: {  	_ =	swait.ge [sflag:s7], $0x2000  }
0x27c: {  	s28 =	sld [smem:$0x7D6]  }
0x27d: {  	[sflag:s7] =	ssyncset.done $0x0  }
0x27e: {  	[sflag:s7] =	ssyncadd.s32 $0xFFFFE000  }
0x27f: {  	[spmem:s28] =	stream.linear.scatter [tilespmem:s8], [sflag:$0x9], $0x2000, $0x38;
	[tilespmem:$0x1B200] =	vst v63  }
0x280: {  	_ =	swait.ge [sflag:s7], $0x2000  }
0x281: {  	s31 =	sld [smem:$0x7D7]  }
0x282: {  	[sflag:s7] =	ssyncset.done $0x0  }
0x283: {  	[sflag:s7] =	ssyncadd.s32 $0xFFFFE000  }
0x284: {  	[spmem:s31] =	stream.linear.scatter [tilespmem:s8], [sflag:$0x9], $0x2000, $0x38;
	[tilespmem:$0x1B200] =	vst v63  }
0x285: {  	_ =	swait.ge [sflag:s7], $0x2000  }
0x286: {  	s9 =	sld [smem:$0x7D8]  }
0x287: {  	[sflag:s7] =	ssyncset.done $0x0  }
0x288: {  	[sflag:s7] =	ssyncadd.s32 $0xFFFFE000  }
0x289: {  	[spmem:s9] =	stream.linear.scatter [tilespmem:s8], [sflag:$0x9], $0x2000, $0x38;
	[tilespmem:$0x1B200] =	vst v63  }
0x28a: {  	_ =	swait.ge [sflag:s7], $0x2000  }
0x28b: {  	[sflag:s7] =	ssyncset.done $0x0  }
0x28c: {  	[sflag:s7] =	ssyncadd.s32 $0xFFFFE000  }
0x28d: {  	[spmem:s10] =	stream.linear.scatter [tilespmem:s8], [sflag:$0x9], $0x2000, $0x38;
	[tilespmem:$0x1B200] =	vst v63  }
0x28e: {  	_ =	swait.ge [sflag:s7], $0x2000  }
0x28f: {  	s10 =	sld [smem:$0x7DA]  }
0x290: {  	[sflag:s7] =	ssyncset.done $0x0  }
0x291: {  	[sflag:s7] =	ssyncadd.s32 $0xFFFFE000  }
0x292: {  	[spmem:s10] =	stream.linear.scatter [tilespmem:s8], [sflag:$0x9], $0x2000, $0x38;
	[tilespmem:$0x1B200] =	vst v63  }
0x293: {  	_ =	swait.ge [sflag:s7], $0x2000  }
0x294: {  	s28 =	sld [smem:$0x7F9]  }
0x295: {  	[sflag:s7] =	ssyncset.done $0x0  }
0x296: {  	[sflag:s7] =	ssyncadd.s32 $0xFFFFE000  }
0x297: {  	[spmem:s28] =	stream.linear.scatter [tilespmem:s8], [sflag:$0x9], $0x2000, $0x38;
	[tilespmem:$0x1B200] =	vst v63  }
0x298: {  	_ =	swait.ge [sflag:s7], $0x2000  }
0x299: {  	s31 =	sld [smem:$0x7FA]  }
0x29a: {  	[sflag:s7] =	ssyncset.done $0x0  }
0x29b: {  	[sflag:s7] =	ssyncadd.s32 $0xFFFFE000  }
0x29c: {  	[spmem:s31] =	stream.linear.scatter [tilespmem:s8], [sflag:$0x9], $0x2000, $0x38;
	[tilespmem:$0x1B200] =	vst v63  }
0x29d: {  	_ =	swait.ge [sflag:s7], $0x2000  }
0x29e: {  	[sflag:s7] =	ssyncset.done $0x0  }
0x29f: {  	[sflag:s7] =	ssyncadd.s32 $0xFFFFE000  }
0x2a0: {  	[spmem:s30] =	stream.linear.scatter [tilespmem:s8], [sflag:$0x9], $0x2000, $0x38;
	[tilespmem:$0x1B200] =	vst v63  }
0x2a1: {  	_ =	swait.ge [sflag:s7], $0x2000  }
0x2a2: {  	[sflag:s7] =	ssyncset.done $0x0  }
0x2a3: {  	[sflag:s7] =	ssyncadd.s32 $0xFFFFE000  }
0x2a4: {  	[spmem:s25] =	stream.linear.scatter [tilespmem:s8], [sflag:$0x9], $0x2000, $0x38;
	[tilespmem:$0x1B200] =	vst v63  }
0x2a5: {  	_ =	swait.ge [sflag:s7], $0x2000  }
0x2a6: {  	s8 =	sld [smem:$0x7E6]  }
0x2a7: {  	[sflag:s7] =	ssyncset.done $0x0  }
0x2a8: {  	s9 =	simm.s32 $0x0;
	s10 =	sld [smem:$0x7E7];
	[sflag:s7] =	ssyncadd.s32 $0xFFFFE000  }
0x2a9: {  	[tilespmem:s12], [sflag:$0x5] =	stream.linear.gather [hbm4b:s8+s9], $0x50, $0x38;
	[tilespmem:$0x1B200] =	vst v63  }
0x2aa: {  	s25 =	sld [smem:$0x7DF]  }
0x2ab: {  	[tilespmem:s24], [sflag:$0x7] =	stream.linear.gather [hbm4b:s10+s9], $0x50, $0x38;
	[tilespmem:$0x1B200] =	vst v63  }
0x2ac: {  	s28 =	sld [smem:$0x7E0]  }
0x2ad: {  	[tilespmem:s13], [sflag:$0x6] =	stream.linear.gather [hbm4b:s25+s9], $0x50, $0x38;
	[tilespmem:$0x1B200] =	vst v63  }
0x2ae: {  	_ = 	snop  }
0x2af: {  	[tilespmem:s14], [sflag:$0x8] =	stream.linear.gather [hbm4b:s28+s9], $0x50, $0x38;
	[tilespmem:$0x1B200] =	vst v63  }
0x2b0: {  	[bflag:$0x0] =	sbarrier.arrive $0xFFFF  }
0x2b1: {  	_ =	swait.ge [sflag:s15], $0x50  }
0x2b2: {  	[sflag:s15] =	ssyncset.done $0x0  }
0x2b3: {  	[sflag:s15] =	ssyncadd.s32 $0xFFFFFFB0  }
0x2b4: {  	[tilespmem:s17], [sflag:$0x1] =	stream.indirect.gather [hbm4b:s11+s16], $0x80, s12, s16, $0xb8;
	[tilespmem:$0x1B200] =	vst v63  }
0x2b5: {  	_ =	swait.ge [sflag:s18], $0x50  }
0x2b6: {  	[sflag:s18] =	ssyncset.done $0x0  }
0x2b7: {  	[sflag:s18] =	ssyncadd.s32 $0xFFFFFFB0  }
0x2b8: {  	[tilespmem:s19], [sflag:$0x2] =	stream.indirect.gather [hbm4b:s11+s16], $0x80, s13, s16, $0xb8;
	[tilespmem:$0x1B200] =	vst v63  }
0x2b9: {  	_ =	swait.ge [sflag:s20], $0x2800  }
0x2ba: {  	s25 =	sld [smem:$0x7F6]  }
0x2bb: {  	s31 =	sld [smem:$0x7D2];
	_ =	sdelay $0x1  }
0x2bc: {  	[sflag:s20] =	ssyncset.done $0x0  }
0x2bd: {  	[sflag:s20] =	ssyncadd.s32 $0xFFFFD800;
	s8 =	sadd.s32 s25, s31  }
0x2be: {  	[tilespmem:s12], [sflag:$0x5] =	stream.linear.gather [hbm4b:s8+s1], $0x50, $0x38;
	[tilespmem:$0x1B200] =	vst v63  }
0x2bf: {  	_ =	swait.ge [sflag:s21], $0x50  }
0x2c0: {  	[sflag:s21] =	ssyncset.done $0x0  }
0x2c1: {  	[sflag:s21] =	ssyncadd.s32 $0xFFFFFFB0  }
0x2c2: {  	[spmem:s26] =	stream.indirect.scatter.add.f32 [tilespmem:s17], [sflag:$0x3], $0x80, s24, s16, $0xb8;
	[tilespmem:$0x1B200] =	vst v63  }
0x2c3: {  	_ =	swait.ge [sflag:s22], $0x2800  }
0x2c4: {  	s30 =	sld [smem:$0x7F5];
	_ =	sdelay $0x1  }
0x2c5: {  	[sflag:s22] =	ssyncset.done $0x0  }
0x2c6: {  	[sflag:s22] =	ssyncadd.s32 $0xFFFFD800;
	s9 =	sadd.s32 s30, s31  }
0x2c7: {  	[tilespmem:s24], [sflag:$0x7] =	stream.linear.gather [hbm4b:s9+s1], $0x50, $0x38;
	[tilespmem:$0x1B200] =	vst v63  }
0x2c8: {  	_ =	swait.ge [sflag:s15], $0x50  }
0x2c9: {  	[sflag:s15] =	ssyncset.done $0x0  }
0x2ca: {  	[sflag:s15] =	ssyncadd.s32 $0xFFFFFFB0  }
0x2cb: {  	[tilespmem:s17], [sflag:$0x1] =	stream.indirect.gather [hbm4b:s11+s16], $0x80, s12, s16, $0xb8;
	[tilespmem:$0x1B200] =	vst v63  }
0x2cc: {  	_ =	swait.ge [sflag:s3], $0x2800  }
0x2cd: {  	[sflag:s3] =	ssyncset.done $0x0  }
0x2ce: {  	s28 =	sadd.s32 $0x0, s2;
	[sflag:s3] =	ssyncadd.s32 $0xFFFFD800  }
0x2cf: {  	[tilespmem:s13], [sflag:$0x6] =	stream.linear.gather [hbm4b:s28+s1], $0x50, $0x38;
	[tilespmem:$0x1B200] =	vst v63  }
0x2d0: {  	_ =	swait.ge [sflag:s23], $0x50  }
0x2d1: {  	[sflag:s23] =	ssyncset.done $0x0  }
0x2d2: {  	[sflag:s23] =	ssyncadd.s32 $0xFFFFFFB0  }
0x2d3: {  	[spmem:s26] =	stream.indirect.scatter.add.f32 [tilespmem:s19], [sflag:$0x4], $0x80, s14, s16, $0xb8;
	[tilespmem:$0x1B200] =	vst v63  }
0x2d4: {  	_ =	swait.ge [sflag:s29], $0x2800  }
0x2d5: {  	s31 =	sld [smem:$0x7EE];
	_ =	sdelay $0x1  }
0x2d6: {  	s6 =	simm.s32 $0x14;
	s10 =	smov.u32 s11;
	[sflag:s29] =	ssyncset.done $0x0  }
0x2d7: {  	s8 =	sadd.s32 $0x0, s0;
	[sflag:s29] =	ssyncadd.s32 $0xFFFFD800;
	s7 =	sadd.s32 $0xA0, s31  }
.LBB2_6:
0x2d8: {  	[tilespmem:s14], [sflag:$0x8] =	stream.linear.gather [hbm4b:s8+s1], $0x50, $0x38;
	[tilespmem:$0x1B200] =	vst v63  }
0x2d9: {  	s8 =	smov.u32 s6  }
0x2da: {  	p0 =	sne.s32 s6, $0x4B0;
	s6 =	sadd.s32 $0x14, s6;
	_ =	swait.ge [sflag:s18], $0x50  }
0x2db: {  	[sflag:s18] =	ssyncset.done $0x0  }
0x2dc: {  	[sflag:s18] =	ssyncadd.s32 $0xFFFFFFB0  }
0x2dd: {  	[tilespmem:s19], [sflag:$0x2] =	stream.indirect.gather [hbm4b:s10+s16], $0x80, s13, s16, $0xb8;
	[tilespmem:$0x1B200] =	vst v63  }
0x2de: {  	_ =	swait.ge [sflag:s20], $0x2800  }
0x2df: {  	s9 =	sshrl.u32 s7, $0x3;
	[sflag:s20] =	ssyncset.done $0x0  }
0x2e0: {  	s10 =	sadd.s32 s25, s9;
	[sflag:s20] =	ssyncadd.s32 $0xFFFFD800  }
0x2e1: {  	[tilespmem:s12], [sflag:$0x5] =	stream.linear.gather [hbm4b:s10+s1], $0x50, $0x38;
	[tilespmem:$0x1B200] =	vst v63  }
0x2e2: {  	s10 =	smov.u32 s11  }
0x2e3: {  	_ =	swait.ge [sflag:s21], $0x50  }
0x2e4: {  	[sflag:s21] =	ssyncset.done $0x0  }
0x2e5: {  	[sflag:s21] =	ssyncadd.s32 $0xFFFFFFB0  }
0x2e6: {  	[spmem:s26] =	stream.indirect.scatter.add.f32 [tilespmem:s17], [sflag:$0x3], $0x80, s24, s16, $0xb8;
	[tilespmem:$0x1B200] =	vst v63  }
0x2e7: {  	_ =	swait.ge [sflag:s22], $0x2800  }
0x2e8: {  	[sflag:s22] =	ssyncset.done $0x0  }
0x2e9: {  	s9 =	sadd.s32 s30, s9;
	[sflag:s22] =	ssyncadd.s32 $0xFFFFD800  }
0x2ea: {  	[tilespmem:s24], [sflag:$0x7] =	stream.linear.gather [hbm4b:s9+s1], $0x50, $0x38;
	[tilespmem:$0x1B200] =	vst v63  }
0x2eb: {  	_ =	swait.ge [sflag:s15], $0x50  }
0x2ec: {  	[sflag:s15] =	ssyncset.done $0x0  }
0x2ed: {  	[sflag:s15] =	ssyncadd.s32 $0xFFFFFFB0  }
0x2ee: {  	[tilespmem:s17], [sflag:$0x1] =	stream.indirect.gather [hbm4b:s11+s16], $0x80, s12, s16, $0xb8;
	[tilespmem:$0x1B200] =	vst v63  }
0x2ef: {  	_ =	swait.ge [sflag:s3], $0x2800  }
0x2f0: {  	[sflag:s3] =	ssyncset.done $0x0  }
0x2f1: {  	s9 =	sadd.s32 s8, s2;
	[sflag:s3] =	ssyncadd.s32 $0xFFFFD800  }
0x2f2: {  	[tilespmem:s13], [sflag:$0x6] =	stream.linear.gather [hbm4b:s9+s1], $0x50, $0x38;
	[tilespmem:$0x1B200] =	vst v63  }
0x2f3: {  	_ =	swait.ge [sflag:s23], $0x50  }
0x2f4: {  	[sflag:s23] =	ssyncset.done $0x0  }
.Ltmp2:
0x2f5: {  	[sflag:s23] =	ssyncadd.s32 $0xFFFFFFB0;
	(pc) =	sbr.rel @p0 .LBB2_6-.Ltmp2, $4  }
0x2f6: {  	[spmem:s26] =	stream.indirect.scatter.add.f32 [tilespmem:s19], [sflag:$0x4], $0x80, s14, s16, $0xb8;
	[tilespmem:$0x1B200] =	vst v63  }
0x2f7: {  	_ =	swait.ge [sflag:s29], $0x2800  }
0x2f8: {  	[sflag:s29] =	ssyncset.done $0x0  }
0x2f9: {  	s7 =	sadd.s32 $0xA0, s7;
	s8 =	sadd.s32 s8, s0;
	[sflag:s29] =	ssyncadd.s32 $0xFFFFD800  }
0x2fa: {  	[tilespmem:s14], [sflag:$0x8] =	stream.linear.gather [hbm4b:s8+s1], $0x50, $0x38;
	[tilespmem:$0x1B200] =	vst v63  }
0x2fb: {  	_ =	swait.ge [sflag:s18], $0x50  }
0x2fc: {  	[sflag:s18] =	ssyncset.done $0x0  }
0x2fd: {  	[sflag:s18] =	ssyncadd.s32 $0xFFFFFFB0  }
0x2fe: {  	[tilespmem:s19], [sflag:$0x2] =	stream.indirect.gather [hbm4b:s10+s16], $0x80, s13, s16, $0xb8;
	[tilespmem:$0x1B200] =	vst v63  }
0x2ff: {  	_ =	swait.ge [sflag:s20], $0x2800  }
0x300: {  	s6 =	sld [smem:$0x7EC]  }
0x301: {  	[sflag:s20] =	ssyncset.done $0x0  }
0x302: {  	[sflag:s20] =	ssyncadd.s32 $0xFFFFD800  }
0x303: {  	[tilespmem:s12], [sflag:$0x5] =	stream.linear.gather [hbm4b:s6+s1], $0x50, $0x38;
	[tilespmem:$0x1B200] =	vst v63  }
0x304: {  	_ =	swait.ge [sflag:s21], $0x50  }
0x305: {  	[sflag:s21] =	ssyncset.done $0x0  }
0x306: {  	[sflag:s21] =	ssyncadd.s32 $0xFFFFFFB0  }
0x307: {  	[spmem:s26] =	stream.indirect.scatter.add.f32 [tilespmem:s17], [sflag:$0x3], $0x80, s24, s16, $0xb8;
	[tilespmem:$0x1B200] =	vst v63  }
0x308: {  	_ =	swait.ge [sflag:s22], $0x2800  }
0x309: {  	s8 =	sld [smem:$0x7ED]  }
0x30a: {  	[sflag:s22] =	ssyncset.done $0x0  }
0x30b: {  	[sflag:s22] =	ssyncadd.s32 $0xFFFFD800  }
0x30c: {  	[tilespmem:s24], [sflag:$0x7] =	stream.linear.gather [hbm4b:s8+s1], $0x50, $0x38;
	[tilespmem:$0x1B200] =	vst v63  }
0x30d: {  	_ =	swait.ge [sflag:s15], $0x50  }
0x30e: {  	[sflag:s15] =	ssyncset.done $0x0  }
0x30f: {  	[sflag:s15] =	ssyncadd.s32 $0xFFFFFFB0  }
0x310: {  	[tilespmem:s17], [sflag:$0x1] =	stream.indirect.gather [hbm4b:s10+s16], $0x80, s12, s16, $0xb8;
	[tilespmem:$0x1B200] =	vst v63  }
0x311: {  	_ =	swait.ge [sflag:s3], $0x2800  }
0x312: {  	[sflag:s3] =	ssyncset.done $0x0  }
0x313: {  	[sflag:s3] =	ssyncadd.s32 $0xFFFFD800  }
0x314: {  	_ =	swait.ge [sflag:s23], $0x50  }
0x315: {  	[sflag:s23] =	ssyncset.done $0x0  }
0x316: {  	[sflag:s23] =	ssyncadd.s32 $0xFFFFFFB0  }
0x317: {  	[spmem:s26] =	stream.indirect.scatter.add.f32 [tilespmem:s19], [sflag:$0x4], $0x80, s14, s16, $0xb8;
	[tilespmem:$0x1B200] =	vst v63  }
0x318: {  	_ =	swait.ge [sflag:s29], $0x2800  }
0x319: {  	[sflag:s29] =	ssyncset.done $0x0  }
0x31a: {  	[sflag:s29] =	ssyncadd.s32 $0xFFFFD800  }
0x31b: {  	_ =	swait.ge [sflag:s20], $0x2800  }
0x31c: {  	[sflag:s20] =	ssyncset.done $0x0  }
0x31d: {  	[sflag:s20] =	ssyncadd.s32 $0xFFFFD800  }
0x31e: {  	_ =	swait.ge [sflag:s21], $0x50  }
0x31f: {  	[sflag:s21] =	ssyncset.done $0x0  }
0x320: {  	[sflag:s21] =	ssyncadd.s32 $0xFFFFFFB0  }
0x321: {  	[spmem:s26] =	stream.indirect.scatter.add.f32 [tilespmem:s17], [sflag:$0x3], $0x80, s24, s16, $0xb8;
	[tilespmem:$0x1B200] =	vst v63  }
0x322: {  	_ =	swait.ge [sflag:s22], $0x2800  }
0x323: {  	[sflag:s22] =	ssyncset.done $0x0  }
0x324: {  	[sflag:s22] =	ssyncadd.s32 $0xFFFFD800  }
0x325: {  	[bflag:$0x0] =	sbarrier.arrive $0xFFFF  }
0x326: {  	s9 =	sld [smem:$0x7D5];
	_ =	sdelay $0x1  }
0x327: {  	s11 =	simm.s32 $0x19200;
	s30 =	simm.s32 $0x9  }
0x328: {  	[tilespmem:s11], [sflag:$0x9] =	stream.linear.gather [spmem:s9], $0x2000, $0x38;
	[tilespmem:$0x1B200] =	vst v63  }
0x329: {  	_ =	swait.ge [sflag:s30], $0x2000  }
0x32a: {  	[sflag:s30] =	ssyncset.done $0x0  }
0x32b: {  	s25 =	rddreg [dreg:$0x18];
	[sflag:s30] =	ssyncadd.s32 $0xFFFFE000  }
0x32c: {  	[hbm4b:s25+s1] =	stream.linear.scatter [tilespmem:s11], [sflag:$0x9], $0x2000, $0x38;
	[tilespmem:$0x1B200] =	vst v63  }
0x32d: {  	_ =	swait.ge [sflag:s30], $0x2000  }
0x32e: {  	s28 =	sld [smem:$0x7D6]  }
0x32f: {  	[sflag:s30] =	ssyncset.done $0x0  }
0x330: {  	[sflag:s30] =	ssyncadd.s32 $0xFFFFE000  }
0x331: {  	[tilespmem:s11], [sflag:$0x9] =	stream.linear.gather [spmem:s28], $0x2000, $0x38;
	[tilespmem:$0x1B200] =	vst v63  }
0x332: {  	_ =	swait.ge [sflag:s30], $0x2000  }
0x333: {  	[sflag:s30] =	ssyncset.done $0x0  }
0x334: {  	s31 =	rddreg [dreg:$0x19];
	[sflag:s30] =	ssyncadd.s32 $0xFFFFE000  }
0x335: {  	[hbm4b:s31+s1] =	stream.linear.scatter [tilespmem:s11], [sflag:$0x9], $0x2000, $0x38;
	[tilespmem:$0x1B200] =	vst v63  }
0x336: {  	_ =	swait.ge [sflag:s30], $0x2000  }
0x337: {  	s7 =	sld [smem:$0x7D7]  }
0x338: {  	[sflag:s30] =	ssyncset.done $0x0  }
0x339: {  	[sflag:s30] =	ssyncadd.s32 $0xFFFFE000  }
0x33a: {  	[tilespmem:s11], [sflag:$0x9] =	stream.linear.gather [spmem:s7], $0x2000, $0x38;
	[tilespmem:$0x1B200] =	vst v63  }
0x33b: {  	_ =	swait.ge [sflag:s30], $0x2000  }
0x33c: {  	[sflag:s30] =	ssyncset.done $0x0  }
0x33d: {  	s8 =	rddreg [dreg:$0x1a];
	[sflag:s30] =	ssyncadd.s32 $0xFFFFE000  }
0x33e: {  	[hbm4b:s8+s1] =	stream.linear.scatter [tilespmem:s11], [sflag:$0x9], $0x2000, $0x38;
	[tilespmem:$0x1B200] =	vst v63  }
0x33f: {  	_ =	swait.ge [sflag:s30], $0x2000  }
0x340: {  	s9 =	sld [smem:$0x7D8]  }
0x341: {  	[sflag:s30] =	ssyncset.done $0x0  }
0x342: {  	[sflag:s30] =	ssyncadd.s32 $0xFFFFE000  }
0x343: {  	[tilespmem:s11], [sflag:$0x9] =	stream.linear.gather [spmem:s9], $0x2000, $0x38;
	[tilespmem:$0x1B200] =	vst v63  }
0x344: {  	_ =	swait.ge [sflag:s30], $0x2000  }
0x345: {  	[sflag:s30] =	ssyncset.done $0x0  }
0x346: {  	s25 =	rddreg [dreg:$0x1b];
	[sflag:s30] =	ssyncadd.s32 $0xFFFFE000  }
0x347: {  	[hbm4b:s25+s1] =	stream.linear.scatter [tilespmem:s11], [sflag:$0x9], $0x2000, $0x38;
	[tilespmem:$0x1B200] =	vst v63  }
0x348: {  	_ =	swait.ge [sflag:s30], $0x2000  }
0x349: {  	s28 =	sld [smem:$0x7D9]  }
0x34a: {  	[sflag:s30] =	ssyncset.done $0x0  }
0x34b: {  	[sflag:s30] =	ssyncadd.s32 $0xFFFFE000  }
0x34c: {  	[tilespmem:s11], [sflag:$0x9] =	stream.linear.gather [spmem:s28], $0x2000, $0x38;
	[tilespmem:$0x1B200] =	vst v63  }
0x34d: {  	_ =	swait.ge [sflag:s30], $0x2000  }
0x34e: {  	[sflag:s30] =	ssyncset.done $0x0  }
0x34f: {  	s31 =	rddreg [dreg:$0x1c];
	[sflag:s30] =	ssyncadd.s32 $0xFFFFE000  }
0x350: {  	[hbm4b:s31+s1] =	stream.linear.scatter [tilespmem:s11], [sflag:$0x9], $0x2000, $0x38;
	[tilespmem:$0x1B200] =	vst v63  }
0x351: {  	_ =	swait.ge [sflag:s30], $0x2000  }
0x352: {  	s7 =	sld [smem:$0x7DA]  }
0x353: {  	[sflag:s30] =	ssyncset.done $0x0  }
0x354: {  	[sflag:s30] =	ssyncadd.s32 $0xFFFFE000  }
0x355: {  	[tilespmem:s11], [sflag:$0x9] =	stream.linear.gather [spmem:s7], $0x2000, $0x38;
	[tilespmem:$0x1B200] =	vst v63  }
0x356: {  	_ =	swait.ge [sflag:s30], $0x2000  }
0x357: {  	[sflag:s30] =	ssyncset.done $0x0  }
0x358: {  	s8 =	rddreg [dreg:$0x1d];
	[sflag:s30] =	ssyncadd.s32 $0xFFFFE000  }
0x359: {  	[hbm4b:s8+s1] =	stream.linear.scatter [tilespmem:s11], [sflag:$0x9], $0x2000, $0x38;
	[tilespmem:$0x1B200] =	vst v63  }
0x35a: {  	_ =	swait.ge [sflag:s30], $0x2000  }
0x35b: {  	s8 =	sld [smem:$0x7F9]  }
0x35c: {  	[sflag:s30] =	ssyncset.done $0x0  }
0x35d: {  	[sflag:s30] =	ssyncadd.s32 $0xFFFFE000  }
0x35e: {  	[tilespmem:s11], [sflag:$0x9] =	stream.linear.gather [spmem:s8], $0x2000, $0x38;
	[tilespmem:$0x1B200] =	vst v63  }
0x35f: {  	_ =	swait.ge [sflag:s30], $0x2000  }
0x360: {  	[sflag:s30] =	ssyncset.done $0x0  }
0x361: {  	s9 =	rddreg [dreg:$0x1e];
	[sflag:s30] =	ssyncadd.s32 $0xFFFFE000  }
0x362: {  	[hbm4b:s9+s1] =	stream.linear.scatter [tilespmem:s11], [sflag:$0x9], $0x2000, $0x38;
	[tilespmem:$0x1B200] =	vst v63  }
0x363: {  	_ =	swait.ge [sflag:s30], $0x2000  }
0x364: {  	s9 =	sld [smem:$0x7FA]  }
0x365: {  	[sflag:s30] =	ssyncset.done $0x0  }
0x366: {  	[sflag:s30] =	ssyncadd.s32 $0xFFFFE000  }
0x367: {  	[tilespmem:s11], [sflag:$0x9] =	stream.linear.gather [spmem:s9], $0x2000, $0x38;
	[tilespmem:$0x1B200] =	vst v63  }
0x368: {  	_ =	swait.ge [sflag:s30], $0x2000  }
0x369: {  	[sflag:s30] =	ssyncset.done $0x0  }
0x36a: {  	s25 =	rddreg [dreg:$0x1f];
	[sflag:s30] =	ssyncadd.s32 $0xFFFFE000  }
0x36b: {  	[hbm4b:s25+s1] =	stream.linear.scatter [tilespmem:s11], [sflag:$0x9], $0x2000, $0x38;
	[tilespmem:$0x1B200] =	vst v63  }
0x36c: {  	_ =	swait.ge [sflag:s30], $0x2000  }
0x36d: {  	s25 =	sld [smem:$0x7FB]  }
0x36e: {  	[sflag:s30] =	ssyncset.done $0x0  }
0x36f: {  	[sflag:s30] =	ssyncadd.s32 $0xFFFFE000  }
0x370: {  	[tilespmem:s11], [sflag:$0x9] =	stream.linear.gather [spmem:s25], $0x2000, $0x38;
	[tilespmem:$0x1B200] =	vst v63  }
0x371: {  	_ =	swait.ge [sflag:s30], $0x2000  }
0x372: {  	s28 =	sld [smem:$0x7D3]  }
0x373: {  	[sflag:s30] =	ssyncset.done $0x0  }
0x374: {  	[sflag:s30] =	ssyncadd.s32 $0xFFFFE000  }
0x375: {  	[hbm4b:s28+s1] =	stream.linear.scatter [tilespmem:s11], [sflag:$0x9], $0x2000, $0x38;
	[tilespmem:$0x1B200] =	vst v63  }
0x376: {  	_ =	swait.ge [sflag:s30], $0x2000  }
0x377: {  	s7 =	sld [smem:$0x7FC]  }
0x378: {  	[sflag:s30] =	ssyncset.done $0x0  }
0x379: {  	[sflag:s30] =	ssyncadd.s32 $0xFFFFE000  }
0x37a: {  	[tilespmem:s11], [sflag:$0x9] =	stream.linear.gather [spmem:s7], $0x2000, $0x38;
	[tilespmem:$0x1B200] =	vst v63  }
0x37b: {  	_ =	swait.ge [sflag:s30], $0x2000  }
0x37c: {  	s31 =	sld [smem:$0x7D4]  }
0x37d: {  	[sflag:s30] =	ssyncset.done $0x0  }
0x37e: {  	s9 =	simm.s32 $0x9;
	[sflag:s30] =	ssyncadd.s32 $0xFFFFE000  }
0x37f: {  	[hbm4b:s31+s1] =	stream.linear.scatter [tilespmem:s11], [sflag:$0x9], $0x2000, $0x38;
	[tilespmem:$0x1B200] =	vst v63  }
0x380: {  	_ =	swait.ge [sflag:s9], $0x2000  }
0x381: {  	s28 =	sld [smem:$0x7D1]  }
0x382: {  	s31 =	sld [smem:$0x7E1];
	_ =	sdelay $0x1  }
0x383: {  	s11 =	sadd.s32 $0x1, s28  }
0x384: {  	p0 =	sne.s32 s11, s31  }
.Ltmp3:
0x385: {  	[sflag:s9] =	ssyncset.done $0x0;
	(pc) =	sbr.rel @p0 .LBB2_1-.Ltmp3, $4  }
0x386: {  	[sflag:s9] =	ssyncadd.s32 $0xFFFFE000  }
0x387: {  	[bflag:$0x0] =	sbarrier.arrive $0xFFFF  }
0x388: {  	s30 =	sld [smem:$0x7F8]  }
0x389: {  	s6 =	simm.s32 $0x19200  }
0x38a: {  	_ =	sfence.sel $0x180000  }
0x38b: {  	[bflag:$0x0] =	sbarrier.arrive $0xFFFF  }
0x38c: {  	_ =	strace $0x9000004A  }
0x38d: {  	s0 =	stileid.u32;
	[bflag:$0x2] =	sbarrier.arrive $0xFFFF  }
0x38e: {  	p0 =	sne.s32 s0, $0x0;
	s0 =	rddreg [dreg:$0x3]  }
0x38f: {  	s0 =	sadd.s32 @!p0 $0x100000, s0  }
0x390: {  	[sflag:s0] =	ssyncadd.tile.s32 @!p0 $0x1;
	_ =	shalt  }
.Lfunc_end2:
_tile_overlayer_lowered:
.L_overlay_start_2:
0x391: {  	(tag) =	ssettag $0x2  }
0x392: {  	s0 =	rddreg [dreg:$0x0];
	s2 =	stileid.u32  }
0x393: {  	s1 =	rddreg [dreg:$0x1];
	p0 =	sne.s32 s2, $0x0  }
0x394: {  	s3 =	rddreg [dreg:$0x2];
	[bflag:$0x3] =	sbarrier.arrive $0xFFFF;
	s2 =	simm.s32 @!p0 $0x1C09  }
0x395: {  	[timem:s3], [sflag:s2] =	dma.local @!p0 [hbm:s0], s1  }
0x396: {  	s0 =	simm.s32 @!p0 $0x9  }
0x397: {  	_ =	swait.ge @!p0 [sflag:s0], s1  }
0x398: {  	s1 =	ssub.s32 @!p0 $0x0, s1;
	[sflag:s0] =	ssyncset.done @!p0 $0x0  }
0x399: {  	[sflag:s0] =	ssyncadd.s32 @!p0 s1  }
0x39a: {  	[bflag:$0x3] =	sbarrier.arrive $0xFFFF  }
0x39b: {  	_ =	shalt  }

</sc_bundles>
